<compile_context>
chip_gen: v7x
topology: tpu7x:2x2x1
jax: 0.10.2.dev20260603
libtpu: 0.0.44.dev20260713+nightly
codegen_flags: <defaults>
</compile_context>

<pallas_src>
import jax
import jax.numpy as jnp
import numpy as np
from jax import lax
from jax.experimental import pallas as pl
from jax.experimental.pallas import tpu as pltpu
from jax.experimental.pallas import tpu_sc as plsc

N_V = 100000
N_VP = 100096
N_F = 1600000
NC = 2
NS = 16
NW = NC * NS
FACES_PER_W = N_F // NW
CHUNK_F = 80
CHUNK_S = CHUNK_F * 3
N_CHUNKS = FACES_PER_W // CHUNK_F
ROWS_PER_TILE = N_VP // NS


def _face_pass_body(verts_hbm, idx_hbm, zeros_hbm, out_hbm, acc,
                    ichkA, sidxA, exA, eyA, ezA, vxA, vyA, vzA, ubufA,
                    ichkB, sidxB, exB, eyB, ezB, vxB, vyB, vzB, ubufB,
                    isemA, gsemA, ssemA, isemB, gsemB, ssemB):
    cid = lax.axis_index("c")
    sid = lax.axis_index("s")
    wid = sid * NC + cid

    pltpu.sync_copy(zeros_hbm.at[pl.ds(sid * ROWS_PER_TILE, ROWS_PER_TILE)],
                    acc.at[pl.ds(sid * ROWS_PER_TILE, ROWS_PER_TILE)])
    plsc.subcore_barrier()

    lane = lax.iota(jnp.int32, 16)
    rot_idx = {sh: ((lane + sh) % 16, (lane + (16 - sh)) % 16)
               for sh in (1, 2, 4, 8)}
    stage_keep = {sh: (lane & sh) == 0 for sh in (1, 2, 4, 8)}
    keep_a = (lane < 9) | (lane == 15)
    keep_b = (lane < 6) | ((lane >= 9) & (lane < 12)) | (lane == 15)
    keep_c = (lane < 6) | (lane >= 12)
    zero16 = jnp.zeros((16,), jnp.float32)
    ones16 = jnp.ones((16,), jnp.float32)

    bufA = (ichkA, sidxA, exA, eyA, ezA, vxA, vyA, vzA, ubufA, isemA, gsemA, ssemA)
    bufB = (ichkB, sidxB, exB, eyB, ezB, vxB, vyB, vzB, ubufB, isemB, gsemB, ssemB)

    def transpose16(v):
        for sh in (8, 4, 2, 1):
            fwd, bwd = rot_idx[sh]
            keep = stage_keep[sh]
            nv = list(v)
            for i in range(16):
                if i & sh == 0:
                    j = i + sh
                    nv[i] = jnp.where(keep, v[i], v[j][bwd])
                    nv[j] = jnp.where(keep, v[i][fwd], v[j])
            v = nv
        return v

    def fetch(t, bp):
        ichk, sidx, ex, ey, ez, vx, vy, vz, ubuf, isem, gsem, ssem = bp
        fbase = wid * FACES_PER_W + t * CHUNK_F
        ds = [pltpu.async_copy(idx_hbm.at[pl.ds(s * N_F + fbase, CHUNK_F)],
                               sidx.at[pl.ds(s * CHUNK_F, CHUNK_F)], isem)
              for s in range(3)]
        for d in ds:
            d.wait()

        def expand_body(j, _):
            v = sidx[pl.ds(j * 16, 16)]
            ey[pl.ds(j * 16, 16)] = v + N_V
            ez[pl.ds(j * 16, 16)] = v + 2 * N_V
            return ()

        lax.fori_loop(0, CHUNK_S // 16, expand_body, ())
        pltpu.async_copy(verts_hbm.at[sidx], vx, gsem)
        pltpu.async_copy(verts_hbm.at[ey], vy, gsem)
        pltpu.async_copy(verts_hbm.at[ez], vz, gsem)

    def compute_scatter(bp):
        ichk, sidx, ex, ey, ez, vx, vy, vz, ubuf, isem, gsem, ssem = bp
        pltpu.make_async_copy(verts_hbm.at[sidx], vx, gsem).wait()
        pltpu.make_async_copy(verts_hbm.at[ey], vy, gsem).wait()
        pltpu.make_async_copy(verts_hbm.at[ez], vz, gsem).wait()

        def group_body(j, _):
            oa = j * 16
            ob = CHUNK_F + j * 16
            oc = 2 * CHUNK_F + j * 16
            ax = vx[pl.ds(oa, 16)]
            ay = vy[pl.ds(oa, 16)]
            az = vz[pl.ds(oa, 16)]
            bx = vx[pl.ds(ob, 16)]
            by = vy[pl.ds(ob, 16)]
            bz = vz[pl.ds(ob, 16)]
            cx = vx[pl.ds(oc, 16)]
            cy = vy[pl.ds(oc, 16)]
            cz = vz[pl.ds(oc, 16)]

            e1x, e1y, e1z = bx - ax, by - ay, bz - az
            e2x, e2y, e2z = cx - ax, cy - ay, cz - az
            wx = e1y * e2z - e1z * e2y
            wy = e1z * e2x - e1x * e2z
            wz = e1x * e2y - e1y * e2x
            n2 = jnp.maximum(wx * wx + wy * wy + wz * wz, 1e-20)

            i32 = lax.bitcast_convert_type(n2, jnp.int32)
            i32 = 0x5F3759DF - (i32 >> 1)
            y = lax.bitcast_convert_type(i32, jnp.float32)
            h = 0.5 * n2
            y = y * (1.5 - h * y * y)
            y = y * (1.5 - h * y * y)
            y = y * (1.5 - h * y * y)

            rows = transpose16([
                wx * y, wy * y, wz * y,
                wx, wy, wz,
                e2x, e2y, e2z,
                -e1x, -e1y, -e1z,
                e1x - e2x, e1y - e2y, e1z - e2z,
                ones16,
            ])
            for i in range(16):
                r = rows[i]
                ubuf[oa + i] = jnp.where(keep_a, r, zero16)
                ubuf[ob + i] = jnp.where(keep_b, r, zero16)
                ubuf[oc + i] = jnp.where(keep_c, r, zero16)
            return ()

        lax.fori_loop(0, CHUNK_F // 16, group_body, ())
        pltpu.async_copy(ubuf, acc.at[sidx], ssem, add=True)

    def wait_scatter(bp):
        ichk, sidx, ex, ey, ez, vx, vy, vz, ubuf, isem, gsem, ssem = bp
        pltpu.make_async_copy(ubuf, acc.at[sidx], ssem).wait()

    fetch(0, bufA)
    fetch(1, bufB)
    compute_scatter(bufA)

    def pair_body(u, _):
        t0 = 2 * u + 1
        wait_scatter(bufA)
        fetch(t0 + 1, bufA)
        compute_scatter(bufB)
        wait_scatter(bufB)

        @pl.when(u < (N_CHUNKS - 3) // 2)
        def _():
            fetch(t0 + 2, bufB)

        compute_scatter(bufA)
        return ()

    lax.fori_loop(0, (N_CHUNKS - 1) // 2, pair_body, ())
    wait_scatter(bufA)
    plsc.subcore_barrier()

    pltpu.sync_copy(acc.at[pl.ds(sid * ROWS_PER_TILE, ROWS_PER_TILE)],
                    out_hbm.at[cid, pl.ds(sid * ROWS_PER_TILE, ROWS_PER_TILE)])


_face_pass = pl.kernel(
    _face_pass_body,
    out_type=jax.ShapeDtypeStruct((NC, N_VP, 16), jnp.float32),
    mesh=plsc.VectorSubcoreMesh(core_axis_name="c", subcore_axis_name="s",
                                num_cores=NC, num_subcores=NS),
    scratch_types=[
        pltpu.VMEM_SHARED((N_VP, 16), jnp.float32),
    ] + 2 * [
        pltpu.VMEM((CHUNK_S,), jnp.int32),
        pltpu.VMEM((CHUNK_S,), jnp.int32),
        pltpu.VMEM((CHUNK_S,), jnp.int32),
        pltpu.VMEM((CHUNK_S,), jnp.int32),
        pltpu.VMEM((CHUNK_S,), jnp.int32),
        pltpu.VMEM((CHUNK_S,), jnp.float32),
        pltpu.VMEM((CHUNK_S,), jnp.float32),
        pltpu.VMEM((CHUNK_S,), jnp.float32),
        pltpu.VMEM((CHUNK_S, 16), jnp.float32),
    ] + 6 * [pltpu.SemaphoreType.DMA],
    compiler_params=pltpu.CompilerParams(use_tc_tiling_on_sc=False),
)

BS = 1000


def _finalize_body(part_ref, verts_ref, out_ref):
    p = part_ref[...]
    a = p[0] + p[1]
    nsum = a[:, 0:3]
    wsum = a[:, 3:6]
    lap = a[:, 6:9] + a[:, 9:12] + a[:, 12:15]
    cnt = a[:, 15:16]

    normals = nsum * lax.rsqrt(
        jnp.clip(jnp.sum(nsum * nsum, -1, keepdims=True), 1e-20, None))
    va = jnp.sum(wsum * normals, -1, keepdims=True)
    areas = jnp.clip(va, 1e-10, None) / 6.0
    lsa = jnp.log(areas / 2.0) * 0.5

    z = jnp.concatenate(
        [jnp.zeros((BS, 2), jnp.float32), jnp.ones((BS, 1), jnp.float32)], -1)
    ul = jnp.where(cnt > 0, lap / jnp.maximum(cnt, 1.0), z)
    means = verts_ref[...][:, 0:3] - ul * 0.5

    w = 1.0 + normals[:, 2:3]
    q = jnp.concatenate(
        [w, -normals[:, 1:2], normals[:, 0:1], jnp.zeros_like(w)], -1)
    quats = q * lax.rsqrt(
        jnp.clip(jnp.sum(q * q, -1, keepdims=True), 1e-20, None))

    scales = jnp.concatenate(
        [lsa, lsa, jnp.full_like(lsa, float(np.log(1e-10)))], -1)
    out_ref[...] = jnp.concatenate([means, normals, scales, quats], -1)


_finalize = pl.pallas_call(
    _finalize_body,
    grid=(N_V // BS,),
    in_specs=[
        pl.BlockSpec((NC, BS, 16), lambda i: (0, i, 0)),
        pl.BlockSpec((BS, 4), lambda i: (i, 0)),
    ],
    out_specs=pl.BlockSpec((BS, 13), lambda i: (i, 0)),
    out_shape=jax.ShapeDtypeStruct((N_V, 13), jnp.float32),
)


@jax.jit
def kernel(vertices, indices):
    verts_flat = vertices.T.reshape(-1)
    idx_flat = indices.astype(jnp.int32).T.reshape(-1)
    zeros = jnp.zeros((N_VP, 16), jnp.float32)
    verts_p = jnp.pad(vertices, ((0, 0), (0, 1)))
    partials = _face_pass(verts_flat, idx_flat, zeros)
    return _finalize(partials, verts_p)

# --- scband reference (transcript-rebuilt; emitter-appended) ---
"""Pipeline reference for scband-splattable-mesh-88837103551007 (READ-ONLY COPY).

The authoritative reference and input builder live on the scoring server;
editing this copy changes nothing except your own understanding.
"""

import jax, jax.numpy as jnp
import numpy as np

N_VERTS = 100000
N_FACES = 1600000


def safe_normalize(x, eps=1e-20):
    return x * jax.lax.rsqrt(jnp.clip(jnp.sum(x * x, axis=-1, keepdims=True), eps, None))


def setup_inputs(seed: int = 0):
    key = jax.random.key(seed)
    k1, k2 = jax.random.split(key)
    vertices = jax.random.normal(k1, (N_VERTS, 3), dtype=jnp.float32)
    indices = jax.random.randint(k2, (N_FACES, 3), 0, N_VERTS)
    return {"vertices": vertices, "indices": indices}


def reference(vertices, indices):
    # Faithful port of SplattableMesh.update_splats core: gather face vertices,
    # compute weighted face normals, scatter-add to per-vertex normals/areas,
    # scatter-mean uniform Laplacian, build means/scales/quats per splat.
    N = vertices.shape[0]
    F = indices.shape[0]
    flat_idx = indices.reshape(-1)  # [F*3]
    v = vertices[indices]  # gather -> [F, 3, 3]
    # weighted (area-scaled) face normals
    wfn = jnp.cross(v[:, 1, :] - v[:, 0, :], v[:, 2, :] - v[:, 0, :])  # [F, 3]
    wfn_exp = jnp.broadcast_to(wfn[:, None, :], (F, 3, 3))
    # scatter-add normalized face normals to vertices
    normals = jnp.zeros_like(vertices).at[flat_idx].add(safe_normalize(wfn_exp).reshape(-1, 3))
    normals = safe_normalize(normals)
    # gather per-face vertex normals and dot with weighted face normals
    fvn = normals[indices]  # [F, 3, 3]
    products = jnp.sum(wfn_exp * fvn, axis=-1)  # [F, 3]
    vertex_areas = jnp.zeros((N, 1), vertices.dtype).at[flat_idx].add(products.reshape(-1, 1))
    areas = jnp.clip(vertex_areas, 1e-10, None) / 6.0
    log_sqrt_areas = jnp.log(areas / 2.0) * 0.5
    z_axis = jnp.array([0.0, 0.0, 1.0], dtype=vertices.dtype)
    # uniform laplace: scatter_reduce(mean, include_self=False) with z_axis fallback
    lap_src = (jnp.roll(v, 1, axis=1) - v).reshape(-1, 3)
    lap_sum = jnp.zeros((N, 3), vertices.dtype).at[flat_idx].add(lap_src)
    cnt = jnp.zeros((N, 1), vertices.dtype).at[flat_idx].add(1.0)
    uniform_laplace = jnp.where(cnt > 0, lap_sum / jnp.maximum(cnt, 1.0), jnp.broadcast_to(z_axis, (N, 3)))
    # N_VERTS (100000) < max_num_gaussians (500000) -> mask is all, no area shift
    # quaternion rotating z_axis onto normal (shortest arc): q = normalize([1+nz, cross(z, n)])
    w = 1.0 + normals[:, 2:3]
    quats = safe_normalize(jnp.concatenate([w, -normals[:, 1:2], normals[:, 0:1], jnp.zeros_like(w)], axis=-1))
    scales = jnp.concatenate([log_sqrt_areas, log_sqrt_areas, jnp.full_like(log_sqrt_areas, float(np.log(1e-10)))], axis=-1)
    means = vertices - uniform_laplace * 0.5
    return jnp.concatenate([means, normals, scales, quats], axis=-1)  # [N, 13]

if __name__ == "__main__":
    import jax
    _d = setup_inputs()
    print(jax.jit(kernel)(*tuple(_d.values())))

</pallas_src>

<mosaic_0001>
#map = affine_map<(d0, d1) -> (0)>
#map1 = affine_map<(d0, d1) -> (0, 0)>
#map2 = affine_map<(d0, d1) -> (0, 0, 0)>
module attributes {stable_mosaic.version = 14 : i64} {
  func.func @_face_pass_body(%arg0: i32, %arg1: i32, %arg2: memref<300000xf32, #tpu.memory_space<hbm>>, %arg3: memref<4800000xi32, #tpu.memory_space<hbm>>, %arg4: memref<100096x16xf32, #tpu.memory_space<hbm>>, %arg5: memref<2x100096x16xf32, #tpu.memory_space<hbm>>, %arg6: memref<100096x16xf32, #tpu.memory_space<vmem_shared>>, %arg7: memref<240xi32, #tpu.memory_space<vmem>>, %arg8: memref<240xi32, #tpu.memory_space<vmem>>, %arg9: memref<240xi32, #tpu.memory_space<vmem>>, %arg10: memref<240xi32, #tpu.memory_space<vmem>>, %arg11: memref<240xi32, #tpu.memory_space<vmem>>, %arg12: memref<240xf32, #tpu.memory_space<vmem>>, %arg13: memref<240xf32, #tpu.memory_space<vmem>>, %arg14: memref<240xf32, #tpu.memory_space<vmem>>, %arg15: memref<240x16xf32, #tpu.memory_space<vmem>>, %arg16: memref<240xi32, #tpu.memory_space<vmem>>, %arg17: memref<240xi32, #tpu.memory_space<vmem>>, %arg18: memref<240xi32, #tpu.memory_space<vmem>>, %arg19: memref<240xi32, #tpu.memory_space<vmem>>, %arg20: memref<240xi32, #tpu.memory_space<vmem>>, %arg21: memref<240xf32, #tpu.memory_space<vmem>>, %arg22: memref<240xf32, #tpu.memory_space<vmem>>, %arg23: memref<240xf32, #tpu.memory_space<vmem>>, %arg24: memref<240x16xf32, #tpu.memory_space<vmem>>, %arg25: memref<!tpu.dma_semaphore, #tpu.memory_space<semaphore_mem>>, %arg26: memref<!tpu.dma_semaphore, #tpu.memory_space<semaphore_mem>>, %arg27: memref<!tpu.dma_semaphore, #tpu.memory_space<semaphore_mem>>, %arg28: memref<!tpu.dma_semaphore, #tpu.memory_space<semaphore_mem>>, %arg29: memref<!tpu.dma_semaphore, #tpu.memory_space<semaphore_mem>>, %arg30: memref<!tpu.dma_semaphore, #tpu.memory_space<semaphore_mem>>) attributes {dimension_semantics = [#tpu.dimension_semantics<core_parallel>, #tpu.dimension_semantics<subcore_parallel>], iteration_bounds = array<i64: 2, 16>, scalar_prefetch = 0 : i64, scratch_operands = 25 : i64, tpu.core_type = #tpu.core_type<sc_vector_subcore>, window_params = [{transform_indices = #map}, {transform_indices = #map}, {transform_indices = #map1}, {transform_indices = #map2}]} {
    %mul3A = arith.constant 2 : i32
    %mul3A_0 = arith.muli %arg1, %mul3A : i32
    %add3A = arith.addi %mul3A_0, %arg0 : i32
    %mul3A_1 = arith.constant 6256 : i32
    %mul3A_2 = arith.muli %arg1, %mul3A_1 : i32
    %mul3A_3 = arith.constant 6256 : i32
    %mul3A_4 = arith.muli %arg1, %mul3A_3 : i32
    "tpu.region"() ({
      %run_scoped3A = tpu.sem_alloc : memref<!tpu.dma_semaphore, #tpu.memory_space<semaphore_mem>>
      %dma_start3A_390 = arith.constant 0 : i32
      %dma_start3A_391 = tpu.memref_slice %arg6[%mul3A_4, %dma_start3A_390] : memref<100096x16xf32, #tpu.memory_space<vmem_shared>> -> memref<6256x16xf32, #tpu.memory_space<vmem_shared>>
      %dma_start3A_392 = arith.constant 0 : i32
      %dma_start3A_393 = tpu.memref_slice %arg4[%mul3A_2, %dma_start3A_392] : memref<100096x16xf32, #tpu.memory_space<hbm>> -> memref<6256x16xf32, #tpu.memory_space<hbm>>
      tpu.enqueue_dma source(%dma_start3A_393 : memref<6256x16xf32, #tpu.memory_space<hbm>>) target(%dma_start3A_391 : memref<6256x16xf32, #tpu.memory_space<vmem_shared>>) target_semaphore(%run_scoped3A : memref<!tpu.dma_semaphore, #tpu.memory_space<semaphore_mem>>)
      %dma_wait3A_394 = arith.constant 0 : i32
      %dma_wait3A_395 = tpu.memref_slice %arg6[%mul3A_4, %dma_wait3A_394] : memref<100096x16xf32, #tpu.memory_space<vmem_shared>> -> memref<6256x16xf32, #tpu.memory_space<vmem_shared>>
      %dma_wait3A_396 = arith.constant 0 : i32
      %dma_wait3A_397 = tpu.memref_slice %arg4[%mul3A_2, %dma_wait3A_396] : memref<100096x16xf32, #tpu.memory_space<hbm>> -> memref<6256x16xf32, #tpu.memory_space<hbm>>
      tpu.wait_dma2 semaphore(%run_scoped3A : memref<!tpu.dma_semaphore, #tpu.memory_space<semaphore_mem>>) src(%dma_wait3A_397 : memref<6256x16xf32, #tpu.memory_space<hbm>>) dst(%dma_wait3A_395 : memref<6256x16xf32, #tpu.memory_space<vmem_shared>>)
      tpu.yield
    }) : () -> ()
    %barrier3A = arith.constant 0 : index
    tpu.barrier barrier_id(%barrier3A)
    %iota3A = tpu.iota {dimensions = array<i32: 0>} : vector<16xi32>
    %add3A_5 = arith.constant 1 : i32
    %add3A_6 = vector.broadcast %add3A_5 : i32 to vector<16xi32>
    %add3A_7 = arith.addi %iota3A, %add3A_6 : vector<16xi32>
    %jit3A = arith.constant 16 : i32
    %eq3A = arith.constant 0 : i32
    %eq3A_8 = arith.cmpi eq, %jit3A, %eq3A : i32
    %jit3A_9 = arith.constant 1 : i32
    %select_n3A = arith.select %eq3A_8, %jit3A_9, %jit3A : i32
    %rem3A = vector.broadcast %select_n3A : i32 to vector<16xi32>
    %rem3A_10 = arith.remsi %add3A_7, %rem3A : vector<16xi32>
    %ne3A = arith.constant 0 : i32
    %ne3A_11 = vector.broadcast %ne3A : i32 to vector<16xi32>
    %ne3A_12 = arith.cmpi ne, %rem3A_10, %ne3A_11 : vector<16xi32>
    %lt3A = arith.constant 0 : i32
    %lt3A_13 = vector.broadcast %lt3A : i32 to vector<16xi32>
    %lt3A_14 = arith.cmpi slt, %rem3A_10, %lt3A_13 : vector<16xi32>
    %lt3A_15 = arith.constant 0 : i32
    %lt3A_16 = arith.cmpi slt, %select_n3A, %lt3A_15 : i32
    %ne3A_17 = vector.broadcast %lt3A_16 : i1 to vector<16xi1>
    %ne3A_18 = vector.broadcast %ne3A_17 : vector<16xi1> to vector<16xi1>
    %ne3A_19 = arith.xori %lt3A_14, %ne3A_18 : vector<16xi1>
    %and3A = arith.andi %ne3A_19, %ne3A_12 : vector<16xi1>
    %add3A_20 = vector.broadcast %select_n3A : i32 to vector<16xi32>
    %add3A_21 = arith.addi %rem3A_10, %add3A_20 : vector<16xi32>
    %select_n3A_22 = arith.select %and3A, %add3A_21, %rem3A_10 : vector<16xi1>, vector<16xi32>
    %add3A_23 = arith.constant 15 : i32
    %add3A_24 = vector.broadcast %add3A_23 : i32 to vector<16xi32>
    %add3A_25 = arith.addi %iota3A, %add3A_24 : vector<16xi32>
    %jit3A_26 = arith.constant 16 : i32
    %eq3A_27 = arith.constant 0 : i32
    %eq3A_28 = arith.cmpi eq, %jit3A_26, %eq3A_27 : i32
    %jit3A_29 = arith.constant 1 : i32
    %select_n3A_30 = arith.select %eq3A_28, %jit3A_29, %jit3A_26 : i32
    %rem3A_31 = vector.broadcast %select_n3A_30 : i32 to vector<16xi32>
    %rem3A_32 = arith.remsi %add3A_25, %rem3A_31 : vector<16xi32>
    %ne3A_33 = arith.constant 0 : i32
    %ne3A_34 = vector.broadcast %ne3A_33 : i32 to vector<16xi32>
    %ne3A_35 = arith.cmpi ne, %rem3A_32, %ne3A_34 : vector<16xi32>
    %lt3A_36 = arith.constant 0 : i32
    %lt3A_37 = vector.broadcast %lt3A_36 : i32 to vector<16xi32>
    %lt3A_38 = arith.cmpi slt, %rem3A_32, %lt3A_37 : vector<16xi32>
    %lt3A_39 = arith.constant 0 : i32
    %lt3A_40 = arith.cmpi slt, %select_n3A_30, %lt3A_39 : i32
    %ne3A_41 = vector.broadcast %lt3A_40 : i1 to vector<16xi1>
    %ne3A_42 = vector.broadcast %ne3A_41 : vector<16xi1> to vector<16xi1>
    %ne3A_43 = arith.xori %lt3A_38, %ne3A_42 : vector<16xi1>
    %and3A_44 = arith.andi %ne3A_43, %ne3A_35 : vector<16xi1>
    %add3A_45 = vector.broadcast %select_n3A_30 : i32 to vector<16xi32>
    %add3A_46 = arith.addi %rem3A_32, %add3A_45 : vector<16xi32>
    %select_n3A_47 = arith.select %and3A_44, %add3A_46, %rem3A_32 : vector<16xi1>, vector<16xi32>
    %add3A_48 = arith.constant 2 : i32
    %add3A_49 = vector.broadcast %add3A_48 : i32 to vector<16xi32>
    %add3A_50 = arith.addi %iota3A, %add3A_49 : vector<16xi32>
    %jit3A_51 = arith.constant 16 : i32
    %eq3A_52 = arith.constant 0 : i32
    %eq3A_53 = arith.cmpi eq, %jit3A_51, %eq3A_52 : i32
    %jit3A_54 = arith.constant 1 : i32
    %select_n3A_55 = arith.select %eq3A_53, %jit3A_54, %jit3A_51 : i32
    %rem3A_56 = vector.broadcast %select_n3A_55 : i32 to vector<16xi32>
    %rem3A_57 = arith.remsi %add3A_50, %rem3A_56 : vector<16xi32>
    %ne3A_58 = arith.constant 0 : i32
    %ne3A_59 = vector.broadcast %ne3A_58 : i32 to vector<16xi32>
    %ne3A_60 = arith.cmpi ne, %rem3A_57, %ne3A_59 : vector<16xi32>
    %lt3A_61 = arith.constant 0 : i32
    %lt3A_62 = vector.broadcast %lt3A_61 : i32 to vector<16xi32>
    %lt3A_63 = arith.cmpi slt, %rem3A_57, %lt3A_62 : vector<16xi32>
    %lt3A_64 = arith.constant 0 : i32
    %lt3A_65 = arith.cmpi slt, %select_n3A_55, %lt3A_64 : i32
    %ne3A_66 = vector.broadcast %lt3A_65 : i1 to vector<16xi1>
    %ne3A_67 = vector.broadcast %ne3A_66 : vector<16xi1> to vector<16xi1>
    %ne3A_68 = arith.xori %lt3A_63, %ne3A_67 : vector<16xi1>
    %and3A_69 = arith.andi %ne3A_68, %ne3A_60 : vector<16xi1>
    %add3A_70 = vector.broadcast %select_n3A_55 : i32 to vector<16xi32>
    %add3A_71 = arith.addi %rem3A_57, %add3A_70 : vector<16xi32>
    %select_n3A_72 = arith.select %and3A_69, %add3A_71, %rem3A_57 : vector<16xi1>, vector<16xi32>
    %add3A_73 = arith.constant 14 : i32
    %add3A_74 = vector.broadcast %add3A_73 : i32 to vector<16xi32>
    %add3A_75 = arith.addi %iota3A, %add3A_74 : vector<16xi32>
    %jit3A_76 = arith.constant 16 : i32
    %eq3A_77 = arith.constant 0 : i32
    %eq3A_78 = arith.cmpi eq, %jit3A_76, %eq3A_77 : i32
    %jit3A_79 = arith.constant 1 : i32
    %select_n3A_80 = arith.select %eq3A_78, %jit3A_79, %jit3A_76 : i32
    %rem3A_81 = vector.broadcast %select_n3A_80 : i32 to vector<16xi32>
    %rem3A_82 = arith.remsi %add3A_75, %rem3A_81 : vector<16xi32>
    %ne3A_83 = arith.constant 0 : i32
    %ne3A_84 = vector.broadcast %ne3A_83 : i32 to vector<16xi32>
    %ne3A_85 = arith.cmpi ne, %rem3A_82, %ne3A_84 : vector<16xi32>
    %lt3A_86 = arith.constant 0 : i32
    %lt3A_87 = vector.broadcast %lt3A_86 : i32 to vector<16xi32>
    %lt3A_88 = arith.cmpi slt, %rem3A_82, %lt3A_87 : vector<16xi32>
    %lt3A_89 = arith.constant 0 : i32
    %lt3A_90 = arith.cmpi slt, %select_n3A_80, %lt3A_89 : i32
    %ne3A_91 = vector.broadcast %lt3A_90 : i1 to vector<16xi1>
    %ne3A_92 = vector.broadcast %ne3A_91 : vector<16xi1> to vector<16xi1>
    %ne3A_93 = arith.xori %lt3A_88, %ne3A_92 : vector<16xi1>
    %and3A_94 = arith.andi %ne3A_93, %ne3A_85 : vector<16xi1>
    %add3A_95 = vector.broadcast %select_n3A_80 : i32 to vector<16xi32>
    %add3A_96 = arith.addi %rem3A_82, %add3A_95 : vector<16xi32>
    %select_n3A_97 = arith.select %and3A_94, %add3A_96, %rem3A_82 : vector<16xi1>, vector<16xi32>
    %add3A_98 = arith.constant 4 : i32
    %add3A_99 = vector.broadcast %add3A_98 : i32 to vector<16xi32>
    %add3A_100 = arith.addi %iota3A, %add3A_99 : vector<16xi32>
    %jit3A_101 = arith.constant 16 : i32
    %eq3A_102 = arith.constant 0 : i32
    %eq3A_103 = arith.cmpi eq, %jit3A_101, %eq3A_102 : i32
    %jit3A_104 = arith.constant 1 : i32
    %select_n3A_105 = arith.select %eq3A_103, %jit3A_104, %jit3A_101 : i32
    %rem3A_106 = vector.broadcast %select_n3A_105 : i32 to vector<16xi32>
    %rem3A_107 = arith.remsi %add3A_100, %rem3A_106 : vector<16xi32>
    %ne3A_108 = arith.constant 0 : i32
    %ne3A_109 = vector.broadcast %ne3A_108 : i32 to vector<16xi32>
    %ne3A_110 = arith.cmpi ne, %rem3A_107, %ne3A_109 : vector<16xi32>
    %lt3A_111 = arith.constant 0 : i32
    %lt3A_112 = vector.broadcast %lt3A_111 : i32 to vector<16xi32>
    %lt3A_113 = arith.cmpi slt, %rem3A_107, %lt3A_112 : vector<16xi32>
    %lt3A_114 = arith.constant 0 : i32
    %lt3A_115 = arith.cmpi slt, %select_n3A_105, %lt3A_114 : i32
    %ne3A_116 = vector.broadcast %lt3A_115 : i1 to vector<16xi1>
    %ne3A_117 = vector.broadcast %ne3A_116 : vector<16xi1> to vector<16xi1>
    %ne3A_118 = arith.xori %lt3A_113, %ne3A_117 : vector<16xi1>
    %and3A_119 = arith.andi %ne3A_118, %ne3A_110 : vector<16xi1>
    %add3A_120 = vector.broadcast %select_n3A_105 : i32 to vector<16xi32>
    %add3A_121 = arith.addi %rem3A_107, %add3A_120 : vector<16xi32>
    %select_n3A_122 = arith.select %and3A_119, %add3A_121, %rem3A_107 : vector<16xi1>, vector<16xi32>
    %add3A_123 = arith.constant 12 : i32
    %add3A_124 = vector.broadcast %add3A_123 : i32 to vector<16xi32>
    %add3A_125 = arith.addi %iota3A, %add3A_124 : vector<16xi32>
    %jit3A_126 = arith.constant 16 : i32
    %eq3A_127 = arith.constant 0 : i32
    %eq3A_128 = arith.cmpi eq, %jit3A_126, %eq3A_127 : i32
    %jit3A_129 = arith.constant 1 : i32
    %select_n3A_130 = arith.select %eq3A_128, %jit3A_129, %jit3A_126 : i32
    %rem3A_131 = vector.broadcast %select_n3A_130 : i32 to vector<16xi32>
    %rem3A_132 = arith.remsi %add3A_125, %rem3A_131 : vector<16xi32>
    %ne3A_133 = arith.constant 0 : i32
    %ne3A_134 = vector.broadcast %ne3A_133 : i32 to vector<16xi32>
    %ne3A_135 = arith.cmpi ne, %rem3A_132, %ne3A_134 : vector<16xi32>
    %lt3A_136 = arith.constant 0 : i32
    %lt3A_137 = vector.broadcast %lt3A_136 : i32 to vector<16xi32>
    %lt3A_138 = arith.cmpi slt, %rem3A_132, %lt3A_137 : vector<16xi32>
    %lt3A_139 = arith.constant 0 : i32
    %lt3A_140 = arith.cmpi slt, %select_n3A_130, %lt3A_139 : i32
    %ne3A_141 = vector.broadcast %lt3A_140 : i1 to vector<16xi1>
    %ne3A_142 = vector.broadcast %ne3A_141 : vector<16xi1> to vector<16xi1>
    %ne3A_143 = arith.xori %lt3A_138, %ne3A_142 : vector<16xi1>
    %and3A_144 = arith.andi %ne3A_143, %ne3A_135 : vector<16xi1>
    %add3A_145 = vector.broadcast %select_n3A_130 : i32 to vector<16xi32>
    %add3A_146 = arith.addi %rem3A_132, %add3A_145 : vector<16xi32>
    %select_n3A_147 = arith.select %and3A_144, %add3A_146, %rem3A_132 : vector<16xi1>, vector<16xi32>
    %add3A_148 = arith.constant 8 : i32
    %add3A_149 = vector.broadcast %add3A_148 : i32 to vector<16xi32>
    %add3A_150 = arith.addi %iota3A, %add3A_149 : vector<16xi32>
    %jit3A_151 = arith.constant 16 : i32
    %eq3A_152 = arith.constant 0 : i32
    %eq3A_153 = arith.cmpi eq, %jit3A_151, %eq3A_152 : i32
    %jit3A_154 = arith.constant 1 : i32
    %select_n3A_155 = arith.select %eq3A_153, %jit3A_154, %jit3A_151 : i32
    %rem3A_156 = vector.broadcast %select_n3A_155 : i32 to vector<16xi32>
    %rem3A_157 = arith.remsi %add3A_150, %rem3A_156 : vector<16xi32>
    %ne3A_158 = arith.constant 0 : i32
    %ne3A_159 = vector.broadcast %ne3A_158 : i32 to vector<16xi32>
    %ne3A_160 = arith.cmpi ne, %rem3A_157, %ne3A_159 : vector<16xi32>
    %lt3A_161 = arith.constant 0 : i32
    %lt3A_162 = vector.broadcast %lt3A_161 : i32 to vector<16xi32>
    %lt3A_163 = arith.cmpi slt, %rem3A_157, %lt3A_162 : vector<16xi32>
    %lt3A_164 = arith.constant 0 : i32
    %lt3A_165 = arith.cmpi slt, %select_n3A_155, %lt3A_164 : i32
    %ne3A_166 = vector.broadcast %lt3A_165 : i1 to vector<16xi1>
    %ne3A_167 = vector.broadcast %ne3A_166 : vector<16xi1> to vector<16xi1>
    %ne3A_168 = arith.xori %lt3A_163, %ne3A_167 : vector<16xi1>
    %and3A_169 = arith.andi %ne3A_168, %ne3A_160 : vector<16xi1>
    %add3A_170 = vector.broadcast %select_n3A_155 : i32 to vector<16xi32>
    %add3A_171 = arith.addi %rem3A_157, %add3A_170 : vector<16xi32>
    %select_n3A_172 = arith.select %and3A_169, %add3A_171, %rem3A_157 : vector<16xi1>, vector<16xi32>
    %add3A_173 = arith.constant 8 : i32
    %add3A_174 = vector.broadcast %add3A_173 : i32 to vector<16xi32>
    %add3A_175 = arith.addi %iota3A, %add3A_174 : vector<16xi32>
    %jit3A_176 = arith.constant 16 : i32
    %eq3A_177 = arith.constant 0 : i32
    %eq3A_178 = arith.cmpi eq, %jit3A_176, %eq3A_177 : i32
    %jit3A_179 = arith.constant 1 : i32
    %select_n3A_180 = arith.select %eq3A_178, %jit3A_179, %jit3A_176 : i32
    %rem3A_181 = vector.broadcast %select_n3A_180 : i32 to vector<16xi32>
    %rem3A_182 = arith.remsi %add3A_175, %rem3A_181 : vector<16xi32>
    %ne3A_183 = arith.constant 0 : i32
    %ne3A_184 = vector.broadcast %ne3A_183 : i32 to vector<16xi32>
    %ne3A_185 = arith.cmpi ne, %rem3A_182, %ne3A_184 : vector<16xi32>
    %lt3A_186 = arith.constant 0 : i32
    %lt3A_187 = vector.broadcast %lt3A_186 : i32 to vector<16xi32>
    %lt3A_188 = arith.cmpi slt, %rem3A_182, %lt3A_187 : vector<16xi32>
    %lt3A_189 = arith.constant 0 : i32
    %lt3A_190 = arith.cmpi slt, %select_n3A_180, %lt3A_189 : i32
    %ne3A_191 = vector.broadcast %lt3A_190 : i1 to vector<16xi1>
    %ne3A_192 = vector.broadcast %ne3A_191 : vector<16xi1> to vector<16xi1>
    %ne3A_193 = arith.xori %lt3A_188, %ne3A_192 : vector<16xi1>
    %and3A_194 = arith.andi %ne3A_193, %ne3A_185 : vector<16xi1>
    %add3A_195 = vector.broadcast %select_n3A_180 : i32 to vector<16xi32>
    %add3A_196 = arith.addi %rem3A_182, %add3A_195 : vector<16xi32>
    %select_n3A_197 = arith.select %and3A_194, %add3A_196, %rem3A_182 : vector<16xi1>, vector<16xi32>
    %and3A_198 = arith.constant 1 : i32
    %and3A_199 = vector.broadcast %and3A_198 : i32 to vector<16xi32>
    %and3A_200 = arith.andi %iota3A, %and3A_199 : vector<16xi32>
    %eq3A_201 = arith.constant 0 : i32
    %eq3A_202 = vector.broadcast %eq3A_201 : i32 to vector<16xi32>
    %eq3A_203 = arith.cmpi eq, %and3A_200, %eq3A_202 : vector<16xi32>
    %and3A_204 = arith.constant 2 : i32
    %and3A_205 = vector.broadcast %and3A_204 : i32 to vector<16xi32>
    %and3A_206 = arith.andi %iota3A, %and3A_205 : vector<16xi32>
    %eq3A_207 = arith.constant 0 : i32
    %eq3A_208 = vector.broadcast %eq3A_207 : i32 to vector<16xi32>
    %eq3A_209 = arith.cmpi eq, %and3A_206, %eq3A_208 : vector<16xi32>
    %and3A_210 = arith.constant 4 : i32
    %and3A_211 = vector.broadcast %and3A_210 : i32 to vector<16xi32>
    %and3A_212 = arith.andi %iota3A, %and3A_211 : vector<16xi32>
    %eq3A_213 = arith.constant 0 : i32
    %eq3A_214 = vector.broadcast %eq3A_213 : i32 to vector<16xi32>
    %eq3A_215 = arith.cmpi eq, %and3A_212, %eq3A_214 : vector<16xi32>
    %and3A_216 = arith.constant 8 : i32
    %and3A_217 = vector.broadcast %and3A_216 : i32 to vector<16xi32>
    %and3A_218 = arith.andi %iota3A, %and3A_217 : vector<16xi32>
    %eq3A_219 = arith.constant 0 : i32
    %eq3A_220 = vector.broadcast %eq3A_219 : i32 to vector<16xi32>
    %eq3A_221 = arith.cmpi eq, %and3A_218, %eq3A_220 : vector<16xi32>
    %lt3A_222 = arith.constant 9 : i32
    %lt3A_223 = vector.broadcast %lt3A_222 : i32 to vector<16xi32>
    %lt3A_224 = arith.cmpi slt, %iota3A, %lt3A_223 : vector<16xi32>
    %eq3A_225 = arith.constant 15 : i32
    %eq3A_226 = vector.broadcast %eq3A_225 : i32 to vector<16xi32>
    %eq3A_227 = arith.cmpi eq, %iota3A, %eq3A_226 : vector<16xi32>
    %or3A = arith.ori %lt3A_224, %eq3A_227 : vector<16xi1>
    %lt3A_228 = arith.constant 6 : i32
    %lt3A_229 = vector.broadcast %lt3A_228 : i32 to vector<16xi32>
    %lt3A_230 = arith.cmpi slt, %iota3A, %lt3A_229 : vector<16xi32>
    %ge3A = arith.constant 9 : i32
    %ge3A_231 = vector.broadcast %ge3A : i32 to vector<16xi32>
    %ge3A_232 = arith.cmpi sge, %iota3A, %ge3A_231 : vector<16xi32>
    %lt3A_233 = arith.constant 12 : i32
    %lt3A_234 = vector.broadcast %lt3A_233 : i32 to vector<16xi32>
    %lt3A_235 = arith.cmpi slt, %iota3A, %lt3A_234 : vector<16xi32>
    %and3A_236 = arith.andi %ge3A_232, %lt3A_235 : vector<16xi1>
    %or3A_237 = arith.ori %lt3A_230, %and3A_236 : vector<16xi1>
    %eq3A_238 = arith.constant 15 : i32
    %eq3A_239 = vector.broadcast %eq3A_238 : i32 to vector<16xi32>
    %eq3A_240 = arith.cmpi eq, %iota3A, %eq3A_239 : vector<16xi32>
    %or3A_241 = arith.ori %or3A_237, %eq3A_240 : vector<16xi1>
    %lt3A_242 = arith.constant 6 : i32
    %lt3A_243 = vector.broadcast %lt3A_242 : i32 to vector<16xi32>
    %lt3A_244 = arith.cmpi slt, %iota3A, %lt3A_243 : vector<16xi32>
    %ge3A_245 = arith.constant 12 : i32
    %ge3A_246 = vector.broadcast %ge3A_245 : i32 to vector<16xi32>
    %ge3A_247 = arith.cmpi sge, %iota3A, %ge3A_246 : vector<16xi32>
    %or3A_248 = arith.ori %lt3A_244, %ge3A_247 : vector<16xi1>
    %broadcast_in_dim3A = arith.constant 0.000000e+00 : f32
    %broadcast_in_dim3A_249 = vector.broadcast %broadcast_in_dim3A : f32 to vector<16xf32>
    %broadcast_in_dim3A_250 = arith.constant 1.000000e+00 : f32
    %broadcast_in_dim3A_251 = vector.broadcast %broadcast_in_dim3A_250 : f32 to vector<16xf32>
    %mul3A_252 = arith.constant 50000 : i32
    %mul3A_253 = arith.muli %add3A, %mul3A_252 : i32
    %add3A_254 = arith.constant 0 : i32
    %add3A_255 = arith.addi %mul3A_253, %add3A_254 : i32
    %add3A_256 = arith.constant 0 : i32
    %add3A_257 = arith.addi %add3A_256, %add3A_255 : i32
    %dma_start3A = arith.constant 0 : i32
    %dma_start3A_258 = tpu.memref_slice %arg8[%dma_start3A] : memref<240xi32, #tpu.memory_space<vmem>> -> memref<80xi32, #tpu.memory_space<vmem>>
    %dma_start3A_259 = tpu.memref_slice %arg3[%add3A_257] : memref<4800000xi32, #tpu.memory_space<hbm>> -> memref<80xi32, #tpu.memory_space<hbm>>
    %dma_start3A_260 = arith.constant 0 : i32
    %dma_start3A_261 = tpu.memref_slice %arg8[%dma_start3A_260] : memref<240xi32, #tpu.memory_space<vmem>> -> memref<80xi32, #tpu.memory_space<vmem>>
    %dma_start3A_262 = tpu.memref_slice %arg3[%add3A_257] : memref<4800000xi32, #tpu.memory_space<hbm>> -> memref<80xi32, #tpu.memory_space<hbm>>
    tpu.enqueue_dma source(%dma_start3A_262 : memref<80xi32, #tpu.memory_space<hbm>>) target(%dma_start3A_261 : memref<80xi32, #tpu.memory_space<vmem>>) target_semaphore(%arg25 : memref<!tpu.dma_semaphore, #tpu.memory_space<semaphore_mem>>)
    %add3A_263 = arith.constant 1600000 : i32
    %add3A_264 = arith.addi %add3A_263, %add3A_255 : i32
    %dma_start3A_265 = arith.constant 80 : i32
    %dma_start3A_266 = tpu.memref_slice %arg8[%dma_start3A_265] : memref<240xi32, #tpu.memory_space<vmem>> -> memref<80xi32, #tpu.memory_space<vmem>>
    %dma_start3A_267 = tpu.memref_slice %arg3[%add3A_264] : memref<4800000xi32, #tpu.memory_space<hbm>> -> memref<80xi32, #tpu.memory_space<hbm>>
    %dma_start3A_268 = arith.constant 80 : i32
    %dma_start3A_269 = tpu.memref_slice %arg8[%dma_start3A_268] : memref<240xi32, #tpu.memory_space<vmem>> -> memref<80xi32, #tpu.memory_space<vmem>>
    %dma_start3A_270 = tpu.memref_slice %arg3[%add3A_264] : memref<4800000xi32, #tpu.memory_space<hbm>> -> memref<80xi32, #tpu.memory_space<hbm>>
    tpu.enqueue_dma source(%dma_start3A_270 : memref<80xi32, #tpu.memory_space<hbm>>) target(%dma_start3A_269 : memref<80xi32, #tpu.memory_space<vmem>>) target_semaphore(%arg25 : memref<!tpu.dma_semaphore, #tpu.memory_space<semaphore_mem>>)
    %add3A_271 = arith.constant 3200000 : i32
    %add3A_272 = arith.addi %add3A_271, %add3A_255 : i32
    %dma_start3A_273 = arith.constant 160 : i32
    %dma_start3A_274 = tpu.memref_slice %arg8[%dma_start3A_273] : memref<240xi32, #tpu.memory_space<vmem>> -> memref<80xi32, #tpu.memory_space<vmem>>
    %dma_start3A_275 = tpu.memref_slice %arg3[%add3A_272] : memref<4800000xi32, #tpu.memory_space<hbm>> -> memref<80xi32, #tpu.memory_space<hbm>>
    %dma_start3A_276 = arith.constant 160 : i32
    %dma_start3A_277 = tpu.memref_slice %arg8[%dma_start3A_276] : memref<240xi32, #tpu.memory_space<vmem>> -> memref<80xi32, #tpu.memory_space<vmem>>
    %dma_start3A_278 = tpu.memref_slice %arg3[%add3A_272] : memref<4800000xi32, #tpu.memory_space<hbm>> -> memref<80xi32, #tpu.memory_space<hbm>>
    tpu.enqueue_dma source(%dma_start3A_278 : memref<80xi32, #tpu.memory_space<hbm>>) target(%dma_start3A_277 : memref<80xi32, #tpu.memory_space<vmem>>) target_semaphore(%arg25 : memref<!tpu.dma_semaphore, #tpu.memory_space<semaphore_mem>>)
    %dma_wait3A = arith.constant 0 : i32
    %dma_wait3A_279 = tpu.memref_slice %arg8[%dma_wait3A] : memref<240xi32, #tpu.memory_space<vmem>> -> memref<80xi32, #tpu.memory_space<vmem>>
    %dma_wait3A_280 = tpu.memref_slice %arg3[%add3A_257] : memref<4800000xi32, #tpu.memory_space<hbm>> -> memref<80xi32, #tpu.memory_space<hbm>>
    %dma_wait3A_281 = arith.constant 0 : i32
    %dma_wait3A_282 = tpu.memref_slice %arg8[%dma_wait3A_281] : memref<240xi32, #tpu.memory_space<vmem>> -> memref<80xi32, #tpu.memory_space<vmem>>
    %dma_wait3A_283 = tpu.memref_slice %arg3[%add3A_257] : memref<4800000xi32, #tpu.memory_space<hbm>> -> memref<80xi32, #tpu.memory_space<hbm>>
    tpu.wait_dma2 semaphore(%arg25 : memref<!tpu.dma_semaphore, #tpu.memory_space<semaphore_mem>>) src(%dma_wait3A_283 : memref<80xi32, #tpu.memory_space<hbm>>) dst(%dma_wait3A_282 : memref<80xi32, #tpu.memory_space<vmem>>)
    %dma_wait3A_284 = arith.constant 80 : i32
    %dma_wait3A_285 = tpu.memref_slice %arg8[%dma_wait3A_284] : memref<240xi32, #tpu.memory_space<vmem>> -> memref<80xi32, #tpu.memory_space<vmem>>
    %dma_wait3A_286 = tpu.memref_slice %arg3[%add3A_264] : memref<4800000xi32, #tpu.memory_space<hbm>> -> memref<80xi32, #tpu.memory_space<hbm>>
    %dma_wait3A_287 = arith.constant 80 : i32
    %dma_wait3A_288 = tpu.memref_slice %arg8[%dma_wait3A_287] : memref<240xi32, #tpu.memory_space<vmem>> -> memref<80xi32, #tpu.memory_space<vmem>>
    %dma_wait3A_289 = tpu.memref_slice %arg3[%add3A_264] : memref<4800000xi32, #tpu.memory_space<hbm>> -> memref<80xi32, #tpu.memory_space<hbm>>
    tpu.wait_dma2 semaphore(%arg25 : memref<!tpu.dma_semaphore, #tpu.memory_space<semaphore_mem>>) src(%dma_wait3A_289 : memref<80xi32, #tpu.memory_space<hbm>>) dst(%dma_wait3A_288 : memref<80xi32, #tpu.memory_space<vmem>>)
    %dma_wait3A_290 = arith.constant 160 : i32
    %dma_wait3A_291 = tpu.memref_slice %arg8[%dma_wait3A_290] : memref<240xi32, #tpu.memory_space<vmem>> -> memref<80xi32, #tpu.memory_space<vmem>>
    %dma_wait3A_292 = tpu.memref_slice %arg3[%add3A_272] : memref<4800000xi32, #tpu.memory_space<hbm>> -> memref<80xi32, #tpu.memory_space<hbm>>
    %dma_wait3A_293 = arith.constant 160 : i32
    %dma_wait3A_294 = tpu.memref_slice %arg8[%dma_wait3A_293] : memref<240xi32, #tpu.memory_space<vmem>> -> memref<80xi32, #tpu.memory_space<vmem>>
    %dma_wait3A_295 = tpu.memref_slice %arg3[%add3A_272] : memref<4800000xi32, #tpu.memory_space<hbm>> -> memref<80xi32, #tpu.memory_space<hbm>>
    tpu.wait_dma2 semaphore(%arg25 : memref<!tpu.dma_semaphore, #tpu.memory_space<semaphore_mem>>) src(%dma_wait3A_295 : memref<80xi32, #tpu.memory_space<hbm>>) dst(%dma_wait3A_294 : memref<80xi32, #tpu.memory_space<vmem>>)
    %scan3A = arith.constant 0 : i32
    %scan3A_296 = arith.constant 15 : i32
    %scan3A_297 = arith.addi %scan3A, %scan3A_296 : i32
    %scan3A_298 = arith.constant 1 : i32
    scf.for %scan3A_390 = %scan3A to %scan3A_297 step %scan3A_298  : i32 {
      %mul3A_391 = arith.constant 16 : i32
      %mul3A_392 = arith.muli %scan3A_390, %mul3A_391 : i32
      %get3A = arith.index_cast %mul3A_392 : i32 to index
      %get3A_393 = tpu.vector_load %arg8[%get3A] {strides = array<i32>} : memref<240xi32, #tpu.memory_space<vmem>>, vector<16xi32>,
      %get3A_394 = vector.shape_cast %get3A_393 : vector<16xi32> to vector<16xi32>
      %add3A_395 = arith.constant 100000 : i32
      %add3A_396 = vector.broadcast %add3A_395 : i32 to vector<16xi32>
      %add3A_397 = arith.addi %get3A_394, %add3A_396 : vector<16xi32>
      %mul3A_398 = arith.constant 16 : i32
      %mul3A_399 = arith.muli %scan3A_390, %mul3A_398 : i32
      %swap3A = arith.index_cast %mul3A_399 : i32 to index
      %swap3A_400 = tpu.vector_load %arg10[%swap3A] {strides = array<i32>} : memref<240xi32, #tpu.memory_space<vmem>>, vector<16xi32>,
      %swap3A_401 = vector.shape_cast %swap3A_400 : vector<16xi32> to vector<16xi32>
      %swap3A_402 = vector.shape_cast %add3A_397 : vector<16xi32> to vector<16xi32>
      tpu.vector_store %arg10[%swap3A], %swap3A_402 {strides = array<i32>} : memref<240xi32, #tpu.memory_space<vmem>>, vector<16xi32>,
      %add3A_403 = arith.constant 200000 : i32
      %add3A_404 = vector.broadcast %add3A_403 : i32 to vector<16xi32>
      %add3A_405 = arith.addi %get3A_394, %add3A_404 : vector<16xi32>
      %mul3A_406 = arith.constant 16 : i32
      %mul3A_407 = arith.muli %scan3A_390, %mul3A_406 : i32
      %swap3A_408 = arith.index_cast %mul3A_407 : i32 to index
      %swap3A_409 = tpu.vector_load %arg11[%swap3A_408] {strides = array<i32>} : memref<240xi32, #tpu.memory_space<vmem>>, vector<16xi32>,
      %swap3A_410 = vector.shape_cast %swap3A_409 : vector<16xi32> to vector<16xi32>
      %swap3A_411 = vector.shape_cast %add3A_405 : vector<16xi32> to vector<16xi32>
      tpu.vector_store %arg11[%swap3A_408], %swap3A_411 {strides = array<i32>} : memref<240xi32, #tpu.memory_space<vmem>>, vector<16xi32>,
    }
    %scan3A_299 = arith.constant 15 : i32
    %dma_start3A_300 = arith.constant 0 : i32
    %dma_start3A_301 = tpu.memref_slice %arg2[%dma_start3A_300] : memref<300000xf32, #tpu.memory_space<hbm>> -> memref<300000xf32, #tpu.memory_space<hbm>>
    tpu.enqueue_indirect_dma source(%dma_start3A_301 : memref<300000xf32, #tpu.memory_space<hbm>>) target(%arg12 : memref<240xf32, #tpu.memory_space<vmem>>) offsets(%arg8 : memref<240xi32, #tpu.memory_space<vmem>>) semaphore(%arg26 : memref<!tpu.dma_semaphore, #tpu.memory_space<semaphore_mem>>)
    %dma_start3A_302 = arith.constant 0 : i32
    %dma_start3A_303 = tpu.memref_slice %arg2[%dma_start3A_302] : memref<300000xf32, #tpu.memory_space<hbm>> -> memref<300000xf32, #tpu.memory_space<hbm>>
    tpu.enqueue_indirect_dma source(%dma_start3A_303 : memref<300000xf32, #tpu.memory_space<hbm>>) target(%arg13 : memref<240xf32, #tpu.memory_space<vmem>>) offsets(%arg10 : memref<240xi32, #tpu.memory_space<vmem>>) semaphore(%arg26 : memref<!tpu.dma_semaphore, #tpu.memory_space<semaphore_mem>>)
    %dma_start3A_304 = arith.constant 0 : i32
    %dma_start3A_305 = tpu.memref_slice %arg2[%dma_start3A_304] : memref<300000xf32, #tpu.memory_space<hbm>> -> memref<300000xf32, #tpu.memory_space<hbm>>
    tpu.enqueue_indirect_dma source(%dma_start3A_305 : memref<300000xf32, #tpu.memory_space<hbm>>) target(%arg14 : memref<240xf32, #tpu.memory_space<vmem>>) offsets(%arg11 : memref<240xi32, #tpu.memory_space<vmem>>) semaphore(%arg26 : memref<!tpu.dma_semaphore, #tpu.memory_space<semaphore_mem>>)
    %mul3A_306 = arith.constant 50000 : i32
    %mul3A_307 = arith.muli %add3A, %mul3A_306 : i32
    %add3A_308 = arith.constant 80 : i32
    %add3A_309 = arith.addi %mul3A_307, %add3A_308 : i32
    %add3A_310 = arith.constant 0 : i32
    %add3A_311 = arith.addi %add3A_310, %add3A_309 : i32
    %dma_start3A_312 = arith.constant 0 : i32
    %dma_start3A_313 = tpu.memref_slice %arg17[%dma_start3A_312] : memref<240xi32, #tpu.memory_space<vmem>> -> memref<80xi32, #tpu.memory_space<vmem>>
    %dma_start3A_314 = tpu.memref_slice %arg3[%add3A_311] : memref<4800000xi32, #tpu.memory_space<hbm>> -> memref<80xi32, #tpu.memory_space<hbm>>
    %dma_start3A_315 = arith.constant 0 : i32
    %dma_start3A_316 = tpu.memref_slice %arg17[%dma_start3A_315] : memref<240xi32, #tpu.memory_space<vmem>> -> memref<80xi32, #tpu.memory_space<vmem>>
    %dma_start3A_317 = tpu.memref_slice %arg3[%add3A_311] : memref<4800000xi32, #tpu.memory_space<hbm>> -> memref<80xi32, #tpu.memory_space<hbm>>
    tpu.enqueue_dma source(%dma_start3A_317 : memref<80xi32, #tpu.memory_space<hbm>>) target(%dma_start3A_316 : memref<80xi32, #tpu.memory_space<vmem>>) target_semaphore(%arg28 : memref<!tpu.dma_semaphore, #tpu.memory_space<semaphore_mem>>)
    %add3A_318 = arith.constant 1600000 : i32
    %add3A_319 = arith.addi %add3A_318, %add3A_309 : i32
    %dma_start3A_320 = arith.constant 80 : i32
    %dma_start3A_321 = tpu.memref_slice %arg17[%dma_start3A_320] : memref<240xi32, #tpu.memory_space<vmem>> -> memref<80xi32, #tpu.memory_space<vmem>>
    %dma_start3A_322 = tpu.memref_slice %arg3[%add3A_319] : memref<4800000xi32, #tpu.memory_space<hbm>> -> memref<80xi32, #tpu.memory_space<hbm>>
    %dma_start3A_323 = arith.constant 80 : i32
    %dma_start3A_324 = tpu.memref_slice %arg17[%dma_start3A_323] : memref<240xi32, #tpu.memory_space<vmem>> -> memref<80xi32, #tpu.memory_space<vmem>>
    %dma_start3A_325 = tpu.memref_slice %arg3[%add3A_319] : memref<4800000xi32, #tpu.memory_space<hbm>> -> memref<80xi32, #tpu.memory_space<hbm>>
    tpu.enqueue_dma source(%dma_start3A_325 : memref<80xi32, #tpu.memory_space<hbm>>) target(%dma_start3A_324 : memref<80xi32, #tpu.memory_space<vmem>>) target_semaphore(%arg28 : memref<!tpu.dma_semaphore, #tpu.memory_space<semaphore_mem>>)
    %add3A_326 = arith.constant 3200000 : i32
    %add3A_327 = arith.addi %add3A_326, %add3A_309 : i32
    %dma_start3A_328 = arith.constant 160 : i32
    %dma_start3A_329 = tpu.memref_slice %arg17[%dma_start3A_328] : memref<240xi32, #tpu.memory_space<vmem>> -> memref<80xi32, #tpu.memory_space<vmem>>
    %dma_start3A_330 = tpu.memref_slice %arg3[%add3A_327] : memref<4800000xi32, #tpu.memory_space<hbm>> -> memref<80xi32, #tpu.memory_space<hbm>>
    %dma_start3A_331 = arith.constant 160 : i32
    %dma_start3A_332 = tpu.memref_slice %arg17[%dma_start3A_331] : memref<240xi32, #tpu.memory_space<vmem>> -> memref<80xi32, #tpu.memory_space<vmem>>
    %dma_start3A_333 = tpu.memref_slice %arg3[%add3A_327] : memref<4800000xi32, #tpu.memory_space<hbm>> -> memref<80xi32, #tpu.memory_space<hbm>>
    tpu.enqueue_dma source(%dma_start3A_333 : memref<80xi32, #tpu.memory_space<hbm>>) target(%dma_start3A_332 : memref<80xi32, #tpu.memory_space<vmem>>) target_semaphore(%arg28 : memref<!tpu.dma_semaphore, #tpu.memory_space<semaphore_mem>>)
    %dma_wait3A_334 = arith.constant 0 : i32
    %dma_wait3A_335 = tpu.memref_slice %arg17[%dma_wait3A_334] : memref<240xi32, #tpu.memory_space<vmem>> -> memref<80xi32, #tpu.memory_space<vmem>>
    %dma_wait3A_336 = tpu.memref_slice %arg3[%add3A_311] : memref<4800000xi32, #tpu.memory_space<hbm>> -> memref<80xi32, #tpu.memory_space<hbm>>
    %dma_wait3A_337 = arith.constant 0 : i32
    %dma_wait3A_338 = tpu.memref_slice %arg17[%dma_wait3A_337] : memref<240xi32, #tpu.memory_space<vmem>> -> memref<80xi32, #tpu.memory_space<vmem>>
    %dma_wait3A_339 = tpu.memref_slice %arg3[%add3A_311] : memref<4800000xi32, #tpu.memory_space<hbm>> -> memref<80xi32, #tpu.memory_space<hbm>>
    tpu.wait_dma2 semaphore(%arg28 : memref<!tpu.dma_semaphore, #tpu.memory_space<semaphore_mem>>) src(%dma_wait3A_339 : memref<80xi32, #tpu.memory_space<hbm>>) dst(%dma_wait3A_338 : memref<80xi32, #tpu.memory_space<vmem>>)
    %dma_wait3A_340 = arith.constant 80 : i32
    %dma_wait3A_341 = tpu.memref_slice %arg17[%dma_wait3A_340] : memref<240xi32, #tpu.memory_space<vmem>> -> memref<80xi32, #tpu.memory_space<vmem>>
    %dma_wait3A_342 = tpu.memref_slice %arg3[%add3A_319] : memref<4800000xi32, #tpu.memory_space<hbm>> -> memref<80xi32, #tpu.memory_space<hbm>>
    %dma_wait3A_343 = arith.constant 80 : i32
    %dma_wait3A_344 = tpu.memref_slice %arg17[%dma_wait3A_343] : memref<240xi32, #tpu.memory_space<vmem>> -> memref<80xi32, #tpu.memory_space<vmem>>
    %dma_wait3A_345 = tpu.memref_slice %arg3[%add3A_319] : memref<4800000xi32, #tpu.memory_space<hbm>> -> memref<80xi32, #tpu.memory_space<hbm>>
    tpu.wait_dma2 semaphore(%arg28 : memref<!tpu.dma_semaphore, #tpu.memory_space<semaphore_mem>>) src(%dma_wait3A_345 : memref<80xi32, #tpu.memory_space<hbm>>) dst(%dma_wait3A_344 : memref<80xi32, #tpu.memory_space<vmem>>)
    %dma_wait3A_346 = arith.constant 160 : i32
    %dma_wait3A_347 = tpu.memref_slice %arg17[%dma_wait3A_346] : memref<240xi32, #tpu.memory_space<vmem>> -> memref<80xi32, #tpu.memory_space<vmem>>
    %dma_wait3A_348 = tpu.memref_slice %arg3[%add3A_327] : memref<4800000xi32, #tpu.memory_space<hbm>> -> memref<80xi32, #tpu.memory_space<hbm>>
    %dma_wait3A_349 = arith.constant 160 : i32
    %dma_wait3A_350 = tpu.memref_slice %arg17[%dma_wait3A_349] : memref<240xi32, #tpu.memory_space<vmem>> -> memref<80xi32, #tpu.memory_space<vmem>>
    %dma_wait3A_351 = tpu.memref_slice %arg3[%add3A_327] : memref<4800000xi32, #tpu.memory_space<hbm>> -> memref<80xi32, #tpu.memory_space<hbm>>
    tpu.wait_dma2 semaphore(%arg28 : memref<!tpu.dma_semaphore, #tpu.memory_space<semaphore_mem>>) src(%dma_wait3A_351 : memref<80xi32, #tpu.memory_space<hbm>>) dst(%dma_wait3A_350 : memref<80xi32, #tpu.memory_space<vmem>>)
    %scan3A_352 = arith.constant 0 : i32
    %scan3A_353 = arith.constant 15 : i32
    %scan3A_354 = arith.addi %scan3A_352, %scan3A_353 : i32
    %scan3A_355 = arith.constant 1 : i32
    scf.for %scan3A_390 = %scan3A_352 to %scan3A_354 step %scan3A_355  : i32 {
      %mul3A_391 = arith.constant 16 : i32
      %mul3A_392 = arith.muli %scan3A_390, %mul3A_391 : i32
      %get3A = arith.index_cast %mul3A_392 : i32 to index
      %get3A_393 = tpu.vector_load %arg17[%get3A] {strides = array<i32>} : memref<240xi32, #tpu.memory_space<vmem>>, vector<16xi32>,
      %get3A_394 = vector.shape_cast %get3A_393 : vector<16xi32> to vector<16xi32>
      %add3A_395 = arith.constant 100000 : i32
      %add3A_396 = vector.broadcast %add3A_395 : i32 to vector<16xi32>
      %add3A_397 = arith.addi %get3A_394, %add3A_396 : vector<16xi32>
      %mul3A_398 = arith.constant 16 : i32
      %mul3A_399 = arith.muli %scan3A_390, %mul3A_398 : i32
      %swap3A = arith.index_cast %mul3A_399 : i32 to index
      %swap3A_400 = tpu.vector_load %arg19[%swap3A] {strides = array<i32>} : memref<240xi32, #tpu.memory_space<vmem>>, vector<16xi32>,
      %swap3A_401 = vector.shape_cast %swap3A_400 : vector<16xi32> to vector<16xi32>
      %swap3A_402 = vector.shape_cast %add3A_397 : vector<16xi32> to vector<16xi32>
      tpu.vector_store %arg19[%swap3A], %swap3A_402 {strides = array<i32>} : memref<240xi32, #tpu.memory_space<vmem>>, vector<16xi32>,
      %add3A_403 = arith.constant 200000 : i32
      %add3A_404 = vector.broadcast %add3A_403 : i32 to vector<16xi32>
      %add3A_405 = arith.addi %get3A_394, %add3A_404 : vector<16xi32>
      %mul3A_406 = arith.constant 16 : i32
      %mul3A_407 = arith.muli %scan3A_390, %mul3A_406 : i32
      %swap3A_408 = arith.index_cast %mul3A_407 : i32 to index
      %swap3A_409 = tpu.vector_load %arg20[%swap3A_408] {strides = array<i32>} : memref<240xi32, #tpu.memory_space<vmem>>, vector<16xi32>,
      %swap3A_410 = vector.shape_cast %swap3A_409 : vector<16xi32> to vector<16xi32>
      %swap3A_411 = vector.shape_cast %add3A_405 : vector<16xi32> to vector<16xi32>
      tpu.vector_store %arg20[%swap3A_408], %swap3A_411 {strides = array<i32>} : memref<240xi32, #tpu.memory_space<vmem>>, vector<16xi32>,
    }
    %scan3A_356 = arith.constant 15 : i32
    %dma_start3A_357 = arith.constant 0 : i32
    %dma_start3A_358 = tpu.memref_slice %arg2[%dma_start3A_357] : memref<300000xf32, #tpu.memory_space<hbm>> -> memref<300000xf32, #tpu.memory_space<hbm>>
    tpu.enqueue_indirect_dma source(%dma_start3A_358 : memref<300000xf32, #tpu.memory_space<hbm>>) target(%arg21 : memref<240xf32, #tpu.memory_space<vmem>>) offsets(%arg17 : memref<240xi32, #tpu.memory_space<vmem>>) semaphore(%arg29 : memref<!tpu.dma_semaphore, #tpu.memory_space<semaphore_mem>>)
    %dma_start3A_359 = arith.constant 0 : i32
    %dma_start3A_360 = tpu.memref_slice %arg2[%dma_start3A_359] : memref<300000xf32, #tpu.memory_space<hbm>> -> memref<300000xf32, #tpu.memory_space<hbm>>
    tpu.enqueue_indirect_dma source(%dma_start3A_360 : memref<300000xf32, #tpu.memory_space<hbm>>) target(%arg22 : memref<240xf32, #tpu.memory_space<vmem>>) offsets(%arg19 : memref<240xi32, #tpu.memory_space<vmem>>) semaphore(%arg29 : memref<!tpu.dma_semaphore, #tpu.memory_space<semaphore_mem>>)
    %dma_start3A_361 = arith.constant 0 : i32
    %dma_start3A_362 = tpu.memref_slice %arg2[%dma_start3A_361] : memref<300000xf32, #tpu.memory_space<hbm>> -> memref<300000xf32, #tpu.memory_space<hbm>>
    tpu.enqueue_indirect_dma source(%dma_start3A_362 : memref<300000xf32, #tpu.memory_space<hbm>>) target(%arg23 : memref<240xf32, #tpu.memory_space<vmem>>) offsets(%arg20 : memref<240xi32, #tpu.memory_space<vmem>>) semaphore(%arg29 : memref<!tpu.dma_semaphore, #tpu.memory_space<semaphore_mem>>)
    %dma_wait3A_363 = arith.constant 0 : i32
    %dma_wait3A_364 = tpu.memref_slice %arg2[%dma_wait3A_363] : memref<300000xf32, #tpu.memory_space<hbm>> -> memref<300000xf32, #tpu.memory_space<hbm>>
    tpu.wait_indirect_dma semaphore(%arg26 : memref<!tpu.dma_semaphore, #tpu.memory_space<semaphore_mem>>) src(%dma_wait3A_364 : memref<300000xf32, #tpu.memory_space<hbm>>) dst(%arg12 : memref<240xf32, #tpu.memory_space<vmem>>)
    %dma_wait3A_365 = arith.constant 0 : i32
    %dma_wait3A_366 = tpu.memref_slice %arg2[%dma_wait3A_365] : memref<300000xf32, #tpu.memory_space<hbm>> -> memref<300000xf32, #tpu.memory_space<hbm>>
    tpu.wait_indirect_dma semaphore(%arg26 : memref<!tpu.dma_semaphore, #tpu.memory_space<semaphore_mem>>) src(%dma_wait3A_366 : memref<300000xf32, #tpu.memory_space<hbm>>) dst(%arg13 : memref<240xf32, #tpu.memory_space<vmem>>)
    %dma_wait3A_367 = arith.constant 0 : i32
    %dma_wait3A_368 = tpu.memref_slice %arg2[%dma_wait3A_367] : memref<300000xf32, #tpu.memory_space<hbm>> -> memref<300000xf32, #tpu.memory_space<hbm>>
    tpu.wait_indirect_dma semaphore(%arg26 : memref<!tpu.dma_semaphore, #tpu.memory_space<semaphore_mem>>) src(%dma_wait3A_368 : memref<300000xf32, #tpu.memory_space<hbm>>) dst(%arg14 : memref<240xf32, #tpu.memory_space<vmem>>)
    %scan3A_369 = arith.constant 0 : i32
    %scan3A_370 = arith.constant 5 : i32
    %scan3A_371 = arith.addi %scan3A_369, %scan3A_370 : i32
    %scan3A_372 = arith.constant 1 : i32
    scf.for %scan3A_390 = %scan3A_369 to %scan3A_371 step %scan3A_372  : i32 {
      %mul3A_391 = arith.constant 16 : i32
      %mul3A_392 = arith.muli %scan3A_390, %mul3A_391 : i32
      %mul3A_393 = arith.constant 16 : i32
      %mul3A_394 = arith.muli %scan3A_390, %mul3A_393 : i32
      %add3A_395 = arith.constant 80 : i32
      %add3A_396 = arith.addi %add3A_395, %mul3A_394 : i32
      %mul3A_397 = arith.constant 16 : i32
      %mul3A_398 = arith.muli %scan3A_390, %mul3A_397 : i32
      %add3A_399 = arith.constant 160 : i32
      %add3A_400 = arith.addi %add3A_399, %mul3A_398 : i32
      %get3A = arith.index_cast %mul3A_392 : i32 to index
      %get3A_401 = tpu.vector_load %arg12[%get3A] {strides = array<i32>} : memref<240xf32, #tpu.memory_space<vmem>>, vector<16xf32>,
      %get3A_402 = vector.shape_cast %get3A_401 : vector<16xf32> to vector<16xf32>
      %get3A_403 = arith.index_cast %mul3A_392 : i32 to index
      %get3A_404 = tpu.vector_load %arg13[%get3A_403] {strides = array<i32>} : memref<240xf32, #tpu.memory_space<vmem>>, vector<16xf32>,
      %get3A_405 = vector.shape_cast %get3A_404 : vector<16xf32> to vector<16xf32>
      %get3A_406 = arith.index_cast %mul3A_392 : i32 to index
      %get3A_407 = tpu.vector_load %arg14[%get3A_406] {strides = array<i32>} : memref<240xf32, #tpu.memory_space<vmem>>, vector<16xf32>,
      %get3A_408 = vector.shape_cast %get3A_407 : vector<16xf32> to vector<16xf32>
      %get3A_409 = arith.index_cast %add3A_396 : i32 to index
      %get3A_410 = tpu.vector_load %arg12[%get3A_409] {strides = array<i32>} : memref<240xf32, #tpu.memory_space<vmem>>, vector<16xf32>,
      %get3A_411 = vector.shape_cast %get3A_410 : vector<16xf32> to vector<16xf32>
      %get3A_412 = arith.index_cast %add3A_396 : i32 to index
      %get3A_413 = tpu.vector_load %arg13[%get3A_412] {strides = array<i32>} : memref<240xf32, #tpu.memory_space<vmem>>, vector<16xf32>,
      %get3A_414 = vector.shape_cast %get3A_413 : vector<16xf32> to vector<16xf32>
      %get3A_415 = arith.index_cast %add3A_396 : i32 to index
      %get3A_416 = tpu.vector_load %arg14[%get3A_415] {strides = array<i32>} : memref<240xf32, #tpu.memory_space<vmem>>, vector<16xf32>,
      %get3A_417 = vector.shape_cast %get3A_416 : vector<16xf32> to vector<16xf32>
      %get3A_418 = arith.index_cast %add3A_400 : i32 to index
      %get3A_419 = tpu.vector_load %arg12[%get3A_418] {strides = array<i32>} : memref<240xf32, #tpu.memory_space<vmem>>, vector<16xf32>,
      %get3A_420 = vector.shape_cast %get3A_419 : vector<16xf32> to vector<16xf32>
      %get3A_421 = arith.index_cast %add3A_400 : i32 to index
      %get3A_422 = tpu.vector_load %arg13[%get3A_421] {strides = array<i32>} : memref<240xf32, #tpu.memory_space<vmem>>, vector<16xf32>,
      %get3A_423 = vector.shape_cast %get3A_422 : vector<16xf32> to vector<16xf32>
      %get3A_424 = arith.index_cast %add3A_400 : i32 to index
      %get3A_425 = tpu.vector_load %arg14[%get3A_424] {strides = array<i32>} : memref<240xf32, #tpu.memory_space<vmem>>, vector<16xf32>,
      %get3A_426 = vector.shape_cast %get3A_425 : vector<16xf32> to vector<16xf32>
      %sub3A = arith.subf %get3A_411, %get3A_402 : vector<16xf32>
      %sub3A_427 = arith.subf %get3A_414, %get3A_405 : vector<16xf32>
      %sub3A_428 = arith.subf %get3A_417, %get3A_408 : vector<16xf32>
      %sub3A_429 = arith.subf %get3A_420, %get3A_402 : vector<16xf32>
      %sub3A_430 = arith.subf %get3A_423, %get3A_405 : vector<16xf32>
      %sub3A_431 = arith.subf %get3A_426, %get3A_408 : vector<16xf32>
      %mul3A_432 = arith.mulf %sub3A_427, %sub3A_431 : vector<16xf32>
      %mul3A_433 = arith.mulf %sub3A_428, %sub3A_430 : vector<16xf32>
      %sub3A_434 = arith.subf %mul3A_432, %mul3A_433 : vector<16xf32>
      %mul3A_435 = arith.mulf %sub3A_428, %sub3A_429 : vector<16xf32>
      %mul3A_436 = arith.mulf %sub3A, %sub3A_431 : vector<16xf32>
      %sub3A_437 = arith.subf %mul3A_435, %mul3A_436 : vector<16xf32>
      %mul3A_438 = arith.mulf %sub3A, %sub3A_430 : vector<16xf32>
      %mul3A_439 = arith.mulf %sub3A_427, %sub3A_429 : vector<16xf32>
      %sub3A_440 = arith.subf %mul3A_438, %mul3A_439 : vector<16xf32>
      %mul3A_441 = arith.mulf %sub3A_434, %sub3A_434 : vector<16xf32>
      %mul3A_442 = arith.mulf %sub3A_437, %sub3A_437 : vector<16xf32>
      %add3A_443 = arith.addf %mul3A_441, %mul3A_442 : vector<16xf32>
      %mul3A_444 = arith.mulf %sub3A_440, %sub3A_440 : vector<16xf32>
      %add3A_445 = arith.addf %add3A_443, %mul3A_444 : vector<16xf32>
      %max3A = arith.constant 9.99999968E-21 : f32
      %max3A_446 = vector.broadcast %max3A : f32 to vector<16xf32>
      %max3A_447 = arith.maximumf %add3A_445, %max3A_446 : vector<16xf32>
      %bitcast_convert_type3A = tpu.bitcast %max3A_447 : vector<16xf32> -> vector<16xi32>
      %shift_right_arithmetic3A = arith.constant 1 : i32
      %shift_right_arithmetic3A_448 = vector.broadcast %shift_right_arithmetic3A : i32 to vector<16xi32>
      %shift_right_arithmetic3A_449 = arith.shrsi %bitcast_convert_type3A, %shift_right_arithmetic3A_448 : vector<16xi32>
      %sub3A_450 = arith.constant 1597463007 : i32
      %sub3A_451 = vector.broadcast %sub3A_450 : i32 to vector<16xi32>
      %sub3A_452 = arith.subi %sub3A_451, %shift_right_arithmetic3A_449 : vector<16xi32>
      %bitcast_convert_type3A_453 = tpu.bitcast %sub3A_452 : vector<16xi32> -> vector<16xf32>
      %mul3A_454 = arith.constant 5.000000e-01 : f32
      %mul3A_455 = vector.broadcast %mul3A_454 : f32 to vector<16xf32>
      %mul3A_456 = arith.mulf %mul3A_455, %max3A_447 : vector<16xf32>
      %mul3A_457 = arith.mulf %mul3A_456, %bitcast_convert_type3A_453 : vector<16xf32>
      %mul3A_458 = arith.mulf %mul3A_457, %bitcast_convert_type3A_453 : vector<16xf32>
      %sub3A_459 = arith.constant 1.500000e+00 : f32
      %sub3A_460 = vector.broadcast %sub3A_459 : f32 to vector<16xf32>
      %sub3A_461 = arith.subf %sub3A_460, %mul3A_458 : vector<16xf32>
      %mul3A_462 = arith.mulf %bitcast_convert_type3A_453, %sub3A_461 : vector<16xf32>
      %mul3A_463 = arith.mulf %mul3A_456, %mul3A_462 : vector<16xf32>
      %mul3A_464 = arith.mulf %mul3A_463, %mul3A_462 : vector<16xf32>
      %sub3A_465 = arith.constant 1.500000e+00 : f32
      %sub3A_466 = vector.broadcast %sub3A_465 : f32 to vector<16xf32>
      %sub3A_467 = arith.subf %sub3A_466, %mul3A_464 : vector<16xf32>
      %mul3A_468 = arith.mulf %mul3A_462, %sub3A_467 : vector<16xf32>
      %mul3A_469 = arith.mulf %mul3A_456, %mul3A_468 : vector<16xf32>
      %mul3A_470 = arith.mulf %mul3A_469, %mul3A_468 : vector<16xf32>
      %sub3A_471 = arith.constant 1.500000e+00 : f32
      %sub3A_472 = vector.broadcast %sub3A_471 : f32 to vector<16xf32>
      %sub3A_473 = arith.subf %sub3A_472, %mul3A_470 : vector<16xf32>
      %mul3A_474 = arith.mulf %mul3A_468, %sub3A_473 : vector<16xf32>
      %mul3A_475 = arith.mulf %sub3A_434, %mul3A_474 : vector<16xf32>
      %mul3A_476 = arith.mulf %sub3A_437, %mul3A_474 : vector<16xf32>
      %mul3A_477 = arith.mulf %sub3A_440, %mul3A_474 : vector<16xf32>
      %neg3A = arith.constant 0.000000e+00 : f32
      %neg3A_478 = vector.broadcast %neg3A : f32 to vector<16xf32>
      %neg3A_479 = arith.subf %neg3A_478, %sub3A : vector<16xf32>
      %neg3A_480 = arith.constant 0.000000e+00 : f32
      %neg3A_481 = vector.broadcast %neg3A_480 : f32 to vector<16xf32>
      %neg3A_482 = arith.subf %neg3A_481, %sub3A_427 : vector<16xf32>
      %neg3A_483 = arith.constant 0.000000e+00 : f32
      %neg3A_484 = vector.broadcast %neg3A_483 : f32 to vector<16xf32>
      %neg3A_485 = arith.subf %neg3A_484, %sub3A_428 : vector<16xf32>
      %sub3A_486 = arith.subf %sub3A, %sub3A_429 : vector<16xf32>
      %sub3A_487 = arith.subf %sub3A_427, %sub3A_430 : vector<16xf32>
      %sub3A_488 = arith.subf %sub3A_428, %sub3A_431 : vector<16xf32>
      %lt3A_489 = arith.constant 0 : i32
      %lt3A_490 = vector.broadcast %lt3A_489 : i32 to vector<16xi32>
      %lt3A_491 = arith.cmpi slt, %select_n3A_197, %lt3A_490 : vector<16xi32>
      %add3A_492 = arith.constant 16 : i32
      %add3A_493 = vector.broadcast %add3A_492 : i32 to vector<16xi32>
      %add3A_494 = arith.addi %select_n3A_197, %add3A_493 : vector<16xi32>
      %select_n3A_495 = arith.select %lt3A_491, %add3A_494, %select_n3A_197 : vector<16xi1>, vector<16xi32>
      %broadcast_in_dim3A_496 = vector.shape_cast %select_n3A_495 : vector<16xi32> to vector<16x1xi32>
      %gather3A = vector.shape_cast %broadcast_in_dim3A_496 : vector<16x1xi32> to vector<16xi32>
      %gather3A_497 = tpu.dynamic_gather %sub3A_431[%gather3A] in [0] : vector<16xf32>, vector<16xi32> -> vector<16xf32>
      %select_n3A_498 = arith.select %eq3A_221, %mul3A_475, %gather3A_497 : vector<16xi1>, vector<16xf32>
      %lt3A_499 = arith.constant 0 : i32
      %lt3A_500 = vector.broadcast %lt3A_499 : i32 to vector<16xi32>
      %lt3A_501 = arith.cmpi slt, %select_n3A_172, %lt3A_500 : vector<16xi32>
      %add3A_502 = arith.constant 16 : i32
      %add3A_503 = vector.broadcast %add3A_502 : i32 to vector<16xi32>
      %add3A_504 = arith.addi %select_n3A_172, %add3A_503 : vector<16xi32>
      %select_n3A_505 = arith.select %lt3A_501, %add3A_504, %select_n3A_172 : vector<16xi1>, vector<16xi32>
      %broadcast_in_dim3A_506 = vector.shape_cast %select_n3A_505 : vector<16xi32> to vector<16x1xi32>
      %gather3A_507 = vector.shape_cast %broadcast_in_dim3A_506 : vector<16x1xi32> to vector<16xi32>
      %gather3A_508 = tpu.dynamic_gather %mul3A_475[%gather3A_507] in [0] : vector<16xf32>, vector<16xi32> -> vector<16xf32>
      %select_n3A_509 = arith.select %eq3A_221, %gather3A_508, %sub3A_431 : vector<16xi1>, vector<16xf32>
      %lt3A_510 = arith.constant 0 : i32
      %lt3A_511 = vector.broadcast %lt3A_510 : i32 to vector<16xi32>
      %lt3A_512 = arith.cmpi slt, %select_n3A_197, %lt3A_511 : vector<16xi32>
      %add3A_513 = arith.constant 16 : i32
      %add3A_514 = vector.broadcast %add3A_513 : i32 to vector<16xi32>
      %add3A_515 = arith.addi %select_n3A_197, %add3A_514 : vector<16xi32>
      %select_n3A_516 = arith.select %lt3A_512, %add3A_515, %select_n3A_197 : vector<16xi1>, vector<16xi32>
      %broadcast_in_dim3A_517 = vector.shape_cast %select_n3A_516 : vector<16xi32> to vector<16x1xi32>
      %gather3A_518 = vector.shape_cast %broadcast_in_dim3A_517 : vector<16x1xi32> to vector<16xi32>
      %gather3A_519 = tpu.dynamic_gather %neg3A_479[%gather3A_518] in [0] : vector<16xf32>, vector<16xi32> -> vector<16xf32>
      %select_n3A_520 = arith.select %eq3A_221, %mul3A_476, %gather3A_519 : vector<16xi1>, vector<16xf32>
      %lt3A_521 = arith.constant 0 : i32
      %lt3A_522 = vector.broadcast %lt3A_521 : i32 to vector<16xi32>
      %lt3A_523 = arith.cmpi slt, %select_n3A_172, %lt3A_522 : vector<16xi32>
      %add3A_524 = arith.constant 16 : i32
      %add3A_525 = vector.broadcast %add3A_524 : i32 to vector<16xi32>
      %add3A_526 = arith.addi %select_n3A_172, %add3A_525 : vector<16xi32>
      %select_n3A_527 = arith.select %lt3A_523, %add3A_526, %select_n3A_172 : vector<16xi1>, vector<16xi32>
      %broadcast_in_dim3A_528 = vector.shape_cast %select_n3A_527 : vector<16xi32> to vector<16x1xi32>
      %gather3A_529 = vector.shape_cast %broadcast_in_dim3A_528 : vector<16x1xi32> to vector<16xi32>
      %gather3A_530 = tpu.dynamic_gather %mul3A_476[%gather3A_529] in [0] : vector<16xf32>, vector<16xi32> -> vector<16xf32>
      %select_n3A_531 = arith.select %eq3A_221, %gather3A_530, %neg3A_479 : vector<16xi1>, vector<16xf32>
      %lt3A_532 = arith.constant 0 : i32
      %lt3A_533 = vector.broadcast %lt3A_532 : i32 to vector<16xi32>
      %lt3A_534 = arith.cmpi slt, %select_n3A_197, %lt3A_533 : vector<16xi32>
      %add3A_535 = arith.constant 16 : i32
      %add3A_536 = vector.broadcast %add3A_535 : i32 to vector<16xi32>
      %add3A_537 = arith.addi %select_n3A_197, %add3A_536 : vector<16xi32>
      %select_n3A_538 = arith.select %lt3A_534, %add3A_537, %select_n3A_197 : vector<16xi1>, vector<16xi32>
      %broadcast_in_dim3A_539 = vector.shape_cast %select_n3A_538 : vector<16xi32> to vector<16x1xi32>
      %gather3A_540 = vector.shape_cast %broadcast_in_dim3A_539 : vector<16x1xi32> to vector<16xi32>
      %gather3A_541 = tpu.dynamic_gather %neg3A_482[%gather3A_540] in [0] : vector<16xf32>, vector<16xi32> -> vector<16xf32>
      %select_n3A_542 = arith.select %eq3A_221, %mul3A_477, %gather3A_541 : vector<16xi1>, vector<16xf32>
      %lt3A_543 = arith.constant 0 : i32
      %lt3A_544 = vector.broadcast %lt3A_543 : i32 to vector<16xi32>
      %lt3A_545 = arith.cmpi slt, %select_n3A_172, %lt3A_544 : vector<16xi32>
      %add3A_546 = arith.constant 16 : i32
      %add3A_547 = vector.broadcast %add3A_546 : i32 to vector<16xi32>
      %add3A_548 = arith.addi %select_n3A_172, %add3A_547 : vector<16xi32>
      %select_n3A_549 = arith.select %lt3A_545, %add3A_548, %select_n3A_172 : vector<16xi1>, vector<16xi32>
      %broadcast_in_dim3A_550 = vector.shape_cast %select_n3A_549 : vector<16xi32> to vector<16x1xi32>
      %gather3A_551 = vector.shape_cast %broadcast_in_dim3A_550 : vector<16x1xi32> to vector<16xi32>
      %gather3A_552 = tpu.dynamic_gather %mul3A_477[%gather3A_551] in [0] : vector<16xf32>, vector<16xi32> -> vector<16xf32>
      %select_n3A_553 = arith.select %eq3A_221, %gather3A_552, %neg3A_482 : vector<16xi1>, vector<16xf32>
      %lt3A_554 = arith.constant 0 : i32
      %lt3A_555 = vector.broadcast %lt3A_554 : i32 to vector<16xi32>
      %lt3A_556 = arith.cmpi slt, %select_n3A_197, %lt3A_555 : vector<16xi32>
      %add3A_557 = arith.constant 16 : i32
      %add3A_558 = vector.broadcast %add3A_557 : i32 to vector<16xi32>
      %add3A_559 = arith.addi %select_n3A_197, %add3A_558 : vector<16xi32>
      %select_n3A_560 = arith.select %lt3A_556, %add3A_559, %select_n3A_197 : vector<16xi1>, vector<16xi32>
      %broadcast_in_dim3A_561 = vector.shape_cast %select_n3A_560 : vector<16xi32> to vector<16x1xi32>
      %gather3A_562 = vector.shape_cast %broadcast_in_dim3A_561 : vector<16x1xi32> to vector<16xi32>
      %gather3A_563 = tpu.dynamic_gather %neg3A_485[%gather3A_562] in [0] : vector<16xf32>, vector<16xi32> -> vector<16xf32>
      %select_n3A_564 = arith.select %eq3A_221, %sub3A_434, %gather3A_563 : vector<16xi1>, vector<16xf32>
      %lt3A_565 = arith.constant 0 : i32
      %lt3A_566 = vector.broadcast %lt3A_565 : i32 to vector<16xi32>
      %lt3A_567 = arith.cmpi slt, %select_n3A_172, %lt3A_566 : vector<16xi32>
      %add3A_568 = arith.constant 16 : i32
      %add3A_569 = vector.broadcast %add3A_568 : i32 to vector<16xi32>
      %add3A_570 = arith.addi %select_n3A_172, %add3A_569 : vector<16xi32>
      %select_n3A_571 = arith.select %lt3A_567, %add3A_570, %select_n3A_172 : vector<16xi1>, vector<16xi32>
      %broadcast_in_dim3A_572 = vector.shape_cast %select_n3A_571 : vector<16xi32> to vector<16x1xi32>
      %gather3A_573 = vector.shape_cast %broadcast_in_dim3A_572 : vector<16x1xi32> to vector<16xi32>
      %gather3A_574 = tpu.dynamic_gather %sub3A_434[%gather3A_573] in [0] : vector<16xf32>, vector<16xi32> -> vector<16xf32>
      %select_n3A_575 = arith.select %eq3A_221, %gather3A_574, %neg3A_485 : vector<16xi1>, vector<16xf32>
      %lt3A_576 = arith.constant 0 : i32
      %lt3A_577 = vector.broadcast %lt3A_576 : i32 to vector<16xi32>
      %lt3A_578 = arith.cmpi slt, %select_n3A_197, %lt3A_577 : vector<16xi32>
      %add3A_579 = arith.constant 16 : i32
      %add3A_580 = vector.broadcast %add3A_579 : i32 to vector<16xi32>
      %add3A_581 = arith.addi %select_n3A_197, %add3A_580 : vector<16xi32>
      %select_n3A_582 = arith.select %lt3A_578, %add3A_581, %select_n3A_197 : vector<16xi1>, vector<16xi32>
      %broadcast_in_dim3A_583 = vector.shape_cast %select_n3A_582 : vector<16xi32> to vector<16x1xi32>
      %gather3A_584 = vector.shape_cast %broadcast_in_dim3A_583 : vector<16x1xi32> to vector<16xi32>
      %gather3A_585 = tpu.dynamic_gather %sub3A_486[%gather3A_584] in [0] : vector<16xf32>, vector<16xi32> -> vector<16xf32>
      %select_n3A_586 = arith.select %eq3A_221, %sub3A_437, %gather3A_585 : vector<16xi1>, vector<16xf32>
      %lt3A_587 = arith.constant 0 : i32
      %lt3A_588 = vector.broadcast %lt3A_587 : i32 to vector<16xi32>
      %lt3A_589 = arith.cmpi slt, %select_n3A_172, %lt3A_588 : vector<16xi32>
      %add3A_590 = arith.constant 16 : i32
      %add3A_591 = vector.broadcast %add3A_590 : i32 to vector<16xi32>
      %add3A_592 = arith.addi %select_n3A_172, %add3A_591 : vector<16xi32>
      %select_n3A_593 = arith.select %lt3A_589, %add3A_592, %select_n3A_172 : vector<16xi1>, vector<16xi32>
      %broadcast_in_dim3A_594 = vector.shape_cast %select_n3A_593 : vector<16xi32> to vector<16x1xi32>
      %gather3A_595 = vector.shape_cast %broadcast_in_dim3A_594 : vector<16x1xi32> to vector<16xi32>
      %gather3A_596 = tpu.dynamic_gather %sub3A_437[%gather3A_595] in [0] : vector<16xf32>, vector<16xi32> -> vector<16xf32>
      %select_n3A_597 = arith.select %eq3A_221, %gather3A_596, %sub3A_486 : vector<16xi1>, vector<16xf32>
      %lt3A_598 = arith.constant 0 : i32
      %lt3A_599 = vector.broadcast %lt3A_598 : i32 to vector<16xi32>
      %lt3A_600 = arith.cmpi slt, %select_n3A_197, %lt3A_599 : vector<16xi32>
      %add3A_601 = arith.constant 16 : i32
      %add3A_602 = vector.broadcast %add3A_601 : i32 to vector<16xi32>
      %add3A_603 = arith.addi %select_n3A_197, %add3A_602 : vector<16xi32>
      %select_n3A_604 = arith.select %lt3A_600, %add3A_603, %select_n3A_197 : vector<16xi1>, vector<16xi32>
      %broadcast_in_dim3A_605 = vector.shape_cast %select_n3A_604 : vector<16xi32> to vector<16x1xi32>
      %gather3A_606 = vector.shape_cast %broadcast_in_dim3A_605 : vector<16x1xi32> to vector<16xi32>
      %gather3A_607 = tpu.dynamic_gather %sub3A_487[%gather3A_606] in [0] : vector<16xf32>, vector<16xi32> -> vector<16xf32>
      %select_n3A_608 = arith.select %eq3A_221, %sub3A_440, %gather3A_607 : vector<16xi1>, vector<16xf32>
      %lt3A_609 = arith.constant 0 : i32
      %lt3A_610 = vector.broadcast %lt3A_609 : i32 to vector<16xi32>
      %lt3A_611 = arith.cmpi slt, %select_n3A_172, %lt3A_610 : vector<16xi32>
      %add3A_612 = arith.constant 16 : i32
      %add3A_613 = vector.broadcast %add3A_612 : i32 to vector<16xi32>
      %add3A_614 = arith.addi %select_n3A_172, %add3A_613 : vector<16xi32>
      %select_n3A_615 = arith.select %lt3A_611, %add3A_614, %select_n3A_172 : vector<16xi1>, vector<16xi32>
      %broadcast_in_dim3A_616 = vector.shape_cast %select_n3A_615 : vector<16xi32> to vector<16x1xi32>
      %gather3A_617 = vector.shape_cast %broadcast_in_dim3A_616 : vector<16x1xi32> to vector<16xi32>
      %gather3A_618 = tpu.dynamic_gather %sub3A_440[%gather3A_617] in [0] : vector<16xf32>, vector<16xi32> -> vector<16xf32>
      %select_n3A_619 = arith.select %eq3A_221, %gather3A_618, %sub3A_487 : vector<16xi1>, vector<16xf32>
      %lt3A_620 = arith.constant 0 : i32
      %lt3A_621 = vector.broadcast %lt3A_620 : i32 to vector<16xi32>
      %lt3A_622 = arith.cmpi slt, %select_n3A_197, %lt3A_621 : vector<16xi32>
      %add3A_623 = arith.constant 16 : i32
      %add3A_624 = vector.broadcast %add3A_623 : i32 to vector<16xi32>
      %add3A_625 = arith.addi %select_n3A_197, %add3A_624 : vector<16xi32>
      %select_n3A_626 = arith.select %lt3A_622, %add3A_625, %select_n3A_197 : vector<16xi1>, vector<16xi32>
      %broadcast_in_dim3A_627 = vector.shape_cast %select_n3A_626 : vector<16xi32> to vector<16x1xi32>
      %gather3A_628 = vector.shape_cast %broadcast_in_dim3A_627 : vector<16x1xi32> to vector<16xi32>
      %gather3A_629 = tpu.dynamic_gather %sub3A_488[%gather3A_628] in [0] : vector<16xf32>, vector<16xi32> -> vector<16xf32>
      %select_n3A_630 = arith.select %eq3A_221, %sub3A_429, %gather3A_629 : vector<16xi1>, vector<16xf32>
      %lt3A_631 = arith.constant 0 : i32
      %lt3A_632 = vector.broadcast %lt3A_631 : i32 to vector<16xi32>
      %lt3A_633 = arith.cmpi slt, %select_n3A_172, %lt3A_632 : vector<16xi32>
      %add3A_634 = arith.constant 16 : i32
      %add3A_635 = vector.broadcast %add3A_634 : i32 to vector<16xi32>
      %add3A_636 = arith.addi %select_n3A_172, %add3A_635 : vector<16xi32>
      %select_n3A_637 = arith.select %lt3A_633, %add3A_636, %select_n3A_172 : vector<16xi1>, vector<16xi32>
      %broadcast_in_dim3A_638 = vector.shape_cast %select_n3A_637 : vector<16xi32> to vector<16x1xi32>
      %gather3A_639 = vector.shape_cast %broadcast_in_dim3A_638 : vector<16x1xi32> to vector<16xi32>
      %gather3A_640 = tpu.dynamic_gather %sub3A_429[%gather3A_639] in [0] : vector<16xf32>, vector<16xi32> -> vector<16xf32>
      %select_n3A_641 = arith.select %eq3A_221, %gather3A_640, %sub3A_488 : vector<16xi1>, vector<16xf32>
      %lt3A_642 = arith.constant 0 : i32
      %lt3A_643 = vector.broadcast %lt3A_642 : i32 to vector<16xi32>
      %lt3A_644 = arith.cmpi slt, %select_n3A_197, %lt3A_643 : vector<16xi32>
      %add3A_645 = arith.constant 16 : i32
      %add3A_646 = vector.broadcast %add3A_645 : i32 to vector<16xi32>
      %add3A_647 = arith.addi %select_n3A_197, %add3A_646 : vector<16xi32>
      %select_n3A_648 = arith.select %lt3A_644, %add3A_647, %select_n3A_197 : vector<16xi1>, vector<16xi32>
      %broadcast_in_dim3A_649 = vector.shape_cast %select_n3A_648 : vector<16xi32> to vector<16x1xi32>
      %gather3A_650 = vector.shape_cast %broadcast_in_dim3A_649 : vector<16x1xi32> to vector<16xi32>
      %gather3A_651 = tpu.dynamic_gather %broadcast_in_dim3A_251[%gather3A_650] in [0] : vector<16xf32>, vector<16xi32> -> vector<16xf32>
      %select_n3A_652 = arith.select %eq3A_221, %sub3A_430, %gather3A_651 : vector<16xi1>, vector<16xf32>
      %lt3A_653 = arith.constant 0 : i32
      %lt3A_654 = vector.broadcast %lt3A_653 : i32 to vector<16xi32>
      %lt3A_655 = arith.cmpi slt, %select_n3A_172, %lt3A_654 : vector<16xi32>
      %add3A_656 = arith.constant 16 : i32
      %add3A_657 = vector.broadcast %add3A_656 : i32 to vector<16xi32>
      %add3A_658 = arith.addi %select_n3A_172, %add3A_657 : vector<16xi32>
      %select_n3A_659 = arith.select %lt3A_655, %add3A_658, %select_n3A_172 : vector<16xi1>, vector<16xi32>
      %broadcast_in_dim3A_660 = vector.shape_cast %select_n3A_659 : vector<16xi32> to vector<16x1xi32>
      %gather3A_661 = vector.shape_cast %broadcast_in_dim3A_660 : vector<16x1xi32> to vector<16xi32>
      %gather3A_662 = tpu.dynamic_gather %sub3A_430[%gather3A_661] in [0] : vector<16xf32>, vector<16xi32> -> vector<16xf32>
      %select_n3A_663 = arith.select %eq3A_221, %gather3A_662, %broadcast_in_dim3A_251 : vector<16xi1>, vector<16xf32>
      %lt3A_664 = arith.constant 0 : i32
      %lt3A_665 = vector.broadcast %lt3A_664 : i32 to vector<16xi32>
      %lt3A_666 = arith.cmpi slt, %select_n3A_147, %lt3A_665 : vector<16xi32>
      %add3A_667 = arith.constant 16 : i32
      %add3A_668 = vector.broadcast %add3A_667 : i32 to vector<16xi32>
      %add3A_669 = arith.addi %select_n3A_147, %add3A_668 : vector<16xi32>
      %select_n3A_670 = arith.select %lt3A_666, %add3A_669, %select_n3A_147 : vector<16xi1>, vector<16xi32>
      %broadcast_in_dim3A_671 = vector.shape_cast %select_n3A_670 : vector<16xi32> to vector<16x1xi32>
      %gather3A_672 = vector.shape_cast %broadcast_in_dim3A_671 : vector<16x1xi32> to vector<16xi32>
      %gather3A_673 = tpu.dynamic_gather %select_n3A_586[%gather3A_672] in [0] : vector<16xf32>, vector<16xi32> -> vector<16xf32>
      %select_n3A_674 = arith.select %eq3A_215, %select_n3A_498, %gather3A_673 : vector<16xi1>, vector<16xf32>
      %lt3A_675 = arith.constant 0 : i32
      %lt3A_676 = vector.broadcast %lt3A_675 : i32 to vector<16xi32>
      %lt3A_677 = arith.cmpi slt, %select_n3A_122, %lt3A_676 : vector<16xi32>
      %add3A_678 = arith.constant 16 : i32
      %add3A_679 = vector.broadcast %add3A_678 : i32 to vector<16xi32>
      %add3A_680 = arith.addi %select_n3A_122, %add3A_679 : vector<16xi32>
      %select_n3A_681 = arith.select %lt3A_677, %add3A_680, %select_n3A_122 : vector<16xi1>, vector<16xi32>
      %broadcast_in_dim3A_682 = vector.shape_cast %select_n3A_681 : vector<16xi32> to vector<16x1xi32>
      %gather3A_683 = vector.shape_cast %broadcast_in_dim3A_682 : vector<16x1xi32> to vector<16xi32>
      %gather3A_684 = tpu.dynamic_gather %select_n3A_498[%gather3A_683] in [0] : vector<16xf32>, vector<16xi32> -> vector<16xf32>
      %select_n3A_685 = arith.select %eq3A_215, %gather3A_684, %select_n3A_586 : vector<16xi1>, vector<16xf32>
      %lt3A_686 = arith.constant 0 : i32
      %lt3A_687 = vector.broadcast %lt3A_686 : i32 to vector<16xi32>
      %lt3A_688 = arith.cmpi slt, %select_n3A_147, %lt3A_687 : vector<16xi32>
      %add3A_689 = arith.constant 16 : i32
      %add3A_690 = vector.broadcast %add3A_689 : i32 to vector<16xi32>
      %add3A_691 = arith.addi %select_n3A_147, %add3A_690 : vector<16xi32>
      %select_n3A_692 = arith.select %lt3A_688, %add3A_691, %select_n3A_147 : vector<16xi1>, vector<16xi32>
      %broadcast_in_dim3A_693 = vector.shape_cast %select_n3A_692 : vector<16xi32> to vector<16x1xi32>
      %gather3A_694 = vector.shape_cast %broadcast_in_dim3A_693 : vector<16x1xi32> to vector<16xi32>
      %gather3A_695 = tpu.dynamic_gather %select_n3A_608[%gather3A_694] in [0] : vector<16xf32>, vector<16xi32> -> vector<16xf32>
      %select_n3A_696 = arith.select %eq3A_215, %select_n3A_520, %gather3A_695 : vector<16xi1>, vector<16xf32>
      %lt3A_697 = arith.constant 0 : i32
      %lt3A_698 = vector.broadcast %lt3A_697 : i32 to vector<16xi32>
      %lt3A_699 = arith.cmpi slt, %select_n3A_122, %lt3A_698 : vector<16xi32>
      %add3A_700 = arith.constant 16 : i32
      %add3A_701 = vector.broadcast %add3A_700 : i32 to vector<16xi32>
      %add3A_702 = arith.addi %select_n3A_122, %add3A_701 : vector<16xi32>
      %select_n3A_703 = arith.select %lt3A_699, %add3A_702, %select_n3A_122 : vector<16xi1>, vector<16xi32>
      %broadcast_in_dim3A_704 = vector.shape_cast %select_n3A_703 : vector<16xi32> to vector<16x1xi32>
      %gather3A_705 = vector.shape_cast %broadcast_in_dim3A_704 : vector<16x1xi32> to vector<16xi32>
      %gather3A_706 = tpu.dynamic_gather %select_n3A_520[%gather3A_705] in [0] : vector<16xf32>, vector<16xi32> -> vector<16xf32>
      %select_n3A_707 = arith.select %eq3A_215, %gather3A_706, %select_n3A_608 : vector<16xi1>, vector<16xf32>
      %lt3A_708 = arith.constant 0 : i32
      %lt3A_709 = vector.broadcast %lt3A_708 : i32 to vector<16xi32>
      %lt3A_710 = arith.cmpi slt, %select_n3A_147, %lt3A_709 : vector<16xi32>
      %add3A_711 = arith.constant 16 : i32
      %add3A_712 = vector.broadcast %add3A_711 : i32 to vector<16xi32>
      %add3A_713 = arith.addi %select_n3A_147, %add3A_712 : vector<16xi32>
      %select_n3A_714 = arith.select %lt3A_710, %add3A_713, %select_n3A_147 : vector<16xi1>, vector<16xi32>
      %broadcast_in_dim3A_715 = vector.shape_cast %select_n3A_714 : vector<16xi32> to vector<16x1xi32>
      %gather3A_716 = vector.shape_cast %broadcast_in_dim3A_715 : vector<16x1xi32> to vector<16xi32>
      %gather3A_717 = tpu.dynamic_gather %select_n3A_630[%gather3A_716] in [0] : vector<16xf32>, vector<16xi32> -> vector<16xf32>
      %select_n3A_718 = arith.select %eq3A_215, %select_n3A_542, %gather3A_717 : vector<16xi1>, vector<16xf32>
      %lt3A_719 = arith.constant 0 : i32
      %lt3A_720 = vector.broadcast %lt3A_719 : i32 to vector<16xi32>
      %lt3A_721 = arith.cmpi slt, %select_n3A_122, %lt3A_720 : vector<16xi32>
      %add3A_722 = arith.constant 16 : i32
      %add3A_723 = vector.broadcast %add3A_722 : i32 to vector<16xi32>
      %add3A_724 = arith.addi %select_n3A_122, %add3A_723 : vector<16xi32>
      %select_n3A_725 = arith.select %lt3A_721, %add3A_724, %select_n3A_122 : vector<16xi1>, vector<16xi32>
      %broadcast_in_dim3A_726 = vector.shape_cast %select_n3A_725 : vector<16xi32> to vector<16x1xi32>
      %gather3A_727 = vector.shape_cast %broadcast_in_dim3A_726 : vector<16x1xi32> to vector<16xi32>
      %gather3A_728 = tpu.dynamic_gather %select_n3A_542[%gather3A_727] in [0] : vector<16xf32>, vector<16xi32> -> vector<16xf32>
      %select_n3A_729 = arith.select %eq3A_215, %gather3A_728, %select_n3A_630 : vector<16xi1>, vector<16xf32>
      %lt3A_730 = arith.constant 0 : i32
      %lt3A_731 = vector.broadcast %lt3A_730 : i32 to vector<16xi32>
      %lt3A_732 = arith.cmpi slt, %select_n3A_147, %lt3A_731 : vector<16xi32>
      %add3A_733 = arith.constant 16 : i32
      %add3A_734 = vector.broadcast %add3A_733 : i32 to vector<16xi32>
      %add3A_735 = arith.addi %select_n3A_147, %add3A_734 : vector<16xi32>
      %select_n3A_736 = arith.select %lt3A_732, %add3A_735, %select_n3A_147 : vector<16xi1>, vector<16xi32>
      %broadcast_in_dim3A_737 = vector.shape_cast %select_n3A_736 : vector<16xi32> to vector<16x1xi32>
      %gather3A_738 = vector.shape_cast %broadcast_in_dim3A_737 : vector<16x1xi32> to vector<16xi32>
      %gather3A_739 = tpu.dynamic_gather %select_n3A_652[%gather3A_738] in [0] : vector<16xf32>, vector<16xi32> -> vector<16xf32>
      %select_n3A_740 = arith.select %eq3A_215, %select_n3A_564, %gather3A_739 : vector<16xi1>, vector<16xf32>
      %lt3A_741 = arith.constant 0 : i32
      %lt3A_742 = vector.broadcast %lt3A_741 : i32 to vector<16xi32>
      %lt3A_743 = arith.cmpi slt, %select_n3A_122, %lt3A_742 : vector<16xi32>
      %add3A_744 = arith.constant 16 : i32
      %add3A_745 = vector.broadcast %add3A_744 : i32 to vector<16xi32>
      %add3A_746 = arith.addi %select_n3A_122, %add3A_745 : vector<16xi32>
      %select_n3A_747 = arith.select %lt3A_743, %add3A_746, %select_n3A_122 : vector<16xi1>, vector<16xi32>
      %broadcast_in_dim3A_748 = vector.shape_cast %select_n3A_747 : vector<16xi32> to vector<16x1xi32>
      %gather3A_749 = vector.shape_cast %broadcast_in_dim3A_748 : vector<16x1xi32> to vector<16xi32>
      %gather3A_750 = tpu.dynamic_gather %select_n3A_564[%gather3A_749] in [0] : vector<16xf32>, vector<16xi32> -> vector<16xf32>
      %select_n3A_751 = arith.select %eq3A_215, %gather3A_750, %select_n3A_652 : vector<16xi1>, vector<16xf32>
      %lt3A_752 = arith.constant 0 : i32
      %lt3A_753 = vector.broadcast %lt3A_752 : i32 to vector<16xi32>
      %lt3A_754 = arith.cmpi slt, %select_n3A_147, %lt3A_753 : vector<16xi32>
      %add3A_755 = arith.constant 16 : i32
      %add3A_756 = vector.broadcast %add3A_755 : i32 to vector<16xi32>
      %add3A_757 = arith.addi %select_n3A_147, %add3A_756 : vector<16xi32>
      %select_n3A_758 = arith.select %lt3A_754, %add3A_757, %select_n3A_147 : vector<16xi1>, vector<16xi32>
      %broadcast_in_dim3A_759 = vector.shape_cast %select_n3A_758 : vector<16xi32> to vector<16x1xi32>
      %gather3A_760 = vector.shape_cast %broadcast_in_dim3A_759 : vector<16x1xi32> to vector<16xi32>
      %gather3A_761 = tpu.dynamic_gather %select_n3A_597[%gather3A_760] in [0] : vector<16xf32>, vector<16xi32> -> vector<16xf32>
      %select_n3A_762 = arith.select %eq3A_215, %select_n3A_509, %gather3A_761 : vector<16xi1>, vector<16xf32>
      %lt3A_763 = arith.constant 0 : i32
      %lt3A_764 = vector.broadcast %lt3A_763 : i32 to vector<16xi32>
      %lt3A_765 = arith.cmpi slt, %select_n3A_122, %lt3A_764 : vector<16xi32>
      %add3A_766 = arith.constant 16 : i32
      %add3A_767 = vector.broadcast %add3A_766 : i32 to vector<16xi32>
      %add3A_768 = arith.addi %select_n3A_122, %add3A_767 : vector<16xi32>
      %select_n3A_769 = arith.select %lt3A_765, %add3A_768, %select_n3A_122 : vector<16xi1>, vector<16xi32>
      %broadcast_in_dim3A_770 = vector.shape_cast %select_n3A_769 : vector<16xi32> to vector<16x1xi32>
      %gather3A_771 = vector.shape_cast %broadcast_in_dim3A_770 : vector<16x1xi32> to vector<16xi32>
      %gather3A_772 = tpu.dynamic_gather %select_n3A_509[%gather3A_771] in [0] : vector<16xf32>, vector<16xi32> -> vector<16xf32>
      %select_n3A_773 = arith.select %eq3A_215, %gather3A_772, %select_n3A_597 : vector<16xi1>, vector<16xf32>
      %lt3A_774 = arith.constant 0 : i32
      %lt3A_775 = vector.broadcast %lt3A_774 : i32 to vector<16xi32>
      %lt3A_776 = arith.cmpi slt, %select_n3A_147, %lt3A_775 : vector<16xi32>
      %add3A_777 = arith.constant 16 : i32
      %add3A_778 = vector.broadcast %add3A_777 : i32 to vector<16xi32>
      %add3A_779 = arith.addi %select_n3A_147, %add3A_778 : vector<16xi32>
      %select_n3A_780 = arith.select %lt3A_776, %add3A_779, %select_n3A_147 : vector<16xi1>, vector<16xi32>
      %broadcast_in_dim3A_781 = vector.shape_cast %select_n3A_780 : vector<16xi32> to vector<16x1xi32>
      %gather3A_782 = vector.shape_cast %broadcast_in_dim3A_781 : vector<16x1xi32> to vector<16xi32>
      %gather3A_783 = tpu.dynamic_gather %select_n3A_619[%gather3A_782] in [0] : vector<16xf32>, vector<16xi32> -> vector<16xf32>
      %select_n3A_784 = arith.select %eq3A_215, %select_n3A_531, %gather3A_783 : vector<16xi1>, vector<16xf32>
      %lt3A_785 = arith.constant 0 : i32
      %lt3A_786 = vector.broadcast %lt3A_785 : i32 to vector<16xi32>
      %lt3A_787 = arith.cmpi slt, %select_n3A_122, %lt3A_786 : vector<16xi32>
      %add3A_788 = arith.constant 16 : i32
      %add3A_789 = vector.broadcast %add3A_788 : i32 to vector<16xi32>
      %add3A_790 = arith.addi %select_n3A_122, %add3A_789 : vector<16xi32>
      %select_n3A_791 = arith.select %lt3A_787, %add3A_790, %select_n3A_122 : vector<16xi1>, vector<16xi32>
      %broadcast_in_dim3A_792 = vector.shape_cast %select_n3A_791 : vector<16xi32> to vector<16x1xi32>
      %gather3A_793 = vector.shape_cast %broadcast_in_dim3A_792 : vector<16x1xi32> to vector<16xi32>
      %gather3A_794 = tpu.dynamic_gather %select_n3A_531[%gather3A_793] in [0] : vector<16xf32>, vector<16xi32> -> vector<16xf32>
      %select_n3A_795 = arith.select %eq3A_215, %gather3A_794, %select_n3A_619 : vector<16xi1>, vector<16xf32>
      %lt3A_796 = arith.constant 0 : i32
      %lt3A_797 = vector.broadcast %lt3A_796 : i32 to vector<16xi32>
      %lt3A_798 = arith.cmpi slt, %select_n3A_147, %lt3A_797 : vector<16xi32>
      %add3A_799 = arith.constant 16 : i32
      %add3A_800 = vector.broadcast %add3A_799 : i32 to vector<16xi32>
      %add3A_801 = arith.addi %select_n3A_147, %add3A_800 : vector<16xi32>
      %select_n3A_802 = arith.select %lt3A_798, %add3A_801, %select_n3A_147 : vector<16xi1>, vector<16xi32>
      %broadcast_in_dim3A_803 = vector.shape_cast %select_n3A_802 : vector<16xi32> to vector<16x1xi32>
      %gather3A_804 = vector.shape_cast %broadcast_in_dim3A_803 : vector<16x1xi32> to vector<16xi32>
      %gather3A_805 = tpu.dynamic_gather %select_n3A_641[%gather3A_804] in [0] : vector<16xf32>, vector<16xi32> -> vector<16xf32>
      %select_n3A_806 = arith.select %eq3A_215, %select_n3A_553, %gather3A_805 : vector<16xi1>, vector<16xf32>
      %lt3A_807 = arith.constant 0 : i32
      %lt3A_808 = vector.broadcast %lt3A_807 : i32 to vector<16xi32>
      %lt3A_809 = arith.cmpi slt, %select_n3A_122, %lt3A_808 : vector<16xi32>
      %add3A_810 = arith.constant 16 : i32
      %add3A_811 = vector.broadcast %add3A_810 : i32 to vector<16xi32>
      %add3A_812 = arith.addi %select_n3A_122, %add3A_811 : vector<16xi32>
      %select_n3A_813 = arith.select %lt3A_809, %add3A_812, %select_n3A_122 : vector<16xi1>, vector<16xi32>
      %broadcast_in_dim3A_814 = vector.shape_cast %select_n3A_813 : vector<16xi32> to vector<16x1xi32>
      %gather3A_815 = vector.shape_cast %broadcast_in_dim3A_814 : vector<16x1xi32> to vector<16xi32>
      %gather3A_816 = tpu.dynamic_gather %select_n3A_553[%gather3A_815] in [0] : vector<16xf32>, vector<16xi32> -> vector<16xf32>
      %select_n3A_817 = arith.select %eq3A_215, %gather3A_816, %select_n3A_641 : vector<16xi1>, vector<16xf32>
      %lt3A_818 = arith.constant 0 : i32
      %lt3A_819 = vector.broadcast %lt3A_818 : i32 to vector<16xi32>
      %lt3A_820 = arith.cmpi slt, %select_n3A_147, %lt3A_819 : vector<16xi32>
      %add3A_821 = arith.constant 16 : i32
      %add3A_822 = vector.broadcast %add3A_821 : i32 to vector<16xi32>
      %add3A_823 = arith.addi %select_n3A_147, %add3A_822 : vector<16xi32>
      %select_n3A_824 = arith.select %lt3A_820, %add3A_823, %select_n3A_147 : vector<16xi1>, vector<16xi32>
      %broadcast_in_dim3A_825 = vector.shape_cast %select_n3A_824 : vector<16xi32> to vector<16x1xi32>
      %gather3A_826 = vector.shape_cast %broadcast_in_dim3A_825 : vector<16x1xi32> to vector<16xi32>
      %gather3A_827 = tpu.dynamic_gather %select_n3A_663[%gather3A_826] in [0] : vector<16xf32>, vector<16xi32> -> vector<16xf32>
      %select_n3A_828 = arith.select %eq3A_215, %select_n3A_575, %gather3A_827 : vector<16xi1>, vector<16xf32>
      %lt3A_829 = arith.constant 0 : i32
      %lt3A_830 = vector.broadcast %lt3A_829 : i32 to vector<16xi32>
      %lt3A_831 = arith.cmpi slt, %select_n3A_122, %lt3A_830 : vector<16xi32>
      %add3A_832 = arith.constant 16 : i32
      %add3A_833 = vector.broadcast %add3A_832 : i32 to vector<16xi32>
      %add3A_834 = arith.addi %select_n3A_122, %add3A_833 : vector<16xi32>
      %select_n3A_835 = arith.select %lt3A_831, %add3A_834, %select_n3A_122 : vector<16xi1>, vector<16xi32>
      %broadcast_in_dim3A_836 = vector.shape_cast %select_n3A_835 : vector<16xi32> to vector<16x1xi32>
      %gather3A_837 = vector.shape_cast %broadcast_in_dim3A_836 : vector<16x1xi32> to vector<16xi32>
      %gather3A_838 = tpu.dynamic_gather %select_n3A_575[%gather3A_837] in [0] : vector<16xf32>, vector<16xi32> -> vector<16xf32>
      %select_n3A_839 = arith.select %eq3A_215, %gather3A_838, %select_n3A_663 : vector<16xi1>, vector<16xf32>
      %lt3A_840 = arith.constant 0 : i32
      %lt3A_841 = vector.broadcast %lt3A_840 : i32 to vector<16xi32>
      %lt3A_842 = arith.cmpi slt, %select_n3A_97, %lt3A_841 : vector<16xi32>
      %add3A_843 = arith.constant 16 : i32
      %add3A_844 = vector.broadcast %add3A_843 : i32 to vector<16xi32>
      %add3A_845 = arith.addi %select_n3A_97, %add3A_844 : vector<16xi32>
      %select_n3A_846 = arith.select %lt3A_842, %add3A_845, %select_n3A_97 : vector<16xi1>, vector<16xi32>
      %broadcast_in_dim3A_847 = vector.shape_cast %select_n3A_846 : vector<16xi32> to vector<16x1xi32>
      %gather3A_848 = vector.shape_cast %broadcast_in_dim3A_847 : vector<16x1xi32> to vector<16xi32>
      %gather3A_849 = tpu.dynamic_gather %select_n3A_718[%gather3A_848] in [0] : vector<16xf32>, vector<16xi32> -> vector<16xf32>
      %select_n3A_850 = arith.select %eq3A_209, %select_n3A_674, %gather3A_849 : vector<16xi1>, vector<16xf32>
      %lt3A_851 = arith.constant 0 : i32
      %lt3A_852 = vector.broadcast %lt3A_851 : i32 to vector<16xi32>
      %lt3A_853 = arith.cmpi slt, %select_n3A_72, %lt3A_852 : vector<16xi32>
      %add3A_854 = arith.constant 16 : i32
      %add3A_855 = vector.broadcast %add3A_854 : i32 to vector<16xi32>
      %add3A_856 = arith.addi %select_n3A_72, %add3A_855 : vector<16xi32>
      %select_n3A_857 = arith.select %lt3A_853, %add3A_856, %select_n3A_72 : vector<16xi1>, vector<16xi32>
      %broadcast_in_dim3A_858 = vector.shape_cast %select_n3A_857 : vector<16xi32> to vector<16x1xi32>
      %gather3A_859 = vector.shape_cast %broadcast_in_dim3A_858 : vector<16x1xi32> to vector<16xi32>
      %gather3A_860 = tpu.dynamic_gather %select_n3A_674[%gather3A_859] in [0] : vector<16xf32>, vector<16xi32> -> vector<16xf32>
      %select_n3A_861 = arith.select %eq3A_209, %gather3A_860, %select_n3A_718 : vector<16xi1>, vector<16xf32>
      %lt3A_862 = arith.constant 0 : i32
      %lt3A_863 = vector.broadcast %lt3A_862 : i32 to vector<16xi32>
      %lt3A_864 = arith.cmpi slt, %select_n3A_97, %lt3A_863 : vector<16xi32>
      %add3A_865 = arith.constant 16 : i32
      %add3A_866 = vector.broadcast %add3A_865 : i32 to vector<16xi32>
      %add3A_867 = arith.addi %select_n3A_97, %add3A_866 : vector<16xi32>
      %select_n3A_868 = arith.select %lt3A_864, %add3A_867, %select_n3A_97 : vector<16xi1>, vector<16xi32>
      %broadcast_in_dim3A_869 = vector.shape_cast %select_n3A_868 : vector<16xi32> to vector<16x1xi32>
      %gather3A_870 = vector.shape_cast %broadcast_in_dim3A_869 : vector<16x1xi32> to vector<16xi32>
      %gather3A_871 = tpu.dynamic_gather %select_n3A_740[%gather3A_870] in [0] : vector<16xf32>, vector<16xi32> -> vector<16xf32>
      %select_n3A_872 = arith.select %eq3A_209, %select_n3A_696, %gather3A_871 : vector<16xi1>, vector<16xf32>
      %lt3A_873 = arith.constant 0 : i32
      %lt3A_874 = vector.broadcast %lt3A_873 : i32 to vector<16xi32>
      %lt3A_875 = arith.cmpi slt, %select_n3A_72, %lt3A_874 : vector<16xi32>
      %add3A_876 = arith.constant 16 : i32
      %add3A_877 = vector.broadcast %add3A_876 : i32 to vector<16xi32>
      %add3A_878 = arith.addi %select_n3A_72, %add3A_877 : vector<16xi32>
      %select_n3A_879 = arith.select %lt3A_875, %add3A_878, %select_n3A_72 : vector<16xi1>, vector<16xi32>
      %broadcast_in_dim3A_880 = vector.shape_cast %select_n3A_879 : vector<16xi32> to vector<16x1xi32>
      %gather3A_881 = vector.shape_cast %broadcast_in_dim3A_880 : vector<16x1xi32> to vector<16xi32>
      %gather3A_882 = tpu.dynamic_gather %select_n3A_696[%gather3A_881] in [0] : vector<16xf32>, vector<16xi32> -> vector<16xf32>
      %select_n3A_883 = arith.select %eq3A_209, %gather3A_882, %select_n3A_740 : vector<16xi1>, vector<16xf32>
      %lt3A_884 = arith.constant 0 : i32
      %lt3A_885 = vector.broadcast %lt3A_884 : i32 to vector<16xi32>
      %lt3A_886 = arith.cmpi slt, %select_n3A_97, %lt3A_885 : vector<16xi32>
      %add3A_887 = arith.constant 16 : i32
      %add3A_888 = vector.broadcast %add3A_887 : i32 to vector<16xi32>
      %add3A_889 = arith.addi %select_n3A_97, %add3A_888 : vector<16xi32>
      %select_n3A_890 = arith.select %lt3A_886, %add3A_889, %select_n3A_97 : vector<16xi1>, vector<16xi32>
      %broadcast_in_dim3A_891 = vector.shape_cast %select_n3A_890 : vector<16xi32> to vector<16x1xi32>
      %gather3A_892 = vector.shape_cast %broadcast_in_dim3A_891 : vector<16x1xi32> to vector<16xi32>
      %gather3A_893 = tpu.dynamic_gather %select_n3A_729[%gather3A_892] in [0] : vector<16xf32>, vector<16xi32> -> vector<16xf32>
      %select_n3A_894 = arith.select %eq3A_209, %select_n3A_685, %gather3A_893 : vector<16xi1>, vector<16xf32>
      %lt3A_895 = arith.constant 0 : i32
      %lt3A_896 = vector.broadcast %lt3A_895 : i32 to vector<16xi32>
      %lt3A_897 = arith.cmpi slt, %select_n3A_72, %lt3A_896 : vector<16xi32>
      %add3A_898 = arith.constant 16 : i32
      %add3A_899 = vector.broadcast %add3A_898 : i32 to vector<16xi32>
      %add3A_900 = arith.addi %select_n3A_72, %add3A_899 : vector<16xi32>
      %select_n3A_901 = arith.select %lt3A_897, %add3A_900, %select_n3A_72 : vector<16xi1>, vector<16xi32>
      %broadcast_in_dim3A_902 = vector.shape_cast %select_n3A_901 : vector<16xi32> to vector<16x1xi32>
      %gather3A_903 = vector.shape_cast %broadcast_in_dim3A_902 : vector<16x1xi32> to vector<16xi32>
      %gather3A_904 = tpu.dynamic_gather %select_n3A_685[%gather3A_903] in [0] : vector<16xf32>, vector<16xi32> -> vector<16xf32>
      %select_n3A_905 = arith.select %eq3A_209, %gather3A_904, %select_n3A_729 : vector<16xi1>, vector<16xf32>
      %lt3A_906 = arith.constant 0 : i32
      %lt3A_907 = vector.broadcast %lt3A_906 : i32 to vector<16xi32>
      %lt3A_908 = arith.cmpi slt, %select_n3A_97, %lt3A_907 : vector<16xi32>
      %add3A_909 = arith.constant 16 : i32
      %add3A_910 = vector.broadcast %add3A_909 : i32 to vector<16xi32>
      %add3A_911 = arith.addi %select_n3A_97, %add3A_910 : vector<16xi32>
      %select_n3A_912 = arith.select %lt3A_908, %add3A_911, %select_n3A_97 : vector<16xi1>, vector<16xi32>
      %broadcast_in_dim3A_913 = vector.shape_cast %select_n3A_912 : vector<16xi32> to vector<16x1xi32>
      %gather3A_914 = vector.shape_cast %broadcast_in_dim3A_913 : vector<16x1xi32> to vector<16xi32>
      %gather3A_915 = tpu.dynamic_gather %select_n3A_751[%gather3A_914] in [0] : vector<16xf32>, vector<16xi32> -> vector<16xf32>
      %select_n3A_916 = arith.select %eq3A_209, %select_n3A_707, %gather3A_915 : vector<16xi1>, vector<16xf32>
      %lt3A_917 = arith.constant 0 : i32
      %lt3A_918 = vector.broadcast %lt3A_917 : i32 to vector<16xi32>
      %lt3A_919 = arith.cmpi slt, %select_n3A_72, %lt3A_918 : vector<16xi32>
      %add3A_920 = arith.constant 16 : i32
      %add3A_921 = vector.broadcast %add3A_920 : i32 to vector<16xi32>
      %add3A_922 = arith.addi %select_n3A_72, %add3A_921 : vector<16xi32>
      %select_n3A_923 = arith.select %lt3A_919, %add3A_922, %select_n3A_72 : vector<16xi1>, vector<16xi32>
      %broadcast_in_dim3A_924 = vector.shape_cast %select_n3A_923 : vector<16xi32> to vector<16x1xi32>
      %gather3A_925 = vector.shape_cast %broadcast_in_dim3A_924 : vector<16x1xi32> to vector<16xi32>
      %gather3A_926 = tpu.dynamic_gather %select_n3A_707[%gather3A_925] in [0] : vector<16xf32>, vector<16xi32> -> vector<16xf32>
      %select_n3A_927 = arith.select %eq3A_209, %gather3A_926, %select_n3A_751 : vector<16xi1>, vector<16xf32>
      %lt3A_928 = arith.constant 0 : i32
      %lt3A_929 = vector.broadcast %lt3A_928 : i32 to vector<16xi32>
      %lt3A_930 = arith.cmpi slt, %select_n3A_97, %lt3A_929 : vector<16xi32>
      %add3A_931 = arith.constant 16 : i32
      %add3A_932 = vector.broadcast %add3A_931 : i32 to vector<16xi32>
      %add3A_933 = arith.addi %select_n3A_97, %add3A_932 : vector<16xi32>
      %select_n3A_934 = arith.select %lt3A_930, %add3A_933, %select_n3A_97 : vector<16xi1>, vector<16xi32>
      %broadcast_in_dim3A_935 = vector.shape_cast %select_n3A_934 : vector<16xi32> to vector<16x1xi32>
      %gather3A_936 = vector.shape_cast %broadcast_in_dim3A_935 : vector<16x1xi32> to vector<16xi32>
      %gather3A_937 = tpu.dynamic_gather %select_n3A_806[%gather3A_936] in [0] : vector<16xf32>, vector<16xi32> -> vector<16xf32>
      %select_n3A_938 = arith.select %eq3A_209, %select_n3A_762, %gather3A_937 : vector<16xi1>, vector<16xf32>
      %lt3A_939 = arith.constant 0 : i32
      %lt3A_940 = vector.broadcast %lt3A_939 : i32 to vector<16xi32>
      %lt3A_941 = arith.cmpi slt, %select_n3A_72, %lt3A_940 : vector<16xi32>
      %add3A_942 = arith.constant 16 : i32
      %add3A_943 = vector.broadcast %add3A_942 : i32 to vector<16xi32>
      %add3A_944 = arith.addi %select_n3A_72, %add3A_943 : vector<16xi32>
      %select_n3A_945 = arith.select %lt3A_941, %add3A_944, %select_n3A_72 : vector<16xi1>, vector<16xi32>
      %broadcast_in_dim3A_946 = vector.shape_cast %select_n3A_945 : vector<16xi32> to vector<16x1xi32>
      %gather3A_947 = vector.shape_cast %broadcast_in_dim3A_946 : vector<16x1xi32> to vector<16xi32>
      %gather3A_948 = tpu.dynamic_gather %select_n3A_762[%gather3A_947] in [0] : vector<16xf32>, vector<16xi32> -> vector<16xf32>
      %select_n3A_949 = arith.select %eq3A_209, %gather3A_948, %select_n3A_806 : vector<16xi1>, vector<16xf32>
      %lt3A_950 = arith.constant 0 : i32
      %lt3A_951 = vector.broadcast %lt3A_950 : i32 to vector<16xi32>
      %lt3A_952 = arith.cmpi slt, %select_n3A_97, %lt3A_951 : vector<16xi32>
      %add3A_953 = arith.constant 16 : i32
      %add3A_954 = vector.broadcast %add3A_953 : i32 to vector<16xi32>
      %add3A_955 = arith.addi %select_n3A_97, %add3A_954 : vector<16xi32>
      %select_n3A_956 = arith.select %lt3A_952, %add3A_955, %select_n3A_97 : vector<16xi1>, vector<16xi32>
      %broadcast_in_dim3A_957 = vector.shape_cast %select_n3A_956 : vector<16xi32> to vector<16x1xi32>
      %gather3A_958 = vector.shape_cast %broadcast_in_dim3A_957 : vector<16x1xi32> to vector<16xi32>
      %gather3A_959 = tpu.dynamic_gather %select_n3A_828[%gather3A_958] in [0] : vector<16xf32>, vector<16xi32> -> vector<16xf32>
      %select_n3A_960 = arith.select %eq3A_209, %select_n3A_784, %gather3A_959 : vector<16xi1>, vector<16xf32>
      %lt3A_961 = arith.constant 0 : i32
      %lt3A_962 = vector.broadcast %lt3A_961 : i32 to vector<16xi32>
      %lt3A_963 = arith.cmpi slt, %select_n3A_72, %lt3A_962 : vector<16xi32>
      %add3A_964 = arith.constant 16 : i32
      %add3A_965 = vector.broadcast %add3A_964 : i32 to vector<16xi32>
      %add3A_966 = arith.addi %select_n3A_72, %add3A_965 : vector<16xi32>
      %select_n3A_967 = arith.select %lt3A_963, %add3A_966, %select_n3A_72 : vector<16xi1>, vector<16xi32>
      %broadcast_in_dim3A_968 = vector.shape_cast %select_n3A_967 : vector<16xi32> to vector<16x1xi32>
      %gather3A_969 = vector.shape_cast %broadcast_in_dim3A_968 : vector<16x1xi32> to vector<16xi32>
      %gather3A_970 = tpu.dynamic_gather %select_n3A_784[%gather3A_969] in [0] : vector<16xf32>, vector<16xi32> -> vector<16xf32>
      %select_n3A_971 = arith.select %eq3A_209, %gather3A_970, %select_n3A_828 : vector<16xi1>, vector<16xf32>
      %lt3A_972 = arith.constant 0 : i32
      %lt3A_973 = vector.broadcast %lt3A_972 : i32 to vector<16xi32>
      %lt3A_974 = arith.cmpi slt, %select_n3A_97, %lt3A_973 : vector<16xi32>
      %add3A_975 = arith.constant 16 : i32
      %add3A_976 = vector.broadcast %add3A_975 : i32 to vector<16xi32>
      %add3A_977 = arith.addi %select_n3A_97, %add3A_976 : vector<16xi32>
      %select_n3A_978 = arith.select %lt3A_974, %add3A_977, %select_n3A_97 : vector<16xi1>, vector<16xi32>
      %broadcast_in_dim3A_979 = vector.shape_cast %select_n3A_978 : vector<16xi32> to vector<16x1xi32>
      %gather3A_980 = vector.shape_cast %broadcast_in_dim3A_979 : vector<16x1xi32> to vector<16xi32>
      %gather3A_981 = tpu.dynamic_gather %select_n3A_817[%gather3A_980] in [0] : vector<16xf32>, vector<16xi32> -> vector<16xf32>
      %select_n3A_982 = arith.select %eq3A_209, %select_n3A_773, %gather3A_981 : vector<16xi1>, vector<16xf32>
      %lt3A_983 = arith.constant 0 : i32
      %lt3A_984 = vector.broadcast %lt3A_983 : i32 to vector<16xi32>
      %lt3A_985 = arith.cmpi slt, %select_n3A_72, %lt3A_984 : vector<16xi32>
      %add3A_986 = arith.constant 16 : i32
      %add3A_987 = vector.broadcast %add3A_986 : i32 to vector<16xi32>
      %add3A_988 = arith.addi %select_n3A_72, %add3A_987 : vector<16xi32>
      %select_n3A_989 = arith.select %lt3A_985, %add3A_988, %select_n3A_72 : vector<16xi1>, vector<16xi32>
      %broadcast_in_dim3A_990 = vector.shape_cast %select_n3A_989 : vector<16xi32> to vector<16x1xi32>
      %gather3A_991 = vector.shape_cast %broadcast_in_dim3A_990 : vector<16x1xi32> to vector<16xi32>
      %gather3A_992 = tpu.dynamic_gather %select_n3A_773[%gather3A_991] in [0] : vector<16xf32>, vector<16xi32> -> vector<16xf32>
      %select_n3A_993 = arith.select %eq3A_209, %gather3A_992, %select_n3A_817 : vector<16xi1>, vector<16xf32>
      %lt3A_994 = arith.constant 0 : i32
      %lt3A_995 = vector.broadcast %lt3A_994 : i32 to vector<16xi32>
      %lt3A_996 = arith.cmpi slt, %select_n3A_97, %lt3A_995 : vector<16xi32>
      %add3A_997 = arith.constant 16 : i32
      %add3A_998 = vector.broadcast %add3A_997 : i32 to vector<16xi32>
      %add3A_999 = arith.addi %select_n3A_97, %add3A_998 : vector<16xi32>
      %select_n3A_1000 = arith.select %lt3A_996, %add3A_999, %select_n3A_97 : vector<16xi1>, vector<16xi32>
      %broadcast_in_dim3A_1001 = vector.shape_cast %select_n3A_1000 : vector<16xi32> to vector<16x1xi32>
      %gather3A_1002 = vector.shape_cast %broadcast_in_dim3A_1001 : vector<16x1xi32> to vector<16xi32>
      %gather3A_1003 = tpu.dynamic_gather %select_n3A_839[%gather3A_1002] in [0] : vector<16xf32>, vector<16xi32> -> vector<16xf32>
      %select_n3A_1004 = arith.select %eq3A_209, %select_n3A_795, %gather3A_1003 : vector<16xi1>, vector<16xf32>
      %lt3A_1005 = arith.constant 0 : i32
      %lt3A_1006 = vector.broadcast %lt3A_1005 : i32 to vector<16xi32>
      %lt3A_1007 = arith.cmpi slt, %select_n3A_72, %lt3A_1006 : vector<16xi32>
      %add3A_1008 = arith.constant 16 : i32
      %add3A_1009 = vector.broadcast %add3A_1008 : i32 to vector<16xi32>
      %add3A_1010 = arith.addi %select_n3A_72, %add3A_1009 : vector<16xi32>
      %select_n3A_1011 = arith.select %lt3A_1007, %add3A_1010, %select_n3A_72 : vector<16xi1>, vector<16xi32>
      %broadcast_in_dim3A_1012 = vector.shape_cast %select_n3A_1011 : vector<16xi32> to vector<16x1xi32>
      %gather3A_1013 = vector.shape_cast %broadcast_in_dim3A_1012 : vector<16x1xi32> to vector<16xi32>
      %gather3A_1014 = tpu.dynamic_gather %select_n3A_795[%gather3A_1013] in [0] : vector<16xf32>, vector<16xi32> -> vector<16xf32>
      %select_n3A_1015 = arith.select %eq3A_209, %gather3A_1014, %select_n3A_839 : vector<16xi1>, vector<16xf32>
      %lt3A_1016 = arith.constant 0 : i32
      %lt3A_1017 = vector.broadcast %lt3A_1016 : i32 to vector<16xi32>
      %lt3A_1018 = arith.cmpi slt, %select_n3A_47, %lt3A_1017 : vector<16xi32>
      %add3A_1019 = arith.constant 16 : i32
      %add3A_1020 = vector.broadcast %add3A_1019 : i32 to vector<16xi32>
      %add3A_1021 = arith.addi %select_n3A_47, %add3A_1020 : vector<16xi32>
      %select_n3A_1022 = arith.select %lt3A_1018, %add3A_1021, %select_n3A_47 : vector<16xi1>, vector<16xi32>
      %broadcast_in_dim3A_1023 = vector.shape_cast %select_n3A_1022 : vector<16xi32> to vector<16x1xi32>
      %gather3A_1024 = vector.shape_cast %broadcast_in_dim3A_1023 : vector<16x1xi32> to vector<16xi32>
      %gather3A_1025 = tpu.dynamic_gather %select_n3A_872[%gather3A_1024] in [0] : vector<16xf32>, vector<16xi32> -> vector<16xf32>
      %select_n3A_1026 = arith.select %eq3A_203, %select_n3A_850, %gather3A_1025 : vector<16xi1>, vector<16xf32>
      %lt3A_1027 = arith.constant 0 : i32
      %lt3A_1028 = vector.broadcast %lt3A_1027 : i32 to vector<16xi32>
      %lt3A_1029 = arith.cmpi slt, %select_n3A_22, %lt3A_1028 : vector<16xi32>
      %add3A_1030 = arith.constant 16 : i32
      %add3A_1031 = vector.broadcast %add3A_1030 : i32 to vector<16xi32>
      %add3A_1032 = arith.addi %select_n3A_22, %add3A_1031 : vector<16xi32>
      %select_n3A_1033 = arith.select %lt3A_1029, %add3A_1032, %select_n3A_22 : vector<16xi1>, vector<16xi32>
      %broadcast_in_dim3A_1034 = vector.shape_cast %select_n3A_1033 : vector<16xi32> to vector<16x1xi32>
      %gather3A_1035 = vector.shape_cast %broadcast_in_dim3A_1034 : vector<16x1xi32> to vector<16xi32>
      %gather3A_1036 = tpu.dynamic_gather %select_n3A_850[%gather3A_1035] in [0] : vector<16xf32>, vector<16xi32> -> vector<16xf32>
      %select_n3A_1037 = arith.select %eq3A_203, %gather3A_1036, %select_n3A_872 : vector<16xi1>, vector<16xf32>
      %lt3A_1038 = arith.constant 0 : i32
      %lt3A_1039 = vector.broadcast %lt3A_1038 : i32 to vector<16xi32>
      %lt3A_1040 = arith.cmpi slt, %select_n3A_47, %lt3A_1039 : vector<16xi32>
      %add3A_1041 = arith.constant 16 : i32
      %add3A_1042 = vector.broadcast %add3A_1041 : i32 to vector<16xi32>
      %add3A_1043 = arith.addi %select_n3A_47, %add3A_1042 : vector<16xi32>
      %select_n3A_1044 = arith.select %lt3A_1040, %add3A_1043, %select_n3A_47 : vector<16xi1>, vector<16xi32>
      %broadcast_in_dim3A_1045 = vector.shape_cast %select_n3A_1044 : vector<16xi32> to vector<16x1xi32>
      %gather3A_1046 = vector.shape_cast %broadcast_in_dim3A_1045 : vector<16x1xi32> to vector<16xi32>
      %gather3A_1047 = tpu.dynamic_gather %select_n3A_883[%gather3A_1046] in [0] : vector<16xf32>, vector<16xi32> -> vector<16xf32>
      %select_n3A_1048 = arith.select %eq3A_203, %select_n3A_861, %gather3A_1047 : vector<16xi1>, vector<16xf32>
      %lt3A_1049 = arith.constant 0 : i32
      %lt3A_1050 = vector.broadcast %lt3A_1049 : i32 to vector<16xi32>
      %lt3A_1051 = arith.cmpi slt, %select_n3A_22, %lt3A_1050 : vector<16xi32>
      %add3A_1052 = arith.constant 16 : i32
      %add3A_1053 = vector.broadcast %add3A_1052 : i32 to vector<16xi32>
      %add3A_1054 = arith.addi %select_n3A_22, %add3A_1053 : vector<16xi32>
      %select_n3A_1055 = arith.select %lt3A_1051, %add3A_1054, %select_n3A_22 : vector<16xi1>, vector<16xi32>
      %broadcast_in_dim3A_1056 = vector.shape_cast %select_n3A_1055 : vector<16xi32> to vector<16x1xi32>
      %gather3A_1057 = vector.shape_cast %broadcast_in_dim3A_1056 : vector<16x1xi32> to vector<16xi32>
      %gather3A_1058 = tpu.dynamic_gather %select_n3A_861[%gather3A_1057] in [0] : vector<16xf32>, vector<16xi32> -> vector<16xf32>
      %select_n3A_1059 = arith.select %eq3A_203, %gather3A_1058, %select_n3A_883 : vector<16xi1>, vector<16xf32>
      %lt3A_1060 = arith.constant 0 : i32
      %lt3A_1061 = vector.broadcast %lt3A_1060 : i32 to vector<16xi32>
      %lt3A_1062 = arith.cmpi slt, %select_n3A_47, %lt3A_1061 : vector<16xi32>
      %add3A_1063 = arith.constant 16 : i32
      %add3A_1064 = vector.broadcast %add3A_1063 : i32 to vector<16xi32>
      %add3A_1065 = arith.addi %select_n3A_47, %add3A_1064 : vector<16xi32>
      %select_n3A_1066 = arith.select %lt3A_1062, %add3A_1065, %select_n3A_47 : vector<16xi1>, vector<16xi32>
      %broadcast_in_dim3A_1067 = vector.shape_cast %select_n3A_1066 : vector<16xi32> to vector<16x1xi32>
      %gather3A_1068 = vector.shape_cast %broadcast_in_dim3A_1067 : vector<16x1xi32> to vector<16xi32>
      %gather3A_1069 = tpu.dynamic_gather %select_n3A_916[%gather3A_1068] in [0] : vector<16xf32>, vector<16xi32> -> vector<16xf32>
      %select_n3A_1070 = arith.select %eq3A_203, %select_n3A_894, %gather3A_1069 : vector<16xi1>, vector<16xf32>
      %lt3A_1071 = arith.constant 0 : i32
      %lt3A_1072 = vector.broadcast %lt3A_1071 : i32 to vector<16xi32>
      %lt3A_1073 = arith.cmpi slt, %select_n3A_22, %lt3A_1072 : vector<16xi32>
      %add3A_1074 = arith.constant 16 : i32
      %add3A_1075 = vector.broadcast %add3A_1074 : i32 to vector<16xi32>
      %add3A_1076 = arith.addi %select_n3A_22, %add3A_1075 : vector<16xi32>
      %select_n3A_1077 = arith.select %lt3A_1073, %add3A_1076, %select_n3A_22 : vector<16xi1>, vector<16xi32>
      %broadcast_in_dim3A_1078 = vector.shape_cast %select_n3A_1077 : vector<16xi32> to vector<16x1xi32>
      %gather3A_1079 = vector.shape_cast %broadcast_in_dim3A_1078 : vector<16x1xi32> to vector<16xi32>
      %gather3A_1080 = tpu.dynamic_gather %select_n3A_894[%gather3A_1079] in [0] : vector<16xf32>, vector<16xi32> -> vector<16xf32>
      %select_n3A_1081 = arith.select %eq3A_203, %gather3A_1080, %select_n3A_916 : vector<16xi1>, vector<16xf32>
      %lt3A_1082 = arith.constant 0 : i32
      %lt3A_1083 = vector.broadcast %lt3A_1082 : i32 to vector<16xi32>
      %lt3A_1084 = arith.cmpi slt, %select_n3A_47, %lt3A_1083 : vector<16xi32>
      %add3A_1085 = arith.constant 16 : i32
      %add3A_1086 = vector.broadcast %add3A_1085 : i32 to vector<16xi32>
      %add3A_1087 = arith.addi %select_n3A_47, %add3A_1086 : vector<16xi32>
      %select_n3A_1088 = arith.select %lt3A_1084, %add3A_1087, %select_n3A_47 : vector<16xi1>, vector<16xi32>
      %broadcast_in_dim3A_1089 = vector.shape_cast %select_n3A_1088 : vector<16xi32> to vector<16x1xi32>
      %gather3A_1090 = vector.shape_cast %broadcast_in_dim3A_1089 : vector<16x1xi32> to vector<16xi32>
      %gather3A_1091 = tpu.dynamic_gather %select_n3A_927[%gather3A_1090] in [0] : vector<16xf32>, vector<16xi32> -> vector<16xf32>
      %select_n3A_1092 = arith.select %eq3A_203, %select_n3A_905, %gather3A_1091 : vector<16xi1>, vector<16xf32>
      %lt3A_1093 = arith.constant 0 : i32
      %lt3A_1094 = vector.broadcast %lt3A_1093 : i32 to vector<16xi32>
      %lt3A_1095 = arith.cmpi slt, %select_n3A_22, %lt3A_1094 : vector<16xi32>
      %add3A_1096 = arith.constant 16 : i32
      %add3A_1097 = vector.broadcast %add3A_1096 : i32 to vector<16xi32>
      %add3A_1098 = arith.addi %select_n3A_22, %add3A_1097 : vector<16xi32>
      %select_n3A_1099 = arith.select %lt3A_1095, %add3A_1098, %select_n3A_22 : vector<16xi1>, vector<16xi32>
      %broadcast_in_dim3A_1100 = vector.shape_cast %select_n3A_1099 : vector<16xi32> to vector<16x1xi32>
      %gather3A_1101 = vector.shape_cast %broadcast_in_dim3A_1100 : vector<16x1xi32> to vector<16xi32>
      %gather3A_1102 = tpu.dynamic_gather %select_n3A_905[%gather3A_1101] in [0] : vector<16xf32>, vector<16xi32> -> vector<16xf32>
      %select_n3A_1103 = arith.select %eq3A_203, %gather3A_1102, %select_n3A_927 : vector<16xi1>, vector<16xf32>
      %lt3A_1104 = arith.constant 0 : i32
      %lt3A_1105 = vector.broadcast %lt3A_1104 : i32 to vector<16xi32>
      %lt3A_1106 = arith.cmpi slt, %select_n3A_47, %lt3A_1105 : vector<16xi32>
      %add3A_1107 = arith.constant 16 : i32
      %add3A_1108 = vector.broadcast %add3A_1107 : i32 to vector<16xi32>
      %add3A_1109 = arith.addi %select_n3A_47, %add3A_1108 : vector<16xi32>
      %select_n3A_1110 = arith.select %lt3A_1106, %add3A_1109, %select_n3A_47 : vector<16xi1>, vector<16xi32>
      %broadcast_in_dim3A_1111 = vector.shape_cast %select_n3A_1110 : vector<16xi32> to vector<16x1xi32>
      %gather3A_1112 = vector.shape_cast %broadcast_in_dim3A_1111 : vector<16x1xi32> to vector<16xi32>
      %gather3A_1113 = tpu.dynamic_gather %select_n3A_960[%gather3A_1112] in [0] : vector<16xf32>, vector<16xi32> -> vector<16xf32>
      %select_n3A_1114 = arith.select %eq3A_203, %select_n3A_938, %gather3A_1113 : vector<16xi1>, vector<16xf32>
      %lt3A_1115 = arith.constant 0 : i32
      %lt3A_1116 = vector.broadcast %lt3A_1115 : i32 to vector<16xi32>
      %lt3A_1117 = arith.cmpi slt, %select_n3A_22, %lt3A_1116 : vector<16xi32>
      %add3A_1118 = arith.constant 16 : i32
      %add3A_1119 = vector.broadcast %add3A_1118 : i32 to vector<16xi32>
      %add3A_1120 = arith.addi %select_n3A_22, %add3A_1119 : vector<16xi32>
      %select_n3A_1121 = arith.select %lt3A_1117, %add3A_1120, %select_n3A_22 : vector<16xi1>, vector<16xi32>
      %broadcast_in_dim3A_1122 = vector.shape_cast %select_n3A_1121 : vector<16xi32> to vector<16x1xi32>
      %gather3A_1123 = vector.shape_cast %broadcast_in_dim3A_1122 : vector<16x1xi32> to vector<16xi32>
      %gather3A_1124 = tpu.dynamic_gather %select_n3A_938[%gather3A_1123] in [0] : vector<16xf32>, vector<16xi32> -> vector<16xf32>
      %select_n3A_1125 = arith.select %eq3A_203, %gather3A_1124, %select_n3A_960 : vector<16xi1>, vector<16xf32>
      %lt3A_1126 = arith.constant 0 : i32
      %lt3A_1127 = vector.broadcast %lt3A_1126 : i32 to vector<16xi32>
      %lt3A_1128 = arith.cmpi slt, %select_n3A_47, %lt3A_1127 : vector<16xi32>
      %add3A_1129 = arith.constant 16 : i32
      %add3A_1130 = vector.broadcast %add3A_1129 : i32 to vector<16xi32>
      %add3A_1131 = arith.addi %select_n3A_47, %add3A_1130 : vector<16xi32>
      %select_n3A_1132 = arith.select %lt3A_1128, %add3A_1131, %select_n3A_47 : vector<16xi1>, vector<16xi32>
      %broadcast_in_dim3A_1133 = vector.shape_cast %select_n3A_1132 : vector<16xi32> to vector<16x1xi32>
      %gather3A_1134 = vector.shape_cast %broadcast_in_dim3A_1133 : vector<16x1xi32> to vector<16xi32>
      %gather3A_1135 = tpu.dynamic_gather %select_n3A_971[%gather3A_1134] in [0] : vector<16xf32>, vector<16xi32> -> vector<16xf32>
      %select_n3A_1136 = arith.select %eq3A_203, %select_n3A_949, %gather3A_1135 : vector<16xi1>, vector<16xf32>
      %lt3A_1137 = arith.constant 0 : i32
      %lt3A_1138 = vector.broadcast %lt3A_1137 : i32 to vector<16xi32>
      %lt3A_1139 = arith.cmpi slt, %select_n3A_22, %lt3A_1138 : vector<16xi32>
      %add3A_1140 = arith.constant 16 : i32
      %add3A_1141 = vector.broadcast %add3A_1140 : i32 to vector<16xi32>
      %add3A_1142 = arith.addi %select_n3A_22, %add3A_1141 : vector<16xi32>
      %select_n3A_1143 = arith.select %lt3A_1139, %add3A_1142, %select_n3A_22 : vector<16xi1>, vector<16xi32>
      %broadcast_in_dim3A_1144 = vector.shape_cast %select_n3A_1143 : vector<16xi32> to vector<16x1xi32>
      %gather3A_1145 = vector.shape_cast %broadcast_in_dim3A_1144 : vector<16x1xi32> to vector<16xi32>
      %gather3A_1146 = tpu.dynamic_gather %select_n3A_949[%gather3A_1145] in [0] : vector<16xf32>, vector<16xi32> -> vector<16xf32>
      %select_n3A_1147 = arith.select %eq3A_203, %gather3A_1146, %select_n3A_971 : vector<16xi1>, vector<16xf32>
      %lt3A_1148 = arith.constant 0 : i32
      %lt3A_1149 = vector.broadcast %lt3A_1148 : i32 to vector<16xi32>
      %lt3A_1150 = arith.cmpi slt, %select_n3A_47, %lt3A_1149 : vector<16xi32>
      %add3A_1151 = arith.constant 16 : i32
      %add3A_1152 = vector.broadcast %add3A_1151 : i32 to vector<16xi32>
      %add3A_1153 = arith.addi %select_n3A_47, %add3A_1152 : vector<16xi32>
      %select_n3A_1154 = arith.select %lt3A_1150, %add3A_1153, %select_n3A_47 : vector<16xi1>, vector<16xi32>
      %broadcast_in_dim3A_1155 = vector.shape_cast %select_n3A_1154 : vector<16xi32> to vector<16x1xi32>
      %gather3A_1156 = vector.shape_cast %broadcast_in_dim3A_1155 : vector<16x1xi32> to vector<16xi32>
      %gather3A_1157 = tpu.dynamic_gather %select_n3A_1004[%gather3A_1156] in [0] : vector<16xf32>, vector<16xi32> -> vector<16xf32>
      %select_n3A_1158 = arith.select %eq3A_203, %select_n3A_982, %gather3A_1157 : vector<16xi1>, vector<16xf32>
      %lt3A_1159 = arith.constant 0 : i32
      %lt3A_1160 = vector.broadcast %lt3A_1159 : i32 to vector<16xi32>
      %lt3A_1161 = arith.cmpi slt, %select_n3A_22, %lt3A_1160 : vector<16xi32>
      %add3A_1162 = arith.constant 16 : i32
      %add3A_1163 = vector.broadcast %add3A_1162 : i32 to vector<16xi32>
      %add3A_1164 = arith.addi %select_n3A_22, %add3A_1163 : vector<16xi32>
      %select_n3A_1165 = arith.select %lt3A_1161, %add3A_1164, %select_n3A_22 : vector<16xi1>, vector<16xi32>
      %broadcast_in_dim3A_1166 = vector.shape_cast %select_n3A_1165 : vector<16xi32> to vector<16x1xi32>
      %gather3A_1167 = vector.shape_cast %broadcast_in_dim3A_1166 : vector<16x1xi32> to vector<16xi32>
      %gather3A_1168 = tpu.dynamic_gather %select_n3A_982[%gather3A_1167] in [0] : vector<16xf32>, vector<16xi32> -> vector<16xf32>
      %select_n3A_1169 = arith.select %eq3A_203, %gather3A_1168, %select_n3A_1004 : vector<16xi1>, vector<16xf32>
      %lt3A_1170 = arith.constant 0 : i32
      %lt3A_1171 = vector.broadcast %lt3A_1170 : i32 to vector<16xi32>
      %lt3A_1172 = arith.cmpi slt, %select_n3A_47, %lt3A_1171 : vector<16xi32>
      %add3A_1173 = arith.constant 16 : i32
      %add3A_1174 = vector.broadcast %add3A_1173 : i32 to vector<16xi32>
      %add3A_1175 = arith.addi %select_n3A_47, %add3A_1174 : vector<16xi32>
      %select_n3A_1176 = arith.select %lt3A_1172, %add3A_1175, %select_n3A_47 : vector<16xi1>, vector<16xi32>
      %broadcast_in_dim3A_1177 = vector.shape_cast %select_n3A_1176 : vector<16xi32> to vector<16x1xi32>
      %gather3A_1178 = vector.shape_cast %broadcast_in_dim3A_1177 : vector<16x1xi32> to vector<16xi32>
      %gather3A_1179 = tpu.dynamic_gather %select_n3A_1015[%gather3A_1178] in [0] : vector<16xf32>, vector<16xi32> -> vector<16xf32>
      %select_n3A_1180 = arith.select %eq3A_203, %select_n3A_993, %gather3A_1179 : vector<16xi1>, vector<16xf32>
      %lt3A_1181 = arith.constant 0 : i32
      %lt3A_1182 = vector.broadcast %lt3A_1181 : i32 to vector<16xi32>
      %lt3A_1183 = arith.cmpi slt, %select_n3A_22, %lt3A_1182 : vector<16xi32>
      %add3A_1184 = arith.constant 16 : i32
      %add3A_1185 = vector.broadcast %add3A_1184 : i32 to vector<16xi32>
      %add3A_1186 = arith.addi %select_n3A_22, %add3A_1185 : vector<16xi32>
      %select_n3A_1187 = arith.select %lt3A_1183, %add3A_1186, %select_n3A_22 : vector<16xi1>, vector<16xi32>
      %broadcast_in_dim3A_1188 = vector.shape_cast %select_n3A_1187 : vector<16xi32> to vector<16x1xi32>
      %gather3A_1189 = vector.shape_cast %broadcast_in_dim3A_1188 : vector<16x1xi32> to vector<16xi32>
      %gather3A_1190 = tpu.dynamic_gather %select_n3A_993[%gather3A_1189] in [0] : vector<16xf32>, vector<16xi32> -> vector<16xf32>
      %select_n3A_1191 = arith.select %eq3A_203, %gather3A_1190, %select_n3A_1015 : vector<16xi1>, vector<16xf32>
      %select_n3A_1192 = arith.select %or3A, %select_n3A_1026, %broadcast_in_dim3A_249 : vector<16xi1>, vector<16xf32>
      %add3A_1193 = arith.constant 0 : i32
      %add3A_1194 = arith.addi %mul3A_392, %add3A_1193 : i32
      %swap3A = arith.index_cast %add3A_1194 : i32 to index
      %swap3A_1195 = arith.constant 0 : index
      %swap3A_1196 = tpu.vector_load %arg15[%swap3A, %swap3A_1195] {strides = array<i32>} : memref<240x16xf32, #tpu.memory_space<vmem>>, vector<1x16xf32>,
      %swap3A_1197 = vector.shape_cast %swap3A_1196 : vector<1x16xf32> to vector<16xf32>
      %swap3A_1198 = vector.shape_cast %select_n3A_1192 : vector<16xf32> to vector<1x16xf32>
      tpu.vector_store %arg15[%swap3A, %swap3A_1195], %swap3A_1198 {strides = array<i32>} : memref<240x16xf32, #tpu.memory_space<vmem>>, vector<1x16xf32>,
      %select_n3A_1199 = arith.select %or3A_241, %select_n3A_1026, %broadcast_in_dim3A_249 : vector<16xi1>, vector<16xf32>
      %add3A_1200 = arith.constant 0 : i32
      %add3A_1201 = arith.addi %add3A_396, %add3A_1200 : i32
      %swap3A_1202 = arith.index_cast %add3A_1201 : i32 to index
      %swap3A_1203 = arith.constant 0 : index
      %swap3A_1204 = tpu.vector_load %arg15[%swap3A_1202, %swap3A_1203] {strides = array<i32>} : memref<240x16xf32, #tpu.memory_space<vmem>>, vector<1x16xf32>,
      %swap3A_1205 = vector.shape_cast %swap3A_1204 : vector<1x16xf32> to vector<16xf32>
      %swap3A_1206 = vector.shape_cast %select_n3A_1199 : vector<16xf32> to vector<1x16xf32>
      tpu.vector_store %arg15[%swap3A_1202, %swap3A_1203], %swap3A_1206 {strides = array<i32>} : memref<240x16xf32, #tpu.memory_space<vmem>>, vector<1x16xf32>,
      %select_n3A_1207 = arith.select %or3A_248, %select_n3A_1026, %broadcast_in_dim3A_249 : vector<16xi1>, vector<16xf32>
      %add3A_1208 = arith.constant 0 : i32
      %add3A_1209 = arith.addi %add3A_400, %add3A_1208 : i32
      %swap3A_1210 = arith.index_cast %add3A_1209 : i32 to index
      %swap3A_1211 = arith.constant 0 : index
      %swap3A_1212 = tpu.vector_load %arg15[%swap3A_1210, %swap3A_1211] {strides = array<i32>} : memref<240x16xf32, #tpu.memory_space<vmem>>, vector<1x16xf32>,
      %swap3A_1213 = vector.shape_cast %swap3A_1212 : vector<1x16xf32> to vector<16xf32>
      %swap3A_1214 = vector.shape_cast %select_n3A_1207 : vector<16xf32> to vector<1x16xf32>
      tpu.vector_store %arg15[%swap3A_1210, %swap3A_1211], %swap3A_1214 {strides = array<i32>} : memref<240x16xf32, #tpu.memory_space<vmem>>, vector<1x16xf32>,
      %select_n3A_1215 = arith.select %or3A, %select_n3A_1037, %broadcast_in_dim3A_249 : vector<16xi1>, vector<16xf32>
      %add3A_1216 = arith.constant 1 : i32
      %add3A_1217 = arith.addi %mul3A_392, %add3A_1216 : i32
      %swap3A_1218 = arith.index_cast %add3A_1217 : i32 to index
      %swap3A_1219 = arith.constant 0 : index
      %swap3A_1220 = tpu.vector_load %arg15[%swap3A_1218, %swap3A_1219] {strides = array<i32>} : memref<240x16xf32, #tpu.memory_space<vmem>>, vector<1x16xf32>,
      %swap3A_1221 = vector.shape_cast %swap3A_1220 : vector<1x16xf32> to vector<16xf32>
      %swap3A_1222 = vector.shape_cast %select_n3A_1215 : vector<16xf32> to vector<1x16xf32>
      tpu.vector_store %arg15[%swap3A_1218, %swap3A_1219], %swap3A_1222 {strides = array<i32>} : memref<240x16xf32, #tpu.memory_space<vmem>>, vector<1x16xf32>,
      %select_n3A_1223 = arith.select %or3A_241, %select_n3A_1037, %broadcast_in_dim3A_249 : vector<16xi1>, vector<16xf32>
      %add3A_1224 = arith.constant 1 : i32
      %add3A_1225 = arith.addi %add3A_396, %add3A_1224 : i32
      %swap3A_1226 = arith.index_cast %add3A_1225 : i32 to index
      %swap3A_1227 = arith.constant 0 : index
      %swap3A_1228 = tpu.vector_load %arg15[%swap3A_1226, %swap3A_1227] {strides = array<i32>} : memref<240x16xf32, #tpu.memory_space<vmem>>, vector<1x16xf32>,
      %swap3A_1229 = vector.shape_cast %swap3A_1228 : vector<1x16xf32> to vector<16xf32>
      %swap3A_1230 = vector.shape_cast %select_n3A_1223 : vector<16xf32> to vector<1x16xf32>
      tpu.vector_store %arg15[%swap3A_1226, %swap3A_1227], %swap3A_1230 {strides = array<i32>} : memref<240x16xf32, #tpu.memory_space<vmem>>, vector<1x16xf32>,
      %select_n3A_1231 = arith.select %or3A_248, %select_n3A_1037, %broadcast_in_dim3A_249 : vector<16xi1>, vector<16xf32>
      %add3A_1232 = arith.constant 1 : i32
      %add3A_1233 = arith.addi %add3A_400, %add3A_1232 : i32
      %swap3A_1234 = arith.index_cast %add3A_1233 : i32 to index
      %swap3A_1235 = arith.constant 0 : index
      %swap3A_1236 = tpu.vector_load %arg15[%swap3A_1234, %swap3A_1235] {strides = array<i32>} : memref<240x16xf32, #tpu.memory_space<vmem>>, vector<1x16xf32>,
      %swap3A_1237 = vector.shape_cast %swap3A_1236 : vector<1x16xf32> to vector<16xf32>
      %swap3A_1238 = vector.shape_cast %select_n3A_1231 : vector<16xf32> to vector<1x16xf32>
      tpu.vector_store %arg15[%swap3A_1234, %swap3A_1235], %swap3A_1238 {strides = array<i32>} : memref<240x16xf32, #tpu.memory_space<vmem>>, vector<1x16xf32>,
      %select_n3A_1239 = arith.select %or3A, %select_n3A_1048, %broadcast_in_dim3A_249 : vector<16xi1>, vector<16xf32>
      %add3A_1240 = arith.constant 2 : i32
      %add3A_1241 = arith.addi %mul3A_392, %add3A_1240 : i32
      %swap3A_1242 = arith.index_cast %add3A_1241 : i32 to index
      %swap3A_1243 = arith.constant 0 : index
      %swap3A_1244 = tpu.vector_load %arg15[%swap3A_1242, %swap3A_1243] {strides = array<i32>} : memref<240x16xf32, #tpu.memory_space<vmem>>, vector<1x16xf32>,
      %swap3A_1245 = vector.shape_cast %swap3A_1244 : vector<1x16xf32> to vector<16xf32>
      %swap3A_1246 = vector.shape_cast %select_n3A_1239 : vector<16xf32> to vector<1x16xf32>
      tpu.vector_store %arg15[%swap3A_1242, %swap3A_1243], %swap3A_1246 {strides = array<i32>} : memref<240x16xf32, #tpu.memory_space<vmem>>, vector<1x16xf32>,
      %select_n3A_1247 = arith.select %or3A_241, %select_n3A_1048, %broadcast_in_dim3A_249 : vector<16xi1>, vector<16xf32>
      %add3A_1248 = arith.constant 2 : i32
      %add3A_1249 = arith.addi %add3A_396, %add3A_1248 : i32
      %swap3A_1250 = arith.index_cast %add3A_1249 : i32 to index
      %swap3A_1251 = arith.constant 0 : index
      %swap3A_1252 = tpu.vector_load %arg15[%swap3A_1250, %swap3A_1251] {strides = array<i32>} : memref<240x16xf32, #tpu.memory_space<vmem>>, vector<1x16xf32>,
      %swap3A_1253 = vector.shape_cast %swap3A_1252 : vector<1x16xf32> to vector<16xf32>
      %swap3A_1254 = vector.shape_cast %select_n3A_1247 : vector<16xf32> to vector<1x16xf32>
      tpu.vector_store %arg15[%swap3A_1250, %swap3A_1251], %swap3A_1254 {strides = array<i32>} : memref<240x16xf32, #tpu.memory_space<vmem>>, vector<1x16xf32>,
      %select_n3A_1255 = arith.select %or3A_248, %select_n3A_1048, %broadcast_in_dim3A_249 : vector<16xi1>, vector<16xf32>
      %add3A_1256 = arith.constant 2 : i32
      %add3A_1257 = arith.addi %add3A_400, %add3A_1256 : i32
      %swap3A_1258 = arith.index_cast %add3A_1257 : i32 to index
      %swap3A_1259 = arith.constant 0 : index
      %swap3A_1260 = tpu.vector_load %arg15[%swap3A_1258, %swap3A_1259] {strides = array<i32>} : memref<240x16xf32, #tpu.memory_space<vmem>>, vector<1x16xf32>,
      %swap3A_1261 = vector.shape_cast %swap3A_1260 : vector<1x16xf32> to vector<16xf32>
      %swap3A_1262 = vector.shape_cast %select_n3A_1255 : vector<16xf32> to vector<1x16xf32>
      tpu.vector_store %arg15[%swap3A_1258, %swap3A_1259], %swap3A_1262 {strides = array<i32>} : memref<240x16xf32, #tpu.memory_space<vmem>>, vector<1x16xf32>,
      %select_n3A_1263 = arith.select %or3A, %select_n3A_1059, %broadcast_in_dim3A_249 : vector<16xi1>, vector<16xf32>
      %add3A_1264 = arith.constant 3 : i32
      %add3A_1265 = arith.addi %mul3A_392, %add3A_1264 : i32
      %swap3A_1266 = arith.index_cast %add3A_1265 : i32 to index
      %swap3A_1267 = arith.constant 0 : index
      %swap3A_1268 = tpu.vector_load %arg15[%swap3A_1266, %swap3A_1267] {strides = array<i32>} : memref<240x16xf32, #tpu.memory_space<vmem>>, vector<1x16xf32>,
      %swap3A_1269 = vector.shape_cast %swap3A_1268 : vector<1x16xf32> to vector<16xf32>
      %swap3A_1270 = vector.shape_cast %select_n3A_1263 : vector<16xf32> to vector<1x16xf32>
      tpu.vector_store %arg15[%swap3A_1266, %swap3A_1267], %swap3A_1270 {strides = array<i32>} : memref<240x16xf32, #tpu.memory_space<vmem>>, vector<1x16xf32>,
      %select_n3A_1271 = arith.select %or3A_241, %select_n3A_1059, %broadcast_in_dim3A_249 : vector<16xi1>, vector<16xf32>
      %add3A_1272 = arith.constant 3 : i32
      %add3A_1273 = arith.addi %add3A_396, %add3A_1272 : i32
      %swap3A_1274 = arith.index_cast %add3A_1273 : i32 to index
      %swap3A_1275 = arith.constant 0 : index
      %swap3A_1276 = tpu.vector_load %arg15[%swap3A_1274, %swap3A_1275] {strides = array<i32>} : memref<240x16xf32, #tpu.memory_space<vmem>>, vector<1x16xf32>,
      %swap3A_1277 = vector.shape_cast %swap3A_1276 : vector<1x16xf32> to vector<16xf32>
      %swap3A_1278 = vector.shape_cast %select_n3A_1271 : vector<16xf32> to vector<1x16xf32>
      tpu.vector_store %arg15[%swap3A_1274, %swap3A_1275], %swap3A_1278 {strides = array<i32>} : memref<240x16xf32, #tpu.memory_space<vmem>>, vector<1x16xf32>,
      %select_n3A_1279 = arith.select %or3A_248, %select_n3A_1059, %broadcast_in_dim3A_249 : vector<16xi1>, vector<16xf32>
      %add3A_1280 = arith.constant 3 : i32
      %add3A_1281 = arith.addi %add3A_400, %add3A_1280 : i32
      %swap3A_1282 = arith.index_cast %add3A_1281 : i32 to index
      %swap3A_1283 = arith.constant 0 : index
      %swap3A_1284 = tpu.vector_load %arg15[%swap3A_1282, %swap3A_1283] {strides = array<i32>} : memref<240x16xf32, #tpu.memory_space<vmem>>, vector<1x16xf32>,
      %swap3A_1285 = vector.shape_cast %swap3A_1284 : vector<1x16xf32> to vector<16xf32>
      %swap3A_1286 = vector.shape_cast %select_n3A_1279 : vector<16xf32> to vector<1x16xf32>
      tpu.vector_store %arg15[%swap3A_1282, %swap3A_1283], %swap3A_1286 {strides = array<i32>} : memref<240x16xf32, #tpu.memory_space<vmem>>, vector<1x16xf32>,
      %select_n3A_1287 = arith.select %or3A, %select_n3A_1070, %broadcast_in_dim3A_249 : vector<16xi1>, vector<16xf32>
      %add3A_1288 = arith.constant 4 : i32
      %add3A_1289 = arith.addi %mul3A_392, %add3A_1288 : i32
      %swap3A_1290 = arith.index_cast %add3A_1289 : i32 to index
      %swap3A_1291 = arith.constant 0 : index
      %swap3A_1292 = tpu.vector_load %arg15[%swap3A_1290, %swap3A_1291] {strides = array<i32>} : memref<240x16xf32, #tpu.memory_space<vmem>>, vector<1x16xf32>,
      %swap3A_1293 = vector.shape_cast %swap3A_1292 : vector<1x16xf32> to vector<16xf32>
      %swap3A_1294 = vector.shape_cast %select_n3A_1287 : vector<16xf32> to vector<1x16xf32>
      tpu.vector_store %arg15[%swap3A_1290, %swap3A_1291], %swap3A_1294 {strides = array<i32>} : memref<240x16xf32, #tpu.memory_space<vmem>>, vector<1x16xf32>,
      %select_n3A_1295 = arith.select %or3A_241, %select_n3A_1070, %broadcast_in_dim3A_249 : vector<16xi1>, vector<16xf32>
      %add3A_1296 = arith.constant 4 : i32
      %add3A_1297 = arith.addi %add3A_396, %add3A_1296 : i32
      %swap3A_1298 = arith.index_cast %add3A_1297 : i32 to index
      %swap3A_1299 = arith.constant 0 : index
      %swap3A_1300 = tpu.vector_load %arg15[%swap3A_1298, %swap3A_1299] {strides = array<i32>} : memref<240x16xf32, #tpu.memory_space<vmem>>, vector<1x16xf32>,
      %swap3A_1301 = vector.shape_cast %swap3A_1300 : vector<1x16xf32> to vector<16xf32>
      %swap3A_1302 = vector.shape_cast %select_n3A_1295 : vector<16xf32> to vector<1x16xf32>
      tpu.vector_store %arg15[%swap3A_1298, %swap3A_1299], %swap3A_1302 {strides = array<i32>} : memref<240x16xf32, #tpu.memory_space<vmem>>, vector<1x16xf32>,
      %select_n3A_1303 = arith.select %or3A_248, %select_n3A_1070, %broadcast_in_dim3A_249 : vector<16xi1>, vector<16xf32>
      %add3A_1304 = arith.constant 4 : i32
      %add3A_1305 = arith.addi %add3A_400, %add3A_1304 : i32
      %swap3A_1306 = arith.index_cast %add3A_1305 : i32 to index
      %swap3A_1307 = arith.constant 0 : index
      %swap3A_1308 = tpu.vector_load %arg15[%swap3A_1306, %swap3A_1307] {strides = array<i32>} : memref<240x16xf32, #tpu.memory_space<vmem>>, vector<1x16xf32>,
      %swap3A_1309 = vector.shape_cast %swap3A_1308 : vector<1x16xf32> to vector<16xf32>
      %swap3A_1310 = vector.shape_cast %select_n3A_1303 : vector<16xf32> to vector<1x16xf32>
      tpu.vector_store %arg15[%swap3A_1306, %swap3A_1307], %swap3A_1310 {strides = array<i32>} : memref<240x16xf32, #tpu.memory_space<vmem>>, vector<1x16xf32>,
      %select_n3A_1311 = arith.select %or3A, %select_n3A_1081, %broadcast_in_dim3A_249 : vector<16xi1>, vector<16xf32>
      %add3A_1312 = arith.constant 5 : i32
      %add3A_1313 = arith.addi %mul3A_392, %add3A_1312 : i32
      %swap3A_1314 = arith.index_cast %add3A_1313 : i32 to index
      %swap3A_1315 = arith.constant 0 : index
      %swap3A_1316 = tpu.vector_load %arg15[%swap3A_1314, %swap3A_1315] {strides = array<i32>} : memref<240x16xf32, #tpu.memory_space<vmem>>, vector<1x16xf32>,
      %swap3A_1317 = vector.shape_cast %swap3A_1316 : vector<1x16xf32> to vector<16xf32>
      %swap3A_1318 = vector.shape_cast %select_n3A_1311 : vector<16xf32> to vector<1x16xf32>
      tpu.vector_store %arg15[%swap3A_1314, %swap3A_1315], %swap3A_1318 {strides = array<i32>} : memref<240x16xf32, #tpu.memory_space<vmem>>, vector<1x16xf32>,
      %select_n3A_1319 = arith.select %or3A_241, %select_n3A_1081, %broadcast_in_dim3A_249 : vector<16xi1>, vector<16xf32>
      %add3A_1320 = arith.constant 5 : i32
      %add3A_1321 = arith.addi %add3A_396, %add3A_1320 : i32
      %swap3A_1322 = arith.index_cast %add3A_1321 : i32 to index
      %swap3A_1323 = arith.constant 0 : index
      %swap3A_1324 = tpu.vector_load %arg15[%swap3A_1322, %swap3A_1323] {strides = array<i32>} : memref<240x16xf32, #tpu.memory_space<vmem>>, vector<1x16xf32>,
      %swap3A_1325 = vector.shape_cast %swap3A_1324 : vector<1x16xf32> to vector<16xf32>
      %swap3A_1326 = vector.shape_cast %select_n3A_1319 : vector<16xf32> to vector<1x16xf32>
      tpu.vector_store %arg15[%swap3A_1322, %swap3A_1323], %swap3A_1326 {strides = array<i32>} : memref<240x16xf32, #tpu.memory_space<vmem>>, vector<1x16xf32>,
      %select_n3A_1327 = arith.select %or3A_248, %select_n3A_1081, %broadcast_in_dim3A_249 : vector<16xi1>, vector<16xf32>
      %add3A_1328 = arith.constant 5 : i32
      %add3A_1329 = arith.addi %add3A_400, %add3A_1328 : i32
      %swap3A_1330 = arith.index_cast %add3A_1329 : i32 to index
      %swap3A_1331 = arith.constant 0 : index
      %swap3A_1332 = tpu.vector_load %arg15[%swap3A_1330, %swap3A_1331] {strides = array<i32>} : memref<240x16xf32, #tpu.memory_space<vmem>>, vector<1x16xf32>,
      %swap3A_1333 = vector.shape_cast %swap3A_1332 : vector<1x16xf32> to vector<16xf32>
      %swap3A_1334 = vector.shape_cast %select_n3A_1327 : vector<16xf32> to vector<1x16xf32>
      tpu.vector_store %arg15[%swap3A_1330, %swap3A_1331], %swap3A_1334 {strides = array<i32>} : memref<240x16xf32, #tpu.memory_space<vmem>>, vector<1x16xf32>,
      %select_n3A_1335 = arith.select %or3A, %select_n3A_1092, %broadcast_in_dim3A_249 : vector<16xi1>, vector<16xf32>
      %add3A_1336 = arith.constant 6 : i32
      %add3A_1337 = arith.addi %mul3A_392, %add3A_1336 : i32
      %swap3A_1338 = arith.index_cast %add3A_1337 : i32 to index
      %swap3A_1339 = arith.constant 0 : index
      %swap3A_1340 = tpu.vector_load %arg15[%swap3A_1338, %swap3A_1339] {strides = array<i32>} : memref<240x16xf32, #tpu.memory_space<vmem>>, vector<1x16xf32>,
      %swap3A_1341 = vector.shape_cast %swap3A_1340 : vector<1x16xf32> to vector<16xf32>
      %swap3A_1342 = vector.shape_cast %select_n3A_1335 : vector<16xf32> to vector<1x16xf32>
      tpu.vector_store %arg15[%swap3A_1338, %swap3A_1339], %swap3A_1342 {strides = array<i32>} : memref<240x16xf32, #tpu.memory_space<vmem>>, vector<1x16xf32>,
      %select_n3A_1343 = arith.select %or3A_241, %select_n3A_1092, %broadcast_in_dim3A_249 : vector<16xi1>, vector<16xf32>
      %add3A_1344 = arith.constant 6 : i32
      %add3A_1345 = arith.addi %add3A_396, %add3A_1344 : i32
      %swap3A_1346 = arith.index_cast %add3A_1345 : i32 to index
      %swap3A_1347 = arith.constant 0 : index
      %swap3A_1348 = tpu.vector_load %arg15[%swap3A_1346, %swap3A_1347] {strides = array<i32>} : memref<240x16xf32, #tpu.memory_space<vmem>>, vector<1x16xf32>,
      %swap3A_1349 = vector.shape_cast %swap3A_1348 : vector<1x16xf32> to vector<16xf32>
      %swap3A_1350 = vector.shape_cast %select_n3A_1343 : vector<16xf32> to vector<1x16xf32>
      tpu.vector_store %arg15[%swap3A_1346, %swap3A_1347], %swap3A_1350 {strides = array<i32>} : memref<240x16xf32, #tpu.memory_space<vmem>>, vector<1x16xf32>,
      %select_n3A_1351 = arith.select %or3A_248, %select_n3A_1092, %broadcast_in_dim3A_249 : vector<16xi1>, vector<16xf32>
      %add3A_1352 = arith.constant 6 : i32
      %add3A_1353 = arith.addi %add3A_400, %add3A_1352 : i32
      %swap3A_1354 = arith.index_cast %add3A_1353 : i32 to index
      %swap3A_1355 = arith.constant 0 : index
      %swap3A_1356 = tpu.vector_load %arg15[%swap3A_1354, %swap3A_1355] {strides = array<i32>} : memref<240x16xf32, #tpu.memory_space<vmem>>, vector<1x16xf32>,
      %swap3A_1357 = vector.shape_cast %swap3A_1356 : vector<1x16xf32> to vector<16xf32>
      %swap3A_1358 = vector.shape_cast %select_n3A_1351 : vector<16xf32> to vector<1x16xf32>
      tpu.vector_store %arg15[%swap3A_1354, %swap3A_1355], %swap3A_1358 {strides = array<i32>} : memref<240x16xf32, #tpu.memory_space<vmem>>, vector<1x16xf32>,
      %select_n3A_1359 = arith.select %or3A, %select_n3A_1103, %broadcast_in_dim3A_249 : vector<16xi1>, vector<16xf32>
      %add3A_1360 = arith.constant 7 : i32
      %add3A_1361 = arith.addi %mul3A_392, %add3A_1360 : i32
      %swap3A_1362 = arith.index_cast %add3A_1361 : i32 to index
      %swap3A_1363 = arith.constant 0 : index
      %swap3A_1364 = tpu.vector_load %arg15[%swap3A_1362, %swap3A_1363] {strides = array<i32>} : memref<240x16xf32, #tpu.memory_space<vmem>>, vector<1x16xf32>,
      %swap3A_1365 = vector.shape_cast %swap3A_1364 : vector<1x16xf32> to vector<16xf32>
      %swap3A_1366 = vector.shape_cast %select_n3A_1359 : vector<16xf32> to vector<1x16xf32>
      tpu.vector_store %arg15[%swap3A_1362, %swap3A_1363], %swap3A_1366 {strides = array<i32>} : memref<240x16xf32, #tpu.memory_space<vmem>>, vector<1x16xf32>,
      %select_n3A_1367 = arith.select %or3A_241, %select_n3A_1103, %broadcast_in_dim3A_249 : vector<16xi1>, vector<16xf32>
      %add3A_1368 = arith.constant 7 : i32
      %add3A_1369 = arith.addi %add3A_396, %add3A_1368 : i32
      %swap3A_1370 = arith.index_cast %add3A_1369 : i32 to index
      %swap3A_1371 = arith.constant 0 : index
      %swap3A_1372 = tpu.vector_load %arg15[%swap3A_1370, %swap3A_1371] {strides = array<i32>} : memref<240x16xf32, #tpu.memory_space<vmem>>, vector<1x16xf32>,
      %swap3A_1373 = vector.shape_cast %swap3A_1372 : vector<1x16xf32> to vector<16xf32>
      %swap3A_1374 = vector.shape_cast %select_n3A_1367 : vector<16xf32> to vector<1x16xf32>
      tpu.vector_store %arg15[%swap3A_1370, %swap3A_1371], %swap3A_1374 {strides = array<i32>} : memref<240x16xf32, #tpu.memory_space<vmem>>, vector<1x16xf32>,
      %select_n3A_1375 = arith.select %or3A_248, %select_n3A_1103, %broadcast_in_dim3A_249 : vector<16xi1>, vector<16xf32>
      %add3A_1376 = arith.constant 7 : i32
      %add3A_1377 = arith.addi %add3A_400, %add3A_1376 : i32
      %swap3A_1378 = arith.index_cast %add3A_1377 : i32 to index
      %swap3A_1379 = arith.constant 0 : index
      %swap3A_1380 = tpu.vector_load %arg15[%swap3A_1378, %swap3A_1379] {strides = array<i32>} : memref<240x16xf32, #tpu.memory_space<vmem>>, vector<1x16xf32>,
      %swap3A_1381 = vector.shape_cast %swap3A_1380 : vector<1x16xf32> to vector<16xf32>
      %swap3A_1382 = vector.shape_cast %select_n3A_1375 : vector<16xf32> to vector<1x16xf32>
      tpu.vector_store %arg15[%swap3A_1378, %swap3A_1379], %swap3A_1382 {strides = array<i32>} : memref<240x16xf32, #tpu.memory_space<vmem>>, vector<1x16xf32>,
      %select_n3A_1383 = arith.select %or3A, %select_n3A_1114, %broadcast_in_dim3A_249 : vector<16xi1>, vector<16xf32>
      %add3A_1384 = arith.constant 8 : i32
      %add3A_1385 = arith.addi %mul3A_392, %add3A_1384 : i32
      %swap3A_1386 = arith.index_cast %add3A_1385 : i32 to index
      %swap3A_1387 = arith.constant 0 : index
      %swap3A_1388 = tpu.vector_load %arg15[%swap3A_1386, %swap3A_1387] {strides = array<i32>} : memref<240x16xf32, #tpu.memory_space<vmem>>, vector<1x16xf32>,
      %swap3A_1389 = vector.shape_cast %swap3A_1388 : vector<1x16xf32> to vector<16xf32>
      %swap3A_1390 = vector.shape_cast %select_n3A_1383 : vector<16xf32> to vector<1x16xf32>
      tpu.vector_store %arg15[%swap3A_1386, %swap3A_1387], %swap3A_1390 {strides = array<i32>} : memref<240x16xf32, #tpu.memory_space<vmem>>, vector<1x16xf32>,
      %select_n3A_1391 = arith.select %or3A_241, %select_n3A_1114, %broadcast_in_dim3A_249 : vector<16xi1>, vector<16xf32>
      %add3A_1392 = arith.constant 8 : i32
      %add3A_1393 = arith.addi %add3A_396, %add3A_1392 : i32
      %swap3A_1394 = arith.index_cast %add3A_1393 : i32 to index
      %swap3A_1395 = arith.constant 0 : index
      %swap3A_1396 = tpu.vector_load %arg15[%swap3A_1394, %swap3A_1395] {strides = array<i32>} : memref<240x16xf32, #tpu.memory_space<vmem>>, vector<1x16xf32>,
      %swap3A_1397 = vector.shape_cast %swap3A_1396 : vector<1x16xf32> to vector<16xf32>
      %swap3A_1398 = vector.shape_cast %select_n3A_1391 : vector<16xf32> to vector<1x16xf32>
      tpu.vector_store %arg15[%swap3A_1394, %swap3A_1395], %swap3A_1398 {strides = array<i32>} : memref<240x16xf32, #tpu.memory_space<vmem>>, vector<1x16xf32>,
      %select_n3A_1399 = arith.select %or3A_248, %select_n3A_1114, %broadcast_in_dim3A_249 : vector<16xi1>, vector<16xf32>
      %add3A_1400 = arith.constant 8 : i32
      %add3A_1401 = arith.addi %add3A_400, %add3A_1400 : i32
      %swap3A_1402 = arith.index_cast %add3A_1401 : i32 to index
      %swap3A_1403 = arith.constant 0 : index
      %swap3A_1404 = tpu.vector_load %arg15[%swap3A_1402, %swap3A_1403] {strides = array<i32>} : memref<240x16xf32, #tpu.memory_space<vmem>>, vector<1x16xf32>,
      %swap3A_1405 = vector.shape_cast %swap3A_1404 : vector<1x16xf32> to vector<16xf32>
      %swap3A_1406 = vector.shape_cast %select_n3A_1399 : vector<16xf32> to vector<1x16xf32>
      tpu.vector_store %arg15[%swap3A_1402, %swap3A_1403], %swap3A_1406 {strides = array<i32>} : memref<240x16xf32, #tpu.memory_space<vmem>>, vector<1x16xf32>,
      %select_n3A_1407 = arith.select %or3A, %select_n3A_1125, %broadcast_in_dim3A_249 : vector<16xi1>, vector<16xf32>
      %add3A_1408 = arith.constant 9 : i32
      %add3A_1409 = arith.addi %mul3A_392, %add3A_1408 : i32
      %swap3A_1410 = arith.index_cast %add3A_1409 : i32 to index
      %swap3A_1411 = arith.constant 0 : index
      %swap3A_1412 = tpu.vector_load %arg15[%swap3A_1410, %swap3A_1411] {strides = array<i32>} : memref<240x16xf32, #tpu.memory_space<vmem>>, vector<1x16xf32>,
      %swap3A_1413 = vector.shape_cast %swap3A_1412 : vector<1x16xf32> to vector<16xf32>
      %swap3A_1414 = vector.shape_cast %select_n3A_1407 : vector<16xf32> to vector<1x16xf32>
      tpu.vector_store %arg15[%swap3A_1410, %swap3A_1411], %swap3A_1414 {strides = array<i32>} : memref<240x16xf32, #tpu.memory_space<vmem>>, vector<1x16xf32>,
      %select_n3A_1415 = arith.select %or3A_241, %select_n3A_1125, %broadcast_in_dim3A_249 : vector<16xi1>, vector<16xf32>
      %add3A_1416 = arith.constant 9 : i32
      %add3A_1417 = arith.addi %add3A_396, %add3A_1416 : i32
      %swap3A_1418 = arith.index_cast %add3A_1417 : i32 to index
      %swap3A_1419 = arith.constant 0 : index
      %swap3A_1420 = tpu.vector_load %arg15[%swap3A_1418, %swap3A_1419] {strides = array<i32>} : memref<240x16xf32, #tpu.memory_space<vmem>>, vector<1x16xf32>,
      %swap3A_1421 = vector.shape_cast %swap3A_1420 : vector<1x16xf32> to vector<16xf32>
      %swap3A_1422 = vector.shape_cast %select_n3A_1415 : vector<16xf32> to vector<1x16xf32>
      tpu.vector_store %arg15[%swap3A_1418, %swap3A_1419], %swap3A_1422 {strides = array<i32>} : memref<240x16xf32, #tpu.memory_space<vmem>>, vector<1x16xf32>,
      %select_n3A_1423 = arith.select %or3A_248, %select_n3A_1125, %broadcast_in_dim3A_249 : vector<16xi1>, vector<16xf32>
      %add3A_1424 = arith.constant 9 : i32
      %add3A_1425 = arith.addi %add3A_400, %add3A_1424 : i32
      %swap3A_1426 = arith.index_cast %add3A_1425 : i32 to index
      %swap3A_1427 = arith.constant 0 : index
      %swap3A_1428 = tpu.vector_load %arg15[%swap3A_1426, %swap3A_1427] {strides = array<i32>} : memref<240x16xf32, #tpu.memory_space<vmem>>, vector<1x16xf32>,
      %swap3A_1429 = vector.shape_cast %swap3A_1428 : vector<1x16xf32> to vector<16xf32>
      %swap3A_1430 = vector.shape_cast %select_n3A_1423 : vector<16xf32> to vector<1x16xf32>
      tpu.vector_store %arg15[%swap3A_1426, %swap3A_1427], %swap3A_1430 {strides = array<i32>} : memref<240x16xf32, #tpu.memory_space<vmem>>, vector<1x16xf32>,
      %select_n3A_1431 = arith.select %or3A, %select_n3A_1136, %broadcast_in_dim3A_249 : vector<16xi1>, vector<16xf32>
      %add3A_1432 = arith.constant 10 : i32
      %add3A_1433 = arith.addi %mul3A_392, %add3A_1432 : i32
      %swap3A_1434 = arith.index_cast %add3A_1433 : i32 to index
      %swap3A_1435 = arith.constant 0 : index
      %swap3A_1436 = tpu.vector_load %arg15[%swap3A_1434, %swap3A_1435] {strides = array<i32>} : memref<240x16xf32, #tpu.memory_space<vmem>>, vector<1x16xf32>,
      %swap3A_1437 = vector.shape_cast %swap3A_1436 : vector<1x16xf32> to vector<16xf32>
      %swap3A_1438 = vector.shape_cast %select_n3A_1431 : vector<16xf32> to vector<1x16xf32>
      tpu.vector_store %arg15[%swap3A_1434, %swap3A_1435], %swap3A_1438 {strides = array<i32>} : memref<240x16xf32, #tpu.memory_space<vmem>>, vector<1x16xf32>,
      %select_n3A_1439 = arith.select %or3A_241, %select_n3A_1136, %broadcast_in_dim3A_249 : vector<16xi1>, vector<16xf32>
      %add3A_1440 = arith.constant 10 : i32
      %add3A_1441 = arith.addi %add3A_396, %add3A_1440 : i32
      %swap3A_1442 = arith.index_cast %add3A_1441 : i32 to index
      %swap3A_1443 = arith.constant 0 : index
      %swap3A_1444 = tpu.vector_load %arg15[%swap3A_1442, %swap3A_1443] {strides = array<i32>} : memref<240x16xf32, #tpu.memory_space<vmem>>, vector<1x16xf32>,
      %swap3A_1445 = vector.shape_cast %swap3A_1444 : vector<1x16xf32> to vector<16xf32>
      %swap3A_1446 = vector.shape_cast %select_n3A_1439 : vector<16xf32> to vector<1x16xf32>
      tpu.vector_store %arg15[%swap3A_1442, %swap3A_1443], %swap3A_1446 {strides = array<i32>} : memref<240x16xf32, #tpu.memory_space<vmem>>, vector<1x16xf32>,
      %select_n3A_1447 = arith.select %or3A_248, %select_n3A_1136, %broadcast_in_dim3A_249 : vector<16xi1>, vector<16xf32>
      %add3A_1448 = arith.constant 10 : i32
      %add3A_1449 = arith.addi %add3A_400, %add3A_1448 : i32
      %swap3A_1450 = arith.index_cast %add3A_1449 : i32 to index
      %swap3A_1451 = arith.constant 0 : index
      %swap3A_1452 = tpu.vector_load %arg15[%swap3A_1450, %swap3A_1451] {strides = array<i32>} : memref<240x16xf32, #tpu.memory_space<vmem>>, vector<1x16xf32>,
      %swap3A_1453 = vector.shape_cast %swap3A_1452 : vector<1x16xf32> to vector<16xf32>
      %swap3A_1454 = vector.shape_cast %select_n3A_1447 : vector<16xf32> to vector<1x16xf32>
      tpu.vector_store %arg15[%swap3A_1450, %swap3A_1451], %swap3A_1454 {strides = array<i32>} : memref<240x16xf32, #tpu.memory_space<vmem>>, vector<1x16xf32>,
      %select_n3A_1455 = arith.select %or3A, %select_n3A_1147, %broadcast_in_dim3A_249 : vector<16xi1>, vector<16xf32>
      %add3A_1456 = arith.constant 11 : i32
      %add3A_1457 = arith.addi %mul3A_392, %add3A_1456 : i32
      %swap3A_1458 = arith.index_cast %add3A_1457 : i32 to index
      %swap3A_1459 = arith.constant 0 : index
      %swap3A_1460 = tpu.vector_load %arg15[%swap3A_1458, %swap3A_1459] {strides = array<i32>} : memref<240x16xf32, #tpu.memory_space<vmem>>, vector<1x16xf32>,
      %swap3A_1461 = vector.shape_cast %swap3A_1460 : vector<1x16xf32> to vector<16xf32>
      %swap3A_1462 = vector.shape_cast %select_n3A_1455 : vector<16xf32> to vector<1x16xf32>
      tpu.vector_store %arg15[%swap3A_1458, %swap3A_1459], %swap3A_1462 {strides = array<i32>} : memref<240x16xf32, #tpu.memory_space<vmem>>, vector<1x16xf32>,
      %select_n3A_1463 = arith.select %or3A_241, %select_n3A_1147, %broadcast_in_dim3A_249 : vector<16xi1>, vector<16xf32>
      %add3A_1464 = arith.constant 11 : i32
      %add3A_1465 = arith.addi %add3A_396, %add3A_1464 : i32
      %swap3A_1466 = arith.index_cast %add3A_1465 : i32 to index
      %swap3A_1467 = arith.constant 0 : index
      %swap3A_1468 = tpu.vector_load %arg15[%swap3A_1466, %swap3A_1467] {strides = array<i32>} : memref<240x16xf32, #tpu.memory_space<vmem>>, vector<1x16xf32>,
      %swap3A_1469 = vector.shape_cast %swap3A_1468 : vector<1x16xf32> to vector<16xf32>
      %swap3A_1470 = vector.shape_cast %select_n3A_1463 : vector<16xf32> to vector<1x16xf32>
      tpu.vector_store %arg15[%swap3A_1466, %swap3A_1467], %swap3A_1470 {strides = array<i32>} : memref<240x16xf32, #tpu.memory_space<vmem>>, vector<1x16xf32>,
      %select_n3A_1471 = arith.select %or3A_248, %select_n3A_1147, %broadcast_in_dim3A_249 : vector<16xi1>, vector<16xf32>
      %add3A_1472 = arith.constant 11 : i32
      %add3A_1473 = arith.addi %add3A_400, %add3A_1472 : i32
      %swap3A_1474 = arith.index_cast %add3A_1473 : i32 to index
      %swap3A_1475 = arith.constant 0 : index
      %swap3A_1476 = tpu.vector_load %arg15[%swap3A_1474, %swap3A_1475] {strides = array<i32>} : memref<240x16xf32, #tpu.memory_space<vmem>>, vector<1x16xf32>,
      %swap3A_1477 = vector.shape_cast %swap3A_1476 : vector<1x16xf32> to vector<16xf32>
      %swap3A_1478 = vector.shape_cast %select_n3A_1471 : vector<16xf32> to vector<1x16xf32>
      tpu.vector_store %arg15[%swap3A_1474, %swap3A_1475], %swap3A_1478 {strides = array<i32>} : memref<240x16xf32, #tpu.memory_space<vmem>>, vector<1x16xf32>,
      %select_n3A_1479 = arith.select %or3A, %select_n3A_1158, %broadcast_in_dim3A_249 : vector<16xi1>, vector<16xf32>
      %add3A_1480 = arith.constant 12 : i32
      %add3A_1481 = arith.addi %mul3A_392, %add3A_1480 : i32
      %swap3A_1482 = arith.index_cast %add3A_1481 : i32 to index
      %swap3A_1483 = arith.constant 0 : index
      %swap3A_1484 = tpu.vector_load %arg15[%swap3A_1482, %swap3A_1483] {strides = array<i32>} : memref<240x16xf32, #tpu.memory_space<vmem>>, vector<1x16xf32>,
      %swap3A_1485 = vector.shape_cast %swap3A_1484 : vector<1x16xf32> to vector<16xf32>
      %swap3A_1486 = vector.shape_cast %select_n3A_1479 : vector<16xf32> to vector<1x16xf32>
      tpu.vector_store %arg15[%swap3A_1482, %swap3A_1483], %swap3A_1486 {strides = array<i32>} : memref<240x16xf32, #tpu.memory_space<vmem>>, vector<1x16xf32>,
      %select_n3A_1487 = arith.select %or3A_241, %select_n3A_1158, %broadcast_in_dim3A_249 : vector<16xi1>, vector<16xf32>
      %add3A_1488 = arith.constant 12 : i32
      %add3A_1489 = arith.addi %add3A_396, %add3A_1488 : i32
      %swap3A_1490 = arith.index_cast %add3A_1489 : i32 to index
      %swap3A_1491 = arith.constant 0 : index
      %swap3A_1492 = tpu.vector_load %arg15[%swap3A_1490, %swap3A_1491] {strides = array<i32>} : memref<240x16xf32, #tpu.memory_space<vmem>>, vector<1x16xf32>,
      %swap3A_1493 = vector.shape_cast %swap3A_1492 : vector<1x16xf32> to vector<16xf32>
      %swap3A_1494 = vector.shape_cast %select_n3A_1487 : vector<16xf32> to vector<1x16xf32>
      tpu.vector_store %arg15[%swap3A_1490, %swap3A_1491], %swap3A_1494 {strides = array<i32>} : memref<240x16xf32, #tpu.memory_space<vmem>>, vector<1x16xf32>,
      %select_n3A_1495 = arith.select %or3A_248, %select_n3A_1158, %broadcast_in_dim3A_249 : vector<16xi1>, vector<16xf32>
      %add3A_1496 = arith.constant 12 : i32
      %add3A_1497 = arith.addi %add3A_400, %add3A_1496 : i32
      %swap3A_1498 = arith.index_cast %add3A_1497 : i32 to index
      %swap3A_1499 = arith.constant 0 : index
      %swap3A_1500 = tpu.vector_load %arg15[%swap3A_1498, %swap3A_1499] {strides = array<i32>} : memref<240x16xf32, #tpu.memory_space<vmem>>, vector<1x16xf32>,
      %swap3A_1501 = vector.shape_cast %swap3A_1500 : vector<1x16xf32> to vector<16xf32>
      %swap3A_1502 = vector.shape_cast %select_n3A_1495 : vector<16xf32> to vector<1x16xf32>
      tpu.vector_store %arg15[%swap3A_1498, %swap3A_1499], %swap3A_1502 {strides = array<i32>} : memref<240x16xf32, #tpu.memory_space<vmem>>, vector<1x16xf32>,
      %select_n3A_1503 = arith.select %or3A, %select_n3A_1169, %broadcast_in_dim3A_249 : vector<16xi1>, vector<16xf32>
      %add3A_1504 = arith.constant 13 : i32
      %add3A_1505 = arith.addi %mul3A_392, %add3A_1504 : i32
      %swap3A_1506 = arith.index_cast %add3A_1505 : i32 to index
      %swap3A_1507 = arith.constant 0 : index
      %swap3A_1508 = tpu.vector_load %arg15[%swap3A_1506, %swap3A_1507] {strides = array<i32>} : memref<240x16xf32, #tpu.memory_space<vmem>>, vector<1x16xf32>,
      %swap3A_1509 = vector.shape_cast %swap3A_1508 : vector<1x16xf32> to vector<16xf32>
      %swap3A_1510 = vector.shape_cast %select_n3A_1503 : vector<16xf32> to vector<1x16xf32>
      tpu.vector_store %arg15[%swap3A_1506, %swap3A_1507], %swap3A_1510 {strides = array<i32>} : memref<240x16xf32, #tpu.memory_space<vmem>>, vector<1x16xf32>,
      %select_n3A_1511 = arith.select %or3A_241, %select_n3A_1169, %broadcast_in_dim3A_249 : vector<16xi1>, vector<16xf32>
      %add3A_1512 = arith.constant 13 : i32
      %add3A_1513 = arith.addi %add3A_396, %add3A_1512 : i32
      %swap3A_1514 = arith.index_cast %add3A_1513 : i32 to index
      %swap3A_1515 = arith.constant 0 : index
      %swap3A_1516 = tpu.vector_load %arg15[%swap3A_1514, %swap3A_1515] {strides = array<i32>} : memref<240x16xf32, #tpu.memory_space<vmem>>, vector<1x16xf32>,
      %swap3A_1517 = vector.shape_cast %swap3A_1516 : vector<1x16xf32> to vector<16xf32>
      %swap3A_1518 = vector.shape_cast %select_n3A_1511 : vector<16xf32> to vector<1x16xf32>
      tpu.vector_store %arg15[%swap3A_1514, %swap3A_1515], %swap3A_1518 {strides = array<i32>} : memref<240x16xf32, #tpu.memory_space<vmem>>, vector<1x16xf32>,
      %select_n3A_1519 = arith.select %or3A_248, %select_n3A_1169, %broadcast_in_dim3A_249 : vector<16xi1>, vector<16xf32>
      %add3A_1520 = arith.constant 13 : i32
      %add3A_1521 = arith.addi %add3A_400, %add3A_1520 : i32
      %swap3A_1522 = arith.index_cast %add3A_1521 : i32 to index
      %swap3A_1523 = arith.constant 0 : index
      %swap3A_1524 = tpu.vector_load %arg15[%swap3A_1522, %swap3A_1523] {strides = array<i32>} : memref<240x16xf32, #tpu.memory_space<vmem>>, vector<1x16xf32>,
      %swap3A_1525 = vector.shape_cast %swap3A_1524 : vector<1x16xf32> to vector<16xf32>
      %swap3A_1526 = vector.shape_cast %select_n3A_1519 : vector<16xf32> to vector<1x16xf32>
      tpu.vector_store %arg15[%swap3A_1522, %swap3A_1523], %swap3A_1526 {strides = array<i32>} : memref<240x16xf32, #tpu.memory_space<vmem>>, vector<1x16xf32>,
      %select_n3A_1527 = arith.select %or3A, %select_n3A_1180, %broadcast_in_dim3A_249 : vector<16xi1>, vector<16xf32>
      %add3A_1528 = arith.constant 14 : i32
      %add3A_1529 = arith.addi %mul3A_392, %add3A_1528 : i32
      %swap3A_1530 = arith.index_cast %add3A_1529 : i32 to index
      %swap3A_1531 = arith.constant 0 : index
      %swap3A_1532 = tpu.vector_load %arg15[%swap3A_1530, %swap3A_1531] {strides = array<i32>} : memref<240x16xf32, #tpu.memory_space<vmem>>, vector<1x16xf32>,
      %swap3A_1533 = vector.shape_cast %swap3A_1532 : vector<1x16xf32> to vector<16xf32>
      %swap3A_1534 = vector.shape_cast %select_n3A_1527 : vector<16xf32> to vector<1x16xf32>
      tpu.vector_store %arg15[%swap3A_1530, %swap3A_1531], %swap3A_1534 {strides = array<i32>} : memref<240x16xf32, #tpu.memory_space<vmem>>, vector<1x16xf32>,
      %select_n3A_1535 = arith.select %or3A_241, %select_n3A_1180, %broadcast_in_dim3A_249 : vector<16xi1>, vector<16xf32>
      %add3A_1536 = arith.constant 14 : i32
      %add3A_1537 = arith.addi %add3A_396, %add3A_1536 : i32
      %swap3A_1538 = arith.index_cast %add3A_1537 : i32 to index
      %swap3A_1539 = arith.constant 0 : index
      %swap3A_1540 = tpu.vector_load %arg15[%swap3A_1538, %swap3A_1539] {strides = array<i32>} : memref<240x16xf32, #tpu.memory_space<vmem>>, vector<1x16xf32>,
      %swap3A_1541 = vector.shape_cast %swap3A_1540 : vector<1x16xf32> to vector<16xf32>
      %swap3A_1542 = vector.shape_cast %select_n3A_1535 : vector<16xf32> to vector<1x16xf32>
      tpu.vector_store %arg15[%swap3A_1538, %swap3A_1539], %swap3A_1542 {strides = array<i32>} : memref<240x16xf32, #tpu.memory_space<vmem>>, vector<1x16xf32>,
      %select_n3A_1543 = arith.select %or3A_248, %select_n3A_1180, %broadcast_in_dim3A_249 : vector<16xi1>, vector<16xf32>
      %add3A_1544 = arith.constant 14 : i32
      %add3A_1545 = arith.addi %add3A_400, %add3A_1544 : i32
      %swap3A_1546 = arith.index_cast %add3A_1545 : i32 to index
      %swap3A_1547 = arith.constant 0 : index
      %swap3A_1548 = tpu.vector_load %arg15[%swap3A_1546, %swap3A_1547] {strides = array<i32>} : memref<240x16xf32, #tpu.memory_space<vmem>>, vector<1x16xf32>,
      %swap3A_1549 = vector.shape_cast %swap3A_1548 : vector<1x16xf32> to vector<16xf32>
      %swap3A_1550 = vector.shape_cast %select_n3A_1543 : vector<16xf32> to vector<1x16xf32>
      tpu.vector_store %arg15[%swap3A_1546, %swap3A_1547], %swap3A_1550 {strides = array<i32>} : memref<240x16xf32, #tpu.memory_space<vmem>>, vector<1x16xf32>,
      %select_n3A_1551 = arith.select %or3A, %select_n3A_1191, %broadcast_in_dim3A_249 : vector<16xi1>, vector<16xf32>
      %add3A_1552 = arith.constant 15 : i32
      %add3A_1553 = arith.addi %mul3A_392, %add3A_1552 : i32
      %swap3A_1554 = arith.index_cast %add3A_1553 : i32 to index
      %swap3A_1555 = arith.constant 0 : index
      %swap3A_1556 = tpu.vector_load %arg15[%swap3A_1554, %swap3A_1555] {strides = array<i32>} : memref<240x16xf32, #tpu.memory_space<vmem>>, vector<1x16xf32>,
      %swap3A_1557 = vector.shape_cast %swap3A_1556 : vector<1x16xf32> to vector<16xf32>
      %swap3A_1558 = vector.shape_cast %select_n3A_1551 : vector<16xf32> to vector<1x16xf32>
      tpu.vector_store %arg15[%swap3A_1554, %swap3A_1555], %swap3A_1558 {strides = array<i32>} : memref<240x16xf32, #tpu.memory_space<vmem>>, vector<1x16xf32>,
      %select_n3A_1559 = arith.select %or3A_241, %select_n3A_1191, %broadcast_in_dim3A_249 : vector<16xi1>, vector<16xf32>
      %add3A_1560 = arith.constant 15 : i32
      %add3A_1561 = arith.addi %add3A_396, %add3A_1560 : i32
      %swap3A_1562 = arith.index_cast %add3A_1561 : i32 to index
      %swap3A_1563 = arith.constant 0 : index
      %swap3A_1564 = tpu.vector_load %arg15[%swap3A_1562, %swap3A_1563] {strides = array<i32>} : memref<240x16xf32, #tpu.memory_space<vmem>>, vector<1x16xf32>,
      %swap3A_1565 = vector.shape_cast %swap3A_1564 : vector<1x16xf32> to vector<16xf32>
      %swap3A_1566 = vector.shape_cast %select_n3A_1559 : vector<16xf32> to vector<1x16xf32>
      tpu.vector_store %arg15[%swap3A_1562, %swap3A_1563], %swap3A_1566 {strides = array<i32>} : memref<240x16xf32, #tpu.memory_space<vmem>>, vector<1x16xf32>,
      %select_n3A_1567 = arith.select %or3A_248, %select_n3A_1191, %broadcast_in_dim3A_249 : vector<16xi1>, vector<16xf32>
      %add3A_1568 = arith.constant 15 : i32
      %add3A_1569 = arith.addi %add3A_400, %add3A_1568 : i32
      %swap3A_1570 = arith.index_cast %add3A_1569 : i32 to index
      %swap3A_1571 = arith.constant 0 : index
      %swap3A_1572 = tpu.vector_load %arg15[%swap3A_1570, %swap3A_1571] {strides = array<i32>} : memref<240x16xf32, #tpu.memory_space<vmem>>, vector<1x16xf32>,
      %swap3A_1573 = vector.shape_cast %swap3A_1572 : vector<1x16xf32> to vector<16xf32>
      %swap3A_1574 = vector.shape_cast %select_n3A_1567 : vector<16xf32> to vector<1x16xf32>
      tpu.vector_store %arg15[%swap3A_1570, %swap3A_1571], %swap3A_1574 {strides = array<i32>} : memref<240x16xf32, #tpu.memory_space<vmem>>, vector<1x16xf32>,
    }
    %scan3A_373 = arith.constant 5 : i32
    %dma_start3A_374 = arith.constant 0 : i32
    %dma_start3A_375 = arith.constant 0 : i32
    %dma_start3A_376 = tpu.memref_slice %arg6[%dma_start3A_374, %dma_start3A_375] : memref<100096x16xf32, #tpu.memory_space<vmem_shared>> -> memref<100096x16xf32, #tpu.memory_space<vmem_shared>>
    tpu.enqueue_indirect_dma source(%arg15 : memref<240x16xf32, #tpu.memory_space<vmem>>) target(%dma_start3A_376 : memref<100096x16xf32, #tpu.memory_space<vmem_shared>>) offsets(%arg8 : memref<240xi32, #tpu.memory_space<vmem>>) semaphore(%arg27 : memref<!tpu.dma_semaphore, #tpu.memory_space<semaphore_mem>>) {add = true}
    %scan3A_377 = arith.constant 0 : i32
    %scan3A_378 = arith.constant 312 : i32
    %scan3A_379 = arith.addi %scan3A_377, %scan3A_378 : i32
    %scan3A_380 = arith.constant 1 : i32
    scf.for %scan3A_390 = %scan3A_377 to %scan3A_379 step %scan3A_380  : i32 {
      %mul3A_391 = arith.constant 2 : i32
      %mul3A_392 = arith.muli %mul3A_391, %scan3A_390 : i32
      %add3A_393 = arith.constant 1 : i32
      %add3A_394 = arith.addi %mul3A_392, %add3A_393 : i32
      %dma_wait3A_395 = arith.constant 0 : i32
      %dma_wait3A_396 = arith.constant 0 : i32
      %dma_wait3A_397 = tpu.memref_slice %arg6[%dma_wait3A_395, %dma_wait3A_396] : memref<100096x16xf32, #tpu.memory_space<vmem_shared>> -> memref<100096x16xf32, #tpu.memory_space<vmem_shared>>
      tpu.wait_indirect_dma semaphore(%arg27 : memref<!tpu.dma_semaphore, #tpu.memory_space<semaphore_mem>>) src(%arg15 : memref<240x16xf32, #tpu.memory_space<vmem>>) dst(%dma_wait3A_397 : memref<100096x16xf32, #tpu.memory_space<vmem_shared>>)
      %add3A_398 = arith.constant 1 : i32
      %add3A_399 = arith.addi %add3A_394, %add3A_398 : i32
      %mul3A_400 = arith.constant 50000 : i32
      %mul3A_401 = arith.muli %add3A, %mul3A_400 : i32
      %mul3A_402 = arith.constant 80 : i32
      %mul3A_403 = arith.muli %add3A_399, %mul3A_402 : i32
      %add3A_404 = arith.addi %mul3A_401, %mul3A_403 : i32
      %add3A_405 = arith.constant 0 : i32
      %add3A_406 = arith.addi %add3A_405, %add3A_404 : i32
      %dma_start3A_407 = arith.constant 0 : i32
      %dma_start3A_408 = tpu.memref_slice %arg8[%dma_start3A_407] : memref<240xi32, #tpu.memory_space<vmem>> -> memref<80xi32, #tpu.memory_space<vmem>>
      %dma_start3A_409 = tpu.memref_slice %arg3[%add3A_406] : memref<4800000xi32, #tpu.memory_space<hbm>> -> memref<80xi32, #tpu.memory_space<hbm>>
      %dma_start3A_410 = arith.constant 0 : i32
      %dma_start3A_411 = tpu.memref_slice %arg8[%dma_start3A_410] : memref<240xi32, #tpu.memory_space<vmem>> -> memref<80xi32, #tpu.memory_space<vmem>>
      %dma_start3A_412 = tpu.memref_slice %arg3[%add3A_406] : memref<4800000xi32, #tpu.memory_space<hbm>> -> memref<80xi32, #tpu.memory_space<hbm>>
      tpu.enqueue_dma source(%dma_start3A_412 : memref<80xi32, #tpu.memory_space<hbm>>) target(%dma_start3A_411 : memref<80xi32, #tpu.memory_space<vmem>>) target_semaphore(%arg25 : memref<!tpu.dma_semaphore, #tpu.memory_space<semaphore_mem>>)
      %add3A_413 = arith.constant 1600000 : i32
      %add3A_414 = arith.addi %add3A_413, %add3A_404 : i32
      %dma_start3A_415 = arith.constant 80 : i32
      %dma_start3A_416 = tpu.memref_slice %arg8[%dma_start3A_415] : memref<240xi32, #tpu.memory_space<vmem>> -> memref<80xi32, #tpu.memory_space<vmem>>
      %dma_start3A_417 = tpu.memref_slice %arg3[%add3A_414] : memref<4800000xi32, #tpu.memory_space<hbm>> -> memref<80xi32, #tpu.memory_space<hbm>>
      %dma_start3A_418 = arith.constant 80 : i32
      %dma_start3A_419 = tpu.memref_slice %arg8[%dma_start3A_418] : memref<240xi32, #tpu.memory_space<vmem>> -> memref<80xi32, #tpu.memory_space<vmem>>
      %dma_start3A_420 = tpu.memref_slice %arg3[%add3A_414] : memref<4800000xi32, #tpu.memory_space<hbm>> -> memref<80xi32, #tpu.memory_space<hbm>>
      tpu.enqueue_dma source(%dma_start3A_420 : memref<80xi32, #tpu.memory_space<hbm>>) target(%dma_start3A_419 : memref<80xi32, #tpu.memory_space<vmem>>) target_semaphore(%arg25 : memref<!tpu.dma_semaphore, #tpu.memory_space<semaphore_mem>>)
      %add3A_421 = arith.constant 3200000 : i32
      %add3A_422 = arith.addi %add3A_421, %add3A_404 : i32
      %dma_start3A_423 = arith.constant 160 : i32
      %dma_start3A_424 = tpu.memref_slice %arg8[%dma_start3A_423] : memref<240xi32, #tpu.memory_space<vmem>> -> memref<80xi32, #tpu.memory_space<vmem>>
      %dma_start3A_425 = tpu.memref_slice %arg3[%add3A_422] : memref<4800000xi32, #tpu.memory_space<hbm>> -> memref<80xi32, #tpu.memory_space<hbm>>
      %dma_start3A_426 = arith.constant 160 : i32
      %dma_start3A_427 = tpu.memref_slice %arg8[%dma_start3A_426] : memref<240xi32, #tpu.memory_space<vmem>> -> memref<80xi32, #tpu.memory_space<vmem>>
      %dma_start3A_428 = tpu.memref_slice %arg3[%add3A_422] : memref<4800000xi32, #tpu.memory_space<hbm>> -> memref<80xi32, #tpu.memory_space<hbm>>
      tpu.enqueue_dma source(%dma_start3A_428 : memref<80xi32, #tpu.memory_space<hbm>>) target(%dma_start3A_427 : memref<80xi32, #tpu.memory_space<vmem>>) target_semaphore(%arg25 : memref<!tpu.dma_semaphore, #tpu.memory_space<semaphore_mem>>)
      %dma_wait3A_429 = arith.constant 0 : i32
      %dma_wait3A_430 = tpu.memref_slice %arg8[%dma_wait3A_429] : memref<240xi32, #tpu.memory_space<vmem>> -> memref<80xi32, #tpu.memory_space<vmem>>
      %dma_wait3A_431 = tpu.memref_slice %arg3[%add3A_406] : memref<4800000xi32, #tpu.memory_space<hbm>> -> memref<80xi32, #tpu.memory_space<hbm>>
      %dma_wait3A_432 = arith.constant 0 : i32
      %dma_wait3A_433 = tpu.memref_slice %arg8[%dma_wait3A_432] : memref<240xi32, #tpu.memory_space<vmem>> -> memref<80xi32, #tpu.memory_space<vmem>>
      %dma_wait3A_434 = tpu.memref_slice %arg3[%add3A_406] : memref<4800000xi32, #tpu.memory_space<hbm>> -> memref<80xi32, #tpu.memory_space<hbm>>
      tpu.wait_dma2 semaphore(%arg25 : memref<!tpu.dma_semaphore, #tpu.memory_space<semaphore_mem>>) src(%dma_wait3A_434 : memref<80xi32, #tpu.memory_space<hbm>>) dst(%dma_wait3A_433 : memref<80xi32, #tpu.memory_space<vmem>>)
      %dma_wait3A_435 = arith.constant 80 : i32
      %dma_wait3A_436 = tpu.memref_slice %arg8[%dma_wait3A_435] : memref<240xi32, #tpu.memory_space<vmem>> -> memref<80xi32, #tpu.memory_space<vmem>>
      %dma_wait3A_437 = tpu.memref_slice %arg3[%add3A_414] : memref<4800000xi32, #tpu.memory_space<hbm>> -> memref<80xi32, #tpu.memory_space<hbm>>
      %dma_wait3A_438 = arith.constant 80 : i32
      %dma_wait3A_439 = tpu.memref_slice %arg8[%dma_wait3A_438] : memref<240xi32, #tpu.memory_space<vmem>> -> memref<80xi32, #tpu.memory_space<vmem>>
      %dma_wait3A_440 = tpu.memref_slice %arg3[%add3A_414] : memref<4800000xi32, #tpu.memory_space<hbm>> -> memref<80xi32, #tpu.memory_space<hbm>>
      tpu.wait_dma2 semaphore(%arg25 : memref<!tpu.dma_semaphore, #tpu.memory_space<semaphore_mem>>) src(%dma_wait3A_440 : memref<80xi32, #tpu.memory_space<hbm>>) dst(%dma_wait3A_439 : memref<80xi32, #tpu.memory_space<vmem>>)
      %dma_wait3A_441 = arith.constant 160 : i32
      %dma_wait3A_442 = tpu.memref_slice %arg8[%dma_wait3A_441] : memref<240xi32, #tpu.memory_space<vmem>> -> memref<80xi32, #tpu.memory_space<vmem>>
      %dma_wait3A_443 = tpu.memref_slice %arg3[%add3A_422] : memref<4800000xi32, #tpu.memory_space<hbm>> -> memref<80xi32, #tpu.memory_space<hbm>>
      %dma_wait3A_444 = arith.constant 160 : i32
      %dma_wait3A_445 = tpu.memref_slice %arg8[%dma_wait3A_444] : memref<240xi32, #tpu.memory_space<vmem>> -> memref<80xi32, #tpu.memory_space<vmem>>
      %dma_wait3A_446 = tpu.memref_slice %arg3[%add3A_422] : memref<4800000xi32, #tpu.memory_space<hbm>> -> memref<80xi32, #tpu.memory_space<hbm>>
      tpu.wait_dma2 semaphore(%arg25 : memref<!tpu.dma_semaphore, #tpu.memory_space<semaphore_mem>>) src(%dma_wait3A_446 : memref<80xi32, #tpu.memory_space<hbm>>) dst(%dma_wait3A_445 : memref<80xi32, #tpu.memory_space<vmem>>)
      %scan3A_447 = arith.constant 0 : i32
      %scan3A_448 = arith.constant 15 : i32
      %scan3A_449 = arith.addi %scan3A_447, %scan3A_448 : i32
      %scan3A_450 = arith.constant 1 : i32
      scf.for %scan3A_492 = %scan3A_447 to %scan3A_449 step %scan3A_450  : i32 {
        %mul3A_493 = arith.constant 16 : i32
        %mul3A_494 = arith.muli %scan3A_492, %mul3A_493 : i32
        %get3A = arith.index_cast %mul3A_494 : i32 to index
        %get3A_495 = tpu.vector_load %arg8[%get3A] {strides = array<i32>} : memref<240xi32, #tpu.memory_space<vmem>>, vector<16xi32>,
        %get3A_496 = vector.shape_cast %get3A_495 : vector<16xi32> to vector<16xi32>
        %add3A_497 = arith.constant 100000 : i32
        %add3A_498 = vector.broadcast %add3A_497 : i32 to vector<16xi32>
        %add3A_499 = arith.addi %get3A_496, %add3A_498 : vector<16xi32>
        %mul3A_500 = arith.constant 16 : i32
        %mul3A_501 = arith.muli %scan3A_492, %mul3A_500 : i32
        %swap3A = arith.index_cast %mul3A_501 : i32 to index
        %swap3A_502 = tpu.vector_load %arg10[%swap3A] {strides = array<i32>} : memref<240xi32, #tpu.memory_space<vmem>>, vector<16xi32>,
        %swap3A_503 = vector.shape_cast %swap3A_502 : vector<16xi32> to vector<16xi32>
        %swap3A_504 = vector.shape_cast %add3A_499 : vector<16xi32> to vector<16xi32>
        tpu.vector_store %arg10[%swap3A], %swap3A_504 {strides = array<i32>} : memref<240xi32, #tpu.memory_space<vmem>>, vector<16xi32>,
        %add3A_505 = arith.constant 200000 : i32
        %add3A_506 = vector.broadcast %add3A_505 : i32 to vector<16xi32>
        %add3A_507 = arith.addi %get3A_496, %add3A_506 : vector<16xi32>
        %mul3A_508 = arith.constant 16 : i32
        %mul3A_509 = arith.muli %scan3A_492, %mul3A_508 : i32
        %swap3A_510 = arith.index_cast %mul3A_509 : i32 to index
        %swap3A_511 = tpu.vector_load %arg11[%swap3A_510] {strides = array<i32>} : memref<240xi32, #tpu.memory_space<vmem>>, vector<16xi32>,
        %swap3A_512 = vector.shape_cast %swap3A_511 : vector<16xi32> to vector<16xi32>
        %swap3A_513 = vector.shape_cast %add3A_507 : vector<16xi32> to vector<16xi32>
        tpu.vector_store %arg11[%swap3A_510], %swap3A_513 {strides = array<i32>} : memref<240xi32, #tpu.memory_space<vmem>>, vector<16xi32>,
      }
      %scan3A_451 = arith.constant 15 : i32
      %dma_start3A_452 = arith.constant 0 : i32
      %dma_start3A_453 = tpu.memref_slice %arg2[%dma_start3A_452] : memref<300000xf32, #tpu.memory_space<hbm>> -> memref<300000xf32, #tpu.memory_space<hbm>>
      tpu.enqueue_indirect_dma source(%dma_start3A_453 : memref<300000xf32, #tpu.memory_space<hbm>>) target(%arg12 : memref<240xf32, #tpu.memory_space<vmem>>) offsets(%arg8 : memref<240xi32, #tpu.memory_space<vmem>>) semaphore(%arg26 : memref<!tpu.dma_semaphore, #tpu.memory_space<semaphore_mem>>)
      %dma_start3A_454 = arith.constant 0 : i32
      %dma_start3A_455 = tpu.memref_slice %arg2[%dma_start3A_454] : memref<300000xf32, #tpu.memory_space<hbm>> -> memref<300000xf32, #tpu.memory_space<hbm>>
      tpu.enqueue_indirect_dma source(%dma_start3A_455 : memref<300000xf32, #tpu.memory_space<hbm>>) target(%arg13 : memref<240xf32, #tpu.memory_space<vmem>>) offsets(%arg10 : memref<240xi32, #tpu.memory_space<vmem>>) semaphore(%arg26 : memref<!tpu.dma_semaphore, #tpu.memory_space<semaphore_mem>>)
      %dma_start3A_456 = arith.constant 0 : i32
      %dma_start3A_457 = tpu.memref_slice %arg2[%dma_start3A_456] : memref<300000xf32, #tpu.memory_space<hbm>> -> memref<300000xf32, #tpu.memory_space<hbm>>
      tpu.enqueue_indirect_dma source(%dma_start3A_457 : memref<300000xf32, #tpu.memory_space<hbm>>) target(%arg14 : memref<240xf32, #tpu.memory_space<vmem>>) offsets(%arg11 : memref<240xi32, #tpu.memory_space<vmem>>) semaphore(%arg26 : memref<!tpu.dma_semaphore, #tpu.memory_space<semaphore_mem>>)
      %dma_wait3A_458 = arith.constant 0 : i32
      %dma_wait3A_459 = tpu.memref_slice %arg2[%dma_wait3A_458] : memref<300000xf32, #tpu.memory_space<hbm>> -> memref<300000xf32, #tpu.memory_space<hbm>>
      tpu.wait_indirect_dma semaphore(%arg29 : memref<!tpu.dma_semaphore, #tpu.memory_space<semaphore_mem>>) src(%dma_wait3A_459 : memref<300000xf32, #tpu.memory_space<hbm>>) dst(%arg21 : memref<240xf32, #tpu.memory_space<vmem>>)
      %dma_wait3A_460 = arith.constant 0 : i32
      %dma_wait3A_461 = tpu.memref_slice %arg2[%dma_wait3A_460] : memref<300000xf32, #tpu.memory_space<hbm>> -> memref<300000xf32, #tpu.memory_space<hbm>>
      tpu.wait_indirect_dma semaphore(%arg29 : memref<!tpu.dma_semaphore, #tpu.memory_space<semaphore_mem>>) src(%dma_wait3A_461 : memref<300000xf32, #tpu.memory_space<hbm>>) dst(%arg22 : memref<240xf32, #tpu.memory_space<vmem>>)
      %dma_wait3A_462 = arith.constant 0 : i32
      %dma_wait3A_463 = tpu.memref_slice %arg2[%dma_wait3A_462] : memref<300000xf32, #tpu.memory_space<hbm>> -> memref<300000xf32, #tpu.memory_space<hbm>>
      tpu.wait_indirect_dma semaphore(%arg29 : memref<!tpu.dma_semaphore, #tpu.memory_space<semaphore_mem>>) src(%dma_wait3A_463 : memref<300000xf32, #tpu.memory_space<hbm>>) dst(%arg23 : memref<240xf32, #tpu.memory_space<vmem>>)
      %scan3A_464 = arith.constant 0 : i32
      %scan3A_465 = arith.constant 5 : i32
      %scan3A_466 = arith.addi %scan3A_464, %scan3A_465 : i32
      %scan3A_467 = arith.constant 1 : i32
      scf.for %scan3A_492 = %scan3A_464 to %scan3A_466 step %scan3A_467  : i32 {
        %mul3A_493 = arith.constant 16 : i32
        %mul3A_494 = arith.muli %scan3A_492, %mul3A_493 : i32
        %mul3A_495 = arith.constant 16 : i32
        %mul3A_496 = arith.muli %scan3A_492, %mul3A_495 : i32
        %add3A_497 = arith.constant 80 : i32
        %add3A_498 = arith.addi %add3A_497, %mul3A_496 : i32
        %mul3A_499 = arith.constant 16 : i32
        %mul3A_500 = arith.muli %scan3A_492, %mul3A_499 : i32
        %add3A_501 = arith.constant 160 : i32
        %add3A_502 = arith.addi %add3A_501, %mul3A_500 : i32
        %get3A = arith.index_cast %mul3A_494 : i32 to index
        %get3A_503 = tpu.vector_load %arg21[%get3A] {strides = array<i32>} : memref<240xf32, #tpu.memory_space<vmem>>, vector<16xf32>,
        %get3A_504 = vector.shape_cast %get3A_503 : vector<16xf32> to vector<16xf32>
        %get3A_505 = arith.index_cast %mul3A_494 : i32 to index
        %get3A_506 = tpu.vector_load %arg22[%get3A_505] {strides = array<i32>} : memref<240xf32, #tpu.memory_space<vmem>>, vector<16xf32>,
        %get3A_507 = vector.shape_cast %get3A_506 : vector<16xf32> to vector<16xf32>
        %get3A_508 = arith.index_cast %mul3A_494 : i32 to index
        %get3A_509 = tpu.vector_load %arg23[%get3A_508] {strides = array<i32>} : memref<240xf32, #tpu.memory_space<vmem>>, vector<16xf32>,
        %get3A_510 = vector.shape_cast %get3A_509 : vector<16xf32> to vector<16xf32>
        %get3A_511 = arith.index_cast %add3A_498 : i32 to index
        %get3A_512 = tpu.vector_load %arg21[%get3A_511] {strides = array<i32>} : memref<240xf32, #tpu.memory_space<vmem>>, vector<16xf32>,
        %get3A_513 = vector.shape_cast %get3A_512 : vector<16xf32> to vector<16xf32>
        %get3A_514 = arith.index_cast %add3A_498 : i32 to index
        %get3A_515 = tpu.vector_load %arg22[%get3A_514] {strides = array<i32>} : memref<240xf32, #tpu.memory_space<vmem>>, vector<16xf32>,
        %get3A_516 = vector.shape_cast %get3A_515 : vector<16xf32> to vector<16xf32>
        %get3A_517 = arith.index_cast %add3A_498 : i32 to index
        %get3A_518 = tpu.vector_load %arg23[%get3A_517] {strides = array<i32>} : memref<240xf32, #tpu.memory_space<vmem>>, vector<16xf32>,
        %get3A_519 = vector.shape_cast %get3A_518 : vector<16xf32> to vector<16xf32>
        %get3A_520 = arith.index_cast %add3A_502 : i32 to index
        %get3A_521 = tpu.vector_load %arg21[%get3A_520] {strides = array<i32>} : memref<240xf32, #tpu.memory_space<vmem>>, vector<16xf32>,
        %get3A_522 = vector.shape_cast %get3A_521 : vector<16xf32> to vector<16xf32>
        %get3A_523 = arith.index_cast %add3A_502 : i32 to index
        %get3A_524 = tpu.vector_load %arg22[%get3A_523] {strides = array<i32>} : memref<240xf32, #tpu.memory_space<vmem>>, vector<16xf32>,
        %get3A_525 = vector.shape_cast %get3A_524 : vector<16xf32> to vector<16xf32>
        %get3A_526 = arith.index_cast %add3A_502 : i32 to index
        %get3A_527 = tpu.vector_load %arg23[%get3A_526] {strides = array<i32>} : memref<240xf32, #tpu.memory_space<vmem>>, vector<16xf32>,
        %get3A_528 = vector.shape_cast %get3A_527 : vector<16xf32> to vector<16xf32>
        %sub3A = arith.subf %get3A_513, %get3A_504 : vector<16xf32>
        %sub3A_529 = arith.subf %get3A_516, %get3A_507 : vector<16xf32>
        %sub3A_530 = arith.subf %get3A_519, %get3A_510 : vector<16xf32>
        %sub3A_531 = arith.subf %get3A_522, %get3A_504 : vector<16xf32>
        %sub3A_532 = arith.subf %get3A_525, %get3A_507 : vector<16xf32>
        %sub3A_533 = arith.subf %get3A_528, %get3A_510 : vector<16xf32>
        %mul3A_534 = arith.mulf %sub3A_529, %sub3A_533 : vector<16xf32>
        %mul3A_535 = arith.mulf %sub3A_530, %sub3A_532 : vector<16xf32>
        %sub3A_536 = arith.subf %mul3A_534, %mul3A_535 : vector<16xf32>
        %mul3A_537 = arith.mulf %sub3A_530, %sub3A_531 : vector<16xf32>
        %mul3A_538 = arith.mulf %sub3A, %sub3A_533 : vector<16xf32>
        %sub3A_539 = arith.subf %mul3A_537, %mul3A_538 : vector<16xf32>
        %mul3A_540 = arith.mulf %sub3A, %sub3A_532 : vector<16xf32>
        %mul3A_541 = arith.mulf %sub3A_529, %sub3A_531 : vector<16xf32>
        %sub3A_542 = arith.subf %mul3A_540, %mul3A_541 : vector<16xf32>
        %mul3A_543 = arith.mulf %sub3A_536, %sub3A_536 : vector<16xf32>
        %mul3A_544 = arith.mulf %sub3A_539, %sub3A_539 : vector<16xf32>
        %add3A_545 = arith.addf %mul3A_543, %mul3A_544 : vector<16xf32>
        %mul3A_546 = arith.mulf %sub3A_542, %sub3A_542 : vector<16xf32>
        %add3A_547 = arith.addf %add3A_545, %mul3A_546 : vector<16xf32>
        %max3A = arith.constant 9.99999968E-21 : f32
        %max3A_548 = vector.broadcast %max3A : f32 to vector<16xf32>
        %max3A_549 = arith.maximumf %add3A_547, %max3A_548 : vector<16xf32>
        %bitcast_convert_type3A = tpu.bitcast %max3A_549 : vector<16xf32> -> vector<16xi32>
        %shift_right_arithmetic3A = arith.constant 1 : i32
        %shift_right_arithmetic3A_550 = vector.broadcast %shift_right_arithmetic3A : i32 to vector<16xi32>
        %shift_right_arithmetic3A_551 = arith.shrsi %bitcast_convert_type3A, %shift_right_arithmetic3A_550 : vector<16xi32>
        %sub3A_552 = arith.constant 1597463007 : i32
        %sub3A_553 = vector.broadcast %sub3A_552 : i32 to vector<16xi32>
        %sub3A_554 = arith.subi %sub3A_553, %shift_right_arithmetic3A_551 : vector<16xi32>
        %bitcast_convert_type3A_555 = tpu.bitcast %sub3A_554 : vector<16xi32> -> vector<16xf32>
        %mul3A_556 = arith.constant 5.000000e-01 : f32
        %mul3A_557 = vector.broadcast %mul3A_556 : f32 to vector<16xf32>
        %mul3A_558 = arith.mulf %mul3A_557, %max3A_549 : vector<16xf32>
        %mul3A_559 = arith.mulf %mul3A_558, %bitcast_convert_type3A_555 : vector<16xf32>
        %mul3A_560 = arith.mulf %mul3A_559, %bitcast_convert_type3A_555 : vector<16xf32>
        %sub3A_561 = arith.constant 1.500000e+00 : f32
        %sub3A_562 = vector.broadcast %sub3A_561 : f32 to vector<16xf32>
        %sub3A_563 = arith.subf %sub3A_562, %mul3A_560 : vector<16xf32>
        %mul3A_564 = arith.mulf %bitcast_convert_type3A_555, %sub3A_563 : vector<16xf32>
        %mul3A_565 = arith.mulf %mul3A_558, %mul3A_564 : vector<16xf32>
        %mul3A_566 = arith.mulf %mul3A_565, %mul3A_564 : vector<16xf32>
        %sub3A_567 = arith.constant 1.500000e+00 : f32
        %sub3A_568 = vector.broadcast %sub3A_567 : f32 to vector<16xf32>
        %sub3A_569 = arith.subf %sub3A_568, %mul3A_566 : vector<16xf32>
        %mul3A_570 = arith.mulf %mul3A_564, %sub3A_569 : vector<16xf32>
        %mul3A_571 = arith.mulf %mul3A_558, %mul3A_570 : vector<16xf32>
        %mul3A_572 = arith.mulf %mul3A_571, %mul3A_570 : vector<16xf32>
        %sub3A_573 = arith.constant 1.500000e+00 : f32
        %sub3A_574 = vector.broadcast %sub3A_573 : f32 to vector<16xf32>
        %sub3A_575 = arith.subf %sub3A_574, %mul3A_572 : vector<16xf32>
        %mul3A_576 = arith.mulf %mul3A_570, %sub3A_575 : vector<16xf32>
        %mul3A_577 = arith.mulf %sub3A_536, %mul3A_576 : vector<16xf32>
        %mul3A_578 = arith.mulf %sub3A_539, %mul3A_576 : vector<16xf32>
        %mul3A_579 = arith.mulf %sub3A_542, %mul3A_576 : vector<16xf32>
        %neg3A = arith.constant 0.000000e+00 : f32
        %neg3A_580 = vector.broadcast %neg3A : f32 to vector<16xf32>
        %neg3A_581 = arith.subf %neg3A_580, %sub3A : vector<16xf32>
        %neg3A_582 = arith.constant 0.000000e+00 : f32
        %neg3A_583 = vector.broadcast %neg3A_582 : f32 to vector<16xf32>
        %neg3A_584 = arith.subf %neg3A_583, %sub3A_529 : vector<16xf32>
        %neg3A_585 = arith.constant 0.000000e+00 : f32
        %neg3A_586 = vector.broadcast %neg3A_585 : f32 to vector<16xf32>
        %neg3A_587 = arith.subf %neg3A_586, %sub3A_530 : vector<16xf32>
        %sub3A_588 = arith.subf %sub3A, %sub3A_531 : vector<16xf32>
        %sub3A_589 = arith.subf %sub3A_529, %sub3A_532 : vector<16xf32>
        %sub3A_590 = arith.subf %sub3A_530, %sub3A_533 : vector<16xf32>
        %lt3A_591 = arith.constant 0 : i32
        %lt3A_592 = vector.broadcast %lt3A_591 : i32 to vector<16xi32>
        %lt3A_593 = arith.cmpi slt, %select_n3A_197, %lt3A_592 : vector<16xi32>
        %add3A_594 = arith.constant 16 : i32
        %add3A_595 = vector.broadcast %add3A_594 : i32 to vector<16xi32>
        %add3A_596 = arith.addi %select_n3A_197, %add3A_595 : vector<16xi32>
        %select_n3A_597 = arith.select %lt3A_593, %add3A_596, %select_n3A_197 : vector<16xi1>, vector<16xi32>
        %broadcast_in_dim3A_598 = vector.shape_cast %select_n3A_597 : vector<16xi32> to vector<16x1xi32>
        %gather3A = vector.shape_cast %broadcast_in_dim3A_598 : vector<16x1xi32> to vector<16xi32>
        %gather3A_599 = tpu.dynamic_gather %sub3A_533[%gather3A] in [0] : vector<16xf32>, vector<16xi32> -> vector<16xf32>
        %select_n3A_600 = arith.select %eq3A_221, %mul3A_577, %gather3A_599 : vector<16xi1>, vector<16xf32>
        %lt3A_601 = arith.constant 0 : i32
        %lt3A_602 = vector.broadcast %lt3A_601 : i32 to vector<16xi32>
        %lt3A_603 = arith.cmpi slt, %select_n3A_172, %lt3A_602 : vector<16xi32>
        %add3A_604 = arith.constant 16 : i32
        %add3A_605 = vector.broadcast %add3A_604 : i32 to vector<16xi32>
        %add3A_606 = arith.addi %select_n3A_172, %add3A_605 : vector<16xi32>
        %select_n3A_607 = arith.select %lt3A_603, %add3A_606, %select_n3A_172 : vector<16xi1>, vector<16xi32>
        %broadcast_in_dim3A_608 = vector.shape_cast %select_n3A_607 : vector<16xi32> to vector<16x1xi32>
        %gather3A_609 = vector.shape_cast %broadcast_in_dim3A_608 : vector<16x1xi32> to vector<16xi32>
        %gather3A_610 = tpu.dynamic_gather %mul3A_577[%gather3A_609] in [0] : vector<16xf32>, vector<16xi32> -> vector<16xf32>
        %select_n3A_611 = arith.select %eq3A_221, %gather3A_610, %sub3A_533 : vector<16xi1>, vector<16xf32>
        %lt3A_612 = arith.constant 0 : i32
        %lt3A_613 = vector.broadcast %lt3A_612 : i32 to vector<16xi32>
        %lt3A_614 = arith.cmpi slt, %select_n3A_197, %lt3A_613 : vector<16xi32>
        %add3A_615 = arith.constant 16 : i32
        %add3A_616 = vector.broadcast %add3A_615 : i32 to vector<16xi32>
        %add3A_617 = arith.addi %select_n3A_197, %add3A_616 : vector<16xi32>
        %select_n3A_618 = arith.select %lt3A_614, %add3A_617, %select_n3A_197 : vector<16xi1>, vector<16xi32>
        %broadcast_in_dim3A_619 = vector.shape_cast %select_n3A_618 : vector<16xi32> to vector<16x1xi32>
        %gather3A_620 = vector.shape_cast %broadcast_in_dim3A_619 : vector<16x1xi32> to vector<16xi32>
        %gather3A_621 = tpu.dynamic_gather %neg3A_581[%gather3A_620] in [0] : vector<16xf32>, vector<16xi32> -> vector<16xf32>
        %select_n3A_622 = arith.select %eq3A_221, %mul3A_578, %gather3A_621 : vector<16xi1>, vector<16xf32>
        %lt3A_623 = arith.constant 0 : i32
        %lt3A_624 = vector.broadcast %lt3A_623 : i32 to vector<16xi32>
        %lt3A_625 = arith.cmpi slt, %select_n3A_172, %lt3A_624 : vector<16xi32>
        %add3A_626 = arith.constant 16 : i32
        %add3A_627 = vector.broadcast %add3A_626 : i32 to vector<16xi32>
        %add3A_628 = arith.addi %select_n3A_172, %add3A_627 : vector<16xi32>
        %select_n3A_629 = arith.select %lt3A_625, %add3A_628, %select_n3A_172 : vector<16xi1>, vector<16xi32>
        %broadcast_in_dim3A_630 = vector.shape_cast %select_n3A_629 : vector<16xi32> to vector<16x1xi32>
        %gather3A_631 = vector.shape_cast %broadcast_in_dim3A_630 : vector<16x1xi32> to vector<16xi32>
        %gather3A_632 = tpu.dynamic_gather %mul3A_578[%gather3A_631] in [0] : vector<16xf32>, vector<16xi32> -> vector<16xf32>
        %select_n3A_633 = arith.select %eq3A_221, %gather3A_632, %neg3A_581 : vector<16xi1>, vector<16xf32>
        %lt3A_634 = arith.constant 0 : i32
        %lt3A_635 = vector.broadcast %lt3A_634 : i32 to vector<16xi32>
        %lt3A_636 = arith.cmpi slt, %select_n3A_197, %lt3A_635 : vector<16xi32>
        %add3A_637 = arith.constant 16 : i32
        %add3A_638 = vector.broadcast %add3A_637 : i32 to vector<16xi32>
        %add3A_639 = arith.addi %select_n3A_197, %add3A_638 : vector<16xi32>
        %select_n3A_640 = arith.select %lt3A_636, %add3A_639, %select_n3A_197 : vector<16xi1>, vector<16xi32>
        %broadcast_in_dim3A_641 = vector.shape_cast %select_n3A_640 : vector<16xi32> to vector<16x1xi32>
        %gather3A_642 = vector.shape_cast %broadcast_in_dim3A_641 : vector<16x1xi32> to vector<16xi32>
        %gather3A_643 = tpu.dynamic_gather %neg3A_584[%gather3A_642] in [0] : vector<16xf32>, vector<16xi32> -> vector<16xf32>
        %select_n3A_644 = arith.select %eq3A_221, %mul3A_579, %gather3A_643 : vector<16xi1>, vector<16xf32>
        %lt3A_645 = arith.constant 0 : i32
        %lt3A_646 = vector.broadcast %lt3A_645 : i32 to vector<16xi32>
        %lt3A_647 = arith.cmpi slt, %select_n3A_172, %lt3A_646 : vector<16xi32>
        %add3A_648 = arith.constant 16 : i32
        %add3A_649 = vector.broadcast %add3A_648 : i32 to vector<16xi32>
        %add3A_650 = arith.addi %select_n3A_172, %add3A_649 : vector<16xi32>
        %select_n3A_651 = arith.select %lt3A_647, %add3A_650, %select_n3A_172 : vector<16xi1>, vector<16xi32>
        %broadcast_in_dim3A_652 = vector.shape_cast %select_n3A_651 : vector<16xi32> to vector<16x1xi32>
        %gather3A_653 = vector.shape_cast %broadcast_in_dim3A_652 : vector<16x1xi32> to vector<16xi32>
        %gather3A_654 = tpu.dynamic_gather %mul3A_579[%gather3A_653] in [0] : vector<16xf32>, vector<16xi32> -> vector<16xf32>
        %select_n3A_655 = arith.select %eq3A_221, %gather3A_654, %neg3A_584 : vector<16xi1>, vector<16xf32>
        %lt3A_656 = arith.constant 0 : i32
        %lt3A_657 = vector.broadcast %lt3A_656 : i32 to vector<16xi32>
        %lt3A_658 = arith.cmpi slt, %select_n3A_197, %lt3A_657 : vector<16xi32>
        %add3A_659 = arith.constant 16 : i32
        %add3A_660 = vector.broadcast %add3A_659 : i32 to vector<16xi32>
        %add3A_661 = arith.addi %select_n3A_197, %add3A_660 : vector<16xi32>
        %select_n3A_662 = arith.select %lt3A_658, %add3A_661, %select_n3A_197 : vector<16xi1>, vector<16xi32>
        %broadcast_in_dim3A_663 = vector.shape_cast %select_n3A_662 : vector<16xi32> to vector<16x1xi32>
        %gather3A_664 = vector.shape_cast %broadcast_in_dim3A_663 : vector<16x1xi32> to vector<16xi32>
        %gather3A_665 = tpu.dynamic_gather %neg3A_587[%gather3A_664] in [0] : vector<16xf32>, vector<16xi32> -> vector<16xf32>
        %select_n3A_666 = arith.select %eq3A_221, %sub3A_536, %gather3A_665 : vector<16xi1>, vector<16xf32>
        %lt3A_667 = arith.constant 0 : i32
        %lt3A_668 = vector.broadcast %lt3A_667 : i32 to vector<16xi32>
        %lt3A_669 = arith.cmpi slt, %select_n3A_172, %lt3A_668 : vector<16xi32>
        %add3A_670 = arith.constant 16 : i32
        %add3A_671 = vector.broadcast %add3A_670 : i32 to vector<16xi32>
        %add3A_672 = arith.addi %select_n3A_172, %add3A_671 : vector<16xi32>
        %select_n3A_673 = arith.select %lt3A_669, %add3A_672, %select_n3A_172 : vector<16xi1>, vector<16xi32>
        %broadcast_in_dim3A_674 = vector.shape_cast %select_n3A_673 : vector<16xi32> to vector<16x1xi32>
        %gather3A_675 = vector.shape_cast %broadcast_in_dim3A_674 : vector<16x1xi32> to vector<16xi32>
        %gather3A_676 = tpu.dynamic_gather %sub3A_536[%gather3A_675] in [0] : vector<16xf32>, vector<16xi32> -> vector<16xf32>
        %select_n3A_677 = arith.select %eq3A_221, %gather3A_676, %neg3A_587 : vector<16xi1>, vector<16xf32>
        %lt3A_678 = arith.constant 0 : i32
        %lt3A_679 = vector.broadcast %lt3A_678 : i32 to vector<16xi32>
        %lt3A_680 = arith.cmpi slt, %select_n3A_197, %lt3A_679 : vector<16xi32>
        %add3A_681 = arith.constant 16 : i32
        %add3A_682 = vector.broadcast %add3A_681 : i32 to vector<16xi32>
        %add3A_683 = arith.addi %select_n3A_197, %add3A_682 : vector<16xi32>
        %select_n3A_684 = arith.select %lt3A_680, %add3A_683, %select_n3A_197 : vector<16xi1>, vector<16xi32>
        %broadcast_in_dim3A_685 = vector.shape_cast %select_n3A_684 : vector<16xi32> to vector<16x1xi32>
        %gather3A_686 = vector.shape_cast %broadcast_in_dim3A_685 : vector<16x1xi32> to vector<16xi32>
        %gather3A_687 = tpu.dynamic_gather %sub3A_588[%gather3A_686] in [0] : vector<16xf32>, vector<16xi32> -> vector<16xf32>
        %select_n3A_688 = arith.select %eq3A_221, %sub3A_539, %gather3A_687 : vector<16xi1>, vector<16xf32>
        %lt3A_689 = arith.constant 0 : i32
        %lt3A_690 = vector.broadcast %lt3A_689 : i32 to vector<16xi32>
        %lt3A_691 = arith.cmpi slt, %select_n3A_172, %lt3A_690 : vector<16xi32>
        %add3A_692 = arith.constant 16 : i32
        %add3A_693 = vector.broadcast %add3A_692 : i32 to vector<16xi32>
        %add3A_694 = arith.addi %select_n3A_172, %add3A_693 : vector<16xi32>
        %select_n3A_695 = arith.select %lt3A_691, %add3A_694, %select_n3A_172 : vector<16xi1>, vector<16xi32>
        %broadcast_in_dim3A_696 = vector.shape_cast %select_n3A_695 : vector<16xi32> to vector<16x1xi32>
        %gather3A_697 = vector.shape_cast %broadcast_in_dim3A_696 : vector<16x1xi32> to vector<16xi32>
        %gather3A_698 = tpu.dynamic_gather %sub3A_539[%gather3A_697] in [0] : vector<16xf32>, vector<16xi32> -> vector<16xf32>
        %select_n3A_699 = arith.select %eq3A_221, %gather3A_698, %sub3A_588 : vector<16xi1>, vector<16xf32>
        %lt3A_700 = arith.constant 0 : i32
        %lt3A_701 = vector.broadcast %lt3A_700 : i32 to vector<16xi32>
        %lt3A_702 = arith.cmpi slt, %select_n3A_197, %lt3A_701 : vector<16xi32>
        %add3A_703 = arith.constant 16 : i32
        %add3A_704 = vector.broadcast %add3A_703 : i32 to vector<16xi32>
        %add3A_705 = arith.addi %select_n3A_197, %add3A_704 : vector<16xi32>
        %select_n3A_706 = arith.select %lt3A_702, %add3A_705, %select_n3A_197 : vector<16xi1>, vector<16xi32>
        %broadcast_in_dim3A_707 = vector.shape_cast %select_n3A_706 : vector<16xi32> to vector<16x1xi32>
        %gather3A_708 = vector.shape_cast %broadcast_in_dim3A_707 : vector<16x1xi32> to vector<16xi32>
        %gather3A_709 = tpu.dynamic_gather %sub3A_589[%gather3A_708] in [0] : vector<16xf32>, vector<16xi32> -> vector<16xf32>
        %select_n3A_710 = arith.select %eq3A_221, %sub3A_542, %gather3A_709 : vector<16xi1>, vector<16xf32>
        %lt3A_711 = arith.constant 0 : i32
        %lt3A_712 = vector.broadcast %lt3A_711 : i32 to vector<16xi32>
        %lt3A_713 = arith.cmpi slt, %select_n3A_172, %lt3A_712 : vector<16xi32>
        %add3A_714 = arith.constant 16 : i32
        %add3A_715 = vector.broadcast %add3A_714 : i32 to vector<16xi32>
        %add3A_716 = arith.addi %select_n3A_172, %add3A_715 : vector<16xi32>
        %select_n3A_717 = arith.select %lt3A_713, %add3A_716, %select_n3A_172 : vector<16xi1>, vector<16xi32>
        %broadcast_in_dim3A_718 = vector.shape_cast %select_n3A_717 : vector<16xi32> to vector<16x1xi32>
        %gather3A_719 = vector.shape_cast %broadcast_in_dim3A_718 : vector<16x1xi32> to vector<16xi32>
        %gather3A_720 = tpu.dynamic_gather %sub3A_542[%gather3A_719] in [0] : vector<16xf32>, vector<16xi32> -> vector<16xf32>
        %select_n3A_721 = arith.select %eq3A_221, %gather3A_720, %sub3A_589 : vector<16xi1>, vector<16xf32>
        %lt3A_722 = arith.constant 0 : i32
        %lt3A_723 = vector.broadcast %lt3A_722 : i32 to vector<16xi32>
        %lt3A_724 = arith.cmpi slt, %select_n3A_197, %lt3A_723 : vector<16xi32>
        %add3A_725 = arith.constant 16 : i32
        %add3A_726 = vector.broadcast %add3A_725 : i32 to vector<16xi32>
        %add3A_727 = arith.addi %select_n3A_197, %add3A_726 : vector<16xi32>
        %select_n3A_728 = arith.select %lt3A_724, %add3A_727, %select_n3A_197 : vector<16xi1>, vector<16xi32>
        %broadcast_in_dim3A_729 = vector.shape_cast %select_n3A_728 : vector<16xi32> to vector<16x1xi32>
        %gather3A_730 = vector.shape_cast %broadcast_in_dim3A_729 : vector<16x1xi32> to vector<16xi32>
        %gather3A_731 = tpu.dynamic_gather %sub3A_590[%gather3A_730] in [0] : vector<16xf32>, vector<16xi32> -> vector<16xf32>
        %select_n3A_732 = arith.select %eq3A_221, %sub3A_531, %gather3A_731 : vector<16xi1>, vector<16xf32>
        %lt3A_733 = arith.constant 0 : i32
        %lt3A_734 = vector.broadcast %lt3A_733 : i32 to vector<16xi32>
        %lt3A_735 = arith.cmpi slt, %select_n3A_172, %lt3A_734 : vector<16xi32>
        %add3A_736 = arith.constant 16 : i32
        %add3A_737 = vector.broadcast %add3A_736 : i32 to vector<16xi32>
        %add3A_738 = arith.addi %select_n3A_172, %add3A_737 : vector<16xi32>
        %select_n3A_739 = arith.select %lt3A_735, %add3A_738, %select_n3A_172 : vector<16xi1>, vector<16xi32>
        %broadcast_in_dim3A_740 = vector.shape_cast %select_n3A_739 : vector<16xi32> to vector<16x1xi32>
        %gather3A_741 = vector.shape_cast %broadcast_in_dim3A_740 : vector<16x1xi32> to vector<16xi32>
        %gather3A_742 = tpu.dynamic_gather %sub3A_531[%gather3A_741] in [0] : vector<16xf32>, vector<16xi32> -> vector<16xf32>
        %select_n3A_743 = arith.select %eq3A_221, %gather3A_742, %sub3A_590 : vector<16xi1>, vector<16xf32>
        %lt3A_744 = arith.constant 0 : i32
        %lt3A_745 = vector.broadcast %lt3A_744 : i32 to vector<16xi32>
        %lt3A_746 = arith.cmpi slt, %select_n3A_197, %lt3A_745 : vector<16xi32>
        %add3A_747 = arith.constant 16 : i32
        %add3A_748 = vector.broadcast %add3A_747 : i32 to vector<16xi32>
        %add3A_749 = arith.addi %select_n3A_197, %add3A_748 : vector<16xi32>
        %select_n3A_750 = arith.select %lt3A_746, %add3A_749, %select_n3A_197 : vector<16xi1>, vector<16xi32>
        %broadcast_in_dim3A_751 = vector.shape_cast %select_n3A_750 : vector<16xi32> to vector<16x1xi32>
        %gather3A_752 = vector.shape_cast %broadcast_in_dim3A_751 : vector<16x1xi32> to vector<16xi32>
        %gather3A_753 = tpu.dynamic_gather %broadcast_in_dim3A_251[%gather3A_752] in [0] : vector<16xf32>, vector<16xi32> -> vector<16xf32>
        %select_n3A_754 = arith.select %eq3A_221, %sub3A_532, %gather3A_753 : vector<16xi1>, vector<16xf32>
        %lt3A_755 = arith.constant 0 : i32
        %lt3A_756 = vector.broadcast %lt3A_755 : i32 to vector<16xi32>
        %lt3A_757 = arith.cmpi slt, %select_n3A_172, %lt3A_756 : vector<16xi32>
        %add3A_758 = arith.constant 16 : i32
        %add3A_759 = vector.broadcast %add3A_758 : i32 to vector<16xi32>
        %add3A_760 = arith.addi %select_n3A_172, %add3A_759 : vector<16xi32>
        %select_n3A_761 = arith.select %lt3A_757, %add3A_760, %select_n3A_172 : vector<16xi1>, vector<16xi32>
        %broadcast_in_dim3A_762 = vector.shape_cast %select_n3A_761 : vector<16xi32> to vector<16x1xi32>
        %gather3A_763 = vector.shape_cast %broadcast_in_dim3A_762 : vector<16x1xi32> to vector<16xi32>
        %gather3A_764 = tpu.dynamic_gather %sub3A_532[%gather3A_763] in [0] : vector<16xf32>, vector<16xi32> -> vector<16xf32>
        %select_n3A_765 = arith.select %eq3A_221, %gather3A_764, %broadcast_in_dim3A_251 : vector<16xi1>, vector<16xf32>
        %lt3A_766 = arith.constant 0 : i32
        %lt3A_767 = vector.broadcast %lt3A_766 : i32 to vector<16xi32>
        %lt3A_768 = arith.cmpi slt, %select_n3A_147, %lt3A_767 : vector<16xi32>
        %add3A_769 = arith.constant 16 : i32
        %add3A_770 = vector.broadcast %add3A_769 : i32 to vector<16xi32>
        %add3A_771 = arith.addi %select_n3A_147, %add3A_770 : vector<16xi32>
        %select_n3A_772 = arith.select %lt3A_768, %add3A_771, %select_n3A_147 : vector<16xi1>, vector<16xi32>
        %broadcast_in_dim3A_773 = vector.shape_cast %select_n3A_772 : vector<16xi32> to vector<16x1xi32>
        %gather3A_774 = vector.shape_cast %broadcast_in_dim3A_773 : vector<16x1xi32> to vector<16xi32>
        %gather3A_775 = tpu.dynamic_gather %select_n3A_688[%gather3A_774] in [0] : vector<16xf32>, vector<16xi32> -> vector<16xf32>
        %select_n3A_776 = arith.select %eq3A_215, %select_n3A_600, %gather3A_775 : vector<16xi1>, vector<16xf32>
        %lt3A_777 = arith.constant 0 : i32
        %lt3A_778 = vector.broadcast %lt3A_777 : i32 to vector<16xi32>
        %lt3A_779 = arith.cmpi slt, %select_n3A_122, %lt3A_778 : vector<16xi32>
        %add3A_780 = arith.constant 16 : i32
        %add3A_781 = vector.broadcast %add3A_780 : i32 to vector<16xi32>
        %add3A_782 = arith.addi %select_n3A_122, %add3A_781 : vector<16xi32>
        %select_n3A_783 = arith.select %lt3A_779, %add3A_782, %select_n3A_122 : vector<16xi1>, vector<16xi32>
        %broadcast_in_dim3A_784 = vector.shape_cast %select_n3A_783 : vector<16xi32> to vector<16x1xi32>
        %gather3A_785 = vector.shape_cast %broadcast_in_dim3A_784 : vector<16x1xi32> to vector<16xi32>
        %gather3A_786 = tpu.dynamic_gather %select_n3A_600[%gather3A_785] in [0] : vector<16xf32>, vector<16xi32> -> vector<16xf32>
        %select_n3A_787 = arith.select %eq3A_215, %gather3A_786, %select_n3A_688 : vector<16xi1>, vector<16xf32>
        %lt3A_788 = arith.constant 0 : i32
        %lt3A_789 = vector.broadcast %lt3A_788 : i32 to vector<16xi32>
        %lt3A_790 = arith.cmpi slt, %select_n3A_147, %lt3A_789 : vector<16xi32>
        %add3A_791 = arith.constant 16 : i32
        %add3A_792 = vector.broadcast %add3A_791 : i32 to vector<16xi32>
        %add3A_793 = arith.addi %select_n3A_147, %add3A_792 : vector<16xi32>
        %select_n3A_794 = arith.select %lt3A_790, %add3A_793, %select_n3A_147 : vector<16xi1>, vector<16xi32>
        %broadcast_in_dim3A_795 = vector.shape_cast %select_n3A_794 : vector<16xi32> to vector<16x1xi32>
        %gather3A_796 = vector.shape_cast %broadcast_in_dim3A_795 : vector<16x1xi32> to vector<16xi32>
        %gather3A_797 = tpu.dynamic_gather %select_n3A_710[%gather3A_796] in [0] : vector<16xf32>, vector<16xi32> -> vector<16xf32>
        %select_n3A_798 = arith.select %eq3A_215, %select_n3A_622, %gather3A_797 : vector<16xi1>, vector<16xf32>
        %lt3A_799 = arith.constant 0 : i32
        %lt3A_800 = vector.broadcast %lt3A_799 : i32 to vector<16xi32>
        %lt3A_801 = arith.cmpi slt, %select_n3A_122, %lt3A_800 : vector<16xi32>
        %add3A_802 = arith.constant 16 : i32
        %add3A_803 = vector.broadcast %add3A_802 : i32 to vector<16xi32>
        %add3A_804 = arith.addi %select_n3A_122, %add3A_803 : vector<16xi32>
        %select_n3A_805 = arith.select %lt3A_801, %add3A_804, %select_n3A_122 : vector<16xi1>, vector<16xi32>
        %broadcast_in_dim3A_806 = vector.shape_cast %select_n3A_805 : vector<16xi32> to vector<16x1xi32>
        %gather3A_807 = vector.shape_cast %broadcast_in_dim3A_806 : vector<16x1xi32> to vector<16xi32>
        %gather3A_808 = tpu.dynamic_gather %select_n3A_622[%gather3A_807] in [0] : vector<16xf32>, vector<16xi32> -> vector<16xf32>
        %select_n3A_809 = arith.select %eq3A_215, %gather3A_808, %select_n3A_710 : vector<16xi1>, vector<16xf32>
        %lt3A_810 = arith.constant 0 : i32
        %lt3A_811 = vector.broadcast %lt3A_810 : i32 to vector<16xi32>
        %lt3A_812 = arith.cmpi slt, %select_n3A_147, %lt3A_811 : vector<16xi32>
        %add3A_813 = arith.constant 16 : i32
        %add3A_814 = vector.broadcast %add3A_813 : i32 to vector<16xi32>
        %add3A_815 = arith.addi %select_n3A_147, %add3A_814 : vector<16xi32>
        %select_n3A_816 = arith.select %lt3A_812, %add3A_815, %select_n3A_147 : vector<16xi1>, vector<16xi32>
        %broadcast_in_dim3A_817 = vector.shape_cast %select_n3A_816 : vector<16xi32> to vector<16x1xi32>
        %gather3A_818 = vector.shape_cast %broadcast_in_dim3A_817 : vector<16x1xi32> to vector<16xi32>
        %gather3A_819 = tpu.dynamic_gather %select_n3A_732[%gather3A_818] in [0] : vector<16xf32>, vector<16xi32> -> vector<16xf32>
        %select_n3A_820 = arith.select %eq3A_215, %select_n3A_644, %gather3A_819 : vector<16xi1>, vector<16xf32>
        %lt3A_821 = arith.constant 0 : i32
        %lt3A_822 = vector.broadcast %lt3A_821 : i32 to vector<16xi32>
        %lt3A_823 = arith.cmpi slt, %select_n3A_122, %lt3A_822 : vector<16xi32>
        %add3A_824 = arith.constant 16 : i32
        %add3A_825 = vector.broadcast %add3A_824 : i32 to vector<16xi32>
        %add3A_826 = arith.addi %select_n3A_122, %add3A_825 : vector<16xi32>
        %select_n3A_827 = arith.select %lt3A_823, %add3A_826, %select_n3A_122 : vector<16xi1>, vector<16xi32>
        %broadcast_in_dim3A_828 = vector.shape_cast %select_n3A_827 : vector<16xi32> to vector<16x1xi32>
        %gather3A_829 = vector.shape_cast %broadcast_in_dim3A_828 : vector<16x1xi32> to vector<16xi32>
        %gather3A_830 = tpu.dynamic_gather %select_n3A_644[%gather3A_829] in [0] : vector<16xf32>, vector<16xi32> -> vector<16xf32>
        %select_n3A_831 = arith.select %eq3A_215, %gather3A_830, %select_n3A_732 : vector<16xi1>, vector<16xf32>
        %lt3A_832 = arith.constant 0 : i32
        %lt3A_833 = vector.broadcast %lt3A_832 : i32 to vector<16xi32>
        %lt3A_834 = arith.cmpi slt, %select_n3A_147, %lt3A_833 : vector<16xi32>
        %add3A_835 = arith.constant 16 : i32
        %add3A_836 = vector.broadcast %add3A_835 : i32 to vector<16xi32>
        %add3A_837 = arith.addi %select_n3A_147, %add3A_836 : vector<16xi32>
        %select_n3A_838 = arith.select %lt3A_834, %add3A_837, %select_n3A_147 : vector<16xi1>, vector<16xi32>
        %broadcast_in_dim3A_839 = vector.shape_cast %select_n3A_838 : vector<16xi32> to vector<16x1xi32>
        %gather3A_840 = vector.shape_cast %broadcast_in_dim3A_839 : vector<16x1xi32> to vector<16xi32>
        %gather3A_841 = tpu.dynamic_gather %select_n3A_754[%gather3A_840] in [0] : vector<16xf32>, vector<16xi32> -> vector<16xf32>
        %select_n3A_842 = arith.select %eq3A_215, %select_n3A_666, %gather3A_841 : vector<16xi1>, vector<16xf32>
        %lt3A_843 = arith.constant 0 : i32
        %lt3A_844 = vector.broadcast %lt3A_843 : i32 to vector<16xi32>
        %lt3A_845 = arith.cmpi slt, %select_n3A_122, %lt3A_844 : vector<16xi32>
        %add3A_846 = arith.constant 16 : i32
        %add3A_847 = vector.broadcast %add3A_846 : i32 to vector<16xi32>
        %add3A_848 = arith.addi %select_n3A_122, %add3A_847 : vector<16xi32>
        %select_n3A_849 = arith.select %lt3A_845, %add3A_848, %select_n3A_122 : vector<16xi1>, vector<16xi32>
        %broadcast_in_dim3A_850 = vector.shape_cast %select_n3A_849 : vector<16xi32> to vector<16x1xi32>
        %gather3A_851 = vector.shape_cast %broadcast_in_dim3A_850 : vector<16x1xi32> to vector<16xi32>
        %gather3A_852 = tpu.dynamic_gather %select_n3A_666[%gather3A_851] in [0] : vector<16xf32>, vector<16xi32> -> vector<16xf32>
        %select_n3A_853 = arith.select %eq3A_215, %gather3A_852, %select_n3A_754 : vector<16xi1>, vector<16xf32>
        %lt3A_854 = arith.constant 0 : i32
        %lt3A_855 = vector.broadcast %lt3A_854 : i32 to vector<16xi32>
        %lt3A_856 = arith.cmpi slt, %select_n3A_147, %lt3A_855 : vector<16xi32>
        %add3A_857 = arith.constant 16 : i32
        %add3A_858 = vector.broadcast %add3A_857 : i32 to vector<16xi32>
        %add3A_859 = arith.addi %select_n3A_147, %add3A_858 : vector<16xi32>
        %select_n3A_860 = arith.select %lt3A_856, %add3A_859, %select_n3A_147 : vector<16xi1>, vector<16xi32>
        %broadcast_in_dim3A_861 = vector.shape_cast %select_n3A_860 : vector<16xi32> to vector<16x1xi32>
        %gather3A_862 = vector.shape_cast %broadcast_in_dim3A_861 : vector<16x1xi32> to vector<16xi32>
        %gather3A_863 = tpu.dynamic_gather %select_n3A_699[%gather3A_862] in [0] : vector<16xf32>, vector<16xi32> -> vector<16xf32>
        %select_n3A_864 = arith.select %eq3A_215, %select_n3A_611, %gather3A_863 : vector<16xi1>, vector<16xf32>
        %lt3A_865 = arith.constant 0 : i32
        %lt3A_866 = vector.broadcast %lt3A_865 : i32 to vector<16xi32>
        %lt3A_867 = arith.cmpi slt, %select_n3A_122, %lt3A_866 : vector<16xi32>
        %add3A_868 = arith.constant 16 : i32
        %add3A_869 = vector.broadcast %add3A_868 : i32 to vector<16xi32>
        %add3A_870 = arith.addi %select_n3A_122, %add3A_869 : vector<16xi32>
        %select_n3A_871 = arith.select %lt3A_867, %add3A_870, %select_n3A_122 : vector<16xi1>, vector<16xi32>
        %broadcast_in_dim3A_872 = vector.shape_cast %select_n3A_871 : vector<16xi32> to vector<16x1xi32>
        %gather3A_873 = vector.shape_cast %broadcast_in_dim3A_872 : vector<16x1xi32> to vector<16xi32>
        %gather3A_874 = tpu.dynamic_gather %select_n3A_611[%gather3A_873] in [0] : vector<16xf32>, vector<16xi32> -> vector<16xf32>
        %select_n3A_875 = arith.select %eq3A_215, %gather3A_874, %select_n3A_699 : vector<16xi1>, vector<16xf32>
        %lt3A_876 = arith.constant 0 : i32
        %lt3A_877 = vector.broadcast %lt3A_876 : i32 to vector<16xi32>
        %lt3A_878 = arith.cmpi slt, %select_n3A_147, %lt3A_877 : vector<16xi32>
        %add3A_879 = arith.constant 16 : i32
        %add3A_880 = vector.broadcast %add3A_879 : i32 to vector<16xi32>
        %add3A_881 = arith.addi %select_n3A_147, %add3A_880 : vector<16xi32>
        %select_n3A_882 = arith.select %lt3A_878, %add3A_881, %select_n3A_147 : vector<16xi1>, vector<16xi32>
        %broadcast_in_dim3A_883 = vector.shape_cast %select_n3A_882 : vector<16xi32> to vector<16x1xi32>
        %gather3A_884 = vector.shape_cast %broadcast_in_dim3A_883 : vector<16x1xi32> to vector<16xi32>
        %gather3A_885 = tpu.dynamic_gather %select_n3A_721[%gather3A_884] in [0] : vector<16xf32>, vector<16xi32> -> vector<16xf32>
        %select_n3A_886 = arith.select %eq3A_215, %select_n3A_633, %gather3A_885 : vector<16xi1>, vector<16xf32>
        %lt3A_887 = arith.constant 0 : i32
        %lt3A_888 = vector.broadcast %lt3A_887 : i32 to vector<16xi32>
        %lt3A_889 = arith.cmpi slt, %select_n3A_122, %lt3A_888 : vector<16xi32>
        %add3A_890 = arith.constant 16 : i32
        %add3A_891 = vector.broadcast %add3A_890 : i32 to vector<16xi32>
        %add3A_892 = arith.addi %select_n3A_122, %add3A_891 : vector<16xi32>
        %select_n3A_893 = arith.select %lt3A_889, %add3A_892, %select_n3A_122 : vector<16xi1>, vector<16xi32>
        %broadcast_in_dim3A_894 = vector.shape_cast %select_n3A_893 : vector<16xi32> to vector<16x1xi32>
        %gather3A_895 = vector.shape_cast %broadcast_in_dim3A_894 : vector<16x1xi32> to vector<16xi32>
        %gather3A_896 = tpu.dynamic_gather %select_n3A_633[%gather3A_895] in [0] : vector<16xf32>, vector<16xi32> -> vector<16xf32>
        %select_n3A_897 = arith.select %eq3A_215, %gather3A_896, %select_n3A_721 : vector<16xi1>, vector<16xf32>
        %lt3A_898 = arith.constant 0 : i32
        %lt3A_899 = vector.broadcast %lt3A_898 : i32 to vector<16xi32>
        %lt3A_900 = arith.cmpi slt, %select_n3A_147, %lt3A_899 : vector<16xi32>
        %add3A_901 = arith.constant 16 : i32
        %add3A_902 = vector.broadcast %add3A_901 : i32 to vector<16xi32>
        %add3A_903 = arith.addi %select_n3A_147, %add3A_902 : vector<16xi32>
        %select_n3A_904 = arith.select %lt3A_900, %add3A_903, %select_n3A_147 : vector<16xi1>, vector<16xi32>
        %broadcast_in_dim3A_905 = vector.shape_cast %select_n3A_904 : vector<16xi32> to vector<16x1xi32>
        %gather3A_906 = vector.shape_cast %broadcast_in_dim3A_905 : vector<16x1xi32> to vector<16xi32>
        %gather3A_907 = tpu.dynamic_gather %select_n3A_743[%gather3A_906] in [0] : vector<16xf32>, vector<16xi32> -> vector<16xf32>
        %select_n3A_908 = arith.select %eq3A_215, %select_n3A_655, %gather3A_907 : vector<16xi1>, vector<16xf32>
        %lt3A_909 = arith.constant 0 : i32
        %lt3A_910 = vector.broadcast %lt3A_909 : i32 to vector<16xi32>
        %lt3A_911 = arith.cmpi slt, %select_n3A_122, %lt3A_910 : vector<16xi32>
        %add3A_912 = arith.constant 16 : i32
        %add3A_913 = vector.broadcast %add3A_912 : i32 to vector<16xi32>
        %add3A_914 = arith.addi %select_n3A_122, %add3A_913 : vector<16xi32>
        %select_n3A_915 = arith.select %lt3A_911, %add3A_914, %select_n3A_122 : vector<16xi1>, vector<16xi32>
        %broadcast_in_dim3A_916 = vector.shape_cast %select_n3A_915 : vector<16xi32> to vector<16x1xi32>
        %gather3A_917 = vector.shape_cast %broadcast_in_dim3A_916 : vector<16x1xi32> to vector<16xi32>
        %gather3A_918 = tpu.dynamic_gather %select_n3A_655[%gather3A_917] in [0] : vector<16xf32>, vector<16xi32> -> vector<16xf32>
        %select_n3A_919 = arith.select %eq3A_215, %gather3A_918, %select_n3A_743 : vector<16xi1>, vector<16xf32>
        %lt3A_920 = arith.constant 0 : i32
        %lt3A_921 = vector.broadcast %lt3A_920 : i32 to vector<16xi32>
        %lt3A_922 = arith.cmpi slt, %select_n3A_147, %lt3A_921 : vector<16xi32>
        %add3A_923 = arith.constant 16 : i32
        %add3A_924 = vector.broadcast %add3A_923 : i32 to vector<16xi32>
        %add3A_925 = arith.addi %select_n3A_147, %add3A_924 : vector<16xi32>
        %select_n3A_926 = arith.select %lt3A_922, %add3A_925, %select_n3A_147 : vector<16xi1>, vector<16xi32>
        %broadcast_in_dim3A_927 = vector.shape_cast %select_n3A_926 : vector<16xi32> to vector<16x1xi32>
        %gather3A_928 = vector.shape_cast %broadcast_in_dim3A_927 : vector<16x1xi32> to vector<16xi32>
        %gather3A_929 = tpu.dynamic_gather %select_n3A_765[%gather3A_928] in [0] : vector<16xf32>, vector<16xi32> -> vector<16xf32>
        %select_n3A_930 = arith.select %eq3A_215, %select_n3A_677, %gather3A_929 : vector<16xi1>, vector<16xf32>
        %lt3A_931 = arith.constant 0 : i32
        %lt3A_932 = vector.broadcast %lt3A_931 : i32 to vector<16xi32>
        %lt3A_933 = arith.cmpi slt, %select_n3A_122, %lt3A_932 : vector<16xi32>
        %add3A_934 = arith.constant 16 : i32
        %add3A_935 = vector.broadcast %add3A_934 : i32 to vector<16xi32>
        %add3A_936 = arith.addi %select_n3A_122, %add3A_935 : vector<16xi32>
        %select_n3A_937 = arith.select %lt3A_933, %add3A_936, %select_n3A_122 : vector<16xi1>, vector<16xi32>
        %broadcast_in_dim3A_938 = vector.shape_cast %select_n3A_937 : vector<16xi32> to vector<16x1xi32>
        %gather3A_939 = vector.shape_cast %broadcast_in_dim3A_938 : vector<16x1xi32> to vector<16xi32>
        %gather3A_940 = tpu.dynamic_gather %select_n3A_677[%gather3A_939] in [0] : vector<16xf32>, vector<16xi32> -> vector<16xf32>
        %select_n3A_941 = arith.select %eq3A_215, %gather3A_940, %select_n3A_765 : vector<16xi1>, vector<16xf32>
        %lt3A_942 = arith.constant 0 : i32
        %lt3A_943 = vector.broadcast %lt3A_942 : i32 to vector<16xi32>
        %lt3A_944 = arith.cmpi slt, %select_n3A_97, %lt3A_943 : vector<16xi32>
        %add3A_945 = arith.constant 16 : i32
        %add3A_946 = vector.broadcast %add3A_945 : i32 to vector<16xi32>
        %add3A_947 = arith.addi %select_n3A_97, %add3A_946 : vector<16xi32>
        %select_n3A_948 = arith.select %lt3A_944, %add3A_947, %select_n3A_97 : vector<16xi1>, vector<16xi32>
        %broadcast_in_dim3A_949 = vector.shape_cast %select_n3A_948 : vector<16xi32> to vector<16x1xi32>
        %gather3A_950 = vector.shape_cast %broadcast_in_dim3A_949 : vector<16x1xi32> to vector<16xi32>
        %gather3A_951 = tpu.dynamic_gather %select_n3A_820[%gather3A_950] in [0] : vector<16xf32>, vector<16xi32> -> vector<16xf32>
        %select_n3A_952 = arith.select %eq3A_209, %select_n3A_776, %gather3A_951 : vector<16xi1>, vector<16xf32>
        %lt3A_953 = arith.constant 0 : i32
        %lt3A_954 = vector.broadcast %lt3A_953 : i32 to vector<16xi32>
        %lt3A_955 = arith.cmpi slt, %select_n3A_72, %lt3A_954 : vector<16xi32>
        %add3A_956 = arith.constant 16 : i32
        %add3A_957 = vector.broadcast %add3A_956 : i32 to vector<16xi32>
        %add3A_958 = arith.addi %select_n3A_72, %add3A_957 : vector<16xi32>
        %select_n3A_959 = arith.select %lt3A_955, %add3A_958, %select_n3A_72 : vector<16xi1>, vector<16xi32>
        %broadcast_in_dim3A_960 = vector.shape_cast %select_n3A_959 : vector<16xi32> to vector<16x1xi32>
        %gather3A_961 = vector.shape_cast %broadcast_in_dim3A_960 : vector<16x1xi32> to vector<16xi32>
        %gather3A_962 = tpu.dynamic_gather %select_n3A_776[%gather3A_961] in [0] : vector<16xf32>, vector<16xi32> -> vector<16xf32>
        %select_n3A_963 = arith.select %eq3A_209, %gather3A_962, %select_n3A_820 : vector<16xi1>, vector<16xf32>
        %lt3A_964 = arith.constant 0 : i32
        %lt3A_965 = vector.broadcast %lt3A_964 : i32 to vector<16xi32>
        %lt3A_966 = arith.cmpi slt, %select_n3A_97, %lt3A_965 : vector<16xi32>
        %add3A_967 = arith.constant 16 : i32
        %add3A_968 = vector.broadcast %add3A_967 : i32 to vector<16xi32>
        %add3A_969 = arith.addi %select_n3A_97, %add3A_968 : vector<16xi32>
        %select_n3A_970 = arith.select %lt3A_966, %add3A_969, %select_n3A_97 : vector<16xi1>, vector<16xi32>
        %broadcast_in_dim3A_971 = vector.shape_cast %select_n3A_970 : vector<16xi32> to vector<16x1xi32>
        %gather3A_972 = vector.shape_cast %broadcast_in_dim3A_971 : vector<16x1xi32> to vector<16xi32>
        %gather3A_973 = tpu.dynamic_gather %select_n3A_842[%gather3A_972] in [0] : vector<16xf32>, vector<16xi32> -> vector<16xf32>
        %select_n3A_974 = arith.select %eq3A_209, %select_n3A_798, %gather3A_973 : vector<16xi1>, vector<16xf32>
        %lt3A_975 = arith.constant 0 : i32
        %lt3A_976 = vector.broadcast %lt3A_975 : i32 to vector<16xi32>
        %lt3A_977 = arith.cmpi slt, %select_n3A_72, %lt3A_976 : vector<16xi32>
        %add3A_978 = arith.constant 16 : i32
        %add3A_979 = vector.broadcast %add3A_978 : i32 to vector<16xi32>
        %add3A_980 = arith.addi %select_n3A_72, %add3A_979 : vector<16xi32>
        %select_n3A_981 = arith.select %lt3A_977, %add3A_980, %select_n3A_72 : vector<16xi1>, vector<16xi32>
        %broadcast_in_dim3A_982 = vector.shape_cast %select_n3A_981 : vector<16xi32> to vector<16x1xi32>
        %gather3A_983 = vector.shape_cast %broadcast_in_dim3A_982 : vector<16x1xi32> to vector<16xi32>
        %gather3A_984 = tpu.dynamic_gather %select_n3A_798[%gather3A_983] in [0] : vector<16xf32>, vector<16xi32> -> vector<16xf32>
        %select_n3A_985 = arith.select %eq3A_209, %gather3A_984, %select_n3A_842 : vector<16xi1>, vector<16xf32>
        %lt3A_986 = arith.constant 0 : i32
        %lt3A_987 = vector.broadcast %lt3A_986 : i32 to vector<16xi32>
        %lt3A_988 = arith.cmpi slt, %select_n3A_97, %lt3A_987 : vector<16xi32>
        %add3A_989 = arith.constant 16 : i32
        %add3A_990 = vector.broadcast %add3A_989 : i32 to vector<16xi32>
        %add3A_991 = arith.addi %select_n3A_97, %add3A_990 : vector<16xi32>
        %select_n3A_992 = arith.select %lt3A_988, %add3A_991, %select_n3A_97 : vector<16xi1>, vector<16xi32>
        %broadcast_in_dim3A_993 = vector.shape_cast %select_n3A_992 : vector<16xi32> to vector<16x1xi32>
        %gather3A_994 = vector.shape_cast %broadcast_in_dim3A_993 : vector<16x1xi32> to vector<16xi32>
        %gather3A_995 = tpu.dynamic_gather %select_n3A_831[%gather3A_994] in [0] : vector<16xf32>, vector<16xi32> -> vector<16xf32>
        %select_n3A_996 = arith.select %eq3A_209, %select_n3A_787, %gather3A_995 : vector<16xi1>, vector<16xf32>
        %lt3A_997 = arith.constant 0 : i32
        %lt3A_998 = vector.broadcast %lt3A_997 : i32 to vector<16xi32>
        %lt3A_999 = arith.cmpi slt, %select_n3A_72, %lt3A_998 : vector<16xi32>
        %add3A_1000 = arith.constant 16 : i32
        %add3A_1001 = vector.broadcast %add3A_1000 : i32 to vector<16xi32>
        %add3A_1002 = arith.addi %select_n3A_72, %add3A_1001 : vector<16xi32>
        %select_n3A_1003 = arith.select %lt3A_999, %add3A_1002, %select_n3A_72 : vector<16xi1>, vector<16xi32>
        %broadcast_in_dim3A_1004 = vector.shape_cast %select_n3A_1003 : vector<16xi32> to vector<16x1xi32>
        %gather3A_1005 = vector.shape_cast %broadcast_in_dim3A_1004 : vector<16x1xi32> to vector<16xi32>
        %gather3A_1006 = tpu.dynamic_gather %select_n3A_787[%gather3A_1005] in [0] : vector<16xf32>, vector<16xi32> -> vector<16xf32>
        %select_n3A_1007 = arith.select %eq3A_209, %gather3A_1006, %select_n3A_831 : vector<16xi1>, vector<16xf32>
        %lt3A_1008 = arith.constant 0 : i32
        %lt3A_1009 = vector.broadcast %lt3A_1008 : i32 to vector<16xi32>
        %lt3A_1010 = arith.cmpi slt, %select_n3A_97, %lt3A_1009 : vector<16xi32>
        %add3A_1011 = arith.constant 16 : i32
        %add3A_1012 = vector.broadcast %add3A_1011 : i32 to vector<16xi32>
        %add3A_1013 = arith.addi %select_n3A_97, %add3A_1012 : vector<16xi32>
        %select_n3A_1014 = arith.select %lt3A_1010, %add3A_1013, %select_n3A_97 : vector<16xi1>, vector<16xi32>
        %broadcast_in_dim3A_1015 = vector.shape_cast %select_n3A_1014 : vector<16xi32> to vector<16x1xi32>
        %gather3A_1016 = vector.shape_cast %broadcast_in_dim3A_1015 : vector<16x1xi32> to vector<16xi32>
        %gather3A_1017 = tpu.dynamic_gather %select_n3A_853[%gather3A_1016] in [0] : vector<16xf32>, vector<16xi32> -> vector<16xf32>
        %select_n3A_1018 = arith.select %eq3A_209, %select_n3A_809, %gather3A_1017 : vector<16xi1>, vector<16xf32>
        %lt3A_1019 = arith.constant 0 : i32
        %lt3A_1020 = vector.broadcast %lt3A_1019 : i32 to vector<16xi32>
        %lt3A_1021 = arith.cmpi slt, %select_n3A_72, %lt3A_1020 : vector<16xi32>
        %add3A_1022 = arith.constant 16 : i32
        %add3A_1023 = vector.broadcast %add3A_1022 : i32 to vector<16xi32>
        %add3A_1024 = arith.addi %select_n3A_72, %add3A_1023 : vector<16xi32>
        %select_n3A_1025 = arith.select %lt3A_1021, %add3A_1024, %select_n3A_72 : vector<16xi1>, vector<16xi32>
        %broadcast_in_dim3A_1026 = vector.shape_cast %select_n3A_1025 : vector<16xi32> to vector<16x1xi32>
        %gather3A_1027 = vector.shape_cast %broadcast_in_dim3A_1026 : vector<16x1xi32> to vector<16xi32>
        %gather3A_1028 = tpu.dynamic_gather %select_n3A_809[%gather3A_1027] in [0] : vector<16xf32>, vector<16xi32> -> vector<16xf32>
        %select_n3A_1029 = arith.select %eq3A_209, %gather3A_1028, %select_n3A_853 : vector<16xi1>, vector<16xf32>
        %lt3A_1030 = arith.constant 0 : i32
        %lt3A_1031 = vector.broadcast %lt3A_1030 : i32 to vector<16xi32>
        %lt3A_1032 = arith.cmpi slt, %select_n3A_97, %lt3A_1031 : vector<16xi32>
        %add3A_1033 = arith.constant 16 : i32
        %add3A_1034 = vector.broadcast %add3A_1033 : i32 to vector<16xi32>
        %add3A_1035 = arith.addi %select_n3A_97, %add3A_1034 : vector<16xi32>
        %select_n3A_1036 = arith.select %lt3A_1032, %add3A_1035, %select_n3A_97 : vector<16xi1>, vector<16xi32>
        %broadcast_in_dim3A_1037 = vector.shape_cast %select_n3A_1036 : vector<16xi32> to vector<16x1xi32>
        %gather3A_1038 = vector.shape_cast %broadcast_in_dim3A_1037 : vector<16x1xi32> to vector<16xi32>
        %gather3A_1039 = tpu.dynamic_gather %select_n3A_908[%gather3A_1038] in [0] : vector<16xf32>, vector<16xi32> -> vector<16xf32>
        %select_n3A_1040 = arith.select %eq3A_209, %select_n3A_864, %gather3A_1039 : vector<16xi1>, vector<16xf32>
        %lt3A_1041 = arith.constant 0 : i32
        %lt3A_1042 = vector.broadcast %lt3A_1041 : i32 to vector<16xi32>
        %lt3A_1043 = arith.cmpi slt, %select_n3A_72, %lt3A_1042 : vector<16xi32>
        %add3A_1044 = arith.constant 16 : i32
        %add3A_1045 = vector.broadcast %add3A_1044 : i32 to vector<16xi32>
        %add3A_1046 = arith.addi %select_n3A_72, %add3A_1045 : vector<16xi32>
        %select_n3A_1047 = arith.select %lt3A_1043, %add3A_1046, %select_n3A_72 : vector<16xi1>, vector<16xi32>
        %broadcast_in_dim3A_1048 = vector.shape_cast %select_n3A_1047 : vector<16xi32> to vector<16x1xi32>
        %gather3A_1049 = vector.shape_cast %broadcast_in_dim3A_1048 : vector<16x1xi32> to vector<16xi32>
        %gather3A_1050 = tpu.dynamic_gather %select_n3A_864[%gather3A_1049] in [0] : vector<16xf32>, vector<16xi32> -> vector<16xf32>
        %select_n3A_1051 = arith.select %eq3A_209, %gather3A_1050, %select_n3A_908 : vector<16xi1>, vector<16xf32>
        %lt3A_1052 = arith.constant 0 : i32
        %lt3A_1053 = vector.broadcast %lt3A_1052 : i32 to vector<16xi32>
        %lt3A_1054 = arith.cmpi slt, %select_n3A_97, %lt3A_1053 : vector<16xi32>
        %add3A_1055 = arith.constant 16 : i32
        %add3A_1056 = vector.broadcast %add3A_1055 : i32 to vector<16xi32>
        %add3A_1057 = arith.addi %select_n3A_97, %add3A_1056 : vector<16xi32>
        %select_n3A_1058 = arith.select %lt3A_1054, %add3A_1057, %select_n3A_97 : vector<16xi1>, vector<16xi32>
        %broadcast_in_dim3A_1059 = vector.shape_cast %select_n3A_1058 : vector<16xi32> to vector<16x1xi32>
        %gather3A_1060 = vector.shape_cast %broadcast_in_dim3A_1059 : vector<16x1xi32> to vector<16xi32>
        %gather3A_1061 = tpu.dynamic_gather %select_n3A_930[%gather3A_1060] in [0] : vector<16xf32>, vector<16xi32> -> vector<16xf32>
        %select_n3A_1062 = arith.select %eq3A_209, %select_n3A_886, %gather3A_1061 : vector<16xi1>, vector<16xf32>
        %lt3A_1063 = arith.constant 0 : i32
        %lt3A_1064 = vector.broadcast %lt3A_1063 : i32 to vector<16xi32>
        %lt3A_1065 = arith.cmpi slt, %select_n3A_72, %lt3A_1064 : vector<16xi32>
        %add3A_1066 = arith.constant 16 : i32
        %add3A_1067 = vector.broadcast %add3A_1066 : i32 to vector<16xi32>
        %add3A_1068 = arith.addi %select_n3A_72, %add3A_1067 : vector<16xi32>
        %select_n3A_1069 = arith.select %lt3A_1065, %add3A_1068, %select_n3A_72 : vector<16xi1>, vector<16xi32>
        %broadcast_in_dim3A_1070 = vector.shape_cast %select_n3A_1069 : vector<16xi32> to vector<16x1xi32>
        %gather3A_1071 = vector.shape_cast %broadcast_in_dim3A_1070 : vector<16x1xi32> to vector<16xi32>
        %gather3A_1072 = tpu.dynamic_gather %select_n3A_886[%gather3A_1071] in [0] : vector<16xf32>, vector<16xi32> -> vector<16xf32>
        %select_n3A_1073 = arith.select %eq3A_209, %gather3A_1072, %select_n3A_930 : vector<16xi1>, vector<16xf32>
        %lt3A_1074 = arith.constant 0 : i32
        %lt3A_1075 = vector.broadcast %lt3A_1074 : i32 to vector<16xi32>
        %lt3A_1076 = arith.cmpi slt, %select_n3A_97, %lt3A_1075 : vector<16xi32>
        %add3A_1077 = arith.constant 16 : i32
        %add3A_1078 = vector.broadcast %add3A_1077 : i32 to vector<16xi32>
        %add3A_1079 = arith.addi %select_n3A_97, %add3A_1078 : vector<16xi32>
        %select_n3A_1080 = arith.select %lt3A_1076, %add3A_1079, %select_n3A_97 : vector<16xi1>, vector<16xi32>
        %broadcast_in_dim3A_1081 = vector.shape_cast %select_n3A_1080 : vector<16xi32> to vector<16x1xi32>
        %gather3A_1082 = vector.shape_cast %broadcast_in_dim3A_1081 : vector<16x1xi32> to vector<16xi32>
        %gather3A_1083 = tpu.dynamic_gather %select_n3A_919[%gather3A_1082] in [0] : vector<16xf32>, vector<16xi32> -> vector<16xf32>
        %select_n3A_1084 = arith.select %eq3A_209, %select_n3A_875, %gather3A_1083 : vector<16xi1>, vector<16xf32>
        %lt3A_1085 = arith.constant 0 : i32
        %lt3A_1086 = vector.broadcast %lt3A_1085 : i32 to vector<16xi32>
        %lt3A_1087 = arith.cmpi slt, %select_n3A_72, %lt3A_1086 : vector<16xi32>
        %add3A_1088 = arith.constant 16 : i32
        %add3A_1089 = vector.broadcast %add3A_1088 : i32 to vector<16xi32>
        %add3A_1090 = arith.addi %select_n3A_72, %add3A_1089 : vector<16xi32>
        %select_n3A_1091 = arith.select %lt3A_1087, %add3A_1090, %select_n3A_72 : vector<16xi1>, vector<16xi32>
        %broadcast_in_dim3A_1092 = vector.shape_cast %select_n3A_1091 : vector<16xi32> to vector<16x1xi32>
        %gather3A_1093 = vector.shape_cast %broadcast_in_dim3A_1092 : vector<16x1xi32> to vector<16xi32>
        %gather3A_1094 = tpu.dynamic_gather %select_n3A_875[%gather3A_1093] in [0] : vector<16xf32>, vector<16xi32> -> vector<16xf32>
        %select_n3A_1095 = arith.select %eq3A_209, %gather3A_1094, %select_n3A_919 : vector<16xi1>, vector<16xf32>
        %lt3A_1096 = arith.constant 0 : i32
        %lt3A_1097 = vector.broadcast %lt3A_1096 : i32 to vector<16xi32>
        %lt3A_1098 = arith.cmpi slt, %select_n3A_97, %lt3A_1097 : vector<16xi32>
        %add3A_1099 = arith.constant 16 : i32
        %add3A_1100 = vector.broadcast %add3A_1099 : i32 to vector<16xi32>
        %add3A_1101 = arith.addi %select_n3A_97, %add3A_1100 : vector<16xi32>
        %select_n3A_1102 = arith.select %lt3A_1098, %add3A_1101, %select_n3A_97 : vector<16xi1>, vector<16xi32>
        %broadcast_in_dim3A_1103 = vector.shape_cast %select_n3A_1102 : vector<16xi32> to vector<16x1xi32>
        %gather3A_1104 = vector.shape_cast %broadcast_in_dim3A_1103 : vector<16x1xi32> to vector<16xi32>
        %gather3A_1105 = tpu.dynamic_gather %select_n3A_941[%gather3A_1104] in [0] : vector<16xf32>, vector<16xi32> -> vector<16xf32>
        %select_n3A_1106 = arith.select %eq3A_209, %select_n3A_897, %gather3A_1105 : vector<16xi1>, vector<16xf32>
        %lt3A_1107 = arith.constant 0 : i32
        %lt3A_1108 = vector.broadcast %lt3A_1107 : i32 to vector<16xi32>
        %lt3A_1109 = arith.cmpi slt, %select_n3A_72, %lt3A_1108 : vector<16xi32>
        %add3A_1110 = arith.constant 16 : i32
        %add3A_1111 = vector.broadcast %add3A_1110 : i32 to vector<16xi32>
        %add3A_1112 = arith.addi %select_n3A_72, %add3A_1111 : vector<16xi32>
        %select_n3A_1113 = arith.select %lt3A_1109, %add3A_1112, %select_n3A_72 : vector<16xi1>, vector<16xi32>
        %broadcast_in_dim3A_1114 = vector.shape_cast %select_n3A_1113 : vector<16xi32> to vector<16x1xi32>
        %gather3A_1115 = vector.shape_cast %broadcast_in_dim3A_1114 : vector<16x1xi32> to vector<16xi32>
        %gather3A_1116 = tpu.dynamic_gather %select_n3A_897[%gather3A_1115] in [0] : vector<16xf32>, vector<16xi32> -> vector<16xf32>
        %select_n3A_1117 = arith.select %eq3A_209, %gather3A_1116, %select_n3A_941 : vector<16xi1>, vector<16xf32>
        %lt3A_1118 = arith.constant 0 : i32
        %lt3A_1119 = vector.broadcast %lt3A_1118 : i32 to vector<16xi32>
        %lt3A_1120 = arith.cmpi slt, %select_n3A_47, %lt3A_1119 : vector<16xi32>
        %add3A_1121 = arith.constant 16 : i32
        %add3A_1122 = vector.broadcast %add3A_1121 : i32 to vector<16xi32>
        %add3A_1123 = arith.addi %select_n3A_47, %add3A_1122 : vector<16xi32>
        %select_n3A_1124 = arith.select %lt3A_1120, %add3A_1123, %select_n3A_47 : vector<16xi1>, vector<16xi32>
        %broadcast_in_dim3A_1125 = vector.shape_cast %select_n3A_1124 : vector<16xi32> to vector<16x1xi32>
        %gather3A_1126 = vector.shape_cast %broadcast_in_dim3A_1125 : vector<16x1xi32> to vector<16xi32>
        %gather3A_1127 = tpu.dynamic_gather %select_n3A_974[%gather3A_1126] in [0] : vector<16xf32>, vector<16xi32> -> vector<16xf32>
        %select_n3A_1128 = arith.select %eq3A_203, %select_n3A_952, %gather3A_1127 : vector<16xi1>, vector<16xf32>
        %lt3A_1129 = arith.constant 0 : i32
        %lt3A_1130 = vector.broadcast %lt3A_1129 : i32 to vector<16xi32>
        %lt3A_1131 = arith.cmpi slt, %select_n3A_22, %lt3A_1130 : vector<16xi32>
        %add3A_1132 = arith.constant 16 : i32
        %add3A_1133 = vector.broadcast %add3A_1132 : i32 to vector<16xi32>
        %add3A_1134 = arith.addi %select_n3A_22, %add3A_1133 : vector<16xi32>
        %select_n3A_1135 = arith.select %lt3A_1131, %add3A_1134, %select_n3A_22 : vector<16xi1>, vector<16xi32>
        %broadcast_in_dim3A_1136 = vector.shape_cast %select_n3A_1135 : vector<16xi32> to vector<16x1xi32>
        %gather3A_1137 = vector.shape_cast %broadcast_in_dim3A_1136 : vector<16x1xi32> to vector<16xi32>
        %gather3A_1138 = tpu.dynamic_gather %select_n3A_952[%gather3A_1137] in [0] : vector<16xf32>, vector<16xi32> -> vector<16xf32>
        %select_n3A_1139 = arith.select %eq3A_203, %gather3A_1138, %select_n3A_974 : vector<16xi1>, vector<16xf32>
        %lt3A_1140 = arith.constant 0 : i32
        %lt3A_1141 = vector.broadcast %lt3A_1140 : i32 to vector<16xi32>
        %lt3A_1142 = arith.cmpi slt, %select_n3A_47, %lt3A_1141 : vector<16xi32>
        %add3A_1143 = arith.constant 16 : i32
        %add3A_1144 = vector.broadcast %add3A_1143 : i32 to vector<16xi32>
        %add3A_1145 = arith.addi %select_n3A_47, %add3A_1144 : vector<16xi32>
        %select_n3A_1146 = arith.select %lt3A_1142, %add3A_1145, %select_n3A_47 : vector<16xi1>, vector<16xi32>
        %broadcast_in_dim3A_1147 = vector.shape_cast %select_n3A_1146 : vector<16xi32> to vector<16x1xi32>
        %gather3A_1148 = vector.shape_cast %broadcast_in_dim3A_1147 : vector<16x1xi32> to vector<16xi32>
        %gather3A_1149 = tpu.dynamic_gather %select_n3A_985[%gather3A_1148] in [0] : vector<16xf32>, vector<16xi32> -> vector<16xf32>
        %select_n3A_1150 = arith.select %eq3A_203, %select_n3A_963, %gather3A_1149 : vector<16xi1>, vector<16xf32>
        %lt3A_1151 = arith.constant 0 : i32
        %lt3A_1152 = vector.broadcast %lt3A_1151 : i32 to vector<16xi32>
        %lt3A_1153 = arith.cmpi slt, %select_n3A_22, %lt3A_1152 : vector<16xi32>
        %add3A_1154 = arith.constant 16 : i32
        %add3A_1155 = vector.broadcast %add3A_1154 : i32 to vector<16xi32>
        %add3A_1156 = arith.addi %select_n3A_22, %add3A_1155 : vector<16xi32>
        %select_n3A_1157 = arith.select %lt3A_1153, %add3A_1156, %select_n3A_22 : vector<16xi1>, vector<16xi32>
        %broadcast_in_dim3A_1158 = vector.shape_cast %select_n3A_1157 : vector<16xi32> to vector<16x1xi32>
        %gather3A_1159 = vector.shape_cast %broadcast_in_dim3A_1158 : vector<16x1xi32> to vector<16xi32>
        %gather3A_1160 = tpu.dynamic_gather %select_n3A_963[%gather3A_1159] in [0] : vector<16xf32>, vector<16xi32> -> vector<16xf32>
        %select_n3A_1161 = arith.select %eq3A_203, %gather3A_1160, %select_n3A_985 : vector<16xi1>, vector<16xf32>
        %lt3A_1162 = arith.constant 0 : i32
        %lt3A_1163 = vector.broadcast %lt3A_1162 : i32 to vector<16xi32>
        %lt3A_1164 = arith.cmpi slt, %select_n3A_47, %lt3A_1163 : vector<16xi32>
        %add3A_1165 = arith.constant 16 : i32
        %add3A_1166 = vector.broadcast %add3A_1165 : i32 to vector<16xi32>
        %add3A_1167 = arith.addi %select_n3A_47, %add3A_1166 : vector<16xi32>
        %select_n3A_1168 = arith.select %lt3A_1164, %add3A_1167, %select_n3A_47 : vector<16xi1>, vector<16xi32>
        %broadcast_in_dim3A_1169 = vector.shape_cast %select_n3A_1168 : vector<16xi32> to vector<16x1xi32>
        %gather3A_1170 = vector.shape_cast %broadcast_in_dim3A_1169 : vector<16x1xi32> to vector<16xi32>
        %gather3A_1171 = tpu.dynamic_gather %select_n3A_1018[%gather3A_1170] in [0] : vector<16xf32>, vector<16xi32> -> vector<16xf32>
        %select_n3A_1172 = arith.select %eq3A_203, %select_n3A_996, %gather3A_1171 : vector<16xi1>, vector<16xf32>
        %lt3A_1173 = arith.constant 0 : i32
        %lt3A_1174 = vector.broadcast %lt3A_1173 : i32 to vector<16xi32>
        %lt3A_1175 = arith.cmpi slt, %select_n3A_22, %lt3A_1174 : vector<16xi32>
        %add3A_1176 = arith.constant 16 : i32
        %add3A_1177 = vector.broadcast %add3A_1176 : i32 to vector<16xi32>
        %add3A_1178 = arith.addi %select_n3A_22, %add3A_1177 : vector<16xi32>
        %select_n3A_1179 = arith.select %lt3A_1175, %add3A_1178, %select_n3A_22 : vector<16xi1>, vector<16xi32>
        %broadcast_in_dim3A_1180 = vector.shape_cast %select_n3A_1179 : vector<16xi32> to vector<16x1xi32>
        %gather3A_1181 = vector.shape_cast %broadcast_in_dim3A_1180 : vector<16x1xi32> to vector<16xi32>
        %gather3A_1182 = tpu.dynamic_gather %select_n3A_996[%gather3A_1181] in [0] : vector<16xf32>, vector<16xi32> -> vector<16xf32>
        %select_n3A_1183 = arith.select %eq3A_203, %gather3A_1182, %select_n3A_1018 : vector<16xi1>, vector<16xf32>
        %lt3A_1184 = arith.constant 0 : i32
        %lt3A_1185 = vector.broadcast %lt3A_1184 : i32 to vector<16xi32>
        %lt3A_1186 = arith.cmpi slt, %select_n3A_47, %lt3A_1185 : vector<16xi32>
        %add3A_1187 = arith.constant 16 : i32
        %add3A_1188 = vector.broadcast %add3A_1187 : i32 to vector<16xi32>
        %add3A_1189 = arith.addi %select_n3A_47, %add3A_1188 : vector<16xi32>
        %select_n3A_1190 = arith.select %lt3A_1186, %add3A_1189, %select_n3A_47 : vector<16xi1>, vector<16xi32>
        %broadcast_in_dim3A_1191 = vector.shape_cast %select_n3A_1190 : vector<16xi32> to vector<16x1xi32>
        %gather3A_1192 = vector.shape_cast %broadcast_in_dim3A_1191 : vector<16x1xi32> to vector<16xi32>
        %gather3A_1193 = tpu.dynamic_gather %select_n3A_1029[%gather3A_1192] in [0] : vector<16xf32>, vector<16xi32> -> vector<16xf32>
        %select_n3A_1194 = arith.select %eq3A_203, %select_n3A_1007, %gather3A_1193 : vector<16xi1>, vector<16xf32>
        %lt3A_1195 = arith.constant 0 : i32
        %lt3A_1196 = vector.broadcast %lt3A_1195 : i32 to vector<16xi32>
        %lt3A_1197 = arith.cmpi slt, %select_n3A_22, %lt3A_1196 : vector<16xi32>
        %add3A_1198 = arith.constant 16 : i32
        %add3A_1199 = vector.broadcast %add3A_1198 : i32 to vector<16xi32>
        %add3A_1200 = arith.addi %select_n3A_22, %add3A_1199 : vector<16xi32>
        %select_n3A_1201 = arith.select %lt3A_1197, %add3A_1200, %select_n3A_22 : vector<16xi1>, vector<16xi32>
        %broadcast_in_dim3A_1202 = vector.shape_cast %select_n3A_1201 : vector<16xi32> to vector<16x1xi32>
        %gather3A_1203 = vector.shape_cast %broadcast_in_dim3A_1202 : vector<16x1xi32> to vector<16xi32>
        %gather3A_1204 = tpu.dynamic_gather %select_n3A_1007[%gather3A_1203] in [0] : vector<16xf32>, vector<16xi32> -> vector<16xf32>
        %select_n3A_1205 = arith.select %eq3A_203, %gather3A_1204, %select_n3A_1029 : vector<16xi1>, vector<16xf32>
        %lt3A_1206 = arith.constant 0 : i32
        %lt3A_1207 = vector.broadcast %lt3A_1206 : i32 to vector<16xi32>
        %lt3A_1208 = arith.cmpi slt, %select_n3A_47, %lt3A_1207 : vector<16xi32>
        %add3A_1209 = arith.constant 16 : i32
        %add3A_1210 = vector.broadcast %add3A_1209 : i32 to vector<16xi32>
        %add3A_1211 = arith.addi %select_n3A_47, %add3A_1210 : vector<16xi32>
        %select_n3A_1212 = arith.select %lt3A_1208, %add3A_1211, %select_n3A_47 : vector<16xi1>, vector<16xi32>
        %broadcast_in_dim3A_1213 = vector.shape_cast %select_n3A_1212 : vector<16xi32> to vector<16x1xi32>
        %gather3A_1214 = vector.shape_cast %broadcast_in_dim3A_1213 : vector<16x1xi32> to vector<16xi32>
        %gather3A_1215 = tpu.dynamic_gather %select_n3A_1062[%gather3A_1214] in [0] : vector<16xf32>, vector<16xi32> -> vector<16xf32>
        %select_n3A_1216 = arith.select %eq3A_203, %select_n3A_1040, %gather3A_1215 : vector<16xi1>, vector<16xf32>
        %lt3A_1217 = arith.constant 0 : i32
        %lt3A_1218 = vector.broadcast %lt3A_1217 : i32 to vector<16xi32>
        %lt3A_1219 = arith.cmpi slt, %select_n3A_22, %lt3A_1218 : vector<16xi32>
        %add3A_1220 = arith.constant 16 : i32
        %add3A_1221 = vector.broadcast %add3A_1220 : i32 to vector<16xi32>
        %add3A_1222 = arith.addi %select_n3A_22, %add3A_1221 : vector<16xi32>
        %select_n3A_1223 = arith.select %lt3A_1219, %add3A_1222, %select_n3A_22 : vector<16xi1>, vector<16xi32>
        %broadcast_in_dim3A_1224 = vector.shape_cast %select_n3A_1223 : vector<16xi32> to vector<16x1xi32>
        %gather3A_1225 = vector.shape_cast %broadcast_in_dim3A_1224 : vector<16x1xi32> to vector<16xi32>
        %gather3A_1226 = tpu.dynamic_gather %select_n3A_1040[%gather3A_1225] in [0] : vector<16xf32>, vector<16xi32> -> vector<16xf32>
        %select_n3A_1227 = arith.select %eq3A_203, %gather3A_1226, %select_n3A_1062 : vector<16xi1>, vector<16xf32>
        %lt3A_1228 = arith.constant 0 : i32
        %lt3A_1229 = vector.broadcast %lt3A_1228 : i32 to vector<16xi32>
        %lt3A_1230 = arith.cmpi slt, %select_n3A_47, %lt3A_1229 : vector<16xi32>
        %add3A_1231 = arith.constant 16 : i32
        %add3A_1232 = vector.broadcast %add3A_1231 : i32 to vector<16xi32>
        %add3A_1233 = arith.addi %select_n3A_47, %add3A_1232 : vector<16xi32>
        %select_n3A_1234 = arith.select %lt3A_1230, %add3A_1233, %select_n3A_47 : vector<16xi1>, vector<16xi32>
        %broadcast_in_dim3A_1235 = vector.shape_cast %select_n3A_1234 : vector<16xi32> to vector<16x1xi32>
        %gather3A_1236 = vector.shape_cast %broadcast_in_dim3A_1235 : vector<16x1xi32> to vector<16xi32>
        %gather3A_1237 = tpu.dynamic_gather %select_n3A_1073[%gather3A_1236] in [0] : vector<16xf32>, vector<16xi32> -> vector<16xf32>
        %select_n3A_1238 = arith.select %eq3A_203, %select_n3A_1051, %gather3A_1237 : vector<16xi1>, vector<16xf32>
        %lt3A_1239 = arith.constant 0 : i32
        %lt3A_1240 = vector.broadcast %lt3A_1239 : i32 to vector<16xi32>
        %lt3A_1241 = arith.cmpi slt, %select_n3A_22, %lt3A_1240 : vector<16xi32>
        %add3A_1242 = arith.constant 16 : i32
        %add3A_1243 = vector.broadcast %add3A_1242 : i32 to vector<16xi32>
        %add3A_1244 = arith.addi %select_n3A_22, %add3A_1243 : vector<16xi32>
        %select_n3A_1245 = arith.select %lt3A_1241, %add3A_1244, %select_n3A_22 : vector<16xi1>, vector<16xi32>
        %broadcast_in_dim3A_1246 = vector.shape_cast %select_n3A_1245 : vector<16xi32> to vector<16x1xi32>
        %gather3A_1247 = vector.shape_cast %broadcast_in_dim3A_1246 : vector<16x1xi32> to vector<16xi32>
        %gather3A_1248 = tpu.dynamic_gather %select_n3A_1051[%gather3A_1247] in [0] : vector<16xf32>, vector<16xi32> -> vector<16xf32>
        %select_n3A_1249 = arith.select %eq3A_203, %gather3A_1248, %select_n3A_1073 : vector<16xi1>, vector<16xf32>
        %lt3A_1250 = arith.constant 0 : i32
        %lt3A_1251 = vector.broadcast %lt3A_1250 : i32 to vector<16xi32>
        %lt3A_1252 = arith.cmpi slt, %select_n3A_47, %lt3A_1251 : vector<16xi32>
        %add3A_1253 = arith.constant 16 : i32
        %add3A_1254 = vector.broadcast %add3A_1253 : i32 to vector<16xi32>
        %add3A_1255 = arith.addi %select_n3A_47, %add3A_1254 : vector<16xi32>
        %select_n3A_1256 = arith.select %lt3A_1252, %add3A_1255, %select_n3A_47 : vector<16xi1>, vector<16xi32>
        %broadcast_in_dim3A_1257 = vector.shape_cast %select_n3A_1256 : vector<16xi32> to vector<16x1xi32>
        %gather3A_1258 = vector.shape_cast %broadcast_in_dim3A_1257 : vector<16x1xi32> to vector<16xi32>
        %gather3A_1259 = tpu.dynamic_gather %select_n3A_1106[%gather3A_1258] in [0] : vector<16xf32>, vector<16xi32> -> vector<16xf32>
        %select_n3A_1260 = arith.select %eq3A_203, %select_n3A_1084, %gather3A_1259 : vector<16xi1>, vector<16xf32>
        %lt3A_1261 = arith.constant 0 : i32
        %lt3A_1262 = vector.broadcast %lt3A_1261 : i32 to vector<16xi32>
        %lt3A_1263 = arith.cmpi slt, %select_n3A_22, %lt3A_1262 : vector<16xi32>
        %add3A_1264 = arith.constant 16 : i32
        %add3A_1265 = vector.broadcast %add3A_1264 : i32 to vector<16xi32>
        %add3A_1266 = arith.addi %select_n3A_22, %add3A_1265 : vector<16xi32>
        %select_n3A_1267 = arith.select %lt3A_1263, %add3A_1266, %select_n3A_22 : vector<16xi1>, vector<16xi32>
        %broadcast_in_dim3A_1268 = vector.shape_cast %select_n3A_1267 : vector<16xi32> to vector<16x1xi32>
        %gather3A_1269 = vector.shape_cast %broadcast_in_dim3A_1268 : vector<16x1xi32> to vector<16xi32>
        %gather3A_1270 = tpu.dynamic_gather %select_n3A_1084[%gather3A_1269] in [0] : vector<16xf32>, vector<16xi32> -> vector<16xf32>
        %select_n3A_1271 = arith.select %eq3A_203, %gather3A_1270, %select_n3A_1106 : vector<16xi1>, vector<16xf32>
        %lt3A_1272 = arith.constant 0 : i32
        %lt3A_1273 = vector.broadcast %lt3A_1272 : i32 to vector<16xi32>
        %lt3A_1274 = arith.cmpi slt, %select_n3A_47, %lt3A_1273 : vector<16xi32>
        %add3A_1275 = arith.constant 16 : i32
        %add3A_1276 = vector.broadcast %add3A_1275 : i32 to vector<16xi32>
        %add3A_1277 = arith.addi %select_n3A_47, %add3A_1276 : vector<16xi32>
        %select_n3A_1278 = arith.select %lt3A_1274, %add3A_1277, %select_n3A_47 : vector<16xi1>, vector<16xi32>
        %broadcast_in_dim3A_1279 = vector.shape_cast %select_n3A_1278 : vector<16xi32> to vector<16x1xi32>
        %gather3A_1280 = vector.shape_cast %broadcast_in_dim3A_1279 : vector<16x1xi32> to vector<16xi32>
        %gather3A_1281 = tpu.dynamic_gather %select_n3A_1117[%gather3A_1280] in [0] : vector<16xf32>, vector<16xi32> -> vector<16xf32>
        %select_n3A_1282 = arith.select %eq3A_203, %select_n3A_1095, %gather3A_1281 : vector<16xi1>, vector<16xf32>
        %lt3A_1283 = arith.constant 0 : i32
        %lt3A_1284 = vector.broadcast %lt3A_1283 : i32 to vector<16xi32>
        %lt3A_1285 = arith.cmpi slt, %select_n3A_22, %lt3A_1284 : vector<16xi32>
        %add3A_1286 = arith.constant 16 : i32
        %add3A_1287 = vector.broadcast %add3A_1286 : i32 to vector<16xi32>
        %add3A_1288 = arith.addi %select_n3A_22, %add3A_1287 : vector<16xi32>
        %select_n3A_1289 = arith.select %lt3A_1285, %add3A_1288, %select_n3A_22 : vector<16xi1>, vector<16xi32>
        %broadcast_in_dim3A_1290 = vector.shape_cast %select_n3A_1289 : vector<16xi32> to vector<16x1xi32>
        %gather3A_1291 = vector.shape_cast %broadcast_in_dim3A_1290 : vector<16x1xi32> to vector<16xi32>
        %gather3A_1292 = tpu.dynamic_gather %select_n3A_1095[%gather3A_1291] in [0] : vector<16xf32>, vector<16xi32> -> vector<16xf32>
        %select_n3A_1293 = arith.select %eq3A_203, %gather3A_1292, %select_n3A_1117 : vector<16xi1>, vector<16xf32>
        %select_n3A_1294 = arith.select %or3A, %select_n3A_1128, %broadcast_in_dim3A_249 : vector<16xi1>, vector<16xf32>
        %add3A_1295 = arith.constant 0 : i32
        %add3A_1296 = arith.addi %mul3A_494, %add3A_1295 : i32
        %swap3A = arith.index_cast %add3A_1296 : i32 to index
        %swap3A_1297 = arith.constant 0 : index
        %swap3A_1298 = tpu.vector_load %arg24[%swap3A, %swap3A_1297] {strides = array<i32>} : memref<240x16xf32, #tpu.memory_space<vmem>>, vector<1x16xf32>,
        %swap3A_1299 = vector.shape_cast %swap3A_1298 : vector<1x16xf32> to vector<16xf32>
        %swap3A_1300 = vector.shape_cast %select_n3A_1294 : vector<16xf32> to vector<1x16xf32>
        tpu.vector_store %arg24[%swap3A, %swap3A_1297], %swap3A_1300 {strides = array<i32>} : memref<240x16xf32, #tpu.memory_space<vmem>>, vector<1x16xf32>,
        %select_n3A_1301 = arith.select %or3A_241, %select_n3A_1128, %broadcast_in_dim3A_249 : vector<16xi1>, vector<16xf32>
        %add3A_1302 = arith.constant 0 : i32
        %add3A_1303 = arith.addi %add3A_498, %add3A_1302 : i32
        %swap3A_1304 = arith.index_cast %add3A_1303 : i32 to index
        %swap3A_1305 = arith.constant 0 : index
        %swap3A_1306 = tpu.vector_load %arg24[%swap3A_1304, %swap3A_1305] {strides = array<i32>} : memref<240x16xf32, #tpu.memory_space<vmem>>, vector<1x16xf32>,
        %swap3A_1307 = vector.shape_cast %swap3A_1306 : vector<1x16xf32> to vector<16xf32>
        %swap3A_1308 = vector.shape_cast %select_n3A_1301 : vector<16xf32> to vector<1x16xf32>
        tpu.vector_store %arg24[%swap3A_1304, %swap3A_1305], %swap3A_1308 {strides = array<i32>} : memref<240x16xf32, #tpu.memory_space<vmem>>, vector<1x16xf32>,
        %select_n3A_1309 = arith.select %or3A_248, %select_n3A_1128, %broadcast_in_dim3A_249 : vector<16xi1>, vector<16xf32>
        %add3A_1310 = arith.constant 0 : i32
        %add3A_1311 = arith.addi %add3A_502, %add3A_1310 : i32
        %swap3A_1312 = arith.index_cast %add3A_1311 : i32 to index
        %swap3A_1313 = arith.constant 0 : index
        %swap3A_1314 = tpu.vector_load %arg24[%swap3A_1312, %swap3A_1313] {strides = array<i32>} : memref<240x16xf32, #tpu.memory_space<vmem>>, vector<1x16xf32>,
        %swap3A_1315 = vector.shape_cast %swap3A_1314 : vector<1x16xf32> to vector<16xf32>
        %swap3A_1316 = vector.shape_cast %select_n3A_1309 : vector<16xf32> to vector<1x16xf32>
        tpu.vector_store %arg24[%swap3A_1312, %swap3A_1313], %swap3A_1316 {strides = array<i32>} : memref<240x16xf32, #tpu.memory_space<vmem>>, vector<1x16xf32>,
        %select_n3A_1317 = arith.select %or3A, %select_n3A_1139, %broadcast_in_dim3A_249 : vector<16xi1>, vector<16xf32>
        %add3A_1318 = arith.constant 1 : i32
        %add3A_1319 = arith.addi %mul3A_494, %add3A_1318 : i32
        %swap3A_1320 = arith.index_cast %add3A_1319 : i32 to index
        %swap3A_1321 = arith.constant 0 : index
        %swap3A_1322 = tpu.vector_load %arg24[%swap3A_1320, %swap3A_1321] {strides = array<i32>} : memref<240x16xf32, #tpu.memory_space<vmem>>, vector<1x16xf32>,
        %swap3A_1323 = vector.shape_cast %swap3A_1322 : vector<1x16xf32> to vector<16xf32>
        %swap3A_1324 = vector.shape_cast %select_n3A_1317 : vector<16xf32> to vector<1x16xf32>
        tpu.vector_store %arg24[%swap3A_1320, %swap3A_1321], %swap3A_1324 {strides = array<i32>} : memref<240x16xf32, #tpu.memory_space<vmem>>, vector<1x16xf32>,
        %select_n3A_1325 = arith.select %or3A_241, %select_n3A_1139, %broadcast_in_dim3A_249 : vector<16xi1>, vector<16xf32>
        %add3A_1326 = arith.constant 1 : i32
        %add3A_1327 = arith.addi %add3A_498, %add3A_1326 : i32
        %swap3A_1328 = arith.index_cast %add3A_1327 : i32 to index
        %swap3A_1329 = arith.constant 0 : index
        %swap3A_1330 = tpu.vector_load %arg24[%swap3A_1328, %swap3A_1329] {strides = array<i32>} : memref<240x16xf32, #tpu.memory_space<vmem>>, vector<1x16xf32>,
        %swap3A_1331 = vector.shape_cast %swap3A_1330 : vector<1x16xf32> to vector<16xf32>
        %swap3A_1332 = vector.shape_cast %select_n3A_1325 : vector<16xf32> to vector<1x16xf32>
        tpu.vector_store %arg24[%swap3A_1328, %swap3A_1329], %swap3A_1332 {strides = array<i32>} : memref<240x16xf32, #tpu.memory_space<vmem>>, vector<1x16xf32>,
        %select_n3A_1333 = arith.select %or3A_248, %select_n3A_1139, %broadcast_in_dim3A_249 : vector<16xi1>, vector<16xf32>
        %add3A_1334 = arith.constant 1 : i32
        %add3A_1335 = arith.addi %add3A_502, %add3A_1334 : i32
        %swap3A_1336 = arith.index_cast %add3A_1335 : i32 to index
        %swap3A_1337 = arith.constant 0 : index
        %swap3A_1338 = tpu.vector_load %arg24[%swap3A_1336, %swap3A_1337] {strides = array<i32>} : memref<240x16xf32, #tpu.memory_space<vmem>>, vector<1x16xf32>,
        %swap3A_1339 = vector.shape_cast %swap3A_1338 : vector<1x16xf32> to vector<16xf32>
        %swap3A_1340 = vector.shape_cast %select_n3A_1333 : vector<16xf32> to vector<1x16xf32>
        tpu.vector_store %arg24[%swap3A_1336, %swap3A_1337], %swap3A_1340 {strides = array<i32>} : memref<240x16xf32, #tpu.memory_space<vmem>>, vector<1x16xf32>,
        %select_n3A_1341 = arith.select %or3A, %select_n3A_1150, %broadcast_in_dim3A_249 : vector<16xi1>, vector<16xf32>
        %add3A_1342 = arith.constant 2 : i32
        %add3A_1343 = arith.addi %mul3A_494, %add3A_1342 : i32
        %swap3A_1344 = arith.index_cast %add3A_1343 : i32 to index
        %swap3A_1345 = arith.constant 0 : index
        %swap3A_1346 = tpu.vector_load %arg24[%swap3A_1344, %swap3A_1345] {strides = array<i32>} : memref<240x16xf32, #tpu.memory_space<vmem>>, vector<1x16xf32>,
        %swap3A_1347 = vector.shape_cast %swap3A_1346 : vector<1x16xf32> to vector<16xf32>
        %swap3A_1348 = vector.shape_cast %select_n3A_1341 : vector<16xf32> to vector<1x16xf32>
        tpu.vector_store %arg24[%swap3A_1344, %swap3A_1345], %swap3A_1348 {strides = array<i32>} : memref<240x16xf32, #tpu.memory_space<vmem>>, vector<1x16xf32>,
        %select_n3A_1349 = arith.select %or3A_241, %select_n3A_1150, %broadcast_in_dim3A_249 : vector<16xi1>, vector<16xf32>
        %add3A_1350 = arith.constant 2 : i32
        %add3A_1351 = arith.addi %add3A_498, %add3A_1350 : i32
        %swap3A_1352 = arith.index_cast %add3A_1351 : i32 to index
        %swap3A_1353 = arith.constant 0 : index
        %swap3A_1354 = tpu.vector_load %arg24[%swap3A_1352, %swap3A_1353] {strides = array<i32>} : memref<240x16xf32, #tpu.memory_space<vmem>>, vector<1x16xf32>,
        %swap3A_1355 = vector.shape_cast %swap3A_1354 : vector<1x16xf32> to vector<16xf32>
        %swap3A_1356 = vector.shape_cast %select_n3A_1349 : vector<16xf32> to vector<1x16xf32>
        tpu.vector_store %arg24[%swap3A_1352, %swap3A_1353], %swap3A_1356 {strides = array<i32>} : memref<240x16xf32, #tpu.memory_space<vmem>>, vector<1x16xf32>,
        %select_n3A_1357 = arith.select %or3A_248, %select_n3A_1150, %broadcast_in_dim3A_249 : vector<16xi1>, vector<16xf32>
        %add3A_1358 = arith.constant 2 : i32
        %add3A_1359 = arith.addi %add3A_502, %add3A_1358 : i32
        %swap3A_1360 = arith.index_cast %add3A_1359 : i32 to index
        %swap3A_1361 = arith.constant 0 : index
        %swap3A_1362 = tpu.vector_load %arg24[%swap3A_1360, %swap3A_1361] {strides = array<i32>} : memref<240x16xf32, #tpu.memory_space<vmem>>, vector<1x16xf32>,
        %swap3A_1363 = vector.shape_cast %swap3A_1362 : vector<1x16xf32> to vector<16xf32>
        %swap3A_1364 = vector.shape_cast %select_n3A_1357 : vector<16xf32> to vector<1x16xf32>
        tpu.vector_store %arg24[%swap3A_1360, %swap3A_1361], %swap3A_1364 {strides = array<i32>} : memref<240x16xf32, #tpu.memory_space<vmem>>, vector<1x16xf32>,
        %select_n3A_1365 = arith.select %or3A, %select_n3A_1161, %broadcast_in_dim3A_249 : vector<16xi1>, vector<16xf32>
        %add3A_1366 = arith.constant 3 : i32
        %add3A_1367 = arith.addi %mul3A_494, %add3A_1366 : i32
        %swap3A_1368 = arith.index_cast %add3A_1367 : i32 to index
        %swap3A_1369 = arith.constant 0 : index
        %swap3A_1370 = tpu.vector_load %arg24[%swap3A_1368, %swap3A_1369] {strides = array<i32>} : memref<240x16xf32, #tpu.memory_space<vmem>>, vector<1x16xf32>,
        %swap3A_1371 = vector.shape_cast %swap3A_1370 : vector<1x16xf32> to vector<16xf32>
        %swap3A_1372 = vector.shape_cast %select_n3A_1365 : vector<16xf32> to vector<1x16xf32>
        tpu.vector_store %arg24[%swap3A_1368, %swap3A_1369], %swap3A_1372 {strides = array<i32>} : memref<240x16xf32, #tpu.memory_space<vmem>>, vector<1x16xf32>,
        %select_n3A_1373 = arith.select %or3A_241, %select_n3A_1161, %broadcast_in_dim3A_249 : vector<16xi1>, vector<16xf32>
        %add3A_1374 = arith.constant 3 : i32
        %add3A_1375 = arith.addi %add3A_498, %add3A_1374 : i32
        %swap3A_1376 = arith.index_cast %add3A_1375 : i32 to index
        %swap3A_1377 = arith.constant 0 : index
        %swap3A_1378 = tpu.vector_load %arg24[%swap3A_1376, %swap3A_1377] {strides = array<i32>} : memref<240x16xf32, #tpu.memory_space<vmem>>, vector<1x16xf32>,
        %swap3A_1379 = vector.shape_cast %swap3A_1378 : vector<1x16xf32> to vector<16xf32>
        %swap3A_1380 = vector.shape_cast %select_n3A_1373 : vector<16xf32> to vector<1x16xf32>
        tpu.vector_store %arg24[%swap3A_1376, %swap3A_1377], %swap3A_1380 {strides = array<i32>} : memref<240x16xf32, #tpu.memory_space<vmem>>, vector<1x16xf32>,
        %select_n3A_1381 = arith.select %or3A_248, %select_n3A_1161, %broadcast_in_dim3A_249 : vector<16xi1>, vector<16xf32>
        %add3A_1382 = arith.constant 3 : i32
        %add3A_1383 = arith.addi %add3A_502, %add3A_1382 : i32
        %swap3A_1384 = arith.index_cast %add3A_1383 : i32 to index
        %swap3A_1385 = arith.constant 0 : index
        %swap3A_1386 = tpu.vector_load %arg24[%swap3A_1384, %swap3A_1385] {strides = array<i32>} : memref<240x16xf32, #tpu.memory_space<vmem>>, vector<1x16xf32>,
        %swap3A_1387 = vector.shape_cast %swap3A_1386 : vector<1x16xf32> to vector<16xf32>
        %swap3A_1388 = vector.shape_cast %select_n3A_1381 : vector<16xf32> to vector<1x16xf32>
        tpu.vector_store %arg24[%swap3A_1384, %swap3A_1385], %swap3A_1388 {strides = array<i32>} : memref<240x16xf32, #tpu.memory_space<vmem>>, vector<1x16xf32>,
        %select_n3A_1389 = arith.select %or3A, %select_n3A_1172, %broadcast_in_dim3A_249 : vector<16xi1>, vector<16xf32>
        %add3A_1390 = arith.constant 4 : i32
        %add3A_1391 = arith.addi %mul3A_494, %add3A_1390 : i32
        %swap3A_1392 = arith.index_cast %add3A_1391 : i32 to index
        %swap3A_1393 = arith.constant 0 : index
        %swap3A_1394 = tpu.vector_load %arg24[%swap3A_1392, %swap3A_1393] {strides = array<i32>} : memref<240x16xf32, #tpu.memory_space<vmem>>, vector<1x16xf32>,
        %swap3A_1395 = vector.shape_cast %swap3A_1394 : vector<1x16xf32> to vector<16xf32>
        %swap3A_1396 = vector.shape_cast %select_n3A_1389 : vector<16xf32> to vector<1x16xf32>
        tpu.vector_store %arg24[%swap3A_1392, %swap3A_1393], %swap3A_1396 {strides = array<i32>} : memref<240x16xf32, #tpu.memory_space<vmem>>, vector<1x16xf32>,
        %select_n3A_1397 = arith.select %or3A_241, %select_n3A_1172, %broadcast_in_dim3A_249 : vector<16xi1>, vector<16xf32>
        %add3A_1398 = arith.constant 4 : i32
        %add3A_1399 = arith.addi %add3A_498, %add3A_1398 : i32
        %swap3A_1400 = arith.index_cast %add3A_1399 : i32 to index
        %swap3A_1401 = arith.constant 0 : index
        %swap3A_1402 = tpu.vector_load %arg24[%swap3A_1400, %swap3A_1401] {strides = array<i32>} : memref<240x16xf32, #tpu.memory_space<vmem>>, vector<1x16xf32>,
        %swap3A_1403 = vector.shape_cast %swap3A_1402 : vector<1x16xf32> to vector<16xf32>
        %swap3A_1404 = vector.shape_cast %select_n3A_1397 : vector<16xf32> to vector<1x16xf32>
        tpu.vector_store %arg24[%swap3A_1400, %swap3A_1401], %swap3A_1404 {strides = array<i32>} : memref<240x16xf32, #tpu.memory_space<vmem>>, vector<1x16xf32>,
        %select_n3A_1405 = arith.select %or3A_248, %select_n3A_1172, %broadcast_in_dim3A_249 : vector<16xi1>, vector<16xf32>
        %add3A_1406 = arith.constant 4 : i32
        %add3A_1407 = arith.addi %add3A_502, %add3A_1406 : i32
        %swap3A_1408 = arith.index_cast %add3A_1407 : i32 to index
        %swap3A_1409 = arith.constant 0 : index
        %swap3A_1410 = tpu.vector_load %arg24[%swap3A_1408, %swap3A_1409] {strides = array<i32>} : memref<240x16xf32, #tpu.memory_space<vmem>>, vector<1x16xf32>,
        %swap3A_1411 = vector.shape_cast %swap3A_1410 : vector<1x16xf32> to vector<16xf32>
        %swap3A_1412 = vector.shape_cast %select_n3A_1405 : vector<16xf32> to vector<1x16xf32>
        tpu.vector_store %arg24[%swap3A_1408, %swap3A_1409], %swap3A_1412 {strides = array<i32>} : memref<240x16xf32, #tpu.memory_space<vmem>>, vector<1x16xf32>,
        %select_n3A_1413 = arith.select %or3A, %select_n3A_1183, %broadcast_in_dim3A_249 : vector<16xi1>, vector<16xf32>
        %add3A_1414 = arith.constant 5 : i32
        %add3A_1415 = arith.addi %mul3A_494, %add3A_1414 : i32
        %swap3A_1416 = arith.index_cast %add3A_1415 : i32 to index
        %swap3A_1417 = arith.constant 0 : index
        %swap3A_1418 = tpu.vector_load %arg24[%swap3A_1416, %swap3A_1417] {strides = array<i32>} : memref<240x16xf32, #tpu.memory_space<vmem>>, vector<1x16xf32>,
        %swap3A_1419 = vector.shape_cast %swap3A_1418 : vector<1x16xf32> to vector<16xf32>
        %swap3A_1420 = vector.shape_cast %select_n3A_1413 : vector<16xf32> to vector<1x16xf32>
        tpu.vector_store %arg24[%swap3A_1416, %swap3A_1417], %swap3A_1420 {strides = array<i32>} : memref<240x16xf32, #tpu.memory_space<vmem>>, vector<1x16xf32>,
        %select_n3A_1421 = arith.select %or3A_241, %select_n3A_1183, %broadcast_in_dim3A_249 : vector<16xi1>, vector<16xf32>
        %add3A_1422 = arith.constant 5 : i32
        %add3A_1423 = arith.addi %add3A_498, %add3A_1422 : i32
        %swap3A_1424 = arith.index_cast %add3A_1423 : i32 to index
        %swap3A_1425 = arith.constant 0 : index
        %swap3A_1426 = tpu.vector_load %arg24[%swap3A_1424, %swap3A_1425] {strides = array<i32>} : memref<240x16xf32, #tpu.memory_space<vmem>>, vector<1x16xf32>,
        %swap3A_1427 = vector.shape_cast %swap3A_1426 : vector<1x16xf32> to vector<16xf32>
        %swap3A_1428 = vector.shape_cast %select_n3A_1421 : vector<16xf32> to vector<1x16xf32>
        tpu.vector_store %arg24[%swap3A_1424, %swap3A_1425], %swap3A_1428 {strides = array<i32>} : memref<240x16xf32, #tpu.memory_space<vmem>>, vector<1x16xf32>,
        %select_n3A_1429 = arith.select %or3A_248, %select_n3A_1183, %broadcast_in_dim3A_249 : vector<16xi1>, vector<16xf32>
        %add3A_1430 = arith.constant 5 : i32
        %add3A_1431 = arith.addi %add3A_502, %add3A_1430 : i32
        %swap3A_1432 = arith.index_cast %add3A_1431 : i32 to index
        %swap3A_1433 = arith.constant 0 : index
        %swap3A_1434 = tpu.vector_load %arg24[%swap3A_1432, %swap3A_1433] {strides = array<i32>} : memref<240x16xf32, #tpu.memory_space<vmem>>, vector<1x16xf32>,
        %swap3A_1435 = vector.shape_cast %swap3A_1434 : vector<1x16xf32> to vector<16xf32>
        %swap3A_1436 = vector.shape_cast %select_n3A_1429 : vector<16xf32> to vector<1x16xf32>
        tpu.vector_store %arg24[%swap3A_1432, %swap3A_1433], %swap3A_1436 {strides = array<i32>} : memref<240x16xf32, #tpu.memory_space<vmem>>, vector<1x16xf32>,
        %select_n3A_1437 = arith.select %or3A, %select_n3A_1194, %broadcast_in_dim3A_249 : vector<16xi1>, vector<16xf32>
        %add3A_1438 = arith.constant 6 : i32
        %add3A_1439 = arith.addi %mul3A_494, %add3A_1438 : i32
        %swap3A_1440 = arith.index_cast %add3A_1439 : i32 to index
        %swap3A_1441 = arith.constant 0 : index
        %swap3A_1442 = tpu.vector_load %arg24[%swap3A_1440, %swap3A_1441] {strides = array<i32>} : memref<240x16xf32, #tpu.memory_space<vmem>>, vector<1x16xf32>,
        %swap3A_1443 = vector.shape_cast %swap3A_1442 : vector<1x16xf32> to vector<16xf32>
        %swap3A_1444 = vector.shape_cast %select_n3A_1437 : vector<16xf32> to vector<1x16xf32>
        tpu.vector_store %arg24[%swap3A_1440, %swap3A_1441], %swap3A_1444 {strides = array<i32>} : memref<240x16xf32, #tpu.memory_space<vmem>>, vector<1x16xf32>,
        %select_n3A_1445 = arith.select %or3A_241, %select_n3A_1194, %broadcast_in_dim3A_249 : vector<16xi1>, vector<16xf32>
        %add3A_1446 = arith.constant 6 : i32
        %add3A_1447 = arith.addi %add3A_498, %add3A_1446 : i32
        %swap3A_1448 = arith.index_cast %add3A_1447 : i32 to index
        %swap3A_1449 = arith.constant 0 : index
        %swap3A_1450 = tpu.vector_load %arg24[%swap3A_1448, %swap3A_1449] {strides = array<i32>} : memref<240x16xf32, #tpu.memory_space<vmem>>, vector<1x16xf32>,
        %swap3A_1451 = vector.shape_cast %swap3A_1450 : vector<1x16xf32> to vector<16xf32>
        %swap3A_1452 = vector.shape_cast %select_n3A_1445 : vector<16xf32> to vector<1x16xf32>
        tpu.vector_store %arg24[%swap3A_1448, %swap3A_1449], %swap3A_1452 {strides = array<i32>} : memref<240x16xf32, #tpu.memory_space<vmem>>, vector<1x16xf32>,
        %select_n3A_1453 = arith.select %or3A_248, %select_n3A_1194, %broadcast_in_dim3A_249 : vector<16xi1>, vector<16xf32>
        %add3A_1454 = arith.constant 6 : i32
        %add3A_1455 = arith.addi %add3A_502, %add3A_1454 : i32
        %swap3A_1456 = arith.index_cast %add3A_1455 : i32 to index
        %swap3A_1457 = arith.constant 0 : index
        %swap3A_1458 = tpu.vector_load %arg24[%swap3A_1456, %swap3A_1457] {strides = array<i32>} : memref<240x16xf32, #tpu.memory_space<vmem>>, vector<1x16xf32>,
        %swap3A_1459 = vector.shape_cast %swap3A_1458 : vector<1x16xf32> to vector<16xf32>
        %swap3A_1460 = vector.shape_cast %select_n3A_1453 : vector<16xf32> to vector<1x16xf32>
        tpu.vector_store %arg24[%swap3A_1456, %swap3A_1457], %swap3A_1460 {strides = array<i32>} : memref<240x16xf32, #tpu.memory_space<vmem>>, vector<1x16xf32>,
        %select_n3A_1461 = arith.select %or3A, %select_n3A_1205, %broadcast_in_dim3A_249 : vector<16xi1>, vector<16xf32>
        %add3A_1462 = arith.constant 7 : i32
        %add3A_1463 = arith.addi %mul3A_494, %add3A_1462 : i32
        %swap3A_1464 = arith.index_cast %add3A_1463 : i32 to index
        %swap3A_1465 = arith.constant 0 : index
        %swap3A_1466 = tpu.vector_load %arg24[%swap3A_1464, %swap3A_1465] {strides = array<i32>} : memref<240x16xf32, #tpu.memory_space<vmem>>, vector<1x16xf32>,
        %swap3A_1467 = vector.shape_cast %swap3A_1466 : vector<1x16xf32> to vector<16xf32>
        %swap3A_1468 = vector.shape_cast %select_n3A_1461 : vector<16xf32> to vector<1x16xf32>
        tpu.vector_store %arg24[%swap3A_1464, %swap3A_1465], %swap3A_1468 {strides = array<i32>} : memref<240x16xf32, #tpu.memory_space<vmem>>, vector<1x16xf32>,
        %select_n3A_1469 = arith.select %or3A_241, %select_n3A_1205, %broadcast_in_dim3A_249 : vector<16xi1>, vector<16xf32>
        %add3A_1470 = arith.constant 7 : i32
        %add3A_1471 = arith.addi %add3A_498, %add3A_1470 : i32
        %swap3A_1472 = arith.index_cast %add3A_1471 : i32 to index
        %swap3A_1473 = arith.constant 0 : index
        %swap3A_1474 = tpu.vector_load %arg24[%swap3A_1472, %swap3A_1473] {strides = array<i32>} : memref<240x16xf32, #tpu.memory_space<vmem>>, vector<1x16xf32>,
        %swap3A_1475 = vector.shape_cast %swap3A_1474 : vector<1x16xf32> to vector<16xf32>
        %swap3A_1476 = vector.shape_cast %select_n3A_1469 : vector<16xf32> to vector<1x16xf32>
        tpu.vector_store %arg24[%swap3A_1472, %swap3A_1473], %swap3A_1476 {strides = array<i32>} : memref<240x16xf32, #tpu.memory_space<vmem>>, vector<1x16xf32>,
        %select_n3A_1477 = arith.select %or3A_248, %select_n3A_1205, %broadcast_in_dim3A_249 : vector<16xi1>, vector<16xf32>
        %add3A_1478 = arith.constant 7 : i32
        %add3A_1479 = arith.addi %add3A_502, %add3A_1478 : i32
        %swap3A_1480 = arith.index_cast %add3A_1479 : i32 to index
        %swap3A_1481 = arith.constant 0 : index
        %swap3A_1482 = tpu.vector_load %arg24[%swap3A_1480, %swap3A_1481] {strides = array<i32>} : memref<240x16xf32, #tpu.memory_space<vmem>>, vector<1x16xf32>,
        %swap3A_1483 = vector.shape_cast %swap3A_1482 : vector<1x16xf32> to vector<16xf32>
        %swap3A_1484 = vector.shape_cast %select_n3A_1477 : vector<16xf32> to vector<1x16xf32>
        tpu.vector_store %arg24[%swap3A_1480, %swap3A_1481], %swap3A_1484 {strides = array<i32>} : memref<240x16xf32, #tpu.memory_space<vmem>>, vector<1x16xf32>,
        %select_n3A_1485 = arith.select %or3A, %select_n3A_1216, %broadcast_in_dim3A_249 : vector<16xi1>, vector<16xf32>
        %add3A_1486 = arith.constant 8 : i32
        %add3A_1487 = arith.addi %mul3A_494, %add3A_1486 : i32
        %swap3A_1488 = arith.index_cast %add3A_1487 : i32 to index
        %swap3A_1489 = arith.constant 0 : index
        %swap3A_1490 = tpu.vector_load %arg24[%swap3A_1488, %swap3A_1489] {strides = array<i32>} : memref<240x16xf32, #tpu.memory_space<vmem>>, vector<1x16xf32>,
        %swap3A_1491 = vector.shape_cast %swap3A_1490 : vector<1x16xf32> to vector<16xf32>
        %swap3A_1492 = vector.shape_cast %select_n3A_1485 : vector<16xf32> to vector<1x16xf32>
        tpu.vector_store %arg24[%swap3A_1488, %swap3A_1489], %swap3A_1492 {strides = array<i32>} : memref<240x16xf32, #tpu.memory_space<vmem>>, vector<1x16xf32>,
        %select_n3A_1493 = arith.select %or3A_241, %select_n3A_1216, %broadcast_in_dim3A_249 : vector<16xi1>, vector<16xf32>
        %add3A_1494 = arith.constant 8 : i32
        %add3A_1495 = arith.addi %add3A_498, %add3A_1494 : i32
        %swap3A_1496 = arith.index_cast %add3A_1495 : i32 to index
        %swap3A_1497 = arith.constant 0 : index
        %swap3A_1498 = tpu.vector_load %arg24[%swap3A_1496, %swap3A_1497] {strides = array<i32>} : memref<240x16xf32, #tpu.memory_space<vmem>>, vector<1x16xf32>,
        %swap3A_1499 = vector.shape_cast %swap3A_1498 : vector<1x16xf32> to vector<16xf32>
        %swap3A_1500 = vector.shape_cast %select_n3A_1493 : vector<16xf32> to vector<1x16xf32>
        tpu.vector_store %arg24[%swap3A_1496, %swap3A_1497], %swap3A_1500 {strides = array<i32>} : memref<240x16xf32, #tpu.memory_space<vmem>>, vector<1x16xf32>,
        %select_n3A_1501 = arith.select %or3A_248, %select_n3A_1216, %broadcast_in_dim3A_249 : vector<16xi1>, vector<16xf32>
        %add3A_1502 = arith.constant 8 : i32
        %add3A_1503 = arith.addi %add3A_502, %add3A_1502 : i32
        %swap3A_1504 = arith.index_cast %add3A_1503 : i32 to index
        %swap3A_1505 = arith.constant 0 : index
        %swap3A_1506 = tpu.vector_load %arg24[%swap3A_1504, %swap3A_1505] {strides = array<i32>} : memref<240x16xf32, #tpu.memory_space<vmem>>, vector<1x16xf32>,
        %swap3A_1507 = vector.shape_cast %swap3A_1506 : vector<1x16xf32> to vector<16xf32>
        %swap3A_1508 = vector.shape_cast %select_n3A_1501 : vector<16xf32> to vector<1x16xf32>
        tpu.vector_store %arg24[%swap3A_1504, %swap3A_1505], %swap3A_1508 {strides = array<i32>} : memref<240x16xf32, #tpu.memory_space<vmem>>, vector<1x16xf32>,
        %select_n3A_1509 = arith.select %or3A, %select_n3A_1227, %broadcast_in_dim3A_249 : vector<16xi1>, vector<16xf32>
        %add3A_1510 = arith.constant 9 : i32
        %add3A_1511 = arith.addi %mul3A_494, %add3A_1510 : i32
        %swap3A_1512 = arith.index_cast %add3A_1511 : i32 to index
        %swap3A_1513 = arith.constant 0 : index
        %swap3A_1514 = tpu.vector_load %arg24[%swap3A_1512, %swap3A_1513] {strides = array<i32>} : memref<240x16xf32, #tpu.memory_space<vmem>>, vector<1x16xf32>,
        %swap3A_1515 = vector.shape_cast %swap3A_1514 : vector<1x16xf32> to vector<16xf32>
        %swap3A_1516 = vector.shape_cast %select_n3A_1509 : vector<16xf32> to vector<1x16xf32>
        tpu.vector_store %arg24[%swap3A_1512, %swap3A_1513], %swap3A_1516 {strides = array<i32>} : memref<240x16xf32, #tpu.memory_space<vmem>>, vector<1x16xf32>,
        %select_n3A_1517 = arith.select %or3A_241, %select_n3A_1227, %broadcast_in_dim3A_249 : vector<16xi1>, vector<16xf32>
        %add3A_1518 = arith.constant 9 : i32
        %add3A_1519 = arith.addi %add3A_498, %add3A_1518 : i32
        %swap3A_1520 = arith.index_cast %add3A_1519 : i32 to index
        %swap3A_1521 = arith.constant 0 : index
        %swap3A_1522 = tpu.vector_load %arg24[%swap3A_1520, %swap3A_1521] {strides = array<i32>} : memref<240x16xf32, #tpu.memory_space<vmem>>, vector<1x16xf32>,
        %swap3A_1523 = vector.shape_cast %swap3A_1522 : vector<1x16xf32> to vector<16xf32>
        %swap3A_1524 = vector.shape_cast %select_n3A_1517 : vector<16xf32> to vector<1x16xf32>
        tpu.vector_store %arg24[%swap3A_1520, %swap3A_1521], %swap3A_1524 {strides = array<i32>} : memref<240x16xf32, #tpu.memory_space<vmem>>, vector<1x16xf32>,
        %select_n3A_1525 = arith.select %or3A_248, %select_n3A_1227, %broadcast_in_dim3A_249 : vector<16xi1>, vector<16xf32>
        %add3A_1526 = arith.constant 9 : i32
        %add3A_1527 = arith.addi %add3A_502, %add3A_1526 : i32
        %swap3A_1528 = arith.index_cast %add3A_1527 : i32 to index
        %swap3A_1529 = arith.constant 0 : index
        %swap3A_1530 = tpu.vector_load %arg24[%swap3A_1528, %swap3A_1529] {strides = array<i32>} : memref<240x16xf32, #tpu.memory_space<vmem>>, vector<1x16xf32>,
        %swap3A_1531 = vector.shape_cast %swap3A_1530 : vector<1x16xf32> to vector<16xf32>
        %swap3A_1532 = vector.shape_cast %select_n3A_1525 : vector<16xf32> to vector<1x16xf32>
        tpu.vector_store %arg24[%swap3A_1528, %swap3A_1529], %swap3A_1532 {strides = array<i32>} : memref<240x16xf32, #tpu.memory_space<vmem>>, vector<1x16xf32>,
        %select_n3A_1533 = arith.select %or3A, %select_n3A_1238, %broadcast_in_dim3A_249 : vector<16xi1>, vector<16xf32>
        %add3A_1534 = arith.constant 10 : i32
        %add3A_1535 = arith.addi %mul3A_494, %add3A_1534 : i32
        %swap3A_1536 = arith.index_cast %add3A_1535 : i32 to index
        %swap3A_1537 = arith.constant 0 : index
        %swap3A_1538 = tpu.vector_load %arg24[%swap3A_1536, %swap3A_1537] {strides = array<i32>} : memref<240x16xf32, #tpu.memory_space<vmem>>, vector<1x16xf32>,
        %swap3A_1539 = vector.shape_cast %swap3A_1538 : vector<1x16xf32> to vector<16xf32>
        %swap3A_1540 = vector.shape_cast %select_n3A_1533 : vector<16xf32> to vector<1x16xf32>
        tpu.vector_store %arg24[%swap3A_1536, %swap3A_1537], %swap3A_1540 {strides = array<i32>} : memref<240x16xf32, #tpu.memory_space<vmem>>, vector<1x16xf32>,
        %select_n3A_1541 = arith.select %or3A_241, %select_n3A_1238, %broadcast_in_dim3A_249 : vector<16xi1>, vector<16xf32>
        %add3A_1542 = arith.constant 10 : i32
        %add3A_1543 = arith.addi %add3A_498, %add3A_1542 : i32
        %swap3A_1544 = arith.index_cast %add3A_1543 : i32 to index
        %swap3A_1545 = arith.constant 0 : index
        %swap3A_1546 = tpu.vector_load %arg24[%swap3A_1544, %swap3A_1545] {strides = array<i32>} : memref<240x16xf32, #tpu.memory_space<vmem>>, vector<1x16xf32>,
        %swap3A_1547 = vector.shape_cast %swap3A_1546 : vector<1x16xf32> to vector<16xf32>
        %swap3A_1548 = vector.shape_cast %select_n3A_1541 : vector<16xf32> to vector<1x16xf32>
        tpu.vector_store %arg24[%swap3A_1544, %swap3A_1545], %swap3A_1548 {strides = array<i32>} : memref<240x16xf32, #tpu.memory_space<vmem>>, vector<1x16xf32>,
        %select_n3A_1549 = arith.select %or3A_248, %select_n3A_1238, %broadcast_in_dim3A_249 : vector<16xi1>, vector<16xf32>
        %add3A_1550 = arith.constant 10 : i32
        %add3A_1551 = arith.addi %add3A_502, %add3A_1550 : i32
        %swap3A_1552 = arith.index_cast %add3A_1551 : i32 to index
        %swap3A_1553 = arith.constant 0 : index
        %swap3A_1554 = tpu.vector_load %arg24[%swap3A_1552, %swap3A_1553] {strides = array<i32>} : memref<240x16xf32, #tpu.memory_space<vmem>>, vector<1x16xf32>,
        %swap3A_1555 = vector.shape_cast %swap3A_1554 : vector<1x16xf32> to vector<16xf32>
        %swap3A_1556 = vector.shape_cast %select_n3A_1549 : vector<16xf32> to vector<1x16xf32>
        tpu.vector_store %arg24[%swap3A_1552, %swap3A_1553], %swap3A_1556 {strides = array<i32>} : memref<240x16xf32, #tpu.memory_space<vmem>>, vector<1x16xf32>,
        %select_n3A_1557 = arith.select %or3A, %select_n3A_1249, %broadcast_in_dim3A_249 : vector<16xi1>, vector<16xf32>
        %add3A_1558 = arith.constant 11 : i32
        %add3A_1559 = arith.addi %mul3A_494, %add3A_1558 : i32
        %swap3A_1560 = arith.index_cast %add3A_1559 : i32 to index
        %swap3A_1561 = arith.constant 0 : index
        %swap3A_1562 = tpu.vector_load %arg24[%swap3A_1560, %swap3A_1561] {strides = array<i32>} : memref<240x16xf32, #tpu.memory_space<vmem>>, vector<1x16xf32>,
        %swap3A_1563 = vector.shape_cast %swap3A_1562 : vector<1x16xf32> to vector<16xf32>
        %swap3A_1564 = vector.shape_cast %select_n3A_1557 : vector<16xf32> to vector<1x16xf32>
        tpu.vector_store %arg24[%swap3A_1560, %swap3A_1561], %swap3A_1564 {strides = array<i32>} : memref<240x16xf32, #tpu.memory_space<vmem>>, vector<1x16xf32>,
        %select_n3A_1565 = arith.select %or3A_241, %select_n3A_1249, %broadcast_in_dim3A_249 : vector<16xi1>, vector<16xf32>
        %add3A_1566 = arith.constant 11 : i32
        %add3A_1567 = arith.addi %add3A_498, %add3A_1566 : i32
        %swap3A_1568 = arith.index_cast %add3A_1567 : i32 to index
        %swap3A_1569 = arith.constant 0 : index
        %swap3A_1570 = tpu.vector_load %arg24[%swap3A_1568, %swap3A_1569] {strides = array<i32>} : memref<240x16xf32, #tpu.memory_space<vmem>>, vector<1x16xf32>,
        %swap3A_1571 = vector.shape_cast %swap3A_1570 : vector<1x16xf32> to vector<16xf32>
        %swap3A_1572 = vector.shape_cast %select_n3A_1565 : vector<16xf32> to vector<1x16xf32>
        tpu.vector_store %arg24[%swap3A_1568, %swap3A_1569], %swap3A_1572 {strides = array<i32>} : memref<240x16xf32, #tpu.memory_space<vmem>>, vector<1x16xf32>,
        %select_n3A_1573 = arith.select %or3A_248, %select_n3A_1249, %broadcast_in_dim3A_249 : vector<16xi1>, vector<16xf32>
        %add3A_1574 = arith.constant 11 : i32
        %add3A_1575 = arith.addi %add3A_502, %add3A_1574 : i32
        %swap3A_1576 = arith.index_cast %add3A_1575 : i32 to index
        %swap3A_1577 = arith.constant 0 : index
        %swap3A_1578 = tpu.vector_load %arg24[%swap3A_1576, %swap3A_1577] {strides = array<i32>} : memref<240x16xf32, #tpu.memory_space<vmem>>, vector<1x16xf32>,
        %swap3A_1579 = vector.shape_cast %swap3A_1578 : vector<1x16xf32> to vector<16xf32>
        %swap3A_1580 = vector.shape_cast %select_n3A_1573 : vector<16xf32> to vector<1x16xf32>
        tpu.vector_store %arg24[%swap3A_1576, %swap3A_1577], %swap3A_1580 {strides = array<i32>} : memref<240x16xf32, #tpu.memory_space<vmem>>, vector<1x16xf32>,
        %select_n3A_1581 = arith.select %or3A, %select_n3A_1260, %broadcast_in_dim3A_249 : vector<16xi1>, vector<16xf32>
        %add3A_1582 = arith.constant 12 : i32
        %add3A_1583 = arith.addi %mul3A_494, %add3A_1582 : i32
        %swap3A_1584 = arith.index_cast %add3A_1583 : i32 to index
        %swap3A_1585 = arith.constant 0 : index
        %swap3A_1586 = tpu.vector_load %arg24[%swap3A_1584, %swap3A_1585] {strides = array<i32>} : memref<240x16xf32, #tpu.memory_space<vmem>>, vector<1x16xf32>,
        %swap3A_1587 = vector.shape_cast %swap3A_1586 : vector<1x16xf32> to vector<16xf32>
        %swap3A_1588 = vector.shape_cast %select_n3A_1581 : vector<16xf32> to vector<1x16xf32>
        tpu.vector_store %arg24[%swap3A_1584, %swap3A_1585], %swap3A_1588 {strides = array<i32>} : memref<240x16xf32, #tpu.memory_space<vmem>>, vector<1x16xf32>,
        %select_n3A_1589 = arith.select %or3A_241, %select_n3A_1260, %broadcast_in_dim3A_249 : vector<16xi1>, vector<16xf32>
        %add3A_1590 = arith.constant 12 : i32
        %add3A_1591 = arith.addi %add3A_498, %add3A_1590 : i32
        %swap3A_1592 = arith.index_cast %add3A_1591 : i32 to index
        %swap3A_1593 = arith.constant 0 : index
        %swap3A_1594 = tpu.vector_load %arg24[%swap3A_1592, %swap3A_1593] {strides = array<i32>} : memref<240x16xf32, #tpu.memory_space<vmem>>, vector<1x16xf32>,
        %swap3A_1595 = vector.shape_cast %swap3A_1594 : vector<1x16xf32> to vector<16xf32>
        %swap3A_1596 = vector.shape_cast %select_n3A_1589 : vector<16xf32> to vector<1x16xf32>
        tpu.vector_store %arg24[%swap3A_1592, %swap3A_1593], %swap3A_1596 {strides = array<i32>} : memref<240x16xf32, #tpu.memory_space<vmem>>, vector<1x16xf32>,
        %select_n3A_1597 = arith.select %or3A_248, %select_n3A_1260, %broadcast_in_dim3A_249 : vector<16xi1>, vector<16xf32>
        %add3A_1598 = arith.constant 12 : i32
        %add3A_1599 = arith.addi %add3A_502, %add3A_1598 : i32
        %swap3A_1600 = arith.index_cast %add3A_1599 : i32 to index
        %swap3A_1601 = arith.constant 0 : index
        %swap3A_1602 = tpu.vector_load %arg24[%swap3A_1600, %swap3A_1601] {strides = array<i32>} : memref<240x16xf32, #tpu.memory_space<vmem>>, vector<1x16xf32>,
        %swap3A_1603 = vector.shape_cast %swap3A_1602 : vector<1x16xf32> to vector<16xf32>
        %swap3A_1604 = vector.shape_cast %select_n3A_1597 : vector<16xf32> to vector<1x16xf32>
        tpu.vector_store %arg24[%swap3A_1600, %swap3A_1601], %swap3A_1604 {strides = array<i32>} : memref<240x16xf32, #tpu.memory_space<vmem>>, vector<1x16xf32>,
        %select_n3A_1605 = arith.select %or3A, %select_n3A_1271, %broadcast_in_dim3A_249 : vector<16xi1>, vector<16xf32>
        %add3A_1606 = arith.constant 13 : i32
        %add3A_1607 = arith.addi %mul3A_494, %add3A_1606 : i32
        %swap3A_1608 = arith.index_cast %add3A_1607 : i32 to index
        %swap3A_1609 = arith.constant 0 : index
        %swap3A_1610 = tpu.vector_load %arg24[%swap3A_1608, %swap3A_1609] {strides = array<i32>} : memref<240x16xf32, #tpu.memory_space<vmem>>, vector<1x16xf32>,
        %swap3A_1611 = vector.shape_cast %swap3A_1610 : vector<1x16xf32> to vector<16xf32>
        %swap3A_1612 = vector.shape_cast %select_n3A_1605 : vector<16xf32> to vector<1x16xf32>
        tpu.vector_store %arg24[%swap3A_1608, %swap3A_1609], %swap3A_1612 {strides = array<i32>} : memref<240x16xf32, #tpu.memory_space<vmem>>, vector<1x16xf32>,
        %select_n3A_1613 = arith.select %or3A_241, %select_n3A_1271, %broadcast_in_dim3A_249 : vector<16xi1>, vector<16xf32>
        %add3A_1614 = arith.constant 13 : i32
        %add3A_1615 = arith.addi %add3A_498, %add3A_1614 : i32
        %swap3A_1616 = arith.index_cast %add3A_1615 : i32 to index
        %swap3A_1617 = arith.constant 0 : index
        %swap3A_1618 = tpu.vector_load %arg24[%swap3A_1616, %swap3A_1617] {strides = array<i32>} : memref<240x16xf32, #tpu.memory_space<vmem>>, vector<1x16xf32>,
        %swap3A_1619 = vector.shape_cast %swap3A_1618 : vector<1x16xf32> to vector<16xf32>
        %swap3A_1620 = vector.shape_cast %select_n3A_1613 : vector<16xf32> to vector<1x16xf32>
        tpu.vector_store %arg24[%swap3A_1616, %swap3A_1617], %swap3A_1620 {strides = array<i32>} : memref<240x16xf32, #tpu.memory_space<vmem>>, vector<1x16xf32>,
        %select_n3A_1621 = arith.select %or3A_248, %select_n3A_1271, %broadcast_in_dim3A_249 : vector<16xi1>, vector<16xf32>
        %add3A_1622 = arith.constant 13 : i32
        %add3A_1623 = arith.addi %add3A_502, %add3A_1622 : i32
        %swap3A_1624 = arith.index_cast %add3A_1623 : i32 to index
        %swap3A_1625 = arith.constant 0 : index
        %swap3A_1626 = tpu.vector_load %arg24[%swap3A_1624, %swap3A_1625] {strides = array<i32>} : memref<240x16xf32, #tpu.memory_space<vmem>>, vector<1x16xf32>,
        %swap3A_1627 = vector.shape_cast %swap3A_1626 : vector<1x16xf32> to vector<16xf32>
        %swap3A_1628 = vector.shape_cast %select_n3A_1621 : vector<16xf32> to vector<1x16xf32>
        tpu.vector_store %arg24[%swap3A_1624, %swap3A_1625], %swap3A_1628 {strides = array<i32>} : memref<240x16xf32, #tpu.memory_space<vmem>>, vector<1x16xf32>,
        %select_n3A_1629 = arith.select %or3A, %select_n3A_1282, %broadcast_in_dim3A_249 : vector<16xi1>, vector<16xf32>
        %add3A_1630 = arith.constant 14 : i32
        %add3A_1631 = arith.addi %mul3A_494, %add3A_1630 : i32
        %swap3A_1632 = arith.index_cast %add3A_1631 : i32 to index
        %swap3A_1633 = arith.constant 0 : index
        %swap3A_1634 = tpu.vector_load %arg24[%swap3A_1632, %swap3A_1633] {strides = array<i32>} : memref<240x16xf32, #tpu.memory_space<vmem>>, vector<1x16xf32>,
        %swap3A_1635 = vector.shape_cast %swap3A_1634 : vector<1x16xf32> to vector<16xf32>
        %swap3A_1636 = vector.shape_cast %select_n3A_1629 : vector<16xf32> to vector<1x16xf32>
        tpu.vector_store %arg24[%swap3A_1632, %swap3A_1633], %swap3A_1636 {strides = array<i32>} : memref<240x16xf32, #tpu.memory_space<vmem>>, vector<1x16xf32>,
        %select_n3A_1637 = arith.select %or3A_241, %select_n3A_1282, %broadcast_in_dim3A_249 : vector<16xi1>, vector<16xf32>
        %add3A_1638 = arith.constant 14 : i32
        %add3A_1639 = arith.addi %add3A_498, %add3A_1638 : i32
        %swap3A_1640 = arith.index_cast %add3A_1639 : i32 to index
        %swap3A_1641 = arith.constant 0 : index
        %swap3A_1642 = tpu.vector_load %arg24[%swap3A_1640, %swap3A_1641] {strides = array<i32>} : memref<240x16xf32, #tpu.memory_space<vmem>>, vector<1x16xf32>,
        %swap3A_1643 = vector.shape_cast %swap3A_1642 : vector<1x16xf32> to vector<16xf32>
        %swap3A_1644 = vector.shape_cast %select_n3A_1637 : vector<16xf32> to vector<1x16xf32>
        tpu.vector_store %arg24[%swap3A_1640, %swap3A_1641], %swap3A_1644 {strides = array<i32>} : memref<240x16xf32, #tpu.memory_space<vmem>>, vector<1x16xf32>,
        %select_n3A_1645 = arith.select %or3A_248, %select_n3A_1282, %broadcast_in_dim3A_249 : vector<16xi1>, vector<16xf32>
        %add3A_1646 = arith.constant 14 : i32
        %add3A_1647 = arith.addi %add3A_502, %add3A_1646 : i32
        %swap3A_1648 = arith.index_cast %add3A_1647 : i32 to index
        %swap3A_1649 = arith.constant 0 : index
        %swap3A_1650 = tpu.vector_load %arg24[%swap3A_1648, %swap3A_1649] {strides = array<i32>} : memref<240x16xf32, #tpu.memory_space<vmem>>, vector<1x16xf32>,
        %swap3A_1651 = vector.shape_cast %swap3A_1650 : vector<1x16xf32> to vector<16xf32>
        %swap3A_1652 = vector.shape_cast %select_n3A_1645 : vector<16xf32> to vector<1x16xf32>
        tpu.vector_store %arg24[%swap3A_1648, %swap3A_1649], %swap3A_1652 {strides = array<i32>} : memref<240x16xf32, #tpu.memory_space<vmem>>, vector<1x16xf32>,
        %select_n3A_1653 = arith.select %or3A, %select_n3A_1293, %broadcast_in_dim3A_249 : vector<16xi1>, vector<16xf32>
        %add3A_1654 = arith.constant 15 : i32
        %add3A_1655 = arith.addi %mul3A_494, %add3A_1654 : i32
        %swap3A_1656 = arith.index_cast %add3A_1655 : i32 to index
        %swap3A_1657 = arith.constant 0 : index
        %swap3A_1658 = tpu.vector_load %arg24[%swap3A_1656, %swap3A_1657] {strides = array<i32>} : memref<240x16xf32, #tpu.memory_space<vmem>>, vector<1x16xf32>,
        %swap3A_1659 = vector.shape_cast %swap3A_1658 : vector<1x16xf32> to vector<16xf32>
        %swap3A_1660 = vector.shape_cast %select_n3A_1653 : vector<16xf32> to vector<1x16xf32>
        tpu.vector_store %arg24[%swap3A_1656, %swap3A_1657], %swap3A_1660 {strides = array<i32>} : memref<240x16xf32, #tpu.memory_space<vmem>>, vector<1x16xf32>,
        %select_n3A_1661 = arith.select %or3A_241, %select_n3A_1293, %broadcast_in_dim3A_249 : vector<16xi1>, vector<16xf32>
        %add3A_1662 = arith.constant 15 : i32
        %add3A_1663 = arith.addi %add3A_498, %add3A_1662 : i32
        %swap3A_1664 = arith.index_cast %add3A_1663 : i32 to index
        %swap3A_1665 = arith.constant 0 : index
        %swap3A_1666 = tpu.vector_load %arg24[%swap3A_1664, %swap3A_1665] {strides = array<i32>} : memref<240x16xf32, #tpu.memory_space<vmem>>, vector<1x16xf32>,
        %swap3A_1667 = vector.shape_cast %swap3A_1666 : vector<1x16xf32> to vector<16xf32>
        %swap3A_1668 = vector.shape_cast %select_n3A_1661 : vector<16xf32> to vector<1x16xf32>
        tpu.vector_store %arg24[%swap3A_1664, %swap3A_1665], %swap3A_1668 {strides = array<i32>} : memref<240x16xf32, #tpu.memory_space<vmem>>, vector<1x16xf32>,
        %select_n3A_1669 = arith.select %or3A_248, %select_n3A_1293, %broadcast_in_dim3A_249 : vector<16xi1>, vector<16xf32>
        %add3A_1670 = arith.constant 15 : i32
        %add3A_1671 = arith.addi %add3A_502, %add3A_1670 : i32
        %swap3A_1672 = arith.index_cast %add3A_1671 : i32 to index
        %swap3A_1673 = arith.constant 0 : index
        %swap3A_1674 = tpu.vector_load %arg24[%swap3A_1672, %swap3A_1673] {strides = array<i32>} : memref<240x16xf32, #tpu.memory_space<vmem>>, vector<1x16xf32>,
        %swap3A_1675 = vector.shape_cast %swap3A_1674 : vector<1x16xf32> to vector<16xf32>
        %swap3A_1676 = vector.shape_cast %select_n3A_1669 : vector<16xf32> to vector<1x16xf32>
        tpu.vector_store %arg24[%swap3A_1672, %swap3A_1673], %swap3A_1676 {strides = array<i32>} : memref<240x16xf32, #tpu.memory_space<vmem>>, vector<1x16xf32>,
      }
      %scan3A_468 = arith.constant 5 : i32
      %dma_start3A_469 = arith.constant 0 : i32
      %dma_start3A_470 = arith.constant 0 : i32
      %dma_start3A_471 = tpu.memref_slice %arg6[%dma_start3A_469, %dma_start3A_470] : memref<100096x16xf32, #tpu.memory_space<vmem_shared>> -> memref<100096x16xf32, #tpu.memory_space<vmem_shared>>
      tpu.enqueue_indirect_dma source(%arg24 : memref<240x16xf32, #tpu.memory_space<vmem>>) target(%dma_start3A_471 : memref<100096x16xf32, #tpu.memory_space<vmem_shared>>) offsets(%arg17 : memref<240xi32, #tpu.memory_space<vmem>>) semaphore(%arg30 : memref<!tpu.dma_semaphore, #tpu.memory_space<semaphore_mem>>) {add = true}
      %dma_wait3A_472 = arith.constant 0 : i32
      %dma_wait3A_473 = arith.constant 0 : i32
      %dma_wait3A_474 = tpu.memref_slice %arg6[%dma_wait3A_472, %dma_wait3A_473] : memref<100096x16xf32, #tpu.memory_space<vmem_shared>> -> memref<100096x16xf32, #tpu.memory_space<vmem_shared>>
      tpu.wait_indirect_dma semaphore(%arg30 : memref<!tpu.dma_semaphore, #tpu.memory_space<semaphore_mem>>) src(%arg24 : memref<240x16xf32, #tpu.memory_space<vmem>>) dst(%dma_wait3A_474 : memref<100096x16xf32, #tpu.memory_space<vmem_shared>>)
      %lt3A_475 = arith.constant 311 : i32
      %lt3A_476 = arith.cmpi slt, %scan3A_390, %lt3A_475 : i32
      %convert_element_type3A = arith.extui %lt3A_476 : i1 to i32
      %cond3A = arith.constant 0 : i32
      %cond3A_477 = arith.cmpi ne, %convert_element_type3A, %cond3A : i32
      scf.if %cond3A_477 {
        %add3A_492 = arith.constant 2 : i32
        %add3A_493 = arith.addi %add3A_394, %add3A_492 : i32
        %mul3A_494 = arith.constant 50000 : i32
        %mul3A_495 = arith.muli %add3A, %mul3A_494 : i32
        %mul3A_496 = arith.constant 80 : i32
        %mul3A_497 = arith.muli %add3A_493, %mul3A_496 : i32
        %add3A_498 = arith.addi %mul3A_495, %mul3A_497 : i32
        %add3A_499 = arith.constant 0 : i32
        %add3A_500 = arith.addi %add3A_499, %add3A_498 : i32
        %dma_start3A_501 = arith.constant 0 : i32
        %dma_start3A_502 = tpu.memref_slice %arg17[%dma_start3A_501] : memref<240xi32, #tpu.memory_space<vmem>> -> memref<80xi32, #tpu.memory_space<vmem>>
        %dma_start3A_503 = tpu.memref_slice %arg3[%add3A_500] : memref<4800000xi32, #tpu.memory_space<hbm>> -> memref<80xi32, #tpu.memory_space<hbm>>
        %dma_start3A_504 = arith.constant 0 : i32
        %dma_start3A_505 = tpu.memref_slice %arg17[%dma_start3A_504] : memref<240xi32, #tpu.memory_space<vmem>> -> memref<80xi32, #tpu.memory_space<vmem>>
        %dma_start3A_506 = tpu.memref_slice %arg3[%add3A_500] : memref<4800000xi32, #tpu.memory_space<hbm>> -> memref<80xi32, #tpu.memory_space<hbm>>
        tpu.enqueue_dma source(%dma_start3A_506 : memref<80xi32, #tpu.memory_space<hbm>>) target(%dma_start3A_505 : memref<80xi32, #tpu.memory_space<vmem>>) target_semaphore(%arg28 : memref<!tpu.dma_semaphore, #tpu.memory_space<semaphore_mem>>)
        %add3A_507 = arith.constant 1600000 : i32
        %add3A_508 = arith.addi %add3A_507, %add3A_498 : i32
        %dma_start3A_509 = arith.constant 80 : i32
        %dma_start3A_510 = tpu.memref_slice %arg17[%dma_start3A_509] : memref<240xi32, #tpu.memory_space<vmem>> -> memref<80xi32, #tpu.memory_space<vmem>>
        %dma_start3A_511 = tpu.memref_slice %arg3[%add3A_508] : memref<4800000xi32, #tpu.memory_space<hbm>> -> memref<80xi32, #tpu.memory_space<hbm>>
        %dma_start3A_512 = arith.constant 80 : i32
        %dma_start3A_513 = tpu.memref_slice %arg17[%dma_start3A_512] : memref<240xi32, #tpu.memory_space<vmem>> -> memref<80xi32, #tpu.memory_space<vmem>>
        %dma_start3A_514 = tpu.memref_slice %arg3[%add3A_508] : memref<4800000xi32, #tpu.memory_space<hbm>> -> memref<80xi32, #tpu.memory_space<hbm>>
        tpu.enqueue_dma source(%dma_start3A_514 : memref<80xi32, #tpu.memory_space<hbm>>) target(%dma_start3A_513 : memref<80xi32, #tpu.memory_space<vmem>>) target_semaphore(%arg28 : memref<!tpu.dma_semaphore, #tpu.memory_space<semaphore_mem>>)
        %add3A_515 = arith.constant 3200000 : i32
        %add3A_516 = arith.addi %add3A_515, %add3A_498 : i32
        %dma_start3A_517 = arith.constant 160 : i32
        %dma_start3A_518 = tpu.memref_slice %arg17[%dma_start3A_517] : memref<240xi32, #tpu.memory_space<vmem>> -> memref<80xi32, #tpu.memory_space<vmem>>
        %dma_start3A_519 = tpu.memref_slice %arg3[%add3A_516] : memref<4800000xi32, #tpu.memory_space<hbm>> -> memref<80xi32, #tpu.memory_space<hbm>>
        %dma_start3A_520 = arith.constant 160 : i32
        %dma_start3A_521 = tpu.memref_slice %arg17[%dma_start3A_520] : memref<240xi32, #tpu.memory_space<vmem>> -> memref<80xi32, #tpu.memory_space<vmem>>
        %dma_start3A_522 = tpu.memref_slice %arg3[%add3A_516] : memref<4800000xi32, #tpu.memory_space<hbm>> -> memref<80xi32, #tpu.memory_space<hbm>>
        tpu.enqueue_dma source(%dma_start3A_522 : memref<80xi32, #tpu.memory_space<hbm>>) target(%dma_start3A_521 : memref<80xi32, #tpu.memory_space<vmem>>) target_semaphore(%arg28 : memref<!tpu.dma_semaphore, #tpu.memory_space<semaphore_mem>>)
        %dma_wait3A_523 = arith.constant 0 : i32
        %dma_wait3A_524 = tpu.memref_slice %arg17[%dma_wait3A_523] : memref<240xi32, #tpu.memory_space<vmem>> -> memref<80xi32, #tpu.memory_space<vmem>>
        %dma_wait3A_525 = tpu.memref_slice %arg3[%add3A_500] : memref<4800000xi32, #tpu.memory_space<hbm>> -> memref<80xi32, #tpu.memory_space<hbm>>
        %dma_wait3A_526 = arith.constant 0 : i32
        %dma_wait3A_527 = tpu.memref_slice %arg17[%dma_wait3A_526] : memref<240xi32, #tpu.memory_space<vmem>> -> memref<80xi32, #tpu.memory_space<vmem>>
        %dma_wait3A_528 = tpu.memref_slice %arg3[%add3A_500] : memref<4800000xi32, #tpu.memory_space<hbm>> -> memref<80xi32, #tpu.memory_space<hbm>>
        tpu.wait_dma2 semaphore(%arg28 : memref<!tpu.dma_semaphore, #tpu.memory_space<semaphore_mem>>) src(%dma_wait3A_528 : memref<80xi32, #tpu.memory_space<hbm>>) dst(%dma_wait3A_527 : memref<80xi32, #tpu.memory_space<vmem>>)
        %dma_wait3A_529 = arith.constant 80 : i32
        %dma_wait3A_530 = tpu.memref_slice %arg17[%dma_wait3A_529] : memref<240xi32, #tpu.memory_space<vmem>> -> memref<80xi32, #tpu.memory_space<vmem>>
        %dma_wait3A_531 = tpu.memref_slice %arg3[%add3A_508] : memref<4800000xi32, #tpu.memory_space<hbm>> -> memref<80xi32, #tpu.memory_space<hbm>>
        %dma_wait3A_532 = arith.constant 80 : i32
        %dma_wait3A_533 = tpu.memref_slice %arg17[%dma_wait3A_532] : memref<240xi32, #tpu.memory_space<vmem>> -> memref<80xi32, #tpu.memory_space<vmem>>
        %dma_wait3A_534 = tpu.memref_slice %arg3[%add3A_508] : memref<4800000xi32, #tpu.memory_space<hbm>> -> memref<80xi32, #tpu.memory_space<hbm>>
        tpu.wait_dma2 semaphore(%arg28 : memref<!tpu.dma_semaphore, #tpu.memory_space<semaphore_mem>>) src(%dma_wait3A_534 : memref<80xi32, #tpu.memory_space<hbm>>) dst(%dma_wait3A_533 : memref<80xi32, #tpu.memory_space<vmem>>)
        %dma_wait3A_535 = arith.constant 160 : i32
        %dma_wait3A_536 = tpu.memref_slice %arg17[%dma_wait3A_535] : memref<240xi32, #tpu.memory_space<vmem>> -> memref<80xi32, #tpu.memory_space<vmem>>
        %dma_wait3A_537 = tpu.memref_slice %arg3[%add3A_516] : memref<4800000xi32, #tpu.memory_space<hbm>> -> memref<80xi32, #tpu.memory_space<hbm>>
        %dma_wait3A_538 = arith.constant 160 : i32
        %dma_wait3A_539 = tpu.memref_slice %arg17[%dma_wait3A_538] : memref<240xi32, #tpu.memory_space<vmem>> -> memref<80xi32, #tpu.memory_space<vmem>>
        %dma_wait3A_540 = tpu.memref_slice %arg3[%add3A_516] : memref<4800000xi32, #tpu.memory_space<hbm>> -> memref<80xi32, #tpu.memory_space<hbm>>
        tpu.wait_dma2 semaphore(%arg28 : memref<!tpu.dma_semaphore, #tpu.memory_space<semaphore_mem>>) src(%dma_wait3A_540 : memref<80xi32, #tpu.memory_space<hbm>>) dst(%dma_wait3A_539 : memref<80xi32, #tpu.memory_space<vmem>>)
        %scan3A_541 = arith.constant 0 : i32
        %scan3A_542 = arith.constant 15 : i32
        %scan3A_543 = arith.addi %scan3A_541, %scan3A_542 : i32
        %scan3A_544 = arith.constant 1 : i32
        scf.for %scan3A_552 = %scan3A_541 to %scan3A_543 step %scan3A_544  : i32 {
          %mul3A_553 = arith.constant 16 : i32
          %mul3A_554 = arith.muli %scan3A_552, %mul3A_553 : i32
          %get3A = arith.index_cast %mul3A_554 : i32 to index
          %get3A_555 = tpu.vector_load %arg17[%get3A] {strides = array<i32>} : memref<240xi32, #tpu.memory_space<vmem>>, vector<16xi32>,
          %get3A_556 = vector.shape_cast %get3A_555 : vector<16xi32> to vector<16xi32>
          %add3A_557 = arith.constant 100000 : i32
          %add3A_558 = vector.broadcast %add3A_557 : i32 to vector<16xi32>
          %add3A_559 = arith.addi %get3A_556, %add3A_558 : vector<16xi32>
          %mul3A_560 = arith.constant 16 : i32
          %mul3A_561 = arith.muli %scan3A_552, %mul3A_560 : i32
          %swap3A = arith.index_cast %mul3A_561 : i32 to index
          %swap3A_562 = tpu.vector_load %arg19[%swap3A] {strides = array<i32>} : memref<240xi32, #tpu.memory_space<vmem>>, vector<16xi32>,
          %swap3A_563 = vector.shape_cast %swap3A_562 : vector<16xi32> to vector<16xi32>
          %swap3A_564 = vector.shape_cast %add3A_559 : vector<16xi32> to vector<16xi32>
          tpu.vector_store %arg19[%swap3A], %swap3A_564 {strides = array<i32>} : memref<240xi32, #tpu.memory_space<vmem>>, vector<16xi32>,
          %add3A_565 = arith.constant 200000 : i32
          %add3A_566 = vector.broadcast %add3A_565 : i32 to vector<16xi32>
          %add3A_567 = arith.addi %get3A_556, %add3A_566 : vector<16xi32>
          %mul3A_568 = arith.constant 16 : i32
          %mul3A_569 = arith.muli %scan3A_552, %mul3A_568 : i32
          %swap3A_570 = arith.index_cast %mul3A_569 : i32 to index
          %swap3A_571 = tpu.vector_load %arg20[%swap3A_570] {strides = array<i32>} : memref<240xi32, #tpu.memory_space<vmem>>, vector<16xi32>,
          %swap3A_572 = vector.shape_cast %swap3A_571 : vector<16xi32> to vector<16xi32>
          %swap3A_573 = vector.shape_cast %add3A_567 : vector<16xi32> to vector<16xi32>
          tpu.vector_store %arg20[%swap3A_570], %swap3A_573 {strides = array<i32>} : memref<240xi32, #tpu.memory_space<vmem>>, vector<16xi32>,
        }
        %scan3A_545 = arith.constant 15 : i32
        %dma_start3A_546 = arith.constant 0 : i32
        %dma_start3A_547 = tpu.memref_slice %arg2[%dma_start3A_546] : memref<300000xf32, #tpu.memory_space<hbm>> -> memref<300000xf32, #tpu.memory_space<hbm>>
        tpu.enqueue_indirect_dma source(%dma_start3A_547 : memref<300000xf32, #tpu.memory_space<hbm>>) target(%arg21 : memref<240xf32, #tpu.memory_space<vmem>>) offsets(%arg17 : memref<240xi32, #tpu.memory_space<vmem>>) semaphore(%arg29 : memref<!tpu.dma_semaphore, #tpu.memory_space<semaphore_mem>>)
        %dma_start3A_548 = arith.constant 0 : i32
        %dma_start3A_549 = tpu.memref_slice %arg2[%dma_start3A_548] : memref<300000xf32, #tpu.memory_space<hbm>> -> memref<300000xf32, #tpu.memory_space<hbm>>
        tpu.enqueue_indirect_dma source(%dma_start3A_549 : memref<300000xf32, #tpu.memory_space<hbm>>) target(%arg22 : memref<240xf32, #tpu.memory_space<vmem>>) offsets(%arg19 : memref<240xi32, #tpu.memory_space<vmem>>) semaphore(%arg29 : memref<!tpu.dma_semaphore, #tpu.memory_space<semaphore_mem>>)
        %dma_start3A_550 = arith.constant 0 : i32
        %dma_start3A_551 = tpu.memref_slice %arg2[%dma_start3A_550] : memref<300000xf32, #tpu.memory_space<hbm>> -> memref<300000xf32, #tpu.memory_space<hbm>>
        tpu.enqueue_indirect_dma source(%dma_start3A_551 : memref<300000xf32, #tpu.memory_space<hbm>>) target(%arg23 : memref<240xf32, #tpu.memory_space<vmem>>) offsets(%arg20 : memref<240xi32, #tpu.memory_space<vmem>>) semaphore(%arg29 : memref<!tpu.dma_semaphore, #tpu.memory_space<semaphore_mem>>)
      } else {
      }
      %dma_wait3A_478 = arith.constant 0 : i32
      %dma_wait3A_479 = tpu.memref_slice %arg2[%dma_wait3A_478] : memref<300000xf32, #tpu.memory_space<hbm>> -> memref<300000xf32, #tpu.memory_space<hbm>>
      tpu.wait_indirect_dma semaphore(%arg26 : memref<!tpu.dma_semaphore, #tpu.memory_space<semaphore_mem>>) src(%dma_wait3A_479 : memref<300000xf32, #tpu.memory_space<hbm>>) dst(%arg12 : memref<240xf32, #tpu.memory_space<vmem>>)
      %dma_wait3A_480 = arith.constant 0 : i32
      %dma_wait3A_481 = tpu.memref_slice %arg2[%dma_wait3A_480] : memref<300000xf32, #tpu.memory_space<hbm>> -> memref<300000xf32, #tpu.memory_space<hbm>>
      tpu.wait_indirect_dma semaphore(%arg26 : memref<!tpu.dma_semaphore, #tpu.memory_space<semaphore_mem>>) src(%dma_wait3A_481 : memref<300000xf32, #tpu.memory_space<hbm>>) dst(%arg13 : memref<240xf32, #tpu.memory_space<vmem>>)
      %dma_wait3A_482 = arith.constant 0 : i32
      %dma_wait3A_483 = tpu.memref_slice %arg2[%dma_wait3A_482] : memref<300000xf32, #tpu.memory_space<hbm>> -> memref<300000xf32, #tpu.memory_space<hbm>>
      tpu.wait_indirect_dma semaphore(%arg26 : memref<!tpu.dma_semaphore, #tpu.memory_space<semaphore_mem>>) src(%dma_wait3A_483 : memref<300000xf32, #tpu.memory_space<hbm>>) dst(%arg14 : memref<240xf32, #tpu.memory_space<vmem>>)
      %scan3A_484 = arith.constant 0 : i32
      %scan3A_485 = arith.constant 5 : i32
      %scan3A_486 = arith.addi %scan3A_484, %scan3A_485 : i32
      %scan3A_487 = arith.constant 1 : i32
      scf.for %scan3A_492 = %scan3A_484 to %scan3A_486 step %scan3A_487  : i32 {
        %mul3A_493 = arith.constant 16 : i32
        %mul3A_494 = arith.muli %scan3A_492, %mul3A_493 : i32
        %mul3A_495 = arith.constant 16 : i32
        %mul3A_496 = arith.muli %scan3A_492, %mul3A_495 : i32
        %add3A_497 = arith.constant 80 : i32
        %add3A_498 = arith.addi %add3A_497, %mul3A_496 : i32
        %mul3A_499 = arith.constant 16 : i32
        %mul3A_500 = arith.muli %scan3A_492, %mul3A_499 : i32
        %add3A_501 = arith.constant 160 : i32
        %add3A_502 = arith.addi %add3A_501, %mul3A_500 : i32
        %get3A = arith.index_cast %mul3A_494 : i32 to index
        %get3A_503 = tpu.vector_load %arg12[%get3A] {strides = array<i32>} : memref<240xf32, #tpu.memory_space<vmem>>, vector<16xf32>,
        %get3A_504 = vector.shape_cast %get3A_503 : vector<16xf32> to vector<16xf32>
        %get3A_505 = arith.index_cast %mul3A_494 : i32 to index
        %get3A_506 = tpu.vector_load %arg13[%get3A_505] {strides = array<i32>} : memref<240xf32, #tpu.memory_space<vmem>>, vector<16xf32>,
        %get3A_507 = vector.shape_cast %get3A_506 : vector<16xf32> to vector<16xf32>
        %get3A_508 = arith.index_cast %mul3A_494 : i32 to index
        %get3A_509 = tpu.vector_load %arg14[%get3A_508] {strides = array<i32>} : memref<240xf32, #tpu.memory_space<vmem>>, vector<16xf32>,
        %get3A_510 = vector.shape_cast %get3A_509 : vector<16xf32> to vector<16xf32>
        %get3A_511 = arith.index_cast %add3A_498 : i32 to index
        %get3A_512 = tpu.vector_load %arg12[%get3A_511] {strides = array<i32>} : memref<240xf32, #tpu.memory_space<vmem>>, vector<16xf32>,
        %get3A_513 = vector.shape_cast %get3A_512 : vector<16xf32> to vector<16xf32>
        %get3A_514 = arith.index_cast %add3A_498 : i32 to index
        %get3A_515 = tpu.vector_load %arg13[%get3A_514] {strides = array<i32>} : memref<240xf32, #tpu.memory_space<vmem>>, vector<16xf32>,
        %get3A_516 = vector.shape_cast %get3A_515 : vector<16xf32> to vector<16xf32>
        %get3A_517 = arith.index_cast %add3A_498 : i32 to index
        %get3A_518 = tpu.vector_load %arg14[%get3A_517] {strides = array<i32>} : memref<240xf32, #tpu.memory_space<vmem>>, vector<16xf32>,
        %get3A_519 = vector.shape_cast %get3A_518 : vector<16xf32> to vector<16xf32>
        %get3A_520 = arith.index_cast %add3A_502 : i32 to index
        %get3A_521 = tpu.vector_load %arg12[%get3A_520] {strides = array<i32>} : memref<240xf32, #tpu.memory_space<vmem>>, vector<16xf32>,
        %get3A_522 = vector.shape_cast %get3A_521 : vector<16xf32> to vector<16xf32>
        %get3A_523 = arith.index_cast %add3A_502 : i32 to index
        %get3A_524 = tpu.vector_load %arg13[%get3A_523] {strides = array<i32>} : memref<240xf32, #tpu.memory_space<vmem>>, vector<16xf32>,
        %get3A_525 = vector.shape_cast %get3A_524 : vector<16xf32> to vector<16xf32>
        %get3A_526 = arith.index_cast %add3A_502 : i32 to index
        %get3A_527 = tpu.vector_load %arg14[%get3A_526] {strides = array<i32>} : memref<240xf32, #tpu.memory_space<vmem>>, vector<16xf32>,
        %get3A_528 = vector.shape_cast %get3A_527 : vector<16xf32> to vector<16xf32>
        %sub3A = arith.subf %get3A_513, %get3A_504 : vector<16xf32>
        %sub3A_529 = arith.subf %get3A_516, %get3A_507 : vector<16xf32>
        %sub3A_530 = arith.subf %get3A_519, %get3A_510 : vector<16xf32>
        %sub3A_531 = arith.subf %get3A_522, %get3A_504 : vector<16xf32>
        %sub3A_532 = arith.subf %get3A_525, %get3A_507 : vector<16xf32>
        %sub3A_533 = arith.subf %get3A_528, %get3A_510 : vector<16xf32>
        %mul3A_534 = arith.mulf %sub3A_529, %sub3A_533 : vector<16xf32>
        %mul3A_535 = arith.mulf %sub3A_530, %sub3A_532 : vector<16xf32>
        %sub3A_536 = arith.subf %mul3A_534, %mul3A_535 : vector<16xf32>
        %mul3A_537 = arith.mulf %sub3A_530, %sub3A_531 : vector<16xf32>
        %mul3A_538 = arith.mulf %sub3A, %sub3A_533 : vector<16xf32>
        %sub3A_539 = arith.subf %mul3A_537, %mul3A_538 : vector<16xf32>
        %mul3A_540 = arith.mulf %sub3A, %sub3A_532 : vector<16xf32>
        %mul3A_541 = arith.mulf %sub3A_529, %sub3A_531 : vector<16xf32>
        %sub3A_542 = arith.subf %mul3A_540, %mul3A_541 : vector<16xf32>
        %mul3A_543 = arith.mulf %sub3A_536, %sub3A_536 : vector<16xf32>
        %mul3A_544 = arith.mulf %sub3A_539, %sub3A_539 : vector<16xf32>
        %add3A_545 = arith.addf %mul3A_543, %mul3A_544 : vector<16xf32>
        %mul3A_546 = arith.mulf %sub3A_542, %sub3A_542 : vector<16xf32>
        %add3A_547 = arith.addf %add3A_545, %mul3A_546 : vector<16xf32>
        %max3A = arith.constant 9.99999968E-21 : f32
        %max3A_548 = vector.broadcast %max3A : f32 to vector<16xf32>
        %max3A_549 = arith.maximumf %add3A_547, %max3A_548 : vector<16xf32>
        %bitcast_convert_type3A = tpu.bitcast %max3A_549 : vector<16xf32> -> vector<16xi32>
        %shift_right_arithmetic3A = arith.constant 1 : i32
        %shift_right_arithmetic3A_550 = vector.broadcast %shift_right_arithmetic3A : i32 to vector<16xi32>
        %shift_right_arithmetic3A_551 = arith.shrsi %bitcast_convert_type3A, %shift_right_arithmetic3A_550 : vector<16xi32>
        %sub3A_552 = arith.constant 1597463007 : i32
        %sub3A_553 = vector.broadcast %sub3A_552 : i32 to vector<16xi32>
        %sub3A_554 = arith.subi %sub3A_553, %shift_right_arithmetic3A_551 : vector<16xi32>
        %bitcast_convert_type3A_555 = tpu.bitcast %sub3A_554 : vector<16xi32> -> vector<16xf32>
        %mul3A_556 = arith.constant 5.000000e-01 : f32
        %mul3A_557 = vector.broadcast %mul3A_556 : f32 to vector<16xf32>
        %mul3A_558 = arith.mulf %mul3A_557, %max3A_549 : vector<16xf32>
        %mul3A_559 = arith.mulf %mul3A_558, %bitcast_convert_type3A_555 : vector<16xf32>
        %mul3A_560 = arith.mulf %mul3A_559, %bitcast_convert_type3A_555 : vector<16xf32>
        %sub3A_561 = arith.constant 1.500000e+00 : f32
        %sub3A_562 = vector.broadcast %sub3A_561 : f32 to vector<16xf32>
        %sub3A_563 = arith.subf %sub3A_562, %mul3A_560 : vector<16xf32>
        %mul3A_564 = arith.mulf %bitcast_convert_type3A_555, %sub3A_563 : vector<16xf32>
        %mul3A_565 = arith.mulf %mul3A_558, %mul3A_564 : vector<16xf32>
        %mul3A_566 = arith.mulf %mul3A_565, %mul3A_564 : vector<16xf32>
        %sub3A_567 = arith.constant 1.500000e+00 : f32
        %sub3A_568 = vector.broadcast %sub3A_567 : f32 to vector<16xf32>
        %sub3A_569 = arith.subf %sub3A_568, %mul3A_566 : vector<16xf32>
        %mul3A_570 = arith.mulf %mul3A_564, %sub3A_569 : vector<16xf32>
        %mul3A_571 = arith.mulf %mul3A_558, %mul3A_570 : vector<16xf32>
        %mul3A_572 = arith.mulf %mul3A_571, %mul3A_570 : vector<16xf32>
        %sub3A_573 = arith.constant 1.500000e+00 : f32
        %sub3A_574 = vector.broadcast %sub3A_573 : f32 to vector<16xf32>
        %sub3A_575 = arith.subf %sub3A_574, %mul3A_572 : vector<16xf32>
        %mul3A_576 = arith.mulf %mul3A_570, %sub3A_575 : vector<16xf32>
        %mul3A_577 = arith.mulf %sub3A_536, %mul3A_576 : vector<16xf32>
        %mul3A_578 = arith.mulf %sub3A_539, %mul3A_576 : vector<16xf32>
        %mul3A_579 = arith.mulf %sub3A_542, %mul3A_576 : vector<16xf32>
        %neg3A = arith.constant 0.000000e+00 : f32
        %neg3A_580 = vector.broadcast %neg3A : f32 to vector<16xf32>
        %neg3A_581 = arith.subf %neg3A_580, %sub3A : vector<16xf32>
        %neg3A_582 = arith.constant 0.000000e+00 : f32
        %neg3A_583 = vector.broadcast %neg3A_582 : f32 to vector<16xf32>
        %neg3A_584 = arith.subf %neg3A_583, %sub3A_529 : vector<16xf32>
        %neg3A_585 = arith.constant 0.000000e+00 : f32
        %neg3A_586 = vector.broadcast %neg3A_585 : f32 to vector<16xf32>
        %neg3A_587 = arith.subf %neg3A_586, %sub3A_530 : vector<16xf32>
        %sub3A_588 = arith.subf %sub3A, %sub3A_531 : vector<16xf32>
        %sub3A_589 = arith.subf %sub3A_529, %sub3A_532 : vector<16xf32>
        %sub3A_590 = arith.subf %sub3A_530, %sub3A_533 : vector<16xf32>
        %lt3A_591 = arith.constant 0 : i32
        %lt3A_592 = vector.broadcast %lt3A_591 : i32 to vector<16xi32>
        %lt3A_593 = arith.cmpi slt, %select_n3A_197, %lt3A_592 : vector<16xi32>
        %add3A_594 = arith.constant 16 : i32
        %add3A_595 = vector.broadcast %add3A_594 : i32 to vector<16xi32>
        %add3A_596 = arith.addi %select_n3A_197, %add3A_595 : vector<16xi32>
        %select_n3A_597 = arith.select %lt3A_593, %add3A_596, %select_n3A_197 : vector<16xi1>, vector<16xi32>
        %broadcast_in_dim3A_598 = vector.shape_cast %select_n3A_597 : vector<16xi32> to vector<16x1xi32>
        %gather3A = vector.shape_cast %broadcast_in_dim3A_598 : vector<16x1xi32> to vector<16xi32>
        %gather3A_599 = tpu.dynamic_gather %sub3A_533[%gather3A] in [0] : vector<16xf32>, vector<16xi32> -> vector<16xf32>
        %select_n3A_600 = arith.select %eq3A_221, %mul3A_577, %gather3A_599 : vector<16xi1>, vector<16xf32>
        %lt3A_601 = arith.constant 0 : i32
        %lt3A_602 = vector.broadcast %lt3A_601 : i32 to vector<16xi32>
        %lt3A_603 = arith.cmpi slt, %select_n3A_172, %lt3A_602 : vector<16xi32>
        %add3A_604 = arith.constant 16 : i32
        %add3A_605 = vector.broadcast %add3A_604 : i32 to vector<16xi32>
        %add3A_606 = arith.addi %select_n3A_172, %add3A_605 : vector<16xi32>
        %select_n3A_607 = arith.select %lt3A_603, %add3A_606, %select_n3A_172 : vector<16xi1>, vector<16xi32>
        %broadcast_in_dim3A_608 = vector.shape_cast %select_n3A_607 : vector<16xi32> to vector<16x1xi32>
        %gather3A_609 = vector.shape_cast %broadcast_in_dim3A_608 : vector<16x1xi32> to vector<16xi32>
        %gather3A_610 = tpu.dynamic_gather %mul3A_577[%gather3A_609] in [0] : vector<16xf32>, vector<16xi32> -> vector<16xf32>
        %select_n3A_611 = arith.select %eq3A_221, %gather3A_610, %sub3A_533 : vector<16xi1>, vector<16xf32>
        %lt3A_612 = arith.constant 0 : i32
        %lt3A_613 = vector.broadcast %lt3A_612 : i32 to vector<16xi32>
        %lt3A_614 = arith.cmpi slt, %select_n3A_197, %lt3A_613 : vector<16xi32>
        %add3A_615 = arith.constant 16 : i32
        %add3A_616 = vector.broadcast %add3A_615 : i32 to vector<16xi32>
        %add3A_617 = arith.addi %select_n3A_197, %add3A_616 : vector<16xi32>
        %select_n3A_618 = arith.select %lt3A_614, %add3A_617, %select_n3A_197 : vector<16xi1>, vector<16xi32>
        %broadcast_in_dim3A_619 = vector.shape_cast %select_n3A_618 : vector<16xi32> to vector<16x1xi32>
        %gather3A_620 = vector.shape_cast %broadcast_in_dim3A_619 : vector<16x1xi32> to vector<16xi32>
        %gather3A_621 = tpu.dynamic_gather %neg3A_581[%gather3A_620] in [0] : vector<16xf32>, vector<16xi32> -> vector<16xf32>
        %select_n3A_622 = arith.select %eq3A_221, %mul3A_578, %gather3A_621 : vector<16xi1>, vector<16xf32>
        %lt3A_623 = arith.constant 0 : i32
        %lt3A_624 = vector.broadcast %lt3A_623 : i32 to vector<16xi32>
        %lt3A_625 = arith.cmpi slt, %select_n3A_172, %lt3A_624 : vector<16xi32>
        %add3A_626 = arith.constant 16 : i32
        %add3A_627 = vector.broadcast %add3A_626 : i32 to vector<16xi32>
        %add3A_628 = arith.addi %select_n3A_172, %add3A_627 : vector<16xi32>
        %select_n3A_629 = arith.select %lt3A_625, %add3A_628, %select_n3A_172 : vector<16xi1>, vector<16xi32>
        %broadcast_in_dim3A_630 = vector.shape_cast %select_n3A_629 : vector<16xi32> to vector<16x1xi32>
        %gather3A_631 = vector.shape_cast %broadcast_in_dim3A_630 : vector<16x1xi32> to vector<16xi32>
        %gather3A_632 = tpu.dynamic_gather %mul3A_578[%gather3A_631] in [0] : vector<16xf32>, vector<16xi32> -> vector<16xf32>
        %select_n3A_633 = arith.select %eq3A_221, %gather3A_632, %neg3A_581 : vector<16xi1>, vector<16xf32>
        %lt3A_634 = arith.constant 0 : i32
        %lt3A_635 = vector.broadcast %lt3A_634 : i32 to vector<16xi32>
        %lt3A_636 = arith.cmpi slt, %select_n3A_197, %lt3A_635 : vector<16xi32>
        %add3A_637 = arith.constant 16 : i32
        %add3A_638 = vector.broadcast %add3A_637 : i32 to vector<16xi32>
        %add3A_639 = arith.addi %select_n3A_197, %add3A_638 : vector<16xi32>
        %select_n3A_640 = arith.select %lt3A_636, %add3A_639, %select_n3A_197 : vector<16xi1>, vector<16xi32>
        %broadcast_in_dim3A_641 = vector.shape_cast %select_n3A_640 : vector<16xi32> to vector<16x1xi32>
        %gather3A_642 = vector.shape_cast %broadcast_in_dim3A_641 : vector<16x1xi32> to vector<16xi32>
        %gather3A_643 = tpu.dynamic_gather %neg3A_584[%gather3A_642] in [0] : vector<16xf32>, vector<16xi32> -> vector<16xf32>
        %select_n3A_644 = arith.select %eq3A_221, %mul3A_579, %gather3A_643 : vector<16xi1>, vector<16xf32>
        %lt3A_645 = arith.constant 0 : i32
        %lt3A_646 = vector.broadcast %lt3A_645 : i32 to vector<16xi32>
        %lt3A_647 = arith.cmpi slt, %select_n3A_172, %lt3A_646 : vector<16xi32>
        %add3A_648 = arith.constant 16 : i32
        %add3A_649 = vector.broadcast %add3A_648 : i32 to vector<16xi32>
        %add3A_650 = arith.addi %select_n3A_172, %add3A_649 : vector<16xi32>
        %select_n3A_651 = arith.select %lt3A_647, %add3A_650, %select_n3A_172 : vector<16xi1>, vector<16xi32>
        %broadcast_in_dim3A_652 = vector.shape_cast %select_n3A_651 : vector<16xi32> to vector<16x1xi32>
        %gather3A_653 = vector.shape_cast %broadcast_in_dim3A_652 : vector<16x1xi32> to vector<16xi32>
        %gather3A_654 = tpu.dynamic_gather %mul3A_579[%gather3A_653] in [0] : vector<16xf32>, vector<16xi32> -> vector<16xf32>
        %select_n3A_655 = arith.select %eq3A_221, %gather3A_654, %neg3A_584 : vector<16xi1>, vector<16xf32>
        %lt3A_656 = arith.constant 0 : i32
        %lt3A_657 = vector.broadcast %lt3A_656 : i32 to vector<16xi32>
        %lt3A_658 = arith.cmpi slt, %select_n3A_197, %lt3A_657 : vector<16xi32>
        %add3A_659 = arith.constant 16 : i32
        %add3A_660 = vector.broadcast %add3A_659 : i32 to vector<16xi32>
        %add3A_661 = arith.addi %select_n3A_197, %add3A_660 : vector<16xi32>
        %select_n3A_662 = arith.select %lt3A_658, %add3A_661, %select_n3A_197 : vector<16xi1>, vector<16xi32>
        %broadcast_in_dim3A_663 = vector.shape_cast %select_n3A_662 : vector<16xi32> to vector<16x1xi32>
        %gather3A_664 = vector.shape_cast %broadcast_in_dim3A_663 : vector<16x1xi32> to vector<16xi32>
        %gather3A_665 = tpu.dynamic_gather %neg3A_587[%gather3A_664] in [0] : vector<16xf32>, vector<16xi32> -> vector<16xf32>
        %select_n3A_666 = arith.select %eq3A_221, %sub3A_536, %gather3A_665 : vector<16xi1>, vector<16xf32>
        %lt3A_667 = arith.constant 0 : i32
        %lt3A_668 = vector.broadcast %lt3A_667 : i32 to vector<16xi32>
        %lt3A_669 = arith.cmpi slt, %select_n3A_172, %lt3A_668 : vector<16xi32>
        %add3A_670 = arith.constant 16 : i32
        %add3A_671 = vector.broadcast %add3A_670 : i32 to vector<16xi32>
        %add3A_672 = arith.addi %select_n3A_172, %add3A_671 : vector<16xi32>
        %select_n3A_673 = arith.select %lt3A_669, %add3A_672, %select_n3A_172 : vector<16xi1>, vector<16xi32>
        %broadcast_in_dim3A_674 = vector.shape_cast %select_n3A_673 : vector<16xi32> to vector<16x1xi32>
        %gather3A_675 = vector.shape_cast %broadcast_in_dim3A_674 : vector<16x1xi32> to vector<16xi32>
        %gather3A_676 = tpu.dynamic_gather %sub3A_536[%gather3A_675] in [0] : vector<16xf32>, vector<16xi32> -> vector<16xf32>
        %select_n3A_677 = arith.select %eq3A_221, %gather3A_676, %neg3A_587 : vector<16xi1>, vector<16xf32>
        %lt3A_678 = arith.constant 0 : i32
        %lt3A_679 = vector.broadcast %lt3A_678 : i32 to vector<16xi32>
        %lt3A_680 = arith.cmpi slt, %select_n3A_197, %lt3A_679 : vector<16xi32>
        %add3A_681 = arith.constant 16 : i32
        %add3A_682 = vector.broadcast %add3A_681 : i32 to vector<16xi32>
        %add3A_683 = arith.addi %select_n3A_197, %add3A_682 : vector<16xi32>
        %select_n3A_684 = arith.select %lt3A_680, %add3A_683, %select_n3A_197 : vector<16xi1>, vector<16xi32>
        %broadcast_in_dim3A_685 = vector.shape_cast %select_n3A_684 : vector<16xi32> to vector<16x1xi32>
        %gather3A_686 = vector.shape_cast %broadcast_in_dim3A_685 : vector<16x1xi32> to vector<16xi32>
        %gather3A_687 = tpu.dynamic_gather %sub3A_588[%gather3A_686] in [0] : vector<16xf32>, vector<16xi32> -> vector<16xf32>
        %select_n3A_688 = arith.select %eq3A_221, %sub3A_539, %gather3A_687 : vector<16xi1>, vector<16xf32>
        %lt3A_689 = arith.constant 0 : i32
        %lt3A_690 = vector.broadcast %lt3A_689 : i32 to vector<16xi32>
        %lt3A_691 = arith.cmpi slt, %select_n3A_172, %lt3A_690 : vector<16xi32>
        %add3A_692 = arith.constant 16 : i32
        %add3A_693 = vector.broadcast %add3A_692 : i32 to vector<16xi32>
        %add3A_694 = arith.addi %select_n3A_172, %add3A_693 : vector<16xi32>
        %select_n3A_695 = arith.select %lt3A_691, %add3A_694, %select_n3A_172 : vector<16xi1>, vector<16xi32>
        %broadcast_in_dim3A_696 = vector.shape_cast %select_n3A_695 : vector<16xi32> to vector<16x1xi32>
        %gather3A_697 = vector.shape_cast %broadcast_in_dim3A_696 : vector<16x1xi32> to vector<16xi32>
        %gather3A_698 = tpu.dynamic_gather %sub3A_539[%gather3A_697] in [0] : vector<16xf32>, vector<16xi32> -> vector<16xf32>
        %select_n3A_699 = arith.select %eq3A_221, %gather3A_698, %sub3A_588 : vector<16xi1>, vector<16xf32>
        %lt3A_700 = arith.constant 0 : i32
        %lt3A_701 = vector.broadcast %lt3A_700 : i32 to vector<16xi32>
        %lt3A_702 = arith.cmpi slt, %select_n3A_197, %lt3A_701 : vector<16xi32>
        %add3A_703 = arith.constant 16 : i32
        %add3A_704 = vector.broadcast %add3A_703 : i32 to vector<16xi32>
        %add3A_705 = arith.addi %select_n3A_197, %add3A_704 : vector<16xi32>
        %select_n3A_706 = arith.select %lt3A_702, %add3A_705, %select_n3A_197 : vector<16xi1>, vector<16xi32>
        %broadcast_in_dim3A_707 = vector.shape_cast %select_n3A_706 : vector<16xi32> to vector<16x1xi32>
        %gather3A_708 = vector.shape_cast %broadcast_in_dim3A_707 : vector<16x1xi32> to vector<16xi32>
        %gather3A_709 = tpu.dynamic_gather %sub3A_589[%gather3A_708] in [0] : vector<16xf32>, vector<16xi32> -> vector<16xf32>
        %select_n3A_710 = arith.select %eq3A_221, %sub3A_542, %gather3A_709 : vector<16xi1>, vector<16xf32>
        %lt3A_711 = arith.constant 0 : i32
        %lt3A_712 = vector.broadcast %lt3A_711 : i32 to vector<16xi32>
        %lt3A_713 = arith.cmpi slt, %select_n3A_172, %lt3A_712 : vector<16xi32>
        %add3A_714 = arith.constant 16 : i32
        %add3A_715 = vector.broadcast %add3A_714 : i32 to vector<16xi32>
        %add3A_716 = arith.addi %select_n3A_172, %add3A_715 : vector<16xi32>
        %select_n3A_717 = arith.select %lt3A_713, %add3A_716, %select_n3A_172 : vector<16xi1>, vector<16xi32>
        %broadcast_in_dim3A_718 = vector.shape_cast %select_n3A_717 : vector<16xi32> to vector<16x1xi32>
        %gather3A_719 = vector.shape_cast %broadcast_in_dim3A_718 : vector<16x1xi32> to vector<16xi32>
        %gather3A_720 = tpu.dynamic_gather %sub3A_542[%gather3A_719] in [0] : vector<16xf32>, vector<16xi32> -> vector<16xf32>
        %select_n3A_721 = arith.select %eq3A_221, %gather3A_720, %sub3A_589 : vector<16xi1>, vector<16xf32>
        %lt3A_722 = arith.constant 0 : i32
        %lt3A_723 = vector.broadcast %lt3A_722 : i32 to vector<16xi32>
        %lt3A_724 = arith.cmpi slt, %select_n3A_197, %lt3A_723 : vector<16xi32>
        %add3A_725 = arith.constant 16 : i32
        %add3A_726 = vector.broadcast %add3A_725 : i32 to vector<16xi32>
        %add3A_727 = arith.addi %select_n3A_197, %add3A_726 : vector<16xi32>
        %select_n3A_728 = arith.select %lt3A_724, %add3A_727, %select_n3A_197 : vector<16xi1>, vector<16xi32>
        %broadcast_in_dim3A_729 = vector.shape_cast %select_n3A_728 : vector<16xi32> to vector<16x1xi32>
        %gather3A_730 = vector.shape_cast %broadcast_in_dim3A_729 : vector<16x1xi32> to vector<16xi32>
        %gather3A_731 = tpu.dynamic_gather %sub3A_590[%gather3A_730] in [0] : vector<16xf32>, vector<16xi32> -> vector<16xf32>
        %select_n3A_732 = arith.select %eq3A_221, %sub3A_531, %gather3A_731 : vector<16xi1>, vector<16xf32>
        %lt3A_733 = arith.constant 0 : i32
        %lt3A_734 = vector.broadcast %lt3A_733 : i32 to vector<16xi32>
        %lt3A_735 = arith.cmpi slt, %select_n3A_172, %lt3A_734 : vector<16xi32>
        %add3A_736 = arith.constant 16 : i32
        %add3A_737 = vector.broadcast %add3A_736 : i32 to vector<16xi32>
        %add3A_738 = arith.addi %select_n3A_172, %add3A_737 : vector<16xi32>
        %select_n3A_739 = arith.select %lt3A_735, %add3A_738, %select_n3A_172 : vector<16xi1>, vector<16xi32>
        %broadcast_in_dim3A_740 = vector.shape_cast %select_n3A_739 : vector<16xi32> to vector<16x1xi32>
        %gather3A_741 = vector.shape_cast %broadcast_in_dim3A_740 : vector<16x1xi32> to vector<16xi32>
        %gather3A_742 = tpu.dynamic_gather %sub3A_531[%gather3A_741] in [0] : vector<16xf32>, vector<16xi32> -> vector<16xf32>
        %select_n3A_743 = arith.select %eq3A_221, %gather3A_742, %sub3A_590 : vector<16xi1>, vector<16xf32>
        %lt3A_744 = arith.constant 0 : i32
        %lt3A_745 = vector.broadcast %lt3A_744 : i32 to vector<16xi32>
        %lt3A_746 = arith.cmpi slt, %select_n3A_197, %lt3A_745 : vector<16xi32>
        %add3A_747 = arith.constant 16 : i32
        %add3A_748 = vector.broadcast %add3A_747 : i32 to vector<16xi32>
        %add3A_749 = arith.addi %select_n3A_197, %add3A_748 : vector<16xi32>
        %select_n3A_750 = arith.select %lt3A_746, %add3A_749, %select_n3A_197 : vector<16xi1>, vector<16xi32>
        %broadcast_in_dim3A_751 = vector.shape_cast %select_n3A_750 : vector<16xi32> to vector<16x1xi32>
        %gather3A_752 = vector.shape_cast %broadcast_in_dim3A_751 : vector<16x1xi32> to vector<16xi32>
        %gather3A_753 = tpu.dynamic_gather %broadcast_in_dim3A_251[%gather3A_752] in [0] : vector<16xf32>, vector<16xi32> -> vector<16xf32>
        %select_n3A_754 = arith.select %eq3A_221, %sub3A_532, %gather3A_753 : vector<16xi1>, vector<16xf32>
        %lt3A_755 = arith.constant 0 : i32
        %lt3A_756 = vector.broadcast %lt3A_755 : i32 to vector<16xi32>
        %lt3A_757 = arith.cmpi slt, %select_n3A_172, %lt3A_756 : vector<16xi32>
        %add3A_758 = arith.constant 16 : i32
        %add3A_759 = vector.broadcast %add3A_758 : i32 to vector<16xi32>
        %add3A_760 = arith.addi %select_n3A_172, %add3A_759 : vector<16xi32>
        %select_n3A_761 = arith.select %lt3A_757, %add3A_760, %select_n3A_172 : vector<16xi1>, vector<16xi32>
        %broadcast_in_dim3A_762 = vector.shape_cast %select_n3A_761 : vector<16xi32> to vector<16x1xi32>
        %gather3A_763 = vector.shape_cast %broadcast_in_dim3A_762 : vector<16x1xi32> to vector<16xi32>
        %gather3A_764 = tpu.dynamic_gather %sub3A_532[%gather3A_763] in [0] : vector<16xf32>, vector<16xi32> -> vector<16xf32>
        %select_n3A_765 = arith.select %eq3A_221, %gather3A_764, %broadcast_in_dim3A_251 : vector<16xi1>, vector<16xf32>
        %lt3A_766 = arith.constant 0 : i32
        %lt3A_767 = vector.broadcast %lt3A_766 : i32 to vector<16xi32>
        %lt3A_768 = arith.cmpi slt, %select_n3A_147, %lt3A_767 : vector<16xi32>
        %add3A_769 = arith.constant 16 : i32
        %add3A_770 = vector.broadcast %add3A_769 : i32 to vector<16xi32>
        %add3A_771 = arith.addi %select_n3A_147, %add3A_770 : vector<16xi32>
        %select_n3A_772 = arith.select %lt3A_768, %add3A_771, %select_n3A_147 : vector<16xi1>, vector<16xi32>
        %broadcast_in_dim3A_773 = vector.shape_cast %select_n3A_772 : vector<16xi32> to vector<16x1xi32>
        %gather3A_774 = vector.shape_cast %broadcast_in_dim3A_773 : vector<16x1xi32> to vector<16xi32>
        %gather3A_775 = tpu.dynamic_gather %select_n3A_688[%gather3A_774] in [0] : vector<16xf32>, vector<16xi32> -> vector<16xf32>
        %select_n3A_776 = arith.select %eq3A_215, %select_n3A_600, %gather3A_775 : vector<16xi1>, vector<16xf32>
        %lt3A_777 = arith.constant 0 : i32
        %lt3A_778 = vector.broadcast %lt3A_777 : i32 to vector<16xi32>
        %lt3A_779 = arith.cmpi slt, %select_n3A_122, %lt3A_778 : vector<16xi32>
        %add3A_780 = arith.constant 16 : i32
        %add3A_781 = vector.broadcast %add3A_780 : i32 to vector<16xi32>
        %add3A_782 = arith.addi %select_n3A_122, %add3A_781 : vector<16xi32>
        %select_n3A_783 = arith.select %lt3A_779, %add3A_782, %select_n3A_122 : vector<16xi1>, vector<16xi32>
        %broadcast_in_dim3A_784 = vector.shape_cast %select_n3A_783 : vector<16xi32> to vector<16x1xi32>
        %gather3A_785 = vector.shape_cast %broadcast_in_dim3A_784 : vector<16x1xi32> to vector<16xi32>
        %gather3A_786 = tpu.dynamic_gather %select_n3A_600[%gather3A_785] in [0] : vector<16xf32>, vector<16xi32> -> vector<16xf32>
        %select_n3A_787 = arith.select %eq3A_215, %gather3A_786, %select_n3A_688 : vector<16xi1>, vector<16xf32>
        %lt3A_788 = arith.constant 0 : i32
        %lt3A_789 = vector.broadcast %lt3A_788 : i32 to vector<16xi32>
        %lt3A_790 = arith.cmpi slt, %select_n3A_147, %lt3A_789 : vector<16xi32>
        %add3A_791 = arith.constant 16 : i32
        %add3A_792 = vector.broadcast %add3A_791 : i32 to vector<16xi32>
        %add3A_793 = arith.addi %select_n3A_147, %add3A_792 : vector<16xi32>
        %select_n3A_794 = arith.select %lt3A_790, %add3A_793, %select_n3A_147 : vector<16xi1>, vector<16xi32>
        %broadcast_in_dim3A_795 = vector.shape_cast %select_n3A_794 : vector<16xi32> to vector<16x1xi32>
        %gather3A_796 = vector.shape_cast %broadcast_in_dim3A_795 : vector<16x1xi32> to vector<16xi32>
        %gather3A_797 = tpu.dynamic_gather %select_n3A_710[%gather3A_796] in [0] : vector<16xf32>, vector<16xi32> -> vector<16xf32>
        %select_n3A_798 = arith.select %eq3A_215, %select_n3A_622, %gather3A_797 : vector<16xi1>, vector<16xf32>
        %lt3A_799 = arith.constant 0 : i32
        %lt3A_800 = vector.broadcast %lt3A_799 : i32 to vector<16xi32>
        %lt3A_801 = arith.cmpi slt, %select_n3A_122, %lt3A_800 : vector<16xi32>
        %add3A_802 = arith.constant 16 : i32
        %add3A_803 = vector.broadcast %add3A_802 : i32 to vector<16xi32>
        %add3A_804 = arith.addi %select_n3A_122, %add3A_803 : vector<16xi32>
        %select_n3A_805 = arith.select %lt3A_801, %add3A_804, %select_n3A_122 : vector<16xi1>, vector<16xi32>
        %broadcast_in_dim3A_806 = vector.shape_cast %select_n3A_805 : vector<16xi32> to vector<16x1xi32>
        %gather3A_807 = vector.shape_cast %broadcast_in_dim3A_806 : vector<16x1xi32> to vector<16xi32>
        %gather3A_808 = tpu.dynamic_gather %select_n3A_622[%gather3A_807] in [0] : vector<16xf32>, vector<16xi32> -> vector<16xf32>
        %select_n3A_809 = arith.select %eq3A_215, %gather3A_808, %select_n3A_710 : vector<16xi1>, vector<16xf32>
        %lt3A_810 = arith.constant 0 : i32
        %lt3A_811 = vector.broadcast %lt3A_810 : i32 to vector<16xi32>
        %lt3A_812 = arith.cmpi slt, %select_n3A_147, %lt3A_811 : vector<16xi32>
        %add3A_813 = arith.constant 16 : i32
        %add3A_814 = vector.broadcast %add3A_813 : i32 to vector<16xi32>
        %add3A_815 = arith.addi %select_n3A_147, %add3A_814 : vector<16xi32>
        %select_n3A_816 = arith.select %lt3A_812, %add3A_815, %select_n3A_147 : vector<16xi1>, vector<16xi32>
        %broadcast_in_dim3A_817 = vector.shape_cast %select_n3A_816 : vector<16xi32> to vector<16x1xi32>
        %gather3A_818 = vector.shape_cast %broadcast_in_dim3A_817 : vector<16x1xi32> to vector<16xi32>
        %gather3A_819 = tpu.dynamic_gather %select_n3A_732[%gather3A_818] in [0] : vector<16xf32>, vector<16xi32> -> vector<16xf32>
        %select_n3A_820 = arith.select %eq3A_215, %select_n3A_644, %gather3A_819 : vector<16xi1>, vector<16xf32>
        %lt3A_821 = arith.constant 0 : i32
        %lt3A_822 = vector.broadcast %lt3A_821 : i32 to vector<16xi32>
        %lt3A_823 = arith.cmpi slt, %select_n3A_122, %lt3A_822 : vector<16xi32>
        %add3A_824 = arith.constant 16 : i32
        %add3A_825 = vector.broadcast %add3A_824 : i32 to vector<16xi32>
        %add3A_826 = arith.addi %select_n3A_122, %add3A_825 : vector<16xi32>
        %select_n3A_827 = arith.select %lt3A_823, %add3A_826, %select_n3A_122 : vector<16xi1>, vector<16xi32>
        %broadcast_in_dim3A_828 = vector.shape_cast %select_n3A_827 : vector<16xi32> to vector<16x1xi32>
        %gather3A_829 = vector.shape_cast %broadcast_in_dim3A_828 : vector<16x1xi32> to vector<16xi32>
        %gather3A_830 = tpu.dynamic_gather %select_n3A_644[%gather3A_829] in [0] : vector<16xf32>, vector<16xi32> -> vector<16xf32>
        %select_n3A_831 = arith.select %eq3A_215, %gather3A_830, %select_n3A_732 : vector<16xi1>, vector<16xf32>
        %lt3A_832 = arith.constant 0 : i32
        %lt3A_833 = vector.broadcast %lt3A_832 : i32 to vector<16xi32>
        %lt3A_834 = arith.cmpi slt, %select_n3A_147, %lt3A_833 : vector<16xi32>
        %add3A_835 = arith.constant 16 : i32
        %add3A_836 = vector.broadcast %add3A_835 : i32 to vector<16xi32>
        %add3A_837 = arith.addi %select_n3A_147, %add3A_836 : vector<16xi32>
        %select_n3A_838 = arith.select %lt3A_834, %add3A_837, %select_n3A_147 : vector<16xi1>, vector<16xi32>
        %broadcast_in_dim3A_839 = vector.shape_cast %select_n3A_838 : vector<16xi32> to vector<16x1xi32>
        %gather3A_840 = vector.shape_cast %broadcast_in_dim3A_839 : vector<16x1xi32> to vector<16xi32>
        %gather3A_841 = tpu.dynamic_gather %select_n3A_754[%gather3A_840] in [0] : vector<16xf32>, vector<16xi32> -> vector<16xf32>
        %select_n3A_842 = arith.select %eq3A_215, %select_n3A_666, %gather3A_841 : vector<16xi1>, vector<16xf32>
        %lt3A_843 = arith.constant 0 : i32
        %lt3A_844 = vector.broadcast %lt3A_843 : i32 to vector<16xi32>
        %lt3A_845 = arith.cmpi slt, %select_n3A_122, %lt3A_844 : vector<16xi32>
        %add3A_846 = arith.constant 16 : i32
        %add3A_847 = vector.broadcast %add3A_846 : i32 to vector<16xi32>
        %add3A_848 = arith.addi %select_n3A_122, %add3A_847 : vector<16xi32>
        %select_n3A_849 = arith.select %lt3A_845, %add3A_848, %select_n3A_122 : vector<16xi1>, vector<16xi32>
        %broadcast_in_dim3A_850 = vector.shape_cast %select_n3A_849 : vector<16xi32> to vector<16x1xi32>
        %gather3A_851 = vector.shape_cast %broadcast_in_dim3A_850 : vector<16x1xi32> to vector<16xi32>
        %gather3A_852 = tpu.dynamic_gather %select_n3A_666[%gather3A_851] in [0] : vector<16xf32>, vector<16xi32> -> vector<16xf32>
        %select_n3A_853 = arith.select %eq3A_215, %gather3A_852, %select_n3A_754 : vector<16xi1>, vector<16xf32>
        %lt3A_854 = arith.constant 0 : i32
        %lt3A_855 = vector.broadcast %lt3A_854 : i32 to vector<16xi32>
        %lt3A_856 = arith.cmpi slt, %select_n3A_147, %lt3A_855 : vector<16xi32>
        %add3A_857 = arith.constant 16 : i32
        %add3A_858 = vector.broadcast %add3A_857 : i32 to vector<16xi32>
        %add3A_859 = arith.addi %select_n3A_147, %add3A_858 : vector<16xi32>
        %select_n3A_860 = arith.select %lt3A_856, %add3A_859, %select_n3A_147 : vector<16xi1>, vector<16xi32>
        %broadcast_in_dim3A_861 = vector.shape_cast %select_n3A_860 : vector<16xi32> to vector<16x1xi32>
        %gather3A_862 = vector.shape_cast %broadcast_in_dim3A_861 : vector<16x1xi32> to vector<16xi32>
        %gather3A_863 = tpu.dynamic_gather %select_n3A_699[%gather3A_862] in [0] : vector<16xf32>, vector<16xi32> -> vector<16xf32>
        %select_n3A_864 = arith.select %eq3A_215, %select_n3A_611, %gather3A_863 : vector<16xi1>, vector<16xf32>
        %lt3A_865 = arith.constant 0 : i32
        %lt3A_866 = vector.broadcast %lt3A_865 : i32 to vector<16xi32>
        %lt3A_867 = arith.cmpi slt, %select_n3A_122, %lt3A_866 : vector<16xi32>
        %add3A_868 = arith.constant 16 : i32
        %add3A_869 = vector.broadcast %add3A_868 : i32 to vector<16xi32>
        %add3A_870 = arith.addi %select_n3A_122, %add3A_869 : vector<16xi32>
        %select_n3A_871 = arith.select %lt3A_867, %add3A_870, %select_n3A_122 : vector<16xi1>, vector<16xi32>
        %broadcast_in_dim3A_872 = vector.shape_cast %select_n3A_871 : vector<16xi32> to vector<16x1xi32>
        %gather3A_873 = vector.shape_cast %broadcast_in_dim3A_872 : vector<16x1xi32> to vector<16xi32>
        %gather3A_874 = tpu.dynamic_gather %select_n3A_611[%gather3A_873] in [0] : vector<16xf32>, vector<16xi32> -> vector<16xf32>
        %select_n3A_875 = arith.select %eq3A_215, %gather3A_874, %select_n3A_699 : vector<16xi1>, vector<16xf32>
        %lt3A_876 = arith.constant 0 : i32
        %lt3A_877 = vector.broadcast %lt3A_876 : i32 to vector<16xi32>
        %lt3A_878 = arith.cmpi slt, %select_n3A_147, %lt3A_877 : vector<16xi32>
        %add3A_879 = arith.constant 16 : i32
        %add3A_880 = vector.broadcast %add3A_879 : i32 to vector<16xi32>
        %add3A_881 = arith.addi %select_n3A_147, %add3A_880 : vector<16xi32>
        %select_n3A_882 = arith.select %lt3A_878, %add3A_881, %select_n3A_147 : vector<16xi1>, vector<16xi32>
        %broadcast_in_dim3A_883 = vector.shape_cast %select_n3A_882 : vector<16xi32> to vector<16x1xi32>
        %gather3A_884 = vector.shape_cast %broadcast_in_dim3A_883 : vector<16x1xi32> to vector<16xi32>
        %gather3A_885 = tpu.dynamic_gather %select_n3A_721[%gather3A_884] in [0] : vector<16xf32>, vector<16xi32> -> vector<16xf32>
        %select_n3A_886 = arith.select %eq3A_215, %select_n3A_633, %gather3A_885 : vector<16xi1>, vector<16xf32>
        %lt3A_887 = arith.constant 0 : i32
        %lt3A_888 = vector.broadcast %lt3A_887 : i32 to vector<16xi32>
        %lt3A_889 = arith.cmpi slt, %select_n3A_122, %lt3A_888 : vector<16xi32>
        %add3A_890 = arith.constant 16 : i32
        %add3A_891 = vector.broadcast %add3A_890 : i32 to vector<16xi32>
        %add3A_892 = arith.addi %select_n3A_122, %add3A_891 : vector<16xi32>
        %select_n3A_893 = arith.select %lt3A_889, %add3A_892, %select_n3A_122 : vector<16xi1>, vector<16xi32>
        %broadcast_in_dim3A_894 = vector.shape_cast %select_n3A_893 : vector<16xi32> to vector<16x1xi32>
        %gather3A_895 = vector.shape_cast %broadcast_in_dim3A_894 : vector<16x1xi32> to vector<16xi32>
        %gather3A_896 = tpu.dynamic_gather %select_n3A_633[%gather3A_895] in [0] : vector<16xf32>, vector<16xi32> -> vector<16xf32>
        %select_n3A_897 = arith.select %eq3A_215, %gather3A_896, %select_n3A_721 : vector<16xi1>, vector<16xf32>
        %lt3A_898 = arith.constant 0 : i32
        %lt3A_899 = vector.broadcast %lt3A_898 : i32 to vector<16xi32>
        %lt3A_900 = arith.cmpi slt, %select_n3A_147, %lt3A_899 : vector<16xi32>
        %add3A_901 = arith.constant 16 : i32
        %add3A_902 = vector.broadcast %add3A_901 : i32 to vector<16xi32>
        %add3A_903 = arith.addi %select_n3A_147, %add3A_902 : vector<16xi32>
        %select_n3A_904 = arith.select %lt3A_900, %add3A_903, %select_n3A_147 : vector<16xi1>, vector<16xi32>
        %broadcast_in_dim3A_905 = vector.shape_cast %select_n3A_904 : vector<16xi32> to vector<16x1xi32>
        %gather3A_906 = vector.shape_cast %broadcast_in_dim3A_905 : vector<16x1xi32> to vector<16xi32>
        %gather3A_907 = tpu.dynamic_gather %select_n3A_743[%gather3A_906] in [0] : vector<16xf32>, vector<16xi32> -> vector<16xf32>
        %select_n3A_908 = arith.select %eq3A_215, %select_n3A_655, %gather3A_907 : vector<16xi1>, vector<16xf32>
        %lt3A_909 = arith.constant 0 : i32
        %lt3A_910 = vector.broadcast %lt3A_909 : i32 to vector<16xi32>
        %lt3A_911 = arith.cmpi slt, %select_n3A_122, %lt3A_910 : vector<16xi32>
        %add3A_912 = arith.constant 16 : i32
        %add3A_913 = vector.broadcast %add3A_912 : i32 to vector<16xi32>
        %add3A_914 = arith.addi %select_n3A_122, %add3A_913 : vector<16xi32>
        %select_n3A_915 = arith.select %lt3A_911, %add3A_914, %select_n3A_122 : vector<16xi1>, vector<16xi32>
        %broadcast_in_dim3A_916 = vector.shape_cast %select_n3A_915 : vector<16xi32> to vector<16x1xi32>
        %gather3A_917 = vector.shape_cast %broadcast_in_dim3A_916 : vector<16x1xi32> to vector<16xi32>
        %gather3A_918 = tpu.dynamic_gather %select_n3A_655[%gather3A_917] in [0] : vector<16xf32>, vector<16xi32> -> vector<16xf32>
        %select_n3A_919 = arith.select %eq3A_215, %gather3A_918, %select_n3A_743 : vector<16xi1>, vector<16xf32>
        %lt3A_920 = arith.constant 0 : i32
        %lt3A_921 = vector.broadcast %lt3A_920 : i32 to vector<16xi32>
        %lt3A_922 = arith.cmpi slt, %select_n3A_147, %lt3A_921 : vector<16xi32>
        %add3A_923 = arith.constant 16 : i32
        %add3A_924 = vector.broadcast %add3A_923 : i32 to vector<16xi32>
        %add3A_925 = arith.addi %select_n3A_147, %add3A_924 : vector<16xi32>
        %select_n3A_926 = arith.select %lt3A_922, %add3A_925, %select_n3A_147 : vector<16xi1>, vector<16xi32>
        %broadcast_in_dim3A_927 = vector.shape_cast %select_n3A_926 : vector<16xi32> to vector<16x1xi32>
        %gather3A_928 = vector.shape_cast %broadcast_in_dim3A_927 : vector<16x1xi32> to vector<16xi32>
        %gather3A_929 = tpu.dynamic_gather %select_n3A_765[%gather3A_928] in [0] : vector<16xf32>, vector<16xi32> -> vector<16xf32>
        %select_n3A_930 = arith.select %eq3A_215, %select_n3A_677, %gather3A_929 : vector<16xi1>, vector<16xf32>
        %lt3A_931 = arith.constant 0 : i32
        %lt3A_932 = vector.broadcast %lt3A_931 : i32 to vector<16xi32>
        %lt3A_933 = arith.cmpi slt, %select_n3A_122, %lt3A_932 : vector<16xi32>
        %add3A_934 = arith.constant 16 : i32
        %add3A_935 = vector.broadcast %add3A_934 : i32 to vector<16xi32>
        %add3A_936 = arith.addi %select_n3A_122, %add3A_935 : vector<16xi32>
        %select_n3A_937 = arith.select %lt3A_933, %add3A_936, %select_n3A_122 : vector<16xi1>, vector<16xi32>
        %broadcast_in_dim3A_938 = vector.shape_cast %select_n3A_937 : vector<16xi32> to vector<16x1xi32>
        %gather3A_939 = vector.shape_cast %broadcast_in_dim3A_938 : vector<16x1xi32> to vector<16xi32>
        %gather3A_940 = tpu.dynamic_gather %select_n3A_677[%gather3A_939] in [0] : vector<16xf32>, vector<16xi32> -> vector<16xf32>
        %select_n3A_941 = arith.select %eq3A_215, %gather3A_940, %select_n3A_765 : vector<16xi1>, vector<16xf32>
        %lt3A_942 = arith.constant 0 : i32
        %lt3A_943 = vector.broadcast %lt3A_942 : i32 to vector<16xi32>
        %lt3A_944 = arith.cmpi slt, %select_n3A_97, %lt3A_943 : vector<16xi32>
        %add3A_945 = arith.constant 16 : i32
        %add3A_946 = vector.broadcast %add3A_945 : i32 to vector<16xi32>
        %add3A_947 = arith.addi %select_n3A_97, %add3A_946 : vector<16xi32>
        %select_n3A_948 = arith.select %lt3A_944, %add3A_947, %select_n3A_97 : vector<16xi1>, vector<16xi32>
        %broadcast_in_dim3A_949 = vector.shape_cast %select_n3A_948 : vector<16xi32> to vector<16x1xi32>
        %gather3A_950 = vector.shape_cast %broadcast_in_dim3A_949 : vector<16x1xi32> to vector<16xi32>
        %gather3A_951 = tpu.dynamic_gather %select_n3A_820[%gather3A_950] in [0] : vector<16xf32>, vector<16xi32> -> vector<16xf32>
        %select_n3A_952 = arith.select %eq3A_209, %select_n3A_776, %gather3A_951 : vector<16xi1>, vector<16xf32>
        %lt3A_953 = arith.constant 0 : i32
        %lt3A_954 = vector.broadcast %lt3A_953 : i32 to vector<16xi32>
        %lt3A_955 = arith.cmpi slt, %select_n3A_72, %lt3A_954 : vector<16xi32>
        %add3A_956 = arith.constant 16 : i32
        %add3A_957 = vector.broadcast %add3A_956 : i32 to vector<16xi32>
        %add3A_958 = arith.addi %select_n3A_72, %add3A_957 : vector<16xi32>
        %select_n3A_959 = arith.select %lt3A_955, %add3A_958, %select_n3A_72 : vector<16xi1>, vector<16xi32>
        %broadcast_in_dim3A_960 = vector.shape_cast %select_n3A_959 : vector<16xi32> to vector<16x1xi32>
        %gather3A_961 = vector.shape_cast %broadcast_in_dim3A_960 : vector<16x1xi32> to vector<16xi32>
        %gather3A_962 = tpu.dynamic_gather %select_n3A_776[%gather3A_961] in [0] : vector<16xf32>, vector<16xi32> -> vector<16xf32>
        %select_n3A_963 = arith.select %eq3A_209, %gather3A_962, %select_n3A_820 : vector<16xi1>, vector<16xf32>
        %lt3A_964 = arith.constant 0 : i32
        %lt3A_965 = vector.broadcast %lt3A_964 : i32 to vector<16xi32>
        %lt3A_966 = arith.cmpi slt, %select_n3A_97, %lt3A_965 : vector<16xi32>
        %add3A_967 = arith.constant 16 : i32
        %add3A_968 = vector.broadcast %add3A_967 : i32 to vector<16xi32>
        %add3A_969 = arith.addi %select_n3A_97, %add3A_968 : vector<16xi32>
        %select_n3A_970 = arith.select %lt3A_966, %add3A_969, %select_n3A_97 : vector<16xi1>, vector<16xi32>
        %broadcast_in_dim3A_971 = vector.shape_cast %select_n3A_970 : vector<16xi32> to vector<16x1xi32>
        %gather3A_972 = vector.shape_cast %broadcast_in_dim3A_971 : vector<16x1xi32> to vector<16xi32>
        %gather3A_973 = tpu.dynamic_gather %select_n3A_842[%gather3A_972] in [0] : vector<16xf32>, vector<16xi32> -> vector<16xf32>
        %select_n3A_974 = arith.select %eq3A_209, %select_n3A_798, %gather3A_973 : vector<16xi1>, vector<16xf32>
        %lt3A_975 = arith.constant 0 : i32
        %lt3A_976 = vector.broadcast %lt3A_975 : i32 to vector<16xi32>
        %lt3A_977 = arith.cmpi slt, %select_n3A_72, %lt3A_976 : vector<16xi32>
        %add3A_978 = arith.constant 16 : i32
        %add3A_979 = vector.broadcast %add3A_978 : i32 to vector<16xi32>
        %add3A_980 = arith.addi %select_n3A_72, %add3A_979 : vector<16xi32>
        %select_n3A_981 = arith.select %lt3A_977, %add3A_980, %select_n3A_72 : vector<16xi1>, vector<16xi32>
        %broadcast_in_dim3A_982 = vector.shape_cast %select_n3A_981 : vector<16xi32> to vector<16x1xi32>
        %gather3A_983 = vector.shape_cast %broadcast_in_dim3A_982 : vector<16x1xi32> to vector<16xi32>
        %gather3A_984 = tpu.dynamic_gather %select_n3A_798[%gather3A_983] in [0] : vector<16xf32>, vector<16xi32> -> vector<16xf32>
        %select_n3A_985 = arith.select %eq3A_209, %gather3A_984, %select_n3A_842 : vector<16xi1>, vector<16xf32>
        %lt3A_986 = arith.constant 0 : i32
        %lt3A_987 = vector.broadcast %lt3A_986 : i32 to vector<16xi32>
        %lt3A_988 = arith.cmpi slt, %select_n3A_97, %lt3A_987 : vector<16xi32>
        %add3A_989 = arith.constant 16 : i32
        %add3A_990 = vector.broadcast %add3A_989 : i32 to vector<16xi32>
        %add3A_991 = arith.addi %select_n3A_97, %add3A_990 : vector<16xi32>
        %select_n3A_992 = arith.select %lt3A_988, %add3A_991, %select_n3A_97 : vector<16xi1>, vector<16xi32>
        %broadcast_in_dim3A_993 = vector.shape_cast %select_n3A_992 : vector<16xi32> to vector<16x1xi32>
        %gather3A_994 = vector.shape_cast %broadcast_in_dim3A_993 : vector<16x1xi32> to vector<16xi32>
        %gather3A_995 = tpu.dynamic_gather %select_n3A_831[%gather3A_994] in [0] : vector<16xf32>, vector<16xi32> -> vector<16xf32>
        %select_n3A_996 = arith.select %eq3A_209, %select_n3A_787, %gather3A_995 : vector<16xi1>, vector<16xf32>
        %lt3A_997 = arith.constant 0 : i32
        %lt3A_998 = vector.broadcast %lt3A_997 : i32 to vector<16xi32>
        %lt3A_999 = arith.cmpi slt, %select_n3A_72, %lt3A_998 : vector<16xi32>
        %add3A_1000 = arith.constant 16 : i32
        %add3A_1001 = vector.broadcast %add3A_1000 : i32 to vector<16xi32>
        %add3A_1002 = arith.addi %select_n3A_72, %add3A_1001 : vector<16xi32>
        %select_n3A_1003 = arith.select %lt3A_999, %add3A_1002, %select_n3A_72 : vector<16xi1>, vector<16xi32>
        %broadcast_in_dim3A_1004 = vector.shape_cast %select_n3A_1003 : vector<16xi32> to vector<16x1xi32>
        %gather3A_1005 = vector.shape_cast %broadcast_in_dim3A_1004 : vector<16x1xi32> to vector<16xi32>
        %gather3A_1006 = tpu.dynamic_gather %select_n3A_787[%gather3A_1005] in [0] : vector<16xf32>, vector<16xi32> -> vector<16xf32>
        %select_n3A_1007 = arith.select %eq3A_209, %gather3A_1006, %select_n3A_831 : vector<16xi1>, vector<16xf32>
        %lt3A_1008 = arith.constant 0 : i32
        %lt3A_1009 = vector.broadcast %lt3A_1008 : i32 to vector<16xi32>
        %lt3A_1010 = arith.cmpi slt, %select_n3A_97, %lt3A_1009 : vector<16xi32>
        %add3A_1011 = arith.constant 16 : i32
        %add3A_1012 = vector.broadcast %add3A_1011 : i32 to vector<16xi32>
        %add3A_1013 = arith.addi %select_n3A_97, %add3A_1012 : vector<16xi32>
        %select_n3A_1014 = arith.select %lt3A_1010, %add3A_1013, %select_n3A_97 : vector<16xi1>, vector<16xi32>
        %broadcast_in_dim3A_1015 = vector.shape_cast %select_n3A_1014 : vector<16xi32> to vector<16x1xi32>
        %gather3A_1016 = vector.shape_cast %broadcast_in_dim3A_1015 : vector<16x1xi32> to vector<16xi32>
        %gather3A_1017 = tpu.dynamic_gather %select_n3A_853[%gather3A_1016] in [0] : vector<16xf32>, vector<16xi32> -> vector<16xf32>
        %select_n3A_1018 = arith.select %eq3A_209, %select_n3A_809, %gather3A_1017 : vector<16xi1>, vector<16xf32>
        %lt3A_1019 = arith.constant 0 : i32
        %lt3A_1020 = vector.broadcast %lt3A_1019 : i32 to vector<16xi32>
        %lt3A_1021 = arith.cmpi slt, %select_n3A_72, %lt3A_1020 : vector<16xi32>
        %add3A_1022 = arith.constant 16 : i32
        %add3A_1023 = vector.broadcast %add3A_1022 : i32 to vector<16xi32>
        %add3A_1024 = arith.addi %select_n3A_72, %add3A_1023 : vector<16xi32>
        %select_n3A_1025 = arith.select %lt3A_1021, %add3A_1024, %select_n3A_72 : vector<16xi1>, vector<16xi32>
        %broadcast_in_dim3A_1026 = vector.shape_cast %select_n3A_1025 : vector<16xi32> to vector<16x1xi32>
        %gather3A_1027 = vector.shape_cast %broadcast_in_dim3A_1026 : vector<16x1xi32> to vector<16xi32>
        %gather3A_1028 = tpu.dynamic_gather %select_n3A_809[%gather3A_1027] in [0] : vector<16xf32>, vector<16xi32> -> vector<16xf32>
        %select_n3A_1029 = arith.select %eq3A_209, %gather3A_1028, %select_n3A_853 : vector<16xi1>, vector<16xf32>
        %lt3A_1030 = arith.constant 0 : i32
        %lt3A_1031 = vector.broadcast %lt3A_1030 : i32 to vector<16xi32>
        %lt3A_1032 = arith.cmpi slt, %select_n3A_97, %lt3A_1031 : vector<16xi32>
        %add3A_1033 = arith.constant 16 : i32
        %add3A_1034 = vector.broadcast %add3A_1033 : i32 to vector<16xi32>
        %add3A_1035 = arith.addi %select_n3A_97, %add3A_1034 : vector<16xi32>
        %select_n3A_1036 = arith.select %lt3A_1032, %add3A_1035, %select_n3A_97 : vector<16xi1>, vector<16xi32>
        %broadcast_in_dim3A_1037 = vector.shape_cast %select_n3A_1036 : vector<16xi32> to vector<16x1xi32>
        %gather3A_1038 = vector.shape_cast %broadcast_in_dim3A_1037 : vector<16x1xi32> to vector<16xi32>
        %gather3A_1039 = tpu.dynamic_gather %select_n3A_908[%gather3A_1038] in [0] : vector<16xf32>, vector<16xi32> -> vector<16xf32>
        %select_n3A_1040 = arith.select %eq3A_209, %select_n3A_864, %gather3A_1039 : vector<16xi1>, vector<16xf32>
        %lt3A_1041 = arith.constant 0 : i32
        %lt3A_1042 = vector.broadcast %lt3A_1041 : i32 to vector<16xi32>
        %lt3A_1043 = arith.cmpi slt, %select_n3A_72, %lt3A_1042 : vector<16xi32>
        %add3A_1044 = arith.constant 16 : i32
        %add3A_1045 = vector.broadcast %add3A_1044 : i32 to vector<16xi32>
        %add3A_1046 = arith.addi %select_n3A_72, %add3A_1045 : vector<16xi32>
        %select_n3A_1047 = arith.select %lt3A_1043, %add3A_1046, %select_n3A_72 : vector<16xi1>, vector<16xi32>
        %broadcast_in_dim3A_1048 = vector.shape_cast %select_n3A_1047 : vector<16xi32> to vector<16x1xi32>
        %gather3A_1049 = vector.shape_cast %broadcast_in_dim3A_1048 : vector<16x1xi32> to vector<16xi32>
        %gather3A_1050 = tpu.dynamic_gather %select_n3A_864[%gather3A_1049] in [0] : vector<16xf32>, vector<16xi32> -> vector<16xf32>
        %select_n3A_1051 = arith.select %eq3A_209, %gather3A_1050, %select_n3A_908 : vector<16xi1>, vector<16xf32>
        %lt3A_1052 = arith.constant 0 : i32
        %lt3A_1053 = vector.broadcast %lt3A_1052 : i32 to vector<16xi32>
        %lt3A_1054 = arith.cmpi slt, %select_n3A_97, %lt3A_1053 : vector<16xi32>
        %add3A_1055 = arith.constant 16 : i32
        %add3A_1056 = vector.broadcast %add3A_1055 : i32 to vector<16xi32>
        %add3A_1057 = arith.addi %select_n3A_97, %add3A_1056 : vector<16xi32>
        %select_n3A_1058 = arith.select %lt3A_1054, %add3A_1057, %select_n3A_97 : vector<16xi1>, vector<16xi32>
        %broadcast_in_dim3A_1059 = vector.shape_cast %select_n3A_1058 : vector<16xi32> to vector<16x1xi32>
        %gather3A_1060 = vector.shape_cast %broadcast_in_dim3A_1059 : vector<16x1xi32> to vector<16xi32>
        %gather3A_1061 = tpu.dynamic_gather %select_n3A_930[%gather3A_1060] in [0] : vector<16xf32>, vector<16xi32> -> vector<16xf32>
        %select_n3A_1062 = arith.select %eq3A_209, %select_n3A_886, %gather3A_1061 : vector<16xi1>, vector<16xf32>
        %lt3A_1063 = arith.constant 0 : i32
        %lt3A_1064 = vector.broadcast %lt3A_1063 : i32 to vector<16xi32>
        %lt3A_1065 = arith.cmpi slt, %select_n3A_72, %lt3A_1064 : vector<16xi32>
        %add3A_1066 = arith.constant 16 : i32
        %add3A_1067 = vector.broadcast %add3A_1066 : i32 to vector<16xi32>
        %add3A_1068 = arith.addi %select_n3A_72, %add3A_1067 : vector<16xi32>
        %select_n3A_1069 = arith.select %lt3A_1065, %add3A_1068, %select_n3A_72 : vector<16xi1>, vector<16xi32>
        %broadcast_in_dim3A_1070 = vector.shape_cast %select_n3A_1069 : vector<16xi32> to vector<16x1xi32>
        %gather3A_1071 = vector.shape_cast %broadcast_in_dim3A_1070 : vector<16x1xi32> to vector<16xi32>
        %gather3A_1072 = tpu.dynamic_gather %select_n3A_886[%gather3A_1071] in [0] : vector<16xf32>, vector<16xi32> -> vector<16xf32>
        %select_n3A_1073 = arith.select %eq3A_209, %gather3A_1072, %select_n3A_930 : vector<16xi1>, vector<16xf32>
        %lt3A_1074 = arith.constant 0 : i32
        %lt3A_1075 = vector.broadcast %lt3A_1074 : i32 to vector<16xi32>
        %lt3A_1076 = arith.cmpi slt, %select_n3A_97, %lt3A_1075 : vector<16xi32>
        %add3A_1077 = arith.constant 16 : i32
        %add3A_1078 = vector.broadcast %add3A_1077 : i32 to vector<16xi32>
        %add3A_1079 = arith.addi %select_n3A_97, %add3A_1078 : vector<16xi32>
        %select_n3A_1080 = arith.select %lt3A_1076, %add3A_1079, %select_n3A_97 : vector<16xi1>, vector<16xi32>
        %broadcast_in_dim3A_1081 = vector.shape_cast %select_n3A_1080 : vector<16xi32> to vector<16x1xi32>
        %gather3A_1082 = vector.shape_cast %broadcast_in_dim3A_1081 : vector<16x1xi32> to vector<16xi32>
        %gather3A_1083 = tpu.dynamic_gather %select_n3A_919[%gather3A_1082] in [0] : vector<16xf32>, vector<16xi32> -> vector<16xf32>
        %select_n3A_1084 = arith.select %eq3A_209, %select_n3A_875, %gather3A_1083 : vector<16xi1>, vector<16xf32>
        %lt3A_1085 = arith.constant 0 : i32
        %lt3A_1086 = vector.broadcast %lt3A_1085 : i32 to vector<16xi32>
        %lt3A_1087 = arith.cmpi slt, %select_n3A_72, %lt3A_1086 : vector<16xi32>
        %add3A_1088 = arith.constant 16 : i32
        %add3A_1089 = vector.broadcast %add3A_1088 : i32 to vector<16xi32>
        %add3A_1090 = arith.addi %select_n3A_72, %add3A_1089 : vector<16xi32>
        %select_n3A_1091 = arith.select %lt3A_1087, %add3A_1090, %select_n3A_72 : vector<16xi1>, vector<16xi32>
        %broadcast_in_dim3A_1092 = vector.shape_cast %select_n3A_1091 : vector<16xi32> to vector<16x1xi32>
        %gather3A_1093 = vector.shape_cast %broadcast_in_dim3A_1092 : vector<16x1xi32> to vector<16xi32>
        %gather3A_1094 = tpu.dynamic_gather %select_n3A_875[%gather3A_1093] in [0] : vector<16xf32>, vector<16xi32> -> vector<16xf32>
        %select_n3A_1095 = arith.select %eq3A_209, %gather3A_1094, %select_n3A_919 : vector<16xi1>, vector<16xf32>
        %lt3A_1096 = arith.constant 0 : i32
        %lt3A_1097 = vector.broadcast %lt3A_1096 : i32 to vector<16xi32>
        %lt3A_1098 = arith.cmpi slt, %select_n3A_97, %lt3A_1097 : vector<16xi32>
        %add3A_1099 = arith.constant 16 : i32
        %add3A_1100 = vector.broadcast %add3A_1099 : i32 to vector<16xi32>
        %add3A_1101 = arith.addi %select_n3A_97, %add3A_1100 : vector<16xi32>
        %select_n3A_1102 = arith.select %lt3A_1098, %add3A_1101, %select_n3A_97 : vector<16xi1>, vector<16xi32>
        %broadcast_in_dim3A_1103 = vector.shape_cast %select_n3A_1102 : vector<16xi32> to vector<16x1xi32>
        %gather3A_1104 = vector.shape_cast %broadcast_in_dim3A_1103 : vector<16x1xi32> to vector<16xi32>
        %gather3A_1105 = tpu.dynamic_gather %select_n3A_941[%gather3A_1104] in [0] : vector<16xf32>, vector<16xi32> -> vector<16xf32>
        %select_n3A_1106 = arith.select %eq3A_209, %select_n3A_897, %gather3A_1105 : vector<16xi1>, vector<16xf32>
        %lt3A_1107 = arith.constant 0 : i32
        %lt3A_1108 = vector.broadcast %lt3A_1107 : i32 to vector<16xi32>
        %lt3A_1109 = arith.cmpi slt, %select_n3A_72, %lt3A_1108 : vector<16xi32>
        %add3A_1110 = arith.constant 16 : i32
        %add3A_1111 = vector.broadcast %add3A_1110 : i32 to vector<16xi32>
        %add3A_1112 = arith.addi %select_n3A_72, %add3A_1111 : vector<16xi32>
        %select_n3A_1113 = arith.select %lt3A_1109, %add3A_1112, %select_n3A_72 : vector<16xi1>, vector<16xi32>
        %broadcast_in_dim3A_1114 = vector.shape_cast %select_n3A_1113 : vector<16xi32> to vector<16x1xi32>
        %gather3A_1115 = vector.shape_cast %broadcast_in_dim3A_1114 : vector<16x1xi32> to vector<16xi32>
        %gather3A_1116 = tpu.dynamic_gather %select_n3A_897[%gather3A_1115] in [0] : vector<16xf32>, vector<16xi32> -> vector<16xf32>
        %select_n3A_1117 = arith.select %eq3A_209, %gather3A_1116, %select_n3A_941 : vector<16xi1>, vector<16xf32>
        %lt3A_1118 = arith.constant 0 : i32
        %lt3A_1119 = vector.broadcast %lt3A_1118 : i32 to vector<16xi32>
        %lt3A_1120 = arith.cmpi slt, %select_n3A_47, %lt3A_1119 : vector<16xi32>
        %add3A_1121 = arith.constant 16 : i32
        %add3A_1122 = vector.broadcast %add3A_1121 : i32 to vector<16xi32>
        %add3A_1123 = arith.addi %select_n3A_47, %add3A_1122 : vector<16xi32>
        %select_n3A_1124 = arith.select %lt3A_1120, %add3A_1123, %select_n3A_47 : vector<16xi1>, vector<16xi32>
        %broadcast_in_dim3A_1125 = vector.shape_cast %select_n3A_1124 : vector<16xi32> to vector<16x1xi32>
        %gather3A_1126 = vector.shape_cast %broadcast_in_dim3A_1125 : vector<16x1xi32> to vector<16xi32>
        %gather3A_1127 = tpu.dynamic_gather %select_n3A_974[%gather3A_1126] in [0] : vector<16xf32>, vector<16xi32> -> vector<16xf32>
        %select_n3A_1128 = arith.select %eq3A_203, %select_n3A_952, %gather3A_1127 : vector<16xi1>, vector<16xf32>
        %lt3A_1129 = arith.constant 0 : i32
        %lt3A_1130 = vector.broadcast %lt3A_1129 : i32 to vector<16xi32>
        %lt3A_1131 = arith.cmpi slt, %select_n3A_22, %lt3A_1130 : vector<16xi32>
        %add3A_1132 = arith.constant 16 : i32
        %add3A_1133 = vector.broadcast %add3A_1132 : i32 to vector<16xi32>
        %add3A_1134 = arith.addi %select_n3A_22, %add3A_1133 : vector<16xi32>
        %select_n3A_1135 = arith.select %lt3A_1131, %add3A_1134, %select_n3A_22 : vector<16xi1>, vector<16xi32>
        %broadcast_in_dim3A_1136 = vector.shape_cast %select_n3A_1135 : vector<16xi32> to vector<16x1xi32>
        %gather3A_1137 = vector.shape_cast %broadcast_in_dim3A_1136 : vector<16x1xi32> to vector<16xi32>
        %gather3A_1138 = tpu.dynamic_gather %select_n3A_952[%gather3A_1137] in [0] : vector<16xf32>, vector<16xi32> -> vector<16xf32>
        %select_n3A_1139 = arith.select %eq3A_203, %gather3A_1138, %select_n3A_974 : vector<16xi1>, vector<16xf32>
        %lt3A_1140 = arith.constant 0 : i32
        %lt3A_1141 = vector.broadcast %lt3A_1140 : i32 to vector<16xi32>
        %lt3A_1142 = arith.cmpi slt, %select_n3A_47, %lt3A_1141 : vector<16xi32>
        %add3A_1143 = arith.constant 16 : i32
        %add3A_1144 = vector.broadcast %add3A_1143 : i32 to vector<16xi32>
        %add3A_1145 = arith.addi %select_n3A_47, %add3A_1144 : vector<16xi32>
        %select_n3A_1146 = arith.select %lt3A_1142, %add3A_1145, %select_n3A_47 : vector<16xi1>, vector<16xi32>
        %broadcast_in_dim3A_1147 = vector.shape_cast %select_n3A_1146 : vector<16xi32> to vector<16x1xi32>
        %gather3A_1148 = vector.shape_cast %broadcast_in_dim3A_1147 : vector<16x1xi32> to vector<16xi32>
        %gather3A_1149 = tpu.dynamic_gather %select_n3A_985[%gather3A_1148] in [0] : vector<16xf32>, vector<16xi32> -> vector<16xf32>
        %select_n3A_1150 = arith.select %eq3A_203, %select_n3A_963, %gather3A_1149 : vector<16xi1>, vector<16xf32>
        %lt3A_1151 = arith.constant 0 : i32
        %lt3A_1152 = vector.broadcast %lt3A_1151 : i32 to vector<16xi32>
        %lt3A_1153 = arith.cmpi slt, %select_n3A_22, %lt3A_1152 : vector<16xi32>
        %add3A_1154 = arith.constant 16 : i32
        %add3A_1155 = vector.broadcast %add3A_1154 : i32 to vector<16xi32>
        %add3A_1156 = arith.addi %select_n3A_22, %add3A_1155 : vector<16xi32>
        %select_n3A_1157 = arith.select %lt3A_1153, %add3A_1156, %select_n3A_22 : vector<16xi1>, vector<16xi32>
        %broadcast_in_dim3A_1158 = vector.shape_cast %select_n3A_1157 : vector<16xi32> to vector<16x1xi32>
        %gather3A_1159 = vector.shape_cast %broadcast_in_dim3A_1158 : vector<16x1xi32> to vector<16xi32>
        %gather3A_1160 = tpu.dynamic_gather %select_n3A_963[%gather3A_1159] in [0] : vector<16xf32>, vector<16xi32> -> vector<16xf32>
        %select_n3A_1161 = arith.select %eq3A_203, %gather3A_1160, %select_n3A_985 : vector<16xi1>, vector<16xf32>
        %lt3A_1162 = arith.constant 0 : i32
        %lt3A_1163 = vector.broadcast %lt3A_1162 : i32 to vector<16xi32>
        %lt3A_1164 = arith.cmpi slt, %select_n3A_47, %lt3A_1163 : vector<16xi32>
        %add3A_1165 = arith.constant 16 : i32
        %add3A_1166 = vector.broadcast %add3A_1165 : i32 to vector<16xi32>
        %add3A_1167 = arith.addi %select_n3A_47, %add3A_1166 : vector<16xi32>
        %select_n3A_1168 = arith.select %lt3A_1164, %add3A_1167, %select_n3A_47 : vector<16xi1>, vector<16xi32>
        %broadcast_in_dim3A_1169 = vector.shape_cast %select_n3A_1168 : vector<16xi32> to vector<16x1xi32>
        %gather3A_1170 = vector.shape_cast %broadcast_in_dim3A_1169 : vector<16x1xi32> to vector<16xi32>
        %gather3A_1171 = tpu.dynamic_gather %select_n3A_1018[%gather3A_1170] in [0] : vector<16xf32>, vector<16xi32> -> vector<16xf32>
        %select_n3A_1172 = arith.select %eq3A_203, %select_n3A_996, %gather3A_1171 : vector<16xi1>, vector<16xf32>
        %lt3A_1173 = arith.constant 0 : i32
        %lt3A_1174 = vector.broadcast %lt3A_1173 : i32 to vector<16xi32>
        %lt3A_1175 = arith.cmpi slt, %select_n3A_22, %lt3A_1174 : vector<16xi32>
        %add3A_1176 = arith.constant 16 : i32
        %add3A_1177 = vector.broadcast %add3A_1176 : i32 to vector<16xi32>
        %add3A_1178 = arith.addi %select_n3A_22, %add3A_1177 : vector<16xi32>
        %select_n3A_1179 = arith.select %lt3A_1175, %add3A_1178, %select_n3A_22 : vector<16xi1>, vector<16xi32>
        %broadcast_in_dim3A_1180 = vector.shape_cast %select_n3A_1179 : vector<16xi32> to vector<16x1xi32>
        %gather3A_1181 = vector.shape_cast %broadcast_in_dim3A_1180 : vector<16x1xi32> to vector<16xi32>
        %gather3A_1182 = tpu.dynamic_gather %select_n3A_996[%gather3A_1181] in [0] : vector<16xf32>, vector<16xi32> -> vector<16xf32>
        %select_n3A_1183 = arith.select %eq3A_203, %gather3A_1182, %select_n3A_1018 : vector<16xi1>, vector<16xf32>
        %lt3A_1184 = arith.constant 0 : i32
        %lt3A_1185 = vector.broadcast %lt3A_1184 : i32 to vector<16xi32>
        %lt3A_1186 = arith.cmpi slt, %select_n3A_47, %lt3A_1185 : vector<16xi32>
        %add3A_1187 = arith.constant 16 : i32
        %add3A_1188 = vector.broadcast %add3A_1187 : i32 to vector<16xi32>
        %add3A_1189 = arith.addi %select_n3A_47, %add3A_1188 : vector<16xi32>
        %select_n3A_1190 = arith.select %lt3A_1186, %add3A_1189, %select_n3A_47 : vector<16xi1>, vector<16xi32>
        %broadcast_in_dim3A_1191 = vector.shape_cast %select_n3A_1190 : vector<16xi32> to vector<16x1xi32>
        %gather3A_1192 = vector.shape_cast %broadcast_in_dim3A_1191 : vector<16x1xi32> to vector<16xi32>
        %gather3A_1193 = tpu.dynamic_gather %select_n3A_1029[%gather3A_1192] in [0] : vector<16xf32>, vector<16xi32> -> vector<16xf32>
        %select_n3A_1194 = arith.select %eq3A_203, %select_n3A_1007, %gather3A_1193 : vector<16xi1>, vector<16xf32>
        %lt3A_1195 = arith.constant 0 : i32
        %lt3A_1196 = vector.broadcast %lt3A_1195 : i32 to vector<16xi32>
        %lt3A_1197 = arith.cmpi slt, %select_n3A_22, %lt3A_1196 : vector<16xi32>
        %add3A_1198 = arith.constant 16 : i32
        %add3A_1199 = vector.broadcast %add3A_1198 : i32 to vector<16xi32>
        %add3A_1200 = arith.addi %select_n3A_22, %add3A_1199 : vector<16xi32>
        %select_n3A_1201 = arith.select %lt3A_1197, %add3A_1200, %select_n3A_22 : vector<16xi1>, vector<16xi32>
        %broadcast_in_dim3A_1202 = vector.shape_cast %select_n3A_1201 : vector<16xi32> to vector<16x1xi32>
        %gather3A_1203 = vector.shape_cast %broadcast_in_dim3A_1202 : vector<16x1xi32> to vector<16xi32>
        %gather3A_1204 = tpu.dynamic_gather %select_n3A_1007[%gather3A_1203] in [0] : vector<16xf32>, vector<16xi32> -> vector<16xf32>
        %select_n3A_1205 = arith.select %eq3A_203, %gather3A_1204, %select_n3A_1029 : vector<16xi1>, vector<16xf32>
        %lt3A_1206 = arith.constant 0 : i32
        %lt3A_1207 = vector.broadcast %lt3A_1206 : i32 to vector<16xi32>
        %lt3A_1208 = arith.cmpi slt, %select_n3A_47, %lt3A_1207 : vector<16xi32>
        %add3A_1209 = arith.constant 16 : i32
        %add3A_1210 = vector.broadcast %add3A_1209 : i32 to vector<16xi32>
        %add3A_1211 = arith.addi %select_n3A_47, %add3A_1210 : vector<16xi32>
        %select_n3A_1212 = arith.select %lt3A_1208, %add3A_1211, %select_n3A_47 : vector<16xi1>, vector<16xi32>
        %broadcast_in_dim3A_1213 = vector.shape_cast %select_n3A_1212 : vector<16xi32> to vector<16x1xi32>
        %gather3A_1214 = vector.shape_cast %broadcast_in_dim3A_1213 : vector<16x1xi32> to vector<16xi32>
        %gather3A_1215 = tpu.dynamic_gather %select_n3A_1062[%gather3A_1214] in [0] : vector<16xf32>, vector<16xi32> -> vector<16xf32>
        %select_n3A_1216 = arith.select %eq3A_203, %select_n3A_1040, %gather3A_1215 : vector<16xi1>, vector<16xf32>
        %lt3A_1217 = arith.constant 0 : i32
        %lt3A_1218 = vector.broadcast %lt3A_1217 : i32 to vector<16xi32>
        %lt3A_1219 = arith.cmpi slt, %select_n3A_22, %lt3A_1218 : vector<16xi32>
        %add3A_1220 = arith.constant 16 : i32
        %add3A_1221 = vector.broadcast %add3A_1220 : i32 to vector<16xi32>
        %add3A_1222 = arith.addi %select_n3A_22, %add3A_1221 : vector<16xi32>
        %select_n3A_1223 = arith.select %lt3A_1219, %add3A_1222, %select_n3A_22 : vector<16xi1>, vector<16xi32>
        %broadcast_in_dim3A_1224 = vector.shape_cast %select_n3A_1223 : vector<16xi32> to vector<16x1xi32>
        %gather3A_1225 = vector.shape_cast %broadcast_in_dim3A_1224 : vector<16x1xi32> to vector<16xi32>
        %gather3A_1226 = tpu.dynamic_gather %select_n3A_1040[%gather3A_1225] in [0] : vector<16xf32>, vector<16xi32> -> vector<16xf32>
        %select_n3A_1227 = arith.select %eq3A_203, %gather3A_1226, %select_n3A_1062 : vector<16xi1>, vector<16xf32>
        %lt3A_1228 = arith.constant 0 : i32
        %lt3A_1229 = vector.broadcast %lt3A_1228 : i32 to vector<16xi32>
        %lt3A_1230 = arith.cmpi slt, %select_n3A_47, %lt3A_1229 : vector<16xi32>
        %add3A_1231 = arith.constant 16 : i32
        %add3A_1232 = vector.broadcast %add3A_1231 : i32 to vector<16xi32>
        %add3A_1233 = arith.addi %select_n3A_47, %add3A_1232 : vector<16xi32>
        %select_n3A_1234 = arith.select %lt3A_1230, %add3A_1233, %select_n3A_47 : vector<16xi1>, vector<16xi32>
        %broadcast_in_dim3A_1235 = vector.shape_cast %select_n3A_1234 : vector<16xi32> to vector<16x1xi32>
        %gather3A_1236 = vector.shape_cast %broadcast_in_dim3A_1235 : vector<16x1xi32> to vector<16xi32>
        %gather3A_1237 = tpu.dynamic_gather %select_n3A_1073[%gather3A_1236] in [0] : vector<16xf32>, vector<16xi32> -> vector<16xf32>
        %select_n3A_1238 = arith.select %eq3A_203, %select_n3A_1051, %gather3A_1237 : vector<16xi1>, vector<16xf32>
        %lt3A_1239 = arith.constant 0 : i32
        %lt3A_1240 = vector.broadcast %lt3A_1239 : i32 to vector<16xi32>
        %lt3A_1241 = arith.cmpi slt, %select_n3A_22, %lt3A_1240 : vector<16xi32>
        %add3A_1242 = arith.constant 16 : i32
        %add3A_1243 = vector.broadcast %add3A_1242 : i32 to vector<16xi32>
        %add3A_1244 = arith.addi %select_n3A_22, %add3A_1243 : vector<16xi32>
        %select_n3A_1245 = arith.select %lt3A_1241, %add3A_1244, %select_n3A_22 : vector<16xi1>, vector<16xi32>
        %broadcast_in_dim3A_1246 = vector.shape_cast %select_n3A_1245 : vector<16xi32> to vector<16x1xi32>
        %gather3A_1247 = vector.shape_cast %broadcast_in_dim3A_1246 : vector<16x1xi32> to vector<16xi32>
        %gather3A_1248 = tpu.dynamic_gather %select_n3A_1051[%gather3A_1247] in [0] : vector<16xf32>, vector<16xi32> -> vector<16xf32>
        %select_n3A_1249 = arith.select %eq3A_203, %gather3A_1248, %select_n3A_1073 : vector<16xi1>, vector<16xf32>
        %lt3A_1250 = arith.constant 0 : i32
        %lt3A_1251 = vector.broadcast %lt3A_1250 : i32 to vector<16xi32>
        %lt3A_1252 = arith.cmpi slt, %select_n3A_47, %lt3A_1251 : vector<16xi32>
        %add3A_1253 = arith.constant 16 : i32
        %add3A_1254 = vector.broadcast %add3A_1253 : i32 to vector<16xi32>
        %add3A_1255 = arith.addi %select_n3A_47, %add3A_1254 : vector<16xi32>
        %select_n3A_1256 = arith.select %lt3A_1252, %add3A_1255, %select_n3A_47 : vector<16xi1>, vector<16xi32>
        %broadcast_in_dim3A_1257 = vector.shape_cast %select_n3A_1256 : vector<16xi32> to vector<16x1xi32>
        %gather3A_1258 = vector.shape_cast %broadcast_in_dim3A_1257 : vector<16x1xi32> to vector<16xi32>
        %gather3A_1259 = tpu.dynamic_gather %select_n3A_1106[%gather3A_1258] in [0] : vector<16xf32>, vector<16xi32> -> vector<16xf32>
        %select_n3A_1260 = arith.select %eq3A_203, %select_n3A_1084, %gather3A_1259 : vector<16xi1>, vector<16xf32>
        %lt3A_1261 = arith.constant 0 : i32
        %lt3A_1262 = vector.broadcast %lt3A_1261 : i32 to vector<16xi32>
        %lt3A_1263 = arith.cmpi slt, %select_n3A_22, %lt3A_1262 : vector<16xi32>
        %add3A_1264 = arith.constant 16 : i32
        %add3A_1265 = vector.broadcast %add3A_1264 : i32 to vector<16xi32>
        %add3A_1266 = arith.addi %select_n3A_22, %add3A_1265 : vector<16xi32>
        %select_n3A_1267 = arith.select %lt3A_1263, %add3A_1266, %select_n3A_22 : vector<16xi1>, vector<16xi32>
        %broadcast_in_dim3A_1268 = vector.shape_cast %select_n3A_1267 : vector<16xi32> to vector<16x1xi32>
        %gather3A_1269 = vector.shape_cast %broadcast_in_dim3A_1268 : vector<16x1xi32> to vector<16xi32>
        %gather3A_1270 = tpu.dynamic_gather %select_n3A_1084[%gather3A_1269] in [0] : vector<16xf32>, vector<16xi32> -> vector<16xf32>
        %select_n3A_1271 = arith.select %eq3A_203, %gather3A_1270, %select_n3A_1106 : vector<16xi1>, vector<16xf32>
        %lt3A_1272 = arith.constant 0 : i32
        %lt3A_1273 = vector.broadcast %lt3A_1272 : i32 to vector<16xi32>
        %lt3A_1274 = arith.cmpi slt, %select_n3A_47, %lt3A_1273 : vector<16xi32>
        %add3A_1275 = arith.constant 16 : i32
        %add3A_1276 = vector.broadcast %add3A_1275 : i32 to vector<16xi32>
        %add3A_1277 = arith.addi %select_n3A_47, %add3A_1276 : vector<16xi32>
        %select_n3A_1278 = arith.select %lt3A_1274, %add3A_1277, %select_n3A_47 : vector<16xi1>, vector<16xi32>
        %broadcast_in_dim3A_1279 = vector.shape_cast %select_n3A_1278 : vector<16xi32> to vector<16x1xi32>
        %gather3A_1280 = vector.shape_cast %broadcast_in_dim3A_1279 : vector<16x1xi32> to vector<16xi32>
        %gather3A_1281 = tpu.dynamic_gather %select_n3A_1117[%gather3A_1280] in [0] : vector<16xf32>, vector<16xi32> -> vector<16xf32>
        %select_n3A_1282 = arith.select %eq3A_203, %select_n3A_1095, %gather3A_1281 : vector<16xi1>, vector<16xf32>
        %lt3A_1283 = arith.constant 0 : i32
        %lt3A_1284 = vector.broadcast %lt3A_1283 : i32 to vector<16xi32>
        %lt3A_1285 = arith.cmpi slt, %select_n3A_22, %lt3A_1284 : vector<16xi32>
        %add3A_1286 = arith.constant 16 : i32
        %add3A_1287 = vector.broadcast %add3A_1286 : i32 to vector<16xi32>
        %add3A_1288 = arith.addi %select_n3A_22, %add3A_1287 : vector<16xi32>
        %select_n3A_1289 = arith.select %lt3A_1285, %add3A_1288, %select_n3A_22 : vector<16xi1>, vector<16xi32>
        %broadcast_in_dim3A_1290 = vector.shape_cast %select_n3A_1289 : vector<16xi32> to vector<16x1xi32>
        %gather3A_1291 = vector.shape_cast %broadcast_in_dim3A_1290 : vector<16x1xi32> to vector<16xi32>
        %gather3A_1292 = tpu.dynamic_gather %select_n3A_1095[%gather3A_1291] in [0] : vector<16xf32>, vector<16xi32> -> vector<16xf32>
        %select_n3A_1293 = arith.select %eq3A_203, %gather3A_1292, %select_n3A_1117 : vector<16xi1>, vector<16xf32>
        %select_n3A_1294 = arith.select %or3A, %select_n3A_1128, %broadcast_in_dim3A_249 : vector<16xi1>, vector<16xf32>
        %add3A_1295 = arith.constant 0 : i32
        %add3A_1296 = arith.addi %mul3A_494, %add3A_1295 : i32
        %swap3A = arith.index_cast %add3A_1296 : i32 to index
        %swap3A_1297 = arith.constant 0 : index
        %swap3A_1298 = tpu.vector_load %arg15[%swap3A, %swap3A_1297] {strides = array<i32>} : memref<240x16xf32, #tpu.memory_space<vmem>>, vector<1x16xf32>,
        %swap3A_1299 = vector.shape_cast %swap3A_1298 : vector<1x16xf32> to vector<16xf32>
        %swap3A_1300 = vector.shape_cast %select_n3A_1294 : vector<16xf32> to vector<1x16xf32>
        tpu.vector_store %arg15[%swap3A, %swap3A_1297], %swap3A_1300 {strides = array<i32>} : memref<240x16xf32, #tpu.memory_space<vmem>>, vector<1x16xf32>,
        %select_n3A_1301 = arith.select %or3A_241, %select_n3A_1128, %broadcast_in_dim3A_249 : vector<16xi1>, vector<16xf32>
        %add3A_1302 = arith.constant 0 : i32
        %add3A_1303 = arith.addi %add3A_498, %add3A_1302 : i32
        %swap3A_1304 = arith.index_cast %add3A_1303 : i32 to index
        %swap3A_1305 = arith.constant 0 : index
        %swap3A_1306 = tpu.vector_load %arg15[%swap3A_1304, %swap3A_1305] {strides = array<i32>} : memref<240x16xf32, #tpu.memory_space<vmem>>, vector<1x16xf32>,
        %swap3A_1307 = vector.shape_cast %swap3A_1306 : vector<1x16xf32> to vector<16xf32>
        %swap3A_1308 = vector.shape_cast %select_n3A_1301 : vector<16xf32> to vector<1x16xf32>
        tpu.vector_store %arg15[%swap3A_1304, %swap3A_1305], %swap3A_1308 {strides = array<i32>} : memref<240x16xf32, #tpu.memory_space<vmem>>, vector<1x16xf32>,
        %select_n3A_1309 = arith.select %or3A_248, %select_n3A_1128, %broadcast_in_dim3A_249 : vector<16xi1>, vector<16xf32>
        %add3A_1310 = arith.constant 0 : i32
        %add3A_1311 = arith.addi %add3A_502, %add3A_1310 : i32
        %swap3A_1312 = arith.index_cast %add3A_1311 : i32 to index
        %swap3A_1313 = arith.constant 0 : index
        %swap3A_1314 = tpu.vector_load %arg15[%swap3A_1312, %swap3A_1313] {strides = array<i32>} : memref<240x16xf32, #tpu.memory_space<vmem>>, vector<1x16xf32>,
        %swap3A_1315 = vector.shape_cast %swap3A_1314 : vector<1x16xf32> to vector<16xf32>
        %swap3A_1316 = vector.shape_cast %select_n3A_1309 : vector<16xf32> to vector<1x16xf32>
        tpu.vector_store %arg15[%swap3A_1312, %swap3A_1313], %swap3A_1316 {strides = array<i32>} : memref<240x16xf32, #tpu.memory_space<vmem>>, vector<1x16xf32>,
        %select_n3A_1317 = arith.select %or3A, %select_n3A_1139, %broadcast_in_dim3A_249 : vector<16xi1>, vector<16xf32>
        %add3A_1318 = arith.constant 1 : i32
        %add3A_1319 = arith.addi %mul3A_494, %add3A_1318 : i32
        %swap3A_1320 = arith.index_cast %add3A_1319 : i32 to index
        %swap3A_1321 = arith.constant 0 : index
        %swap3A_1322 = tpu.vector_load %arg15[%swap3A_1320, %swap3A_1321] {strides = array<i32>} : memref<240x16xf32, #tpu.memory_space<vmem>>, vector<1x16xf32>,
        %swap3A_1323 = vector.shape_cast %swap3A_1322 : vector<1x16xf32> to vector<16xf32>
        %swap3A_1324 = vector.shape_cast %select_n3A_1317 : vector<16xf32> to vector<1x16xf32>
        tpu.vector_store %arg15[%swap3A_1320, %swap3A_1321], %swap3A_1324 {strides = array<i32>} : memref<240x16xf32, #tpu.memory_space<vmem>>, vector<1x16xf32>,
        %select_n3A_1325 = arith.select %or3A_241, %select_n3A_1139, %broadcast_in_dim3A_249 : vector<16xi1>, vector<16xf32>
        %add3A_1326 = arith.constant 1 : i32
        %add3A_1327 = arith.addi %add3A_498, %add3A_1326 : i32
        %swap3A_1328 = arith.index_cast %add3A_1327 : i32 to index
        %swap3A_1329 = arith.constant 0 : index
        %swap3A_1330 = tpu.vector_load %arg15[%swap3A_1328, %swap3A_1329] {strides = array<i32>} : memref<240x16xf32, #tpu.memory_space<vmem>>, vector<1x16xf32>,
        %swap3A_1331 = vector.shape_cast %swap3A_1330 : vector<1x16xf32> to vector<16xf32>
        %swap3A_1332 = vector.shape_cast %select_n3A_1325 : vector<16xf32> to vector<1x16xf32>
        tpu.vector_store %arg15[%swap3A_1328, %swap3A_1329], %swap3A_1332 {strides = array<i32>} : memref<240x16xf32, #tpu.memory_space<vmem>>, vector<1x16xf32>,
        %select_n3A_1333 = arith.select %or3A_248, %select_n3A_1139, %broadcast_in_dim3A_249 : vector<16xi1>, vector<16xf32>
        %add3A_1334 = arith.constant 1 : i32
        %add3A_1335 = arith.addi %add3A_502, %add3A_1334 : i32
        %swap3A_1336 = arith.index_cast %add3A_1335 : i32 to index
        %swap3A_1337 = arith.constant 0 : index
        %swap3A_1338 = tpu.vector_load %arg15[%swap3A_1336, %swap3A_1337] {strides = array<i32>} : memref<240x16xf32, #tpu.memory_space<vmem>>, vector<1x16xf32>,
        %swap3A_1339 = vector.shape_cast %swap3A_1338 : vector<1x16xf32> to vector<16xf32>
        %swap3A_1340 = vector.shape_cast %select_n3A_1333 : vector<16xf32> to vector<1x16xf32>
        tpu.vector_store %arg15[%swap3A_1336, %swap3A_1337], %swap3A_1340 {strides = array<i32>} : memref<240x16xf32, #tpu.memory_space<vmem>>, vector<1x16xf32>,
        %select_n3A_1341 = arith.select %or3A, %select_n3A_1150, %broadcast_in_dim3A_249 : vector<16xi1>, vector<16xf32>
        %add3A_1342 = arith.constant 2 : i32
        %add3A_1343 = arith.addi %mul3A_494, %add3A_1342 : i32
        %swap3A_1344 = arith.index_cast %add3A_1343 : i32 to index
        %swap3A_1345 = arith.constant 0 : index
        %swap3A_1346 = tpu.vector_load %arg15[%swap3A_1344, %swap3A_1345] {strides = array<i32>} : memref<240x16xf32, #tpu.memory_space<vmem>>, vector<1x16xf32>,
        %swap3A_1347 = vector.shape_cast %swap3A_1346 : vector<1x16xf32> to vector<16xf32>
        %swap3A_1348 = vector.shape_cast %select_n3A_1341 : vector<16xf32> to vector<1x16xf32>
        tpu.vector_store %arg15[%swap3A_1344, %swap3A_1345], %swap3A_1348 {strides = array<i32>} : memref<240x16xf32, #tpu.memory_space<vmem>>, vector<1x16xf32>,
        %select_n3A_1349 = arith.select %or3A_241, %select_n3A_1150, %broadcast_in_dim3A_249 : vector<16xi1>, vector<16xf32>
        %add3A_1350 = arith.constant 2 : i32
        %add3A_1351 = arith.addi %add3A_498, %add3A_1350 : i32
        %swap3A_1352 = arith.index_cast %add3A_1351 : i32 to index
        %swap3A_1353 = arith.constant 0 : index
        %swap3A_1354 = tpu.vector_load %arg15[%swap3A_1352, %swap3A_1353] {strides = array<i32>} : memref<240x16xf32, #tpu.memory_space<vmem>>, vector<1x16xf32>,
        %swap3A_1355 = vector.shape_cast %swap3A_1354 : vector<1x16xf32> to vector<16xf32>
        %swap3A_1356 = vector.shape_cast %select_n3A_1349 : vector<16xf32> to vector<1x16xf32>
        tpu.vector_store %arg15[%swap3A_1352, %swap3A_1353], %swap3A_1356 {strides = array<i32>} : memref<240x16xf32, #tpu.memory_space<vmem>>, vector<1x16xf32>,
        %select_n3A_1357 = arith.select %or3A_248, %select_n3A_1150, %broadcast_in_dim3A_249 : vector<16xi1>, vector<16xf32>
        %add3A_1358 = arith.constant 2 : i32
        %add3A_1359 = arith.addi %add3A_502, %add3A_1358 : i32
        %swap3A_1360 = arith.index_cast %add3A_1359 : i32 to index
        %swap3A_1361 = arith.constant 0 : index
        %swap3A_1362 = tpu.vector_load %arg15[%swap3A_1360, %swap3A_1361] {strides = array<i32>} : memref<240x16xf32, #tpu.memory_space<vmem>>, vector<1x16xf32>,
        %swap3A_1363 = vector.shape_cast %swap3A_1362 : vector<1x16xf32> to vector<16xf32>
        %swap3A_1364 = vector.shape_cast %select_n3A_1357 : vector<16xf32> to vector<1x16xf32>
        tpu.vector_store %arg15[%swap3A_1360, %swap3A_1361], %swap3A_1364 {strides = array<i32>} : memref<240x16xf32, #tpu.memory_space<vmem>>, vector<1x16xf32>,
        %select_n3A_1365 = arith.select %or3A, %select_n3A_1161, %broadcast_in_dim3A_249 : vector<16xi1>, vector<16xf32>
        %add3A_1366 = arith.constant 3 : i32
        %add3A_1367 = arith.addi %mul3A_494, %add3A_1366 : i32
        %swap3A_1368 = arith.index_cast %add3A_1367 : i32 to index
        %swap3A_1369 = arith.constant 0 : index
        %swap3A_1370 = tpu.vector_load %arg15[%swap3A_1368, %swap3A_1369] {strides = array<i32>} : memref<240x16xf32, #tpu.memory_space<vmem>>, vector<1x16xf32>,
        %swap3A_1371 = vector.shape_cast %swap3A_1370 : vector<1x16xf32> to vector<16xf32>
        %swap3A_1372 = vector.shape_cast %select_n3A_1365 : vector<16xf32> to vector<1x16xf32>
        tpu.vector_store %arg15[%swap3A_1368, %swap3A_1369], %swap3A_1372 {strides = array<i32>} : memref<240x16xf32, #tpu.memory_space<vmem>>, vector<1x16xf32>,
        %select_n3A_1373 = arith.select %or3A_241, %select_n3A_1161, %broadcast_in_dim3A_249 : vector<16xi1>, vector<16xf32>
        %add3A_1374 = arith.constant 3 : i32
        %add3A_1375 = arith.addi %add3A_498, %add3A_1374 : i32
        %swap3A_1376 = arith.index_cast %add3A_1375 : i32 to index
        %swap3A_1377 = arith.constant 0 : index
        %swap3A_1378 = tpu.vector_load %arg15[%swap3A_1376, %swap3A_1377] {strides = array<i32>} : memref<240x16xf32, #tpu.memory_space<vmem>>, vector<1x16xf32>,
        %swap3A_1379 = vector.shape_cast %swap3A_1378 : vector<1x16xf32> to vector<16xf32>
        %swap3A_1380 = vector.shape_cast %select_n3A_1373 : vector<16xf32> to vector<1x16xf32>
        tpu.vector_store %arg15[%swap3A_1376, %swap3A_1377], %swap3A_1380 {strides = array<i32>} : memref<240x16xf32, #tpu.memory_space<vmem>>, vector<1x16xf32>,
        %select_n3A_1381 = arith.select %or3A_248, %select_n3A_1161, %broadcast_in_dim3A_249 : vector<16xi1>, vector<16xf32>
        %add3A_1382 = arith.constant 3 : i32
        %add3A_1383 = arith.addi %add3A_502, %add3A_1382 : i32
        %swap3A_1384 = arith.index_cast %add3A_1383 : i32 to index
        %swap3A_1385 = arith.constant 0 : index
        %swap3A_1386 = tpu.vector_load %arg15[%swap3A_1384, %swap3A_1385] {strides = array<i32>} : memref<240x16xf32, #tpu.memory_space<vmem>>, vector<1x16xf32>,
        %swap3A_1387 = vector.shape_cast %swap3A_1386 : vector<1x16xf32> to vector<16xf32>
        %swap3A_1388 = vector.shape_cast %select_n3A_1381 : vector<16xf32> to vector<1x16xf32>
        tpu.vector_store %arg15[%swap3A_1384, %swap3A_1385], %swap3A_1388 {strides = array<i32>} : memref<240x16xf32, #tpu.memory_space<vmem>>, vector<1x16xf32>,
        %select_n3A_1389 = arith.select %or3A, %select_n3A_1172, %broadcast_in_dim3A_249 : vector<16xi1>, vector<16xf32>
        %add3A_1390 = arith.constant 4 : i32
        %add3A_1391 = arith.addi %mul3A_494, %add3A_1390 : i32
        %swap3A_1392 = arith.index_cast %add3A_1391 : i32 to index
        %swap3A_1393 = arith.constant 0 : index
        %swap3A_1394 = tpu.vector_load %arg15[%swap3A_1392, %swap3A_1393] {strides = array<i32>} : memref<240x16xf32, #tpu.memory_space<vmem>>, vector<1x16xf32>,
        %swap3A_1395 = vector.shape_cast %swap3A_1394 : vector<1x16xf32> to vector<16xf32>
        %swap3A_1396 = vector.shape_cast %select_n3A_1389 : vector<16xf32> to vector<1x16xf32>
        tpu.vector_store %arg15[%swap3A_1392, %swap3A_1393], %swap3A_1396 {strides = array<i32>} : memref<240x16xf32, #tpu.memory_space<vmem>>, vector<1x16xf32>,
        %select_n3A_1397 = arith.select %or3A_241, %select_n3A_1172, %broadcast_in_dim3A_249 : vector<16xi1>, vector<16xf32>
        %add3A_1398 = arith.constant 4 : i32
        %add3A_1399 = arith.addi %add3A_498, %add3A_1398 : i32
        %swap3A_1400 = arith.index_cast %add3A_1399 : i32 to index
        %swap3A_1401 = arith.constant 0 : index
        %swap3A_1402 = tpu.vector_load %arg15[%swap3A_1400, %swap3A_1401] {strides = array<i32>} : memref<240x16xf32, #tpu.memory_space<vmem>>, vector<1x16xf32>,
        %swap3A_1403 = vector.shape_cast %swap3A_1402 : vector<1x16xf32> to vector<16xf32>
        %swap3A_1404 = vector.shape_cast %select_n3A_1397 : vector<16xf32> to vector<1x16xf32>
        tpu.vector_store %arg15[%swap3A_1400, %swap3A_1401], %swap3A_1404 {strides = array<i32>} : memref<240x16xf32, #tpu.memory_space<vmem>>, vector<1x16xf32>,
        %select_n3A_1405 = arith.select %or3A_248, %select_n3A_1172, %broadcast_in_dim3A_249 : vector<16xi1>, vector<16xf32>
        %add3A_1406 = arith.constant 4 : i32
        %add3A_1407 = arith.addi %add3A_502, %add3A_1406 : i32
        %swap3A_1408 = arith.index_cast %add3A_1407 : i32 to index
        %swap3A_1409 = arith.constant 0 : index
        %swap3A_1410 = tpu.vector_load %arg15[%swap3A_1408, %swap3A_1409] {strides = array<i32>} : memref<240x16xf32, #tpu.memory_space<vmem>>, vector<1x16xf32>,
        %swap3A_1411 = vector.shape_cast %swap3A_1410 : vector<1x16xf32> to vector<16xf32>
        %swap3A_1412 = vector.shape_cast %select_n3A_1405 : vector<16xf32> to vector<1x16xf32>
        tpu.vector_store %arg15[%swap3A_1408, %swap3A_1409], %swap3A_1412 {strides = array<i32>} : memref<240x16xf32, #tpu.memory_space<vmem>>, vector<1x16xf32>,
        %select_n3A_1413 = arith.select %or3A, %select_n3A_1183, %broadcast_in_dim3A_249 : vector<16xi1>, vector<16xf32>
        %add3A_1414 = arith.constant 5 : i32
        %add3A_1415 = arith.addi %mul3A_494, %add3A_1414 : i32
        %swap3A_1416 = arith.index_cast %add3A_1415 : i32 to index
        %swap3A_1417 = arith.constant 0 : index
        %swap3A_1418 = tpu.vector_load %arg15[%swap3A_1416, %swap3A_1417] {strides = array<i32>} : memref<240x16xf32, #tpu.memory_space<vmem>>, vector<1x16xf32>,
        %swap3A_1419 = vector.shape_cast %swap3A_1418 : vector<1x16xf32> to vector<16xf32>
        %swap3A_1420 = vector.shape_cast %select_n3A_1413 : vector<16xf32> to vector<1x16xf32>
        tpu.vector_store %arg15[%swap3A_1416, %swap3A_1417], %swap3A_1420 {strides = array<i32>} : memref<240x16xf32, #tpu.memory_space<vmem>>, vector<1x16xf32>,
        %select_n3A_1421 = arith.select %or3A_241, %select_n3A_1183, %broadcast_in_dim3A_249 : vector<16xi1>, vector<16xf32>
        %add3A_1422 = arith.constant 5 : i32
        %add3A_1423 = arith.addi %add3A_498, %add3A_1422 : i32
        %swap3A_1424 = arith.index_cast %add3A_1423 : i32 to index
        %swap3A_1425 = arith.constant 0 : index
        %swap3A_1426 = tpu.vector_load %arg15[%swap3A_1424, %swap3A_1425] {strides = array<i32>} : memref<240x16xf32, #tpu.memory_space<vmem>>, vector<1x16xf32>,
        %swap3A_1427 = vector.shape_cast %swap3A_1426 : vector<1x16xf32> to vector<16xf32>
        %swap3A_1428 = vector.shape_cast %select_n3A_1421 : vector<16xf32> to vector<1x16xf32>
        tpu.vector_store %arg15[%swap3A_1424, %swap3A_1425], %swap3A_1428 {strides = array<i32>} : memref<240x16xf32, #tpu.memory_space<vmem>>, vector<1x16xf32>,
        %select_n3A_1429 = arith.select %or3A_248, %select_n3A_1183, %broadcast_in_dim3A_249 : vector<16xi1>, vector<16xf32>
        %add3A_1430 = arith.constant 5 : i32
        %add3A_1431 = arith.addi %add3A_502, %add3A_1430 : i32
        %swap3A_1432 = arith.index_cast %add3A_1431 : i32 to index
        %swap3A_1433 = arith.constant 0 : index
        %swap3A_1434 = tpu.vector_load %arg15[%swap3A_1432, %swap3A_1433] {strides = array<i32>} : memref<240x16xf32, #tpu.memory_space<vmem>>, vector<1x16xf32>,
        %swap3A_1435 = vector.shape_cast %swap3A_1434 : vector<1x16xf32> to vector<16xf32>
        %swap3A_1436 = vector.shape_cast %select_n3A_1429 : vector<16xf32> to vector<1x16xf32>
        tpu.vector_store %arg15[%swap3A_1432, %swap3A_1433], %swap3A_1436 {strides = array<i32>} : memref<240x16xf32, #tpu.memory_space<vmem>>, vector<1x16xf32>,
        %select_n3A_1437 = arith.select %or3A, %select_n3A_1194, %broadcast_in_dim3A_249 : vector<16xi1>, vector<16xf32>
        %add3A_1438 = arith.constant 6 : i32
        %add3A_1439 = arith.addi %mul3A_494, %add3A_1438 : i32
        %swap3A_1440 = arith.index_cast %add3A_1439 : i32 to index
        %swap3A_1441 = arith.constant 0 : index
        %swap3A_1442 = tpu.vector_load %arg15[%swap3A_1440, %swap3A_1441] {strides = array<i32>} : memref<240x16xf32, #tpu.memory_space<vmem>>, vector<1x16xf32>,
        %swap3A_1443 = vector.shape_cast %swap3A_1442 : vector<1x16xf32> to vector<16xf32>
        %swap3A_1444 = vector.shape_cast %select_n3A_1437 : vector<16xf32> to vector<1x16xf32>
        tpu.vector_store %arg15[%swap3A_1440, %swap3A_1441], %swap3A_1444 {strides = array<i32>} : memref<240x16xf32, #tpu.memory_space<vmem>>, vector<1x16xf32>,
        %select_n3A_1445 = arith.select %or3A_241, %select_n3A_1194, %broadcast_in_dim3A_249 : vector<16xi1>, vector<16xf32>
        %add3A_1446 = arith.constant 6 : i32
        %add3A_1447 = arith.addi %add3A_498, %add3A_1446 : i32
        %swap3A_1448 = arith.index_cast %add3A_1447 : i32 to index
        %swap3A_1449 = arith.constant 0 : index
        %swap3A_1450 = tpu.vector_load %arg15[%swap3A_1448, %swap3A_1449] {strides = array<i32>} : memref<240x16xf32, #tpu.memory_space<vmem>>, vector<1x16xf32>,
        %swap3A_1451 = vector.shape_cast %swap3A_1450 : vector<1x16xf32> to vector<16xf32>
        %swap3A_1452 = vector.shape_cast %select_n3A_1445 : vector<16xf32> to vector<1x16xf32>
        tpu.vector_store %arg15[%swap3A_1448, %swap3A_1449], %swap3A_1452 {strides = array<i32>} : memref<240x16xf32, #tpu.memory_space<vmem>>, vector<1x16xf32>,
        %select_n3A_1453 = arith.select %or3A_248, %select_n3A_1194, %broadcast_in_dim3A_249 : vector<16xi1>, vector<16xf32>
        %add3A_1454 = arith.constant 6 : i32
        %add3A_1455 = arith.addi %add3A_502, %add3A_1454 : i32
        %swap3A_1456 = arith.index_cast %add3A_1455 : i32 to index
        %swap3A_1457 = arith.constant 0 : index
        %swap3A_1458 = tpu.vector_load %arg15[%swap3A_1456, %swap3A_1457] {strides = array<i32>} : memref<240x16xf32, #tpu.memory_space<vmem>>, vector<1x16xf32>,
        %swap3A_1459 = vector.shape_cast %swap3A_1458 : vector<1x16xf32> to vector<16xf32>
        %swap3A_1460 = vector.shape_cast %select_n3A_1453 : vector<16xf32> to vector<1x16xf32>
        tpu.vector_store %arg15[%swap3A_1456, %swap3A_1457], %swap3A_1460 {strides = array<i32>} : memref<240x16xf32, #tpu.memory_space<vmem>>, vector<1x16xf32>,
        %select_n3A_1461 = arith.select %or3A, %select_n3A_1205, %broadcast_in_dim3A_249 : vector<16xi1>, vector<16xf32>
        %add3A_1462 = arith.constant 7 : i32
        %add3A_1463 = arith.addi %mul3A_494, %add3A_1462 : i32
        %swap3A_1464 = arith.index_cast %add3A_1463 : i32 to index
        %swap3A_1465 = arith.constant 0 : index
        %swap3A_1466 = tpu.vector_load %arg15[%swap3A_1464, %swap3A_1465] {strides = array<i32>} : memref<240x16xf32, #tpu.memory_space<vmem>>, vector<1x16xf32>,
        %swap3A_1467 = vector.shape_cast %swap3A_1466 : vector<1x16xf32> to vector<16xf32>
        %swap3A_1468 = vector.shape_cast %select_n3A_1461 : vector<16xf32> to vector<1x16xf32>
        tpu.vector_store %arg15[%swap3A_1464, %swap3A_1465], %swap3A_1468 {strides = array<i32>} : memref<240x16xf32, #tpu.memory_space<vmem>>, vector<1x16xf32>,
        %select_n3A_1469 = arith.select %or3A_241, %select_n3A_1205, %broadcast_in_dim3A_249 : vector<16xi1>, vector<16xf32>
        %add3A_1470 = arith.constant 7 : i32
        %add3A_1471 = arith.addi %add3A_498, %add3A_1470 : i32
        %swap3A_1472 = arith.index_cast %add3A_1471 : i32 to index
        %swap3A_1473 = arith.constant 0 : index
        %swap3A_1474 = tpu.vector_load %arg15[%swap3A_1472, %swap3A_1473] {strides = array<i32>} : memref<240x16xf32, #tpu.memory_space<vmem>>, vector<1x16xf32>,
        %swap3A_1475 = vector.shape_cast %swap3A_1474 : vector<1x16xf32> to vector<16xf32>
        %swap3A_1476 = vector.shape_cast %select_n3A_1469 : vector<16xf32> to vector<1x16xf32>
        tpu.vector_store %arg15[%swap3A_1472, %swap3A_1473], %swap3A_1476 {strides = array<i32>} : memref<240x16xf32, #tpu.memory_space<vmem>>, vector<1x16xf32>,
        %select_n3A_1477 = arith.select %or3A_248, %select_n3A_1205, %broadcast_in_dim3A_249 : vector<16xi1>, vector<16xf32>
        %add3A_1478 = arith.constant 7 : i32
        %add3A_1479 = arith.addi %add3A_502, %add3A_1478 : i32
        %swap3A_1480 = arith.index_cast %add3A_1479 : i32 to index
        %swap3A_1481 = arith.constant 0 : index
        %swap3A_1482 = tpu.vector_load %arg15[%swap3A_1480, %swap3A_1481] {strides = array<i32>} : memref<240x16xf32, #tpu.memory_space<vmem>>, vector<1x16xf32>,
        %swap3A_1483 = vector.shape_cast %swap3A_1482 : vector<1x16xf32> to vector<16xf32>
        %swap3A_1484 = vector.shape_cast %select_n3A_1477 : vector<16xf32> to vector<1x16xf32>
        tpu.vector_store %arg15[%swap3A_1480, %swap3A_1481], %swap3A_1484 {strides = array<i32>} : memref<240x16xf32, #tpu.memory_space<vmem>>, vector<1x16xf32>,
        %select_n3A_1485 = arith.select %or3A, %select_n3A_1216, %broadcast_in_dim3A_249 : vector<16xi1>, vector<16xf32>
        %add3A_1486 = arith.constant 8 : i32
        %add3A_1487 = arith.addi %mul3A_494, %add3A_1486 : i32
        %swap3A_1488 = arith.index_cast %add3A_1487 : i32 to index
        %swap3A_1489 = arith.constant 0 : index
        %swap3A_1490 = tpu.vector_load %arg15[%swap3A_1488, %swap3A_1489] {strides = array<i32>} : memref<240x16xf32, #tpu.memory_space<vmem>>, vector<1x16xf32>,
        %swap3A_1491 = vector.shape_cast %swap3A_1490 : vector<1x16xf32> to vector<16xf32>
        %swap3A_1492 = vector.shape_cast %select_n3A_1485 : vector<16xf32> to vector<1x16xf32>
        tpu.vector_store %arg15[%swap3A_1488, %swap3A_1489], %swap3A_1492 {strides = array<i32>} : memref<240x16xf32, #tpu.memory_space<vmem>>, vector<1x16xf32>,
        %select_n3A_1493 = arith.select %or3A_241, %select_n3A_1216, %broadcast_in_dim3A_249 : vector<16xi1>, vector<16xf32>
        %add3A_1494 = arith.constant 8 : i32
        %add3A_1495 = arith.addi %add3A_498, %add3A_1494 : i32
        %swap3A_1496 = arith.index_cast %add3A_1495 : i32 to index
        %swap3A_1497 = arith.constant 0 : index
        %swap3A_1498 = tpu.vector_load %arg15[%swap3A_1496, %swap3A_1497] {strides = array<i32>} : memref<240x16xf32, #tpu.memory_space<vmem>>, vector<1x16xf32>,
        %swap3A_1499 = vector.shape_cast %swap3A_1498 : vector<1x16xf32> to vector<16xf32>
        %swap3A_1500 = vector.shape_cast %select_n3A_1493 : vector<16xf32> to vector<1x16xf32>
        tpu.vector_store %arg15[%swap3A_1496, %swap3A_1497], %swap3A_1500 {strides = array<i32>} : memref<240x16xf32, #tpu.memory_space<vmem>>, vector<1x16xf32>,
        %select_n3A_1501 = arith.select %or3A_248, %select_n3A_1216, %broadcast_in_dim3A_249 : vector<16xi1>, vector<16xf32>
        %add3A_1502 = arith.constant 8 : i32
        %add3A_1503 = arith.addi %add3A_502, %add3A_1502 : i32
        %swap3A_1504 = arith.index_cast %add3A_1503 : i32 to index
        %swap3A_1505 = arith.constant 0 : index
        %swap3A_1506 = tpu.vector_load %arg15[%swap3A_1504, %swap3A_1505] {strides = array<i32>} : memref<240x16xf32, #tpu.memory_space<vmem>>, vector<1x16xf32>,
        %swap3A_1507 = vector.shape_cast %swap3A_1506 : vector<1x16xf32> to vector<16xf32>
        %swap3A_1508 = vector.shape_cast %select_n3A_1501 : vector<16xf32> to vector<1x16xf32>
        tpu.vector_store %arg15[%swap3A_1504, %swap3A_1505], %swap3A_1508 {strides = array<i32>} : memref<240x16xf32, #tpu.memory_space<vmem>>, vector<1x16xf32>,
        %select_n3A_1509 = arith.select %or3A, %select_n3A_1227, %broadcast_in_dim3A_249 : vector<16xi1>, vector<16xf32>
        %add3A_1510 = arith.constant 9 : i32
        %add3A_1511 = arith.addi %mul3A_494, %add3A_1510 : i32
        %swap3A_1512 = arith.index_cast %add3A_1511 : i32 to index
        %swap3A_1513 = arith.constant 0 : index
        %swap3A_1514 = tpu.vector_load %arg15[%swap3A_1512, %swap3A_1513] {strides = array<i32>} : memref<240x16xf32, #tpu.memory_space<vmem>>, vector<1x16xf32>,
        %swap3A_1515 = vector.shape_cast %swap3A_1514 : vector<1x16xf32> to vector<16xf32>
        %swap3A_1516 = vector.shape_cast %select_n3A_1509 : vector<16xf32> to vector<1x16xf32>
        tpu.vector_store %arg15[%swap3A_1512, %swap3A_1513], %swap3A_1516 {strides = array<i32>} : memref<240x16xf32, #tpu.memory_space<vmem>>, vector<1x16xf32>,
        %select_n3A_1517 = arith.select %or3A_241, %select_n3A_1227, %broadcast_in_dim3A_249 : vector<16xi1>, vector<16xf32>
        %add3A_1518 = arith.constant 9 : i32
        %add3A_1519 = arith.addi %add3A_498, %add3A_1518 : i32
        %swap3A_1520 = arith.index_cast %add3A_1519 : i32 to index
        %swap3A_1521 = arith.constant 0 : index
        %swap3A_1522 = tpu.vector_load %arg15[%swap3A_1520, %swap3A_1521] {strides = array<i32>} : memref<240x16xf32, #tpu.memory_space<vmem>>, vector<1x16xf32>,
        %swap3A_1523 = vector.shape_cast %swap3A_1522 : vector<1x16xf32> to vector<16xf32>
        %swap3A_1524 = vector.shape_cast %select_n3A_1517 : vector<16xf32> to vector<1x16xf32>
        tpu.vector_store %arg15[%swap3A_1520, %swap3A_1521], %swap3A_1524 {strides = array<i32>} : memref<240x16xf32, #tpu.memory_space<vmem>>, vector<1x16xf32>,
        %select_n3A_1525 = arith.select %or3A_248, %select_n3A_1227, %broadcast_in_dim3A_249 : vector<16xi1>, vector<16xf32>
        %add3A_1526 = arith.constant 9 : i32
        %add3A_1527 = arith.addi %add3A_502, %add3A_1526 : i32
        %swap3A_1528 = arith.index_cast %add3A_1527 : i32 to index
        %swap3A_1529 = arith.constant 0 : index
        %swap3A_1530 = tpu.vector_load %arg15[%swap3A_1528, %swap3A_1529] {strides = array<i32>} : memref<240x16xf32, #tpu.memory_space<vmem>>, vector<1x16xf32>,
        %swap3A_1531 = vector.shape_cast %swap3A_1530 : vector<1x16xf32> to vector<16xf32>
        %swap3A_1532 = vector.shape_cast %select_n3A_1525 : vector<16xf32> to vector<1x16xf32>
        tpu.vector_store %arg15[%swap3A_1528, %swap3A_1529], %swap3A_1532 {strides = array<i32>} : memref<240x16xf32, #tpu.memory_space<vmem>>, vector<1x16xf32>,
        %select_n3A_1533 = arith.select %or3A, %select_n3A_1238, %broadcast_in_dim3A_249 : vector<16xi1>, vector<16xf32>
        %add3A_1534 = arith.constant 10 : i32
        %add3A_1535 = arith.addi %mul3A_494, %add3A_1534 : i32
        %swap3A_1536 = arith.index_cast %add3A_1535 : i32 to index
        %swap3A_1537 = arith.constant 0 : index
        %swap3A_1538 = tpu.vector_load %arg15[%swap3A_1536, %swap3A_1537] {strides = array<i32>} : memref<240x16xf32, #tpu.memory_space<vmem>>, vector<1x16xf32>,
        %swap3A_1539 = vector.shape_cast %swap3A_1538 : vector<1x16xf32> to vector<16xf32>
        %swap3A_1540 = vector.shape_cast %select_n3A_1533 : vector<16xf32> to vector<1x16xf32>
        tpu.vector_store %arg15[%swap3A_1536, %swap3A_1537], %swap3A_1540 {strides = array<i32>} : memref<240x16xf32, #tpu.memory_space<vmem>>, vector<1x16xf32>,
        %select_n3A_1541 = arith.select %or3A_241, %select_n3A_1238, %broadcast_in_dim3A_249 : vector<16xi1>, vector<16xf32>
        %add3A_1542 = arith.constant 10 : i32
        %add3A_1543 = arith.addi %add3A_498, %add3A_1542 : i32
        %swap3A_1544 = arith.index_cast %add3A_1543 : i32 to index
        %swap3A_1545 = arith.constant 0 : index
        %swap3A_1546 = tpu.vector_load %arg15[%swap3A_1544, %swap3A_1545] {strides = array<i32>} : memref<240x16xf32, #tpu.memory_space<vmem>>, vector<1x16xf32>,
        %swap3A_1547 = vector.shape_cast %swap3A_1546 : vector<1x16xf32> to vector<16xf32>
        %swap3A_1548 = vector.shape_cast %select_n3A_1541 : vector<16xf32> to vector<1x16xf32>
        tpu.vector_store %arg15[%swap3A_1544, %swap3A_1545], %swap3A_1548 {strides = array<i32>} : memref<240x16xf32, #tpu.memory_space<vmem>>, vector<1x16xf32>,
        %select_n3A_1549 = arith.select %or3A_248, %select_n3A_1238, %broadcast_in_dim3A_249 : vector<16xi1>, vector<16xf32>
        %add3A_1550 = arith.constant 10 : i32
        %add3A_1551 = arith.addi %add3A_502, %add3A_1550 : i32
        %swap3A_1552 = arith.index_cast %add3A_1551 : i32 to index
        %swap3A_1553 = arith.constant 0 : index
        %swap3A_1554 = tpu.vector_load %arg15[%swap3A_1552, %swap3A_1553] {strides = array<i32>} : memref<240x16xf32, #tpu.memory_space<vmem>>, vector<1x16xf32>,
        %swap3A_1555 = vector.shape_cast %swap3A_1554 : vector<1x16xf32> to vector<16xf32>
        %swap3A_1556 = vector.shape_cast %select_n3A_1549 : vector<16xf32> to vector<1x16xf32>
        tpu.vector_store %arg15[%swap3A_1552, %swap3A_1553], %swap3A_1556 {strides = array<i32>} : memref<240x16xf32, #tpu.memory_space<vmem>>, vector<1x16xf32>,
        %select_n3A_1557 = arith.select %or3A, %select_n3A_1249, %broadcast_in_dim3A_249 : vector<16xi1>, vector<16xf32>
        %add3A_1558 = arith.constant 11 : i32
        %add3A_1559 = arith.addi %mul3A_494, %add3A_1558 : i32
        %swap3A_1560 = arith.index_cast %add3A_1559 : i32 to index
        %swap3A_1561 = arith.constant 0 : index
        %swap3A_1562 = tpu.vector_load %arg15[%swap3A_1560, %swap3A_1561] {strides = array<i32>} : memref<240x16xf32, #tpu.memory_space<vmem>>, vector<1x16xf32>,
        %swap3A_1563 = vector.shape_cast %swap3A_1562 : vector<1x16xf32> to vector<16xf32>
        %swap3A_1564 = vector.shape_cast %select_n3A_1557 : vector<16xf32> to vector<1x16xf32>
        tpu.vector_store %arg15[%swap3A_1560, %swap3A_1561], %swap3A_1564 {strides = array<i32>} : memref<240x16xf32, #tpu.memory_space<vmem>>, vector<1x16xf32>,
        %select_n3A_1565 = arith.select %or3A_241, %select_n3A_1249, %broadcast_in_dim3A_249 : vector<16xi1>, vector<16xf32>
        %add3A_1566 = arith.constant 11 : i32
        %add3A_1567 = arith.addi %add3A_498, %add3A_1566 : i32
        %swap3A_1568 = arith.index_cast %add3A_1567 : i32 to index
        %swap3A_1569 = arith.constant 0 : index
        %swap3A_1570 = tpu.vector_load %arg15[%swap3A_1568, %swap3A_1569] {strides = array<i32>} : memref<240x16xf32, #tpu.memory_space<vmem>>, vector<1x16xf32>,
        %swap3A_1571 = vector.shape_cast %swap3A_1570 : vector<1x16xf32> to vector<16xf32>
        %swap3A_1572 = vector.shape_cast %select_n3A_1565 : vector<16xf32> to vector<1x16xf32>
        tpu.vector_store %arg15[%swap3A_1568, %swap3A_1569], %swap3A_1572 {strides = array<i32>} : memref<240x16xf32, #tpu.memory_space<vmem>>, vector<1x16xf32>,
        %select_n3A_1573 = arith.select %or3A_248, %select_n3A_1249, %broadcast_in_dim3A_249 : vector<16xi1>, vector<16xf32>
        %add3A_1574 = arith.constant 11 : i32
        %add3A_1575 = arith.addi %add3A_502, %add3A_1574 : i32
        %swap3A_1576 = arith.index_cast %add3A_1575 : i32 to index
        %swap3A_1577 = arith.constant 0 : index
        %swap3A_1578 = tpu.vector_load %arg15[%swap3A_1576, %swap3A_1577] {strides = array<i32>} : memref<240x16xf32, #tpu.memory_space<vmem>>, vector<1x16xf32>,
        %swap3A_1579 = vector.shape_cast %swap3A_1578 : vector<1x16xf32> to vector<16xf32>
        %swap3A_1580 = vector.shape_cast %select_n3A_1573 : vector<16xf32> to vector<1x16xf32>
        tpu.vector_store %arg15[%swap3A_1576, %swap3A_1577], %swap3A_1580 {strides = array<i32>} : memref<240x16xf32, #tpu.memory_space<vmem>>, vector<1x16xf32>,
        %select_n3A_1581 = arith.select %or3A, %select_n3A_1260, %broadcast_in_dim3A_249 : vector<16xi1>, vector<16xf32>
        %add3A_1582 = arith.constant 12 : i32
        %add3A_1583 = arith.addi %mul3A_494, %add3A_1582 : i32
        %swap3A_1584 = arith.index_cast %add3A_1583 : i32 to index
        %swap3A_1585 = arith.constant 0 : index
        %swap3A_1586 = tpu.vector_load %arg15[%swap3A_1584, %swap3A_1585] {strides = array<i32>} : memref<240x16xf32, #tpu.memory_space<vmem>>, vector<1x16xf32>,
        %swap3A_1587 = vector.shape_cast %swap3A_1586 : vector<1x16xf32> to vector<16xf32>
        %swap3A_1588 = vector.shape_cast %select_n3A_1581 : vector<16xf32> to vector<1x16xf32>
        tpu.vector_store %arg15[%swap3A_1584, %swap3A_1585], %swap3A_1588 {strides = array<i32>} : memref<240x16xf32, #tpu.memory_space<vmem>>, vector<1x16xf32>,
        %select_n3A_1589 = arith.select %or3A_241, %select_n3A_1260, %broadcast_in_dim3A_249 : vector<16xi1>, vector<16xf32>
        %add3A_1590 = arith.constant 12 : i32
        %add3A_1591 = arith.addi %add3A_498, %add3A_1590 : i32
        %swap3A_1592 = arith.index_cast %add3A_1591 : i32 to index
        %swap3A_1593 = arith.constant 0 : index
        %swap3A_1594 = tpu.vector_load %arg15[%swap3A_1592, %swap3A_1593] {strides = array<i32>} : memref<240x16xf32, #tpu.memory_space<vmem>>, vector<1x16xf32>,
        %swap3A_1595 = vector.shape_cast %swap3A_1594 : vector<1x16xf32> to vector<16xf32>
        %swap3A_1596 = vector.shape_cast %select_n3A_1589 : vector<16xf32> to vector<1x16xf32>
        tpu.vector_store %arg15[%swap3A_1592, %swap3A_1593], %swap3A_1596 {strides = array<i32>} : memref<240x16xf32, #tpu.memory_space<vmem>>, vector<1x16xf32>,
        %select_n3A_1597 = arith.select %or3A_248, %select_n3A_1260, %broadcast_in_dim3A_249 : vector<16xi1>, vector<16xf32>
        %add3A_1598 = arith.constant 12 : i32
        %add3A_1599 = arith.addi %add3A_502, %add3A_1598 : i32
        %swap3A_1600 = arith.index_cast %add3A_1599 : i32 to index
        %swap3A_1601 = arith.constant 0 : index
        %swap3A_1602 = tpu.vector_load %arg15[%swap3A_1600, %swap3A_1601] {strides = array<i32>} : memref<240x16xf32, #tpu.memory_space<vmem>>, vector<1x16xf32>,
        %swap3A_1603 = vector.shape_cast %swap3A_1602 : vector<1x16xf32> to vector<16xf32>
        %swap3A_1604 = vector.shape_cast %select_n3A_1597 : vector<16xf32> to vector<1x16xf32>
        tpu.vector_store %arg15[%swap3A_1600, %swap3A_1601], %swap3A_1604 {strides = array<i32>} : memref<240x16xf32, #tpu.memory_space<vmem>>, vector<1x16xf32>,
        %select_n3A_1605 = arith.select %or3A, %select_n3A_1271, %broadcast_in_dim3A_249 : vector<16xi1>, vector<16xf32>
        %add3A_1606 = arith.constant 13 : i32
        %add3A_1607 = arith.addi %mul3A_494, %add3A_1606 : i32
        %swap3A_1608 = arith.index_cast %add3A_1607 : i32 to index
        %swap3A_1609 = arith.constant 0 : index
        %swap3A_1610 = tpu.vector_load %arg15[%swap3A_1608, %swap3A_1609] {strides = array<i32>} : memref<240x16xf32, #tpu.memory_space<vmem>>, vector<1x16xf32>,
        %swap3A_1611 = vector.shape_cast %swap3A_1610 : vector<1x16xf32> to vector<16xf32>
        %swap3A_1612 = vector.shape_cast %select_n3A_1605 : vector<16xf32> to vector<1x16xf32>
        tpu.vector_store %arg15[%swap3A_1608, %swap3A_1609], %swap3A_1612 {strides = array<i32>} : memref<240x16xf32, #tpu.memory_space<vmem>>, vector<1x16xf32>,
        %select_n3A_1613 = arith.select %or3A_241, %select_n3A_1271, %broadcast_in_dim3A_249 : vector<16xi1>, vector<16xf32>
        %add3A_1614 = arith.constant 13 : i32
        %add3A_1615 = arith.addi %add3A_498, %add3A_1614 : i32
        %swap3A_1616 = arith.index_cast %add3A_1615 : i32 to index
        %swap3A_1617 = arith.constant 0 : index
        %swap3A_1618 = tpu.vector_load %arg15[%swap3A_1616, %swap3A_1617] {strides = array<i32>} : memref<240x16xf32, #tpu.memory_space<vmem>>, vector<1x16xf32>,
        %swap3A_1619 = vector.shape_cast %swap3A_1618 : vector<1x16xf32> to vector<16xf32>
        %swap3A_1620 = vector.shape_cast %select_n3A_1613 : vector<16xf32> to vector<1x16xf32>
        tpu.vector_store %arg15[%swap3A_1616, %swap3A_1617], %swap3A_1620 {strides = array<i32>} : memref<240x16xf32, #tpu.memory_space<vmem>>, vector<1x16xf32>,
        %select_n3A_1621 = arith.select %or3A_248, %select_n3A_1271, %broadcast_in_dim3A_249 : vector<16xi1>, vector<16xf32>
        %add3A_1622 = arith.constant 13 : i32
        %add3A_1623 = arith.addi %add3A_502, %add3A_1622 : i32
        %swap3A_1624 = arith.index_cast %add3A_1623 : i32 to index
        %swap3A_1625 = arith.constant 0 : index
        %swap3A_1626 = tpu.vector_load %arg15[%swap3A_1624, %swap3A_1625] {strides = array<i32>} : memref<240x16xf32, #tpu.memory_space<vmem>>, vector<1x16xf32>,
        %swap3A_1627 = vector.shape_cast %swap3A_1626 : vector<1x16xf32> to vector<16xf32>
        %swap3A_1628 = vector.shape_cast %select_n3A_1621 : vector<16xf32> to vector<1x16xf32>
        tpu.vector_store %arg15[%swap3A_1624, %swap3A_1625], %swap3A_1628 {strides = array<i32>} : memref<240x16xf32, #tpu.memory_space<vmem>>, vector<1x16xf32>,
        %select_n3A_1629 = arith.select %or3A, %select_n3A_1282, %broadcast_in_dim3A_249 : vector<16xi1>, vector<16xf32>
        %add3A_1630 = arith.constant 14 : i32
        %add3A_1631 = arith.addi %mul3A_494, %add3A_1630 : i32
        %swap3A_1632 = arith.index_cast %add3A_1631 : i32 to index
        %swap3A_1633 = arith.constant 0 : index
        %swap3A_1634 = tpu.vector_load %arg15[%swap3A_1632, %swap3A_1633] {strides = array<i32>} : memref<240x16xf32, #tpu.memory_space<vmem>>, vector<1x16xf32>,
        %swap3A_1635 = vector.shape_cast %swap3A_1634 : vector<1x16xf32> to vector<16xf32>
        %swap3A_1636 = vector.shape_cast %select_n3A_1629 : vector<16xf32> to vector<1x16xf32>
        tpu.vector_store %arg15[%swap3A_1632, %swap3A_1633], %swap3A_1636 {strides = array<i32>} : memref<240x16xf32, #tpu.memory_space<vmem>>, vector<1x16xf32>,
        %select_n3A_1637 = arith.select %or3A_241, %select_n3A_1282, %broadcast_in_dim3A_249 : vector<16xi1>, vector<16xf32>
        %add3A_1638 = arith.constant 14 : i32
        %add3A_1639 = arith.addi %add3A_498, %add3A_1638 : i32
        %swap3A_1640 = arith.index_cast %add3A_1639 : i32 to index
        %swap3A_1641 = arith.constant 0 : index
        %swap3A_1642 = tpu.vector_load %arg15[%swap3A_1640, %swap3A_1641] {strides = array<i32>} : memref<240x16xf32, #tpu.memory_space<vmem>>, vector<1x16xf32>,
        %swap3A_1643 = vector.shape_cast %swap3A_1642 : vector<1x16xf32> to vector<16xf32>
        %swap3A_1644 = vector.shape_cast %select_n3A_1637 : vector<16xf32> to vector<1x16xf32>
        tpu.vector_store %arg15[%swap3A_1640, %swap3A_1641], %swap3A_1644 {strides = array<i32>} : memref<240x16xf32, #tpu.memory_space<vmem>>, vector<1x16xf32>,
        %select_n3A_1645 = arith.select %or3A_248, %select_n3A_1282, %broadcast_in_dim3A_249 : vector<16xi1>, vector<16xf32>
        %add3A_1646 = arith.constant 14 : i32
        %add3A_1647 = arith.addi %add3A_502, %add3A_1646 : i32
        %swap3A_1648 = arith.index_cast %add3A_1647 : i32 to index
        %swap3A_1649 = arith.constant 0 : index
        %swap3A_1650 = tpu.vector_load %arg15[%swap3A_1648, %swap3A_1649] {strides = array<i32>} : memref<240x16xf32, #tpu.memory_space<vmem>>, vector<1x16xf32>,
        %swap3A_1651 = vector.shape_cast %swap3A_1650 : vector<1x16xf32> to vector<16xf32>
        %swap3A_1652 = vector.shape_cast %select_n3A_1645 : vector<16xf32> to vector<1x16xf32>
        tpu.vector_store %arg15[%swap3A_1648, %swap3A_1649], %swap3A_1652 {strides = array<i32>} : memref<240x16xf32, #tpu.memory_space<vmem>>, vector<1x16xf32>,
        %select_n3A_1653 = arith.select %or3A, %select_n3A_1293, %broadcast_in_dim3A_249 : vector<16xi1>, vector<16xf32>
        %add3A_1654 = arith.constant 15 : i32
        %add3A_1655 = arith.addi %mul3A_494, %add3A_1654 : i32
        %swap3A_1656 = arith.index_cast %add3A_1655 : i32 to index
        %swap3A_1657 = arith.constant 0 : index
        %swap3A_1658 = tpu.vector_load %arg15[%swap3A_1656, %swap3A_1657] {strides = array<i32>} : memref<240x16xf32, #tpu.memory_space<vmem>>, vector<1x16xf32>,
        %swap3A_1659 = vector.shape_cast %swap3A_1658 : vector<1x16xf32> to vector<16xf32>
        %swap3A_1660 = vector.shape_cast %select_n3A_1653 : vector<16xf32> to vector<1x16xf32>
        tpu.vector_store %arg15[%swap3A_1656, %swap3A_1657], %swap3A_1660 {strides = array<i32>} : memref<240x16xf32, #tpu.memory_space<vmem>>, vector<1x16xf32>,
        %select_n3A_1661 = arith.select %or3A_241, %select_n3A_1293, %broadcast_in_dim3A_249 : vector<16xi1>, vector<16xf32>
        %add3A_1662 = arith.constant 15 : i32
        %add3A_1663 = arith.addi %add3A_498, %add3A_1662 : i32
        %swap3A_1664 = arith.index_cast %add3A_1663 : i32 to index
        %swap3A_1665 = arith.constant 0 : index
        %swap3A_1666 = tpu.vector_load %arg15[%swap3A_1664, %swap3A_1665] {strides = array<i32>} : memref<240x16xf32, #tpu.memory_space<vmem>>, vector<1x16xf32>,
        %swap3A_1667 = vector.shape_cast %swap3A_1666 : vector<1x16xf32> to vector<16xf32>
        %swap3A_1668 = vector.shape_cast %select_n3A_1661 : vector<16xf32> to vector<1x16xf32>
        tpu.vector_store %arg15[%swap3A_1664, %swap3A_1665], %swap3A_1668 {strides = array<i32>} : memref<240x16xf32, #tpu.memory_space<vmem>>, vector<1x16xf32>,
        %select_n3A_1669 = arith.select %or3A_248, %select_n3A_1293, %broadcast_in_dim3A_249 : vector<16xi1>, vector<16xf32>
        %add3A_1670 = arith.constant 15 : i32
        %add3A_1671 = arith.addi %add3A_502, %add3A_1670 : i32
        %swap3A_1672 = arith.index_cast %add3A_1671 : i32 to index
        %swap3A_1673 = arith.constant 0 : index
        %swap3A_1674 = tpu.vector_load %arg15[%swap3A_1672, %swap3A_1673] {strides = array<i32>} : memref<240x16xf32, #tpu.memory_space<vmem>>, vector<1x16xf32>,
        %swap3A_1675 = vector.shape_cast %swap3A_1674 : vector<1x16xf32> to vector<16xf32>
        %swap3A_1676 = vector.shape_cast %select_n3A_1669 : vector<16xf32> to vector<1x16xf32>
        tpu.vector_store %arg15[%swap3A_1672, %swap3A_1673], %swap3A_1676 {strides = array<i32>} : memref<240x16xf32, #tpu.memory_space<vmem>>, vector<1x16xf32>,
      }
      %scan3A_488 = arith.constant 5 : i32
      %dma_start3A_489 = arith.constant 0 : i32
      %dma_start3A_490 = arith.constant 0 : i32
      %dma_start3A_491 = tpu.memref_slice %arg6[%dma_start3A_489, %dma_start3A_490] : memref<100096x16xf32, #tpu.memory_space<vmem_shared>> -> memref<100096x16xf32, #tpu.memory_space<vmem_shared>>
      tpu.enqueue_indirect_dma source(%arg15 : memref<240x16xf32, #tpu.memory_space<vmem>>) target(%dma_start3A_491 : memref<100096x16xf32, #tpu.memory_space<vmem_shared>>) offsets(%arg8 : memref<240xi32, #tpu.memory_space<vmem>>) semaphore(%arg27 : memref<!tpu.dma_semaphore, #tpu.memory_space<semaphore_mem>>) {add = true}
    }
    %scan3A_381 = arith.constant 312 : i32
    %dma_wait3A_382 = arith.constant 0 : i32
    %dma_wait3A_383 = arith.constant 0 : i32
    %dma_wait3A_384 = tpu.memref_slice %arg6[%dma_wait3A_382, %dma_wait3A_383] : memref<100096x16xf32, #tpu.memory_space<vmem_shared>> -> memref<100096x16xf32, #tpu.memory_space<vmem_shared>>
    tpu.wait_indirect_dma semaphore(%arg27 : memref<!tpu.dma_semaphore, #tpu.memory_space<semaphore_mem>>) src(%arg15 : memref<240x16xf32, #tpu.memory_space<vmem>>) dst(%dma_wait3A_384 : memref<100096x16xf32, #tpu.memory_space<vmem_shared>>)
    %barrier3A_385 = arith.constant 0 : index
    tpu.barrier barrier_id(%barrier3A_385)
    %mul3A_386 = arith.constant 6256 : i32
    %mul3A_387 = arith.muli %arg1, %mul3A_386 : i32
    %mul3A_388 = arith.constant 6256 : i32
    %mul3A_389 = arith.muli %arg1, %mul3A_388 : i32
    "tpu.region"() ({
      %run_scoped3A = tpu.sem_alloc : memref<!tpu.dma_semaphore, #tpu.memory_space<semaphore_mem>>
      %dma_start3A_390 = arith.constant 0 : i32
      %dma_start3A_391 = tpu.memref_slice %arg5[%arg0, %mul3A_389, %dma_start3A_390] : memref<2x100096x16xf32, #tpu.memory_space<hbm>> -> memref<1x6256x16xf32, #tpu.memory_space<hbm>>
      %dma_start3A_392 = tpu.memref_squeeze %dma_start3A_391 : memref<1x6256x16xf32, #tpu.memory_space<hbm>> -> memref<6256x16xf32, #tpu.memory_space<hbm>>
      %dma_start3A_393 = arith.constant 0 : i32
      %dma_start3A_394 = tpu.memref_slice %arg6[%mul3A_387, %dma_start3A_393] : memref<100096x16xf32, #tpu.memory_space<vmem_shared>> -> memref<6256x16xf32, #tpu.memory_space<vmem_shared>>
      tpu.enqueue_dma source(%dma_start3A_394 : memref<6256x16xf32, #tpu.memory_space<vmem_shared>>) target(%dma_start3A_392 : memref<6256x16xf32, #tpu.memory_space<hbm>>) target_semaphore(%run_scoped3A : memref<!tpu.dma_semaphore, #tpu.memory_space<semaphore_mem>>)
      %dma_wait3A_395 = arith.constant 0 : i32
      %dma_wait3A_396 = tpu.memref_slice %arg5[%arg0, %mul3A_389, %dma_wait3A_395] : memref<2x100096x16xf32, #tpu.memory_space<hbm>> -> memref<1x6256x16xf32, #tpu.memory_space<hbm>>
      %dma_wait3A_397 = tpu.memref_squeeze %dma_wait3A_396 : memref<1x6256x16xf32, #tpu.memory_space<hbm>> -> memref<6256x16xf32, #tpu.memory_space<hbm>>
      %dma_wait3A_398 = arith.constant 0 : i32
      %dma_wait3A_399 = tpu.memref_slice %arg6[%mul3A_387, %dma_wait3A_398] : memref<100096x16xf32, #tpu.memory_space<vmem_shared>> -> memref<6256x16xf32, #tpu.memory_space<vmem_shared>>
      tpu.wait_dma2 semaphore(%run_scoped3A : memref<!tpu.dma_semaphore, #tpu.memory_space<semaphore_mem>>) src(%dma_wait3A_399 : memref<6256x16xf32, #tpu.memory_space<vmem_shared>>) dst(%dma_wait3A_397 : memref<6256x16xf32, #tpu.memory_space<hbm>>)
      tpu.yield
    }) : () -> ()
    return
  }
}

module attributes {stable_mosaic.version = 14 : i64} {
  func.func @_finalize_body(%arg0: i32, %arg1: memref<2x1000x16xf32, #tpu.memory_space<vmem>>, %arg2: memref<1000x4xf32, #tpu.memory_space<vmem>>, %arg3: memref<1000x13xf32, #tpu.memory_space<vmem>>) attributes {dimension_semantics = [#tpu.dimension_semantics<arbitrary>], iteration_bounds = array<i64: 100>, scalar_prefetch = 0 : i64, scratch_operands = 0 : i64, tpu.core_type = #tpu.core_type<tc>, window_params = [{transform_indices = @transform_0, window_bounds = array<i64: 2, 1000, 16>}, {transform_indices = @transform_1, window_bounds = array<i64: 1000, 4>}, {transform_indices = @transform_2, window_bounds = array<i64: 1000, 13>}]} {
    %get3A = arith.constant 0 : index
    %get3A_0 = arith.constant 0 : index
    %get3A_1 = arith.constant 0 : index
    %get3A_2 = vector.load %arg1[%get3A, %get3A_0, %get3A_1] : memref<2x1000x16xf32, #tpu.memory_space<vmem>>, vector<2x1000x16xf32>
    %slice3A = vector.extract_strided_slice %get3A_2 {offsets = [0, 0, 0], sizes = [1, 1000, 16], strides = [1, 1, 1]} : vector<2x1000x16xf32> to vector<1x1000x16xf32>
    %squeeze3A = vector.shape_cast %slice3A : vector<1x1000x16xf32> to vector<1000x16xf32>
    %slice3A_3 = vector.extract_strided_slice %get3A_2 {offsets = [1, 0, 0], sizes = [1, 1000, 16], strides = [1, 1, 1]} : vector<2x1000x16xf32> to vector<1x1000x16xf32>
    %squeeze3A_4 = vector.shape_cast %slice3A_3 : vector<1x1000x16xf32> to vector<1000x16xf32>
    %add3A = arith.addf %squeeze3A, %squeeze3A_4 : vector<1000x16xf32>
    %slice3A_5 = vector.extract_strided_slice %add3A {offsets = [0, 0], sizes = [1000, 3], strides = [1, 1]} : vector<1000x16xf32> to vector<1000x3xf32>
    %slice3A_6 = vector.extract_strided_slice %add3A {offsets = [0, 3], sizes = [1000, 3], strides = [1, 1]} : vector<1000x16xf32> to vector<1000x3xf32>
    %slice3A_7 = vector.extract_strided_slice %add3A {offsets = [0, 6], sizes = [1000, 3], strides = [1, 1]} : vector<1000x16xf32> to vector<1000x3xf32>
    %slice3A_8 = vector.extract_strided_slice %add3A {offsets = [0, 9], sizes = [1000, 3], strides = [1, 1]} : vector<1000x16xf32> to vector<1000x3xf32>
    %add3A_9 = arith.addf %slice3A_7, %slice3A_8 : vector<1000x3xf32>
    %slice3A_10 = vector.extract_strided_slice %add3A {offsets = [0, 12], sizes = [1000, 3], strides = [1, 1]} : vector<1000x16xf32> to vector<1000x3xf32>
    %add3A_11 = arith.addf %add3A_9, %slice3A_10 : vector<1000x3xf32>
    %slice3A_12 = vector.extract_strided_slice %add3A {offsets = [0, 15], sizes = [1000, 1], strides = [1, 1]} : vector<1000x16xf32> to vector<1000x1xf32>
    %mul3A = arith.mulf %slice3A_5, %slice3A_5 : vector<1000x3xf32>
    %reduce_sum3A = arith.constant dense<0.000000e+00> : vector<1000xf32>
    %reduce_sum3A_13 = vector.multi_reduction <add>, %mul3A, %reduce_sum3A [1] : vector<1000x3xf32> to vector<1000xf32>
    %broadcast_in_dim3A = vector.shape_cast %reduce_sum3A_13 : vector<1000xf32> to vector<1000x1xf32>
    %jit3A = arith.constant 9.99999968E-21 : f32
    %max3A = vector.broadcast %jit3A : f32 to vector<1000x1xf32>
    %max3A_14 = arith.maximumf %max3A, %broadcast_in_dim3A : vector<1000x1xf32>
    %rsqrt3A = math.rsqrt %max3A_14 : vector<1000x1xf32>
    %mul3A_15 = vector.broadcast %rsqrt3A : vector<1000x1xf32> to vector<1000x3xf32>
    %mul3A_16 = arith.mulf %slice3A_5, %mul3A_15 : vector<1000x3xf32>
    %mul3A_17 = arith.mulf %slice3A_6, %mul3A_16 : vector<1000x3xf32>
    %reduce_sum3A_18 = arith.constant dense<0.000000e+00> : vector<1000xf32>
    %reduce_sum3A_19 = vector.multi_reduction <add>, %mul3A_17, %reduce_sum3A_18 [1] : vector<1000x3xf32> to vector<1000xf32>
    %broadcast_in_dim3A_20 = vector.shape_cast %reduce_sum3A_19 : vector<1000xf32> to vector<1000x1xf32>
    %jit3A_21 = arith.constant 1.000000e-10 : f32
    %max3A_22 = vector.broadcast %jit3A_21 : f32 to vector<1000x1xf32>
    %max3A_23 = arith.maximumf %max3A_22, %broadcast_in_dim3A_20 : vector<1000x1xf32>
    %div3A = arith.constant 6.000000e+00 : f32
    %div3A_24 = vector.broadcast %div3A : f32 to vector<1000x1xf32>
    %div3A_25 = arith.divf %max3A_23, %div3A_24 : vector<1000x1xf32>
    %div3A_26 = arith.constant 2.000000e+00 : f32
    %div3A_27 = vector.broadcast %div3A_26 : f32 to vector<1000x1xf32>
    %div3A_28 = arith.divf %div3A_25, %div3A_27 : vector<1000x1xf32>
    %log3A = math.log %div3A_28 : vector<1000x1xf32>
    %mul3A_29 = arith.constant 5.000000e-01 : f32
    %mul3A_30 = vector.broadcast %mul3A_29 : f32 to vector<1000x1xf32>
    %mul3A_31 = arith.mulf %log3A, %mul3A_30 : vector<1000x1xf32>
    %broadcast_in_dim3A_32 = arith.constant 0.000000e+00 : f32
    %broadcast_in_dim3A_33 = vector.broadcast %broadcast_in_dim3A_32 : f32 to vector<1000x2xf32>
    %broadcast_in_dim3A_34 = arith.constant 1.000000e+00 : f32
    %broadcast_in_dim3A_35 = vector.broadcast %broadcast_in_dim3A_34 : f32 to vector<1000x1xf32>
    %concatenate3A = tpu.concatenate %broadcast_in_dim3A_33, %broadcast_in_dim3A_35 in 1 : vector<1000x2xf32>, vector<1000x1xf32> -> vector<1000x3xf32>
    %gt3A = arith.constant 0.000000e+00 : f32
    %gt3A_36 = vector.broadcast %gt3A : f32 to vector<1000x1xf32>
    %gt3A_37 = arith.cmpf ogt, %slice3A_12, %gt3A_36 : vector<1000x1xf32>
    %max3A_38 = arith.constant 1.000000e+00 : f32
    %max3A_39 = vector.broadcast %max3A_38 : f32 to vector<1000x1xf32>
    %max3A_40 = arith.maximumf %slice3A_12, %max3A_39 : vector<1000x1xf32>
    %div3A_41 = vector.broadcast %max3A_40 : vector<1000x1xf32> to vector<1000x3xf32>
    %div3A_42 = arith.divf %add3A_11, %div3A_41 : vector<1000x3xf32>
    %broadcast_in_dim3A_43 = vector.shape_cast %gt3A_37 : vector<1000x1xi1> to vector<1000x1xi1>
    %broadcast_in_dim3A_44 = vector.broadcast %broadcast_in_dim3A_43 : vector<1000x1xi1> to vector<1000x3xi1>
    %select_n3A = arith.select %broadcast_in_dim3A_44, %div3A_42, %concatenate3A : vector<1000x3xi1>, vector<1000x3xf32>
    %get3A_45 = arith.constant 0 : index
    %get3A_46 = arith.constant 0 : index
    %get3A_47 = vector.load %arg2[%get3A_45, %get3A_46] : memref<1000x4xf32, #tpu.memory_space<vmem>>, vector<1000x4xf32>
    %slice3A_48 = vector.extract_strided_slice %get3A_47 {offsets = [0, 0], sizes = [1000, 3], strides = [1, 1]} : vector<1000x4xf32> to vector<1000x3xf32>
    %mul3A_49 = arith.constant 5.000000e-01 : f32
    %mul3A_50 = vector.broadcast %mul3A_49 : f32 to vector<1000x3xf32>
    %mul3A_51 = arith.mulf %select_n3A, %mul3A_50 : vector<1000x3xf32>
    %sub3A = arith.subf %slice3A_48, %mul3A_51 : vector<1000x3xf32>
    %slice3A_52 = vector.extract_strided_slice %mul3A_16 {offsets = [0, 2], sizes = [1000, 1], strides = [1, 1]} : vector<1000x3xf32> to vector<1000x1xf32>
    %add3A_53 = arith.constant 1.000000e+00 : f32
    %add3A_54 = vector.broadcast %add3A_53 : f32 to vector<1000x1xf32>
    %add3A_55 = arith.addf %add3A_54, %slice3A_52 : vector<1000x1xf32>
    %slice3A_56 = vector.extract_strided_slice %mul3A_16 {offsets = [0, 1], sizes = [1000, 1], strides = [1, 1]} : vector<1000x3xf32> to vector<1000x1xf32>
    %neg3A = arith.constant 0.000000e+00 : f32
    %neg3A_57 = vector.broadcast %neg3A : f32 to vector<1000x1xf32>
    %neg3A_58 = arith.subf %neg3A_57, %slice3A_56 : vector<1000x1xf32>
    %slice3A_59 = vector.extract_strided_slice %mul3A_16 {offsets = [0, 0], sizes = [1000, 1], strides = [1, 1]} : vector<1000x3xf32> to vector<1000x1xf32>
    %broadcast_in_dim3A_60 = arith.constant 0.000000e+00 : f32
    %broadcast_in_dim3A_61 = vector.broadcast %broadcast_in_dim3A_60 : f32 to vector<1000x1xf32>
    %concatenate3A_62 = tpu.concatenate %add3A_55, %neg3A_58, %slice3A_59, %broadcast_in_dim3A_61 in 1 : vector<1000x1xf32>, vector<1000x1xf32>, vector<1000x1xf32>, vector<1000x1xf32> -> vector<1000x4xf32>
    %mul3A_63 = arith.mulf %concatenate3A_62, %concatenate3A_62 : vector<1000x4xf32>
    %reduce_sum3A_64 = arith.constant dense<0.000000e+00> : vector<1000xf32>
    %reduce_sum3A_65 = vector.multi_reduction <add>, %mul3A_63, %reduce_sum3A_64 [1] : vector<1000x4xf32> to vector<1000xf32>
    %broadcast_in_dim3A_66 = vector.shape_cast %reduce_sum3A_65 : vector<1000xf32> to vector<1000x1xf32>
    %jit3A_67 = arith.constant 9.99999968E-21 : f32
    %max3A_68 = vector.broadcast %jit3A_67 : f32 to vector<1000x1xf32>
    %max3A_69 = arith.maximumf %max3A_68, %broadcast_in_dim3A_66 : vector<1000x1xf32>
    %rsqrt3A_70 = math.rsqrt %max3A_69 : vector<1000x1xf32>
    %mul3A_71 = vector.broadcast %rsqrt3A_70 : vector<1000x1xf32> to vector<1000x4xf32>
    %mul3A_72 = arith.mulf %concatenate3A_62, %mul3A_71 : vector<1000x4xf32>
    %broadcast_in_dim3A_73 = arith.constant -23.0258503 : f32
    %broadcast_in_dim3A_74 = vector.broadcast %broadcast_in_dim3A_73 : f32 to vector<1000x1xf32>
    %concatenate3A_75 = tpu.concatenate %mul3A_31, %mul3A_31, %broadcast_in_dim3A_74 in 1 : vector<1000x1xf32>, vector<1000x1xf32>, vector<1000x1xf32> -> vector<1000x3xf32>
    %concatenate3A_76 = tpu.concatenate %sub3A, %mul3A_16, %concatenate3A_75, %mul3A_72 in 1 : vector<1000x3xf32>, vector<1000x3xf32>, vector<1000x3xf32>, vector<1000x4xf32> -> vector<1000x13xf32>
    %swap3A = arith.constant 0 : index
    %swap3A_77 = arith.constant 0 : index
    %swap3A_78 = vector.load %arg3[%swap3A, %swap3A_77] : memref<1000x13xf32, #tpu.memory_space<vmem>>, vector<1000x13xf32>
    tpu.vector_store %arg3[%swap3A, %swap3A_77], %concatenate3A_76 {strides = array<i32>} : memref<1000x13xf32, #tpu.memory_space<vmem>>, vector<1000x13xf32>,
    return
  }
  func.func @transform_0(%arg0: i32) -> (i32, i32, i32) {
    %c0_i32 = arith.constant 0 : i32
    %c0_i32_0 = arith.constant 0 : i32
    %c0_i32_1 = arith.constant 0 : i32
    return %c0_i32, %arg0, %c0_i32_0 : i32, i32, i32
  }
  func.func @transform_1(%arg0: i32) -> (i32, i32) {
    %c0_i32 = arith.constant 0 : i32
    %c0_i32_0 = arith.constant 0 : i32
    return %arg0, %c0_i32 : i32, i32
  }
  func.func @transform_2(%arg0: i32) -> (i32, i32) {
    %c0_i32 = arith.constant 0 : i32
    %c0_i32_0 = arith.constant 0 : i32
    return %arg0, %c0_i32 : i32, i32
  }
}

</mosaic_0001>

<sc_bundles>
// kernel: kernel.4.cloned.1.call-start
scs
__scs_entry_jumppad:
0x0: {  	(pc) =	sbr.rel $0x88, $3  }
0x1: {  	(tag) =	ssettag $0x0;
	lr =	simm.s32 $0x1  }
0x2: {  	[smem:$0x3F9F] =	sst lr;
	_ =	strace $0xD0000000  }
0x3: {  	_ = 	snop  }
0x4: {  	_ = 	snop  }
0x5: {  	_ = 	snop  }
0x6: {  	_ = 	snop  }
0x7: {  	_ = 	snop  }
__scs_overlays_trampoline_lowered:
0x8: {  	[smem:$0x3FAE] =	sst s0  }
0x9: {  	[smem:$0x3FAF] =	sst s1  }
0xa: {  	[smem:$0x3FB0] =	sst s2  }
0xb: {  	[smem:$0x3FB1] =	sst s3  }
0xc: {  	[smem:$0x3FB2] =	sst s4  }
0xd: {  	[smem:$0x3FB3] =	sst s5  }
0xe: {  	[smem:$0x3FB4] =	sst s6  }
0xf: {  	[smem:$0x3FB5] =	sst s7  }
0x10: {  	[smem:$0x3FB6] =	sst s8  }
0x11: {  	[smem:$0x3FB7] =	sst s9;
	s0 =	simm.s32 @!p0 $0x0  }
0x12: {  	s1 =	sld [smem:$0x3F9D];
	s0 =	simm.s32 @p0 $0x1  }
0x13: {  	[smem:$0x3FB8] =	sst s0;
	s0 =	simm.s32 @!p1 $0x0  }
0x14: {  	s2 =	sld [smem:$0x3F9C];
	s0 =	simm.s32 @p1 $0x1  }
0x15: {  	[smem:$0x3FB9] =	sst s0;
	s0 =	simm.s32 @!p2 $0x0  }
0x16: {  	s3 =	sld [smem:$0x3FDB];
	s0 =	simm.s32 @p2 $0x1  }
0x17: {  	s4 =	simm.s32 $0x1BF5;
	[smem:$0x3FBB] =	sst s0  }
0x18: {  	s0 =	sld [smem:$0x3F9E];
	_ =	swait.ge [sflag:s4], $0x0  }
0x19: {  	s7 =	sld [smem:$0x3F9F]  }
0x1a: {  	s8 =	sadd.s32 $0xFFFFE003, lr  }
0x1b: {  	s9 =	sadd.s32 $0xFFFFFEF7, lr;
	s5 =	simm.s32 $0xFFFFFFFF;
	p2 =	slt.u32 s8, $0xFFFFF086  }
0x1c: {  	p1 =	slt.u32 s9, $0xF7A;
	s5 =	simm.s32 @!p2 $0x0  }
0x1d: {  	s5 =	simm.s32 @p1 $0x1;
	p0 =	seq.s32 s7, s2  }
0x1e: {  	s7 =	smul.u32 @!p0 $0xF7A, s2;
	p2 =	seq.s32 @!p0 s5, $0x0  }
0x1f: {  	s9 =	smul.u32 $0xF7A, s1;
	s8 =	simm.s32 @!p0 $0x1BF5;
	p2 =	por !p2, p0  }
0x20: {  	[sflag:s8] =	ssyncset.s32 @!p0 $0xFFFFF086;
	s6 =	sadd.s32 @!p0 s3, s7;
	s7 =	simm.s32 @!p0 $0x108  }
0x21: {  	s3 =	sadd.s32 s3, s9;
	s6 =	sadd.s32 @!p0 $0x88, s6;
	s7 =	simm.s32 @p2 $0x1082  }
0x22: {  	[simem:s7], [sflag:s8] =	dma.local @!p0 [hbm:s6], $0xF7A  }
0x23: {  	s9 =	sor.u32 $0xD0000000, s2;
	s6 =	simm.s32 $0x108;
	_ =	swait.ge @!p0 [sflag:s8], $0x0  }
0x24: {  	s3 =	sadd.s32 $0x88, s3;
	s6 =	simm.s32 @!p1 $0x1082;
	[sflag:s4] =	ssyncset.s32 $0xFFFFF086  }
0x25: {  	[simem:s6], [sflag:s4] =	dma.local [hbm:s3], $0xF7A  }
0x26: {  	[smem:$0x3F9F] =	sst s1;
	(tag) =	ssettag s2;
	_ =	strace s9  }
0x27: {  	s1 =	sld [smem:$0x3FAF]  }
0x28: {  	s2 =	sld [smem:$0x3FB0]  }
0x29: {  	s4 =	sld [smem:$0x3FB2]  }
0x2a: {  	p0 =	seq.s32 s5, $0x0;
	s5 =	sld [smem:$0x3FB3]  }
0x2b: {  	s6 =	sld [smem:$0x3FB4]  }
0x2c: {  	s7 =	sld [smem:$0x3FB5]  }
0x2d: {  	s3 =	simm.s32 $0x108;
	s8 =	sld [smem:$0x3FB6]  }
0x2e: {  	s3 =	simm.s32 @!p0 $0x1082;
	s9 =	sld [smem:$0x3FB7]  }
0x2f: {  	lr =	sadd.s32 s0, s3;
	s0 =	sld [smem:$0x3FAE]  }
0x30: {  	s3 =	sld [smem:$0x3FB1]  }
0x31: {  	[smem:$0x3FBA] =	sst s10  }
0x32: {  	s10 =	sld [smem:$0x3FB8];
	_ =	sdelay $0x3  }
0x33: {  	p0 =	seq.s32 s10, $0x1;
	s10 =	sld [smem:$0x3FBA];
	_ =	sdelay $0x3  }
0x34: {  	[smem:$0x3FBA] =	sst s10  }
0x35: {  	s10 =	sld [smem:$0x3FB9];
	_ =	sdelay $0x3  }
0x36: {  	p1 =	seq.s32 s10, $0x1;
	s10 =	sld [smem:$0x3FBA];
	_ =	sdelay $0x3  }
0x37: {  	[smem:$0x3FBA] =	sst s10  }
0x38: {  	s10 =	sld [smem:$0x3FBB]  }
0x39: {  	_ = 	snop;
	(pc) =	sbr.ind lr, $3  }
0x3a: {  	_ = 	snop  }
0x3b: {  	_ = 	snop  }
0x3c: {  	p2 =	seq.s32 s10, $0x1;
	s10 =	sld [smem:$0x3FBA]  }
0x3d: {  	_ =	shalt  }
0x3e: {  	_ =	shalt  }
0x3f: {  	_ =	shalt  }
0x40: {  	_ =	shalt  }
0x41: {  	_ =	shalt  }
0x42: {  	_ =	shalt  }
0x43: {  	_ =	shalt  }
0x44: {  	_ =	shalt  }
0x45: {  	_ =	shalt  }
0x46: {  	_ =	shalt  }
0x47: {  	_ =	shalt  }
0x48: {  	_ =	shalt  }
0x49: {  	_ =	shalt  }
0x4a: {  	_ =	shalt  }
0x4b: {  	_ =	shalt  }
0x4c: {  	_ =	shalt  }
0x4d: {  	_ =	shalt  }
0x4e: {  	_ =	shalt  }
0x4f: {  	_ =	shalt  }
0x50: {  	_ =	shalt  }
0x51: {  	_ =	shalt  }
0x52: {  	_ =	shalt  }
0x53: {  	_ =	shalt  }
0x54: {  	_ =	shalt  }
0x55: {  	_ =	shalt  }
0x56: {  	_ =	shalt  }
0x57: {  	_ =	shalt  }
0x58: {  	_ =	shalt  }
0x59: {  	_ =	shalt  }
0x5a: {  	_ =	shalt  }
0x5b: {  	_ =	shalt  }
0x5c: {  	_ =	shalt  }
0x5d: {  	_ =	shalt  }
0x5e: {  	_ =	shalt  }
0x5f: {  	_ =	shalt  }
0x60: {  	_ =	shalt  }
0x61: {  	_ =	shalt  }
0x62: {  	_ =	shalt  }
0x63: {  	_ =	shalt  }
0x64: {  	_ =	shalt  }
0x65: {  	_ =	shalt  }
0x66: {  	_ =	shalt  }
0x67: {  	_ =	shalt  }
0x68: {  	_ =	shalt  }
0x69: {  	_ =	shalt  }
0x6a: {  	_ =	shalt  }
0x6b: {  	_ =	shalt  }
0x6c: {  	_ =	shalt  }
0x6d: {  	_ =	shalt  }
0x6e: {  	_ =	shalt  }
0x6f: {  	_ =	shalt  }
0x70: {  	_ =	shalt  }
0x71: {  	_ =	shalt  }
0x72: {  	_ =	shalt  }
0x73: {  	_ =	shalt  }
0x74: {  	_ =	shalt  }
0x75: {  	_ =	shalt  }
0x76: {  	_ =	shalt  }
0x77: {  	_ =	shalt  }
0x78: {  	_ =	shalt  }
0x79: {  	_ =	shalt  }
0x7a: {  	_ =	shalt  }
0x7b: {  	_ =	shalt  }
0x7c: {  	_ =	shalt  }
0x7d: {  	_ =	shalt  }
0x7e: {  	_ =	shalt  }
0x7f: {  	_ =	shalt  }
0x80: {  	_ =	shalt  }
0x81: {  	_ =	shalt  }
0x82: {  	_ =	shalt  }
0x83: {  	_ =	shalt  }
0x84: {  	_ =	shalt  }
0x85: {  	_ =	shalt  }
0x86: {  	_ =	shalt  }
0x87: {  	_ =	shalt  }
.Lfunc_end0:
.L_simem_size_0:
called_computation_lowered:
.L_overlay_start_0:
0x88: {  	s2 =	sld [smem:$0x3FD9]  }
0x89: {  	s3 =	sld [smem:$0x3FFE];
	_ =	sdelay $0x1  }
0x8a: {  	s1 =	srdreg.scid  }
0x8b: {  	s0 =	sand.u32 $0x1, s1  }
0x8c: {  	s17 =	sshll.u32 s0, $0xA;
	s2 =	sadd.s32 s3, s2  }
0x8d: {  	s2 =	sadd.s32 s2, s17  }
0x8e: {  	[smem:$0x3FC6] =	sst s2  }
0x8f: {  	_ = 	snop  }
0x90: {  	s2 =	sld [smem:$0x3FD0];
	(tm) =	ssettm $0x1  }
0x91: {  	s18 =	sld [smem:$0x3FFB];
	_ =	sdelay $0x3  }
0x92: {  	_ =	strace s18  }
0x93: {  	s3 =	sld [smem:$0x3FFC];
	_ =	sdelay $0x3  }
0x94: {  	_ =	strace s3  }
0x95: {  	s3 =	sld [smem:$0x3FFD];
	_ =	sdelay $0x3  }
0x96: {  	_ =	strace s3  }
0x97: {  	_ =	strace $0x8FFFFFFF  }
0x98: {  	s19 =	sld [smem:$0x3FDB];
	_ =	sdelay $0x1  }
0x99: {  	s4 =	simm.s32 $_scs_section_size  }
0x9a: {  	s5 =	simm.s32 $_size__tile_overlayer_lowered;
	s6 =	simm.s32 $_tile_overlayer_lowered  }
0x9b: {  	s22 =	simm.s32 $0x1BFF;
	s21 =	sshll.u32 s6, $0x1;
	s3 =	sadd.s32 s4, s19  }
0x9c: {  	s7 =	simm.s32 $0x0;
	s20 =	sshll.u32 s5, $0x1;
	s5 =	sadd.s32 s21, s3  }
0x9d: {  	[timem:s7], [sflag:s22] =	dma.local [hbm:s5], s20  }
0x9e: {  	_ =	swait.ge [sflag:s22], s20  }
0x9f: {  	s4 =	ssub.s32 $0x0, s20;
	[sflag:s22] =	ssyncset.done $0x0  }
0xa0: {  	[sflag:s22] =	ssyncadd.s32 s4;
	_ =	sdelay $0x1  }
0xa1: {  	s23 =	simm.s32 $0x1B8B  }
0xa2: {  	_ =	swait.ge [sflag:s23], $0x1  }
0xa3: {  	[sflag:s23] =	ssyncset.done $0x0  }
0xa4: {  	s25 =	simm.s32 $0x1B8E;
	s24 =	sld [smem:$0x3FFE];
	[sflag:s23] =	ssyncadd.s32 $0xFFFFFFFF  }
0xa5: {  	s26 =	simm.s32 $execute0_lowered;
	[smem:$0x3FD2] =	sst s25  }
0xa6: {  	s5 =	sshll.u32 s26, $0x1;
	_ =	strace $0x80000046;
	[dreg:$0x1] =	wrdreg $0xFFFFFFFF  }
0xa7: {  	s28 =	simm.s32 $_size_execute0_lowered;
	s3 =	sadd.s32 s3, s5;
	[dreg:$0x0] =	wrdreg $0x0  }
0xa8: {  	s5 =	sshll.u32 s28, $0x1;
	[dreg:$0x2] =	wrdreg s3  }
0xa9: {  	[dreg:$0x3] =	wrdreg s5  }
0xaa: {  	[dreg:$0x4] =	wrdreg $0xC0  }
0xab: {  	_ =	task [dreg:s7], $0x5FFFF  }
0xac: {  	[dreg:$0x1] =	wrdreg $0xFFFFFFFF  }
0xad: {  	[dreg:$0x0] =	wrdreg $0x60  }
0xae: {  	[dreg:$0x2] =	wrdreg s24  }
0xaf: {  	[dreg:$0x3] =	wrdreg s2  }
0xb0: {  	[dreg:$0x4] =	wrdreg $0x0  }
0xb1: {  	[dreg:$0x5] =	wrdreg $0x9  }
0xb2: {  	_ =	task.clear_ibuf [dreg:s7], $0x6FFFF;
	_ =	strace $0x90000046  }
0xb3: {  	s29 =	simm.s32 $0x9;
	_ =	strace $0x80000048  }
0xb4: {  	_ =	swait.ge [sflag:s29], $0x1  }
0xb5: {  	[sflag:s29] =	ssyncadd.s32 $0xFFFFFFFF  }
0xb6: {  	_ =	strace $0x90000048  }
0xb7: {  	_ =	sfence  }
0xb8: {  	s30 =	sld [smem:$0x0];
	_ =	sdelay $0x2  }
0xb9: {  	s31 =	sshll.u32 s1, $0xD;
	s1 =	sshrl.u32 s1, $0x2  }
0xba: {  	s3 =	sand.u32 $0x4000, s31;
	s1 =	sadd.s32 s1, s30  }
0xbb: {  	s0 =	sor.u32 s3, s0;
	s1 =	sshll.u32 s1, $0x11  }
0xbc: {  	s0 =	sor.u32 s1, s0  }
0xbd: {  	s0 =	sadd.s32 $0x8F2B, s0  }
0xbe: {  	[sflag:s0] =	ssyncadd.remote.s32 $0x1  }
0xbf: {  	_ =	sfence.sel $0xFFFF  }
0xc0: {  	[dreg:$0x0] =	wrdreg $0xFFFFFFFF;
	(pc) =	sbr.abs _section_cstart, $3  }
0xc1: {  	[dreg:$0x1] =	wrdreg $0xFFFFFFFF  }
0xc2: {  	_ =	task.clear_ibuf [dreg:s7], $0x2FFFF;
	_ =	strace $0x9FFFFFFF  }
0xc3: {  	(tm) =	ssettm $0x7FFFFFFF  }
tec
execute0_lowered:
.L_overlay_start_1:
0x0: {  	(tag) =	ssettag $0x1  }
0x1: {  	v0 =	vimm.s32 $0x76543210;
	v1 =	vimm.s32 $0xFEDCBA98;
	v2 =	vimm.s32 $0xBA987654  }
0x2: {  	s0 =	rddreg [dreg:$0x0];
	v3 =	vimm.s32 $0x3210FEDC;
	v4 =	vimm.s32 $0xDCBA9876;
	v5 =	vimm.s32 $0x543210FE  }
0x3: {  	s2 =	rddreg [dreg:$0x1];
	vm0 =	vmmov $0xff;
	vm1 =	vcmask $0x2F20;
	vm2 =	vcmask $0xF00  }
0x4: {  	s1 =	rddreg [dreg:$0x2];
	s3 =	srdreg.scid;
	vm3 =	vcmask $0x700;
	v6 =	vimm.s32 $0xEDCBA987;
	v7 =	vimm.s32 $0x6543210F  }
0x5: {  	s10 =	stileid.u32;
	s4 =	simm.s32 $0x0;
	vm4 =	vcmask $0xB08;
	vm5 =	vcmask $0x300;
	s28 =	simm.s32 $0x18AC0;
	vm6 =	vcmask $0x173C  }
0x6: {  	s29 =	simm.s32 $0x188E0;
	s30 =	simm.s32 $0x18BB0;
	s31 =	simm.s32 $0x19BA0;
	v0 =	vunpack.c.l.s4.s8 v0;
	v1 =	vunpack.c.l.s4.s8 v1;
	v2 =	vunpack.c.l.s4.s8 v2  }
0x7: {  	s12 =	simm.s32 $0x19D80;
	s13 =	simm.s32 $0x1A050;
	s16 =	simm.s32 $0x2;
	v3 =	vunpack.c.l.s4.s8 v3;
	v4 =	vunpack.c.l.s4.s8 v4;
	v5 =	vunpack.c.l.s4.s8 v5  }
0x8: {  	s17 =	simm.s32 $0x18CA0;
	s18 =	simm.s32 $0x6;
	s11 =	simm.s32 $0x0;
	vm1 =	vmor vm2, vm1;
	vm2 =	vcmask $0x1710;
	v6 =	vunpack.c.l.s4.s8 v6  }
0x9: {  	s3 =	sand.u32 $0x1, s3;
	s6 =	smul.u32 $0x18700, s10;
	[smem:$0x7FF] =	sst s4;
	v7 =	vunpack.c.l.s4.s8 v7;
	vm4 =	vmor vm5, vm4;
	v1 =	vunpack.c.0.s8.s32 v1  }
0xa: {  	s7 =	sshll.u32 s10, $0x1;
	s4 =	sadd.s32 $0x92C00, s0;
	s10 =	sshll.u32 s10, $0x6;
	vm5 =	vcmask $0x1310;
	vm2 =	vmor vm3, vm2;
	v0 =	vunpack.c.0.s8.s32 v0  }
0xb: {  	s5 =	smul.u32 $0x187000, s3;
	s7 =	sor.u32 s3, s7;
	s3 =	ssub.s32 $0x2, s3;
	v2 =	vunpack.c.0.s8.s32 v2;
	v3 =	vunpack.c.0.s8.s32 v3;
	v1 =	vand.u32 $0xF, v1  }
0xc: {  	_ =	strace $0x80000047;
	v4 =	vunpack.c.0.s8.s32 v4;
	v5 =	vunpack.c.0.s8.s32 v5;
	s7 =	smul.u32 $0xC350, s7;
	s19 =	sshrl.u32 s3, $0x1;
	v0 =	vcombine.low v1, v0  }
0xd: {  	vm3 =	vcmask $0x2720;
	s20 =	sadd.s32 s6, s1;
	s5 =	sadd.s32 s6, s5;
	s3 =	ssub.s32 s3, s19;
	v1 =	vcombine.low v3, v2;
	v2 =	vcombine.low v2, v3  }
0xe: {  	s6 =	sshrl.u32 s6, $0x3;
	s19 =	simm.s32 $0x0;
	s8 =	sshrl.u32 s5, $0x3;
	v3 =	vcombine.low v5, v4;
	v4 =	vimm.s32 $0x10FEDCBA;
	v5 =	vimm.s32 $0x98765432  }
0xf: {  	vm4 =	vmor vm4, vm5;
	s5 =	sadd.s32 $0x400, s0;
	s9 =	sshrl.u32 s7, $0x3;
	s2 =	sadd.s32 s2, s6;
	v4 =	vunpack.c.l.s4.s8 v4;
	v5 =	vunpack.c.l.s4.s8 v5  }
0x10: {  	vm5 =	vcmask $0x1B18;
	v6 =	vunpack.c.0.s8.s32 v6;
	v7 =	vunpack.c.0.s8.s32 v7;
	s14 =	sadd.s32 $0xA0, s7;
	s26 =	smax.u32 s3, $0x1;
	[dreg:$0x5] =	wrdreg s2  }
0x11: {  	vm4 =	vmor vm4, vm5;
	s15 =	sadd.s32 $0xF0, s7;
	s9 =	sadd.s32 s5, s9;
	[dreg:$0xd] =	wrdreg s26;
	v4 =	vunpack.c.0.s8.s32 v4;
	v5 =	vunpack.c.0.s8.s32 v5  }
0x12: {  	vm5 =	vcmask $0x2320;
	vm2 =	vmor vm2, vm3;
	vm3 =	vcmask $0x3730;
	s7 =	simm.s32 $0x4;
	s2 =	sor.u32 $0x1C07, s10;
	[dreg:$0x4] =	wrdreg s9  }
0x13: {  	vm4 =	vmor vm4, vm5;
	vm5 =	vcmask $0x2B28;
	s6 =	simm.s32 $0x3;
	s21 =	sadd.s32 $0x30D40, s9;
	[dreg:$0x6] =	wrdreg s2;
	v4 =	vcombine.low v5, v4  }
0x14: {  	s3 =	simm.s32 $0x5;
	s22 =	sadd.s32 $0x61A80, s9;
	[dreg:$0x7] =	wrdreg s21;
	v5 =	vcombine.low v7, v6;
	v6 =	vimm.s32 $0xFEDCBA9;
	v7 =	vimm.s32 $0x87654321  }
0x15: {  	vm2 =	vmor vm2, vm3;
	s0 =	sadd.s32 s8, s0;
	s23 =	sadd.s32 $0xA, s9;
	[dreg:$0x8] =	wrdreg s22;
	v6 =	vunpack.c.l.s4.s8 v6;
	v7 =	vunpack.c.l.s4.s8 v7  }
0x16: {  	vm3 =	vmor vm4, vm5;
	vm4 =	vcmask $0x3330;
	vm5 =	vcmask $0x2F24;
	s10 =	simm.s32 $0x7;
	s24 =	sadd.s32 $0x30D4A, s9;
	[dreg:$0x9] =	wrdreg s23  }
0x17: {  	s26 =	simm.s32 $0x187F0;
	vm3 =	vmor vm3, vm4;
	s25 =	sadd.s32 $0x61A8A, s9;
	[dreg:$0xa] =	wrdreg s24;
	v6 =	vunpack.c.0.s8.s32 v6;
	v7 =	vunpack.c.0.s8.s32 v7  }
0x18: {  	vm4 =	vcmask $0x3B38;
	vm5 =	vmor vm6, vm5;
	vm6 =	vcmask $0x1730;
	s8 =	simm.s32 $0x1A140;
	s0 =	sadd.s32 $0x9C000, s0;
	[dreg:$0xb] =	wrdreg s25  }
0x19: {  	s9 =	sshrl.u32 s20, $0x3;
	s20 =	simm.s32 $0x18700;
	vm3 =	vmor vm3, vm4;
	vm4 =	vcmask $0x233C;
	[dreg:$0xc] =	wrdreg s0;
	v6 =	vcombine.low v7, v6  }
0x1a: {  	v1 =	vand.u32 $0xF, v1;
	v2 =	vand.u32 $0xF, v2;
	v3 =	vand.u32 $0xF, v3;
	s21 =	simm.s32 $0x18750;
	s22 =	simm.s32 $0x187A0;
	s23 =	simm.s32 $0x1  }
0x1b: {  	s24 =	simm.s32 $0xF0;
	s25 =	simm.s32 $0x189D0;
	[dreg:$0xe] =	wrdreg s9;
	v4 =	vand.u32 $0xF, v4;
	v5 =	vand.u32 $0xF, v5;
	v6 =	vand.u32 $0xF, v6  }
.LBB2_1:
0x1c: {  	s0 =	rddreg [dreg:$0x5]  }
0x1d: {  	[spmem:s9], [sflag:s2] =	dma.local [hbm:s0], $0x30E0  }
0x1e: {  	_ =	swait.ge [sflag:s10], $0x30E0  }
0x1f: {  	[sflag:s10] =	ssyncset.done $0x0  }
0x20: {  	[sflag:s10] =	ssyncadd.s32 $0xFFFFCF20  }
0x21: {  	[bflag:$0x0] =	sbarrier.arrive $0xFFFF  }
0x22: {  	s0 =	simm.s32 $0x0;
	s10 =	rddreg [dreg:$0x4]  }
0x23: {  	[tilespmem:s20], [sflag:$0x1] =	stream.linear.gather [hbm4b:s10+s0], $0x50, $0x38;
	[tilespmem:$0x1B040] =	vst v63  }
0x24: {  	s9 =	rddreg [dreg:$0x7]  }
0x25: {  	[tilespmem:s21], [sflag:$0x1] =	stream.linear.gather [hbm4b:s9+s0], $0x50, $0x38;
	[tilespmem:$0x1B040] =	vst v63  }
0x26: {  	s10 =	rddreg [dreg:$0x8]  }
0x27: {  	[tilespmem:s22], [sflag:$0x1] =	stream.linear.gather [hbm4b:s10+s0], $0x50, $0x38;
	[tilespmem:$0x1B040] =	vst v63  }
0x28: {  	_ =	swait.ge [sflag:s23], $0x50  }
0x29: {  	[sflag:s23] =	ssyncset.done $0x0  }
0x2a: {  	[sflag:s23] =	ssyncadd.s32 $0xFFFFFFB0  }
0x2b: {  	_ =	swait.ge [sflag:s23], $0x50  }
0x2c: {  	[sflag:s23] =	ssyncset.done $0x0  }
0x2d: {  	[sflag:s23] =	ssyncadd.s32 $0xFFFFFFB0  }
0x2e: {  	_ =	swait.ge [sflag:s23], $0x50  }
0x2f: {  	[sflag:s23] =	ssyncset.done $0x0  }
0x30: {  	s0 =	simm.s32 $0x0;
	[sflag:s23] =	ssyncadd.s32 $0xFFFFFFB0  }
0x31: {  	v7 =	vld [tilespmem:s0+$0x18700]  }
0x32: {  	s2 =	simm.s32 $0x40  }
.LBB2_2:
0x33: {  	p0 =	sne.s32 s2, $0x380  }
.Ltmp0:
0x34: {  	_ = 	snop;
	(pc) =	sbr.rel @p0 .LBB2_2-.Ltmp0, $4  }
0x35: {  	_ = 	snop  }
0x36: {  	s9 =	sshra.s32 s2, $0x2;
	s2 =	sadd.s32 $0x40, s2;
	v8 =	vadd.s32 $0x186A0, v7;
	v9 =	vadd.s32 $0x30D40, v7  }
0x37: {  	v7 =	vld [tilespmem:s9+$0x18700];
	[tilespmem:s0+$0x188E0] =	vst v9  }
0x38: {  	[tilespmem:s0+$0x187F0] =	vst v8;
	s0 =	smov.u32 s9  }
0x39: {  	_ =	sdelay $0x2  }
0x3a: {  	v8 =	vadd.s32 $0x30D40, v7  }
0x3b: {  	v7 =	vadd.s32 $0x186A0, v7;
	[tilespmem:s0+$0x188E0] =	vst v8  }
0x3c: {  	[tilespmem:s0+$0x187F0] =	vst v7  }
0x3d: {  	[tilespmem:s25], [sflag:$0x2] =	stream.indirect.gather [hbm4b:s4+s24], $0x1, s20, s24, $0xb8;
	[tilespmem:$0x1B040] =	vst v63  }
0x3e: {  	_ = 	snop  }
0x3f: {  	[tilespmem:s28], [sflag:$0x2] =	stream.indirect.gather [hbm4b:s4+s24], $0x1, s26, s24, $0xb8;
	[tilespmem:$0x1B040] =	vst v63  }
0x40: {  	_ = 	snop  }
0x41: {  	[tilespmem:s30], [sflag:$0x2] =	stream.indirect.gather [hbm4b:s4+s24], $0x1, s29, s24, $0xb8;
	[tilespmem:$0x1B040] =	vst v63  }
0x42: {  	s2 =	rddreg [dreg:$0x9];
	s0 =	simm.s32 $0x0  }
0x43: {  	[tilespmem:s31], [sflag:$0x4] =	stream.linear.gather [hbm4b:s2+s0], $0x50, $0x38;
	[tilespmem:$0x1B040] =	vst v63  }
0x44: {  	s10 =	rddreg [dreg:$0xa];
	s9 =	simm.s32 $0x19BF0  }
0x45: {  	[tilespmem:s9], [sflag:$0x4] =	stream.linear.gather [hbm4b:s10+s0], $0x50, $0x38;
	[tilespmem:$0x1B040] =	vst v63  }
0x46: {  	s9 =	rddreg [dreg:$0xb];
	s10 =	simm.s32 $0x19C40  }
0x47: {  	[tilespmem:s10], [sflag:$0x4] =	stream.linear.gather [hbm4b:s9+s0], $0x50, $0x38;
	[tilespmem:$0x1B040] =	vst v63  }
0x48: {  	_ =	swait.ge [sflag:s7], $0x50  }
0x49: {  	[sflag:s7] =	ssyncset.done $0x0  }
0x4a: {  	[sflag:s7] =	ssyncadd.s32 $0xFFFFFFB0  }
0x4b: {  	_ =	swait.ge [sflag:s7], $0x50  }
0x4c: {  	[sflag:s7] =	ssyncset.done $0x0  }
0x4d: {  	[sflag:s7] =	ssyncadd.s32 $0xFFFFFFB0  }
0x4e: {  	_ =	swait.ge [sflag:s7], $0x50  }
0x4f: {  	[sflag:s7] =	ssyncset.done $0x0  }
0x50: {  	s0 =	simm.s32 $0x0;
	[sflag:s7] =	ssyncadd.s32 $0xFFFFFFB0  }
0x51: {  	v7 =	vld [tilespmem:s0+$0x19BA0]  }
0x52: {  	s2 =	simm.s32 $0x40  }
.LBB2_4:
0x53: {  	p0 =	sne.s32 s2, $0x380  }
.Ltmp1:
0x54: {  	_ = 	snop;
	(pc) =	sbr.rel @p0 .LBB2_4-.Ltmp1, $4  }
0x55: {  	_ = 	snop  }
0x56: {  	s9 =	sshra.s32 s2, $0x2;
	s2 =	sadd.s32 $0x40, s2;
	v8 =	vadd.s32 $0x186A0, v7;
	v9 =	vadd.s32 $0x30D40, v7  }
0x57: {  	v7 =	vld [tilespmem:s9+$0x19BA0];
	[tilespmem:s0+$0x19D80] =	vst v9  }
0x58: {  	[tilespmem:s0+$0x19C90] =	vst v8;
	s0 =	smov.u32 s9  }
0x59: {  	_ =	sdelay $0x2  }
0x5a: {  	v8 =	vadd.s32 $0x30D40, v7  }
0x5b: {  	v7 =	vadd.s32 $0x186A0, v7;
	[tilespmem:s0+$0x19D80] =	vst v8  }
0x5c: {  	s10 =	simm.s32 $0x19E70;
	[tilespmem:s0+$0x19C90] =	vst v7  }
0x5d: {  	[tilespmem:s10], [sflag:$0x5] =	stream.indirect.gather [hbm4b:s4+s24], $0x1, s31, s24, $0xb8;
	[tilespmem:$0x1B040] =	vst v63  }
0x5e: {  	[dreg:$0xf] =	wrdreg s11;
	s11 =	simm.s32 $0x19C90;
	s2 =	simm.s32 $0x19F60  }
0x5f: {  	[tilespmem:s2], [sflag:$0x5] =	stream.indirect.gather [hbm4b:s4+s24], $0x1, s11, s24, $0xb8;
	[tilespmem:$0x1B040] =	vst v63  }
0x60: {  	_ = 	snop  }
0x61: {  	[tilespmem:s13], [sflag:$0x5] =	stream.indirect.gather [hbm4b:s4+s24], $0x1, s12, s24, $0xb8;
	[tilespmem:$0x1B040] =	vst v63  }
0x62: {  	_ =	swait.ge [sflag:s16], $0xF0  }
0x63: {  	[sflag:s16] =	ssyncset.done $0x0  }
0x64: {  	[sflag:s16] =	ssyncadd.s32 $0xFFFFFF10  }
0x65: {  	_ =	swait.ge [sflag:s16], $0xF0  }
0x66: {  	[sflag:s16] =	ssyncset.done $0x0  }
0x67: {  	[sflag:s16] =	ssyncadd.s32 $0xFFFFFF10  }
0x68: {  	_ =	swait.ge [sflag:s16], $0xF0  }
0x69: {  	[sflag:s16] =	ssyncset.done $0x0  }
0x6a: {  	s0 =	simm.s32 $0x0;
	s2 =	simm.s32 $0x19220;
	[sflag:s16] =	ssyncadd.s32 $0xFFFFFF10  }
.LBB2_6:
0x6b: {  	s9 =	sshra.s32 s0, $0x2  }
0x6c: {  	v7 =	vld [tilespmem:s9+$0x189D0]  }
0x6d: {  	v8 =	vld [tilespmem:s9+$0x18AC0]  }
0x6e: {  	v9 =	vld [tilespmem:s9+$0x18BB0]  }
0x6f: {  	v10 =	vld [tilespmem:s9+$0x18A20]  }
0x70: {  	v11 =	vld [tilespmem:s9+$0x18B10]  }
0x71: {  	v12 =	vld [tilespmem:s9+$0x18C00]  }
0x72: {  	v13 =	vld [tilespmem:s9+$0x18B60]  }
0x73: {  	v14 =	vld [tilespmem:s9+$0x18C50]  }
0x74: {  	v15 =	vld [tilespmem:s9+$0x18A70];
	_ =	sdelay $0x2  }
0x75: {  	v11 =	vsub.f32 v11, v8;
	v12 =	vsub.f32 v12, v9  }
0x76: {  	v13 =	vsub.f32 v13, v8;
	v8 =	vsub.f32 v14, v9  }
0x77: {  	v44 =	vsub.f32 v10, v7;
	v45 =	vsub.f32 v15, v7  }
0x78: {  	v7 =	vmul.f32 v8, v11;
	v46 =	vmul.f32 v13, v12  }
0x79: {  	v15 =	vmul.f32 v45, v12;
	v16 =	vmul.f32 v8, v44  }
0x7a: {  	v47 =	vmul.f32 v13, v44  }
0x7b: {  	v48 =	vmul.f32 v45, v11;
	v7 =	vsub.f32 v7, v46;
	v15 =	vsub.f32 v15, v16;
	_ =	sdelay $0x1  }
0x7c: {  	v16 =	vsub.f32 v47, v48;
	v49 =	vmul.f32 v7, v7;
	v17 =	vmul.f32 v15, v15;
	_ =	sdelay $0x1  }
0x7d: {  	v50 =	vmul.f32 v16, v16;
	v10 =	vadd.f32 v17, v49;
	_ =	sdelay $0x1  }
0x7e: {  	v10 =	vadd.f32 v10, v50;
	_ =	sdelay $0x1  }
0x7f: {  	v10 =	vmax.f32 v10, $9.999999680e-21  }
0x80: {  	v51 =	vshra.s32 v10, $0x1;
	v10 =	vmul.f32 $5.000000000e-01, v10  }
0x81: {  	v17 =	vsub.s32 $0x5F3759DF, v51  }
0x82: {  	v18 =	vmul.f32 v17, v10;
	_ =	sdelay $0x1  }
0x83: {  	v18 =	vmul.f32 v17, v18;
	_ =	sdelay $0x1  }
0x84: {  	v18 =	vsub.f32 $1.500000000e+00, v18;
	_ =	sdelay $0x1  }
0x85: {  	v17 =	vmul.f32 v17, v18;
	_ =	sdelay $0x1  }
0x86: {  	v18 =	vmul.f32 v17, v10;
	_ =	sdelay $0x1  }
0x87: {  	v18 =	vmul.f32 v18, v17;
	_ =	sdelay $0x1  }
0x88: {  	v18 =	vsub.f32 $1.500000000e+00, v18;
	_ =	sdelay $0x1  }
0x89: {  	v17 =	vmul.f32 v18, v17;
	_ =	sdelay $0x1  }
0x8a: {  	v10 =	vmul.f32 v17, v10;
	_ =	sdelay $0x1  }
0x8b: {  	v19 =	vsub.f32 $0.0e+00, v44;
	v10 =	vmul.f32 v10, v17  }
0x8c: {  	v21 =	vsub.f32 $0.0e+00, v12;
	v23 =	vsub.f32 v11, v13  }
0x8d: {  	v53 =	vperm.xlane v8, v0;
	v12 =	vsub.f32 v12, v8;
	v10 =	vsub.f32 $1.500000000e+00, v10  }
0x8e: {  	v60 =	vnsel vm0, $0x3F800000, v13;
	v14 =	vperm.xlane v45, v0;
	v13 =	vperm.xlane v13, v0  }
0x8f: {  	v62 =	vperm.xlane v60, v1;
	v10 =	vmul.f32 v10, v17  }
0x90: {  	v20 =	vsub.f32 $0.0e+00, v11;
	v55 =	vperm.xlane v19, v0;
	v59 =	vperm.xlane v12, v0  }
0x91: {  	v22 =	vsub.f32 v44, v45;
	v56 =	vperm.xlane v21, v0;
	v17 =	vmul.f32 v10, v7  }
0x92: {  	v12 =	vsel vm0, v14, v12;
	v26 =	vperm.xlane v7, v0;
	v63 =	vsel vm0, v45, v59  }
0x93: {  	v13 =	vnsel vm0, $0x3F800000, v13;
	v28 =	vperm.xlane v63, v1;
	v54 =	vperm.xlane v17, v0  }
0x94: {  	v58 =	vsel vm0, v7, v56;
	v52 =	vmul.f32 v10, v15;
	v10 =	vmul.f32 v10, v16  }
0x95: {  	v7 =	vperm.xlane v22, v0;
	v11 =	vsel vm0, v54, v8;
	v8 =	vperm.xlane v20, v0  }
0x96: {  	v9 =	vsel vm0, v26, v21;
	v17 =	vsel vm0, v17, v53;
	v24 =	vperm.xlane v52, v0  }
0x97: {  	v61 =	vsel vm0, v15, v7;
	v57 =	vsel vm0, v10, v8;
	v8 =	vperm.xlane v23, v0  }
0x98: {  	v25 =	vperm.xlane v10, v0;
	v18 =	vsel vm0, v52, v55;
	v34 =	vperm.xlane v61, v1  }
0x99: {  	v28 =	vsel vm1, v57, v28;
	v27 =	vsel vm0, v16, v8;
	v8 =	vperm.xlane v16, v0  }
0x9a: {  	v7 =	vperm.xlane v15, v0;
	v15 =	vsel vm1, v58, v62;
	v29 =	vperm.xlane v28, v3  }
0x9b: {  	v32 =	vperm.xlane v27, v1;
	v8 =	vsel vm0, v8, v23;
	v23 =	vsel vm1, v17, v34  }
0x9c: {  	v62 =	vperm.xlane v12, v1;
	v33 =	vperm.xlane v15, v3;
	v36 =	vsel vm2, v23, v29  }
0x9d: {  	v19 =	vsel vm0, v24, v19;
	v21 =	vsel vm1, v18, v32;
	v38 =	vperm.xlane v36, v6  }
0x9e: {  	v7 =	vsel vm0, v7, v22;
	v10 =	vsel vm0, v25, v20;
	v22 =	vsel vm2, v21, v33  }
0x9f: {  	v20 =	vperm.xlane v58, v2;
	v35 =	vperm.xlane v57, v2;
	v16 =	vsel vm3, v38, v22  }
0xa0: {  	v21 =	vperm.xlane v21, v4;
	v30 =	vperm.xlane v22, v5;
	v44 =	vnsel vm4, $0x0, v16  }
0xa1: {  	v20 =	vsel vm1, v20, v60;
	v40 =	vperm.xlane v23, v4;
	v46 =	vnsel vm5, $0x0, v16;
	[tilespmem:s2+$0xFFFFFA90] =	vst v44  }
0xa2: {  	v15 =	vsel vm2, v21, v15;
	v37 =	vsel vm3, v36, v30;
	v16 =	vnsel vm6, $0x0, v16;
	[tilespmem:s2+$0xFFFFFF90] =	vst v46  }
0xa3: {  	v14 =	vsel vm1, v35, v63;
	v43 =	vperm.xlane v15, v5;
	v39 =	vnsel vm4, $0x0, v37;
	[tilespmem:s2+$0x490] =	vst v16  }
0xa4: {  	v18 =	vperm.xlane v18, v2;
	v21 =	vsel vm2, v40, v28;
	v41 =	vnsel vm5, $0x0, v37;
	[tilespmem:s2+$0xFFFFFA80] =	vst v39  }
0xa5: {  	v45 =	vperm.xlane v21, v6;
	v42 =	vnsel vm6, $0x0, v37;
	[tilespmem:s2+$0xFFFFFF80] =	vst v41;
	v21 =	vsel vm3, v21, v43  }
0xa6: {  	v47 =	vperm.xlane v20, v3;
	v17 =	vperm.xlane v17, v2;
	[tilespmem:s2+$0x480] =	vst v42;
	v48 =	vnsel vm4, $0x0, v21  }
0xa7: {  	v50 =	vperm.xlane v14, v3;
	v18 =	vsel vm1, v18, v27;
	v49 =	vnsel vm5, $0x0, v21;
	[tilespmem:s2+$0xFFFFFAA0] =	vst v48  }
0xa8: {  	v22 =	vsel vm2, v18, v47;
	v15 =	vsel vm3, v45, v15;
	v21 =	vnsel vm6, $0x0, v21;
	[tilespmem:s2+$0xFFFFFFA0] =	vst v49  }
0xa9: {  	v17 =	vsel vm1, v17, v61;
	v51 =	vperm.xlane v22, v5;
	v52 =	vnsel vm4, $0x0, v15;
	[tilespmem:s2+$0x4A0] =	vst v21  }
0xaa: {  	v54 =	vperm.xlane v7, v1;
	v16 =	vsel vm2, v17, v50;
	v53 =	vnsel vm5, $0x0, v15;
	[tilespmem:s2+$0xFFFFFAB0] =	vst v52  }
0xab: {  	v18 =	vperm.xlane v18, v4;
	v23 =	vsel vm3, v16, v51;
	v15 =	vnsel vm6, $0x0, v15;
	[tilespmem:s2+$0xFFFFFFB0] =	vst v53  }
0xac: {  	v58 =	vperm.xlane v13, v1;
	v16 =	vperm.xlane v16, v6;
	v55 =	vnsel vm4, $0x0, v23;
	[tilespmem:s2+$0x4B0] =	vst v15  }
0xad: {  	v56 =	vperm.xlane v8, v1;
	v18 =	vsel vm2, v18, v20;
	v57 =	vnsel vm5, $0x0, v23;
	[tilespmem:s2+$0xFFFFFAC0] =	vst v55  }
0xae: {  	v17 =	vperm.xlane v17, v4;
	v59 =	vnsel vm6, $0x0, v23;
	v16 =	vsel vm3, v16, v22;
	[tilespmem:s2+$0xFFFFFFC0] =	vst v57  }
0xaf: {  	v31 =	vsel vm1, v11, v54;
	v60 =	vperm.xlane v18, v5;
	[tilespmem:s2+$0x4C0] =	vst v59;
	v61 =	vnsel vm4, $0x0, v16  }
0xb0: {  	v25 =	vsel vm1, v19, v56;
	v14 =	vsel vm2, v17, v14;
	v63 =	vnsel vm5, $0x0, v16;
	[tilespmem:s2+$0xFFFFFAD0] =	vst v61  }
0xb1: {  	v35 =	vperm.xlane v25, v4;
	v17 =	vsel vm3, v14, v60;
	v24 =	vnsel vm6, $0x0, v16;
	[tilespmem:s2+$0xFFFFFFD0] =	vst v63  }
0xb2: {  	v23 =	vsel vm1, v10, v62;
	v14 =	vperm.xlane v14, v6;
	v27 =	vnsel vm4, $0x0, v17;
	[tilespmem:s2+$0x4D0] =	vst v24  }
0xb3: {  	v22 =	vsel vm1, v9, v58;
	v28 =	vnsel vm5, $0x0, v17;
	v30 =	vnsel vm6, $0x0, v17;
	[tilespmem:s2+$0xFFFFFAE0] =	vst v27  }
0xb4: {  	v17 =	vperm.xlane v31, v4;
	v15 =	vsel vm2, v35, v22;
	v14 =	vsel vm3, v14, v18;
	[tilespmem:s2+$0xFFFFFFE0] =	vst v28  }
0xb5: {  	v29 =	vperm.xlane v23, v3;
	[tilespmem:s2+$0x4E0] =	vst v30;
	v40 =	vperm.xlane v15, v5;
	v33 =	vnsel vm4, $0x0, v14  }
0xb6: {  	v26 =	vperm.xlane v22, v3;
	v34 =	vnsel vm5, $0x0, v14;
	v42 =	vsel vm2, v17, v23;
	[tilespmem:s2+$0xFFFFFAF0] =	vst v33  }
0xb7: {  	v18 =	vsel vm2, v31, v29;
	v14 =	vnsel vm6, $0x0, v14;
	[tilespmem:s2+$0xFFFFFFF0] =	vst v34;
	v44 =	vsel vm3, v42, v40  }
0xb8: {  	v9 =	vperm.xlane v9, v2;
	v36 =	vperm.xlane v18, v6;
	[tilespmem:s2+$0x4F0] =	vst v14;
	v47 =	vnsel vm4, $0x0, v44  }
0xb9: {  	v11 =	vperm.xlane v11, v2;
	v20 =	vsel vm2, v25, v26;
	v49 =	vnsel vm5, $0x0, v44;
	[tilespmem:s2+$0xFFFFFB20] =	vst v47  }
0xba: {  	v9 =	vsel vm1, v9, v13;
	v16 =	vsel vm3, v36, v20;
	v13 =	vnsel vm6, $0x0, v44;
	[tilespmem:s2+$0x20] =	vst v49  }
0xbb: {  	v10 =	vperm.xlane v10, v2;
	v32 =	vperm.xlane v20, v5;
	v41 =	vnsel vm4, $0x0, v16;
	[tilespmem:s2+$0x520] =	vst v13  }
0xbc: {  	v7 =	vsel vm1, v11, v7;
	v43 =	vnsel vm5, $0x0, v16;
	[tilespmem:s2+$0xFFFFFB10] =	vst v41  }
0xbd: {  	v10 =	vsel vm1, v10, v12;
	v21 =	vsel vm3, v18, v32;
	v45 =	vnsel vm6, $0x0, v16;
	[tilespmem:s2+$0x10] =	vst v43  }
0xbe: {  	v48 =	vperm.xlane v10, v3;
	v12 =	vperm.xlane v42, v6;
	v37 =	vnsel vm4, $0x0, v21;
	[tilespmem:s2+$0x510] =	vst v45  }
0xbf: {  	v19 =	vperm.xlane v19, v2;
	v46 =	vperm.xlane v9, v3;
	v38 =	vnsel vm5, $0x0, v21;
	[tilespmem:s2+$0xFFFFFB00] =	vst v37  }
0xc0: {  	v52 =	vsel vm2, v7, v48;
	v12 =	vsel vm3, v12, v15;
	v39 =	vnsel vm6, $0x0, v21;
	[tilespmem:s2+$0x0] =	vst v38  }
0xc1: {  	v8 =	vsel vm1, v19, v8;
	v54 =	vperm.xlane v52, v6;
	v51 =	vnsel vm4, $0x0, v12;
	[tilespmem:s2+$0x500] =	vst v39  }
0xc2: {  	v16 =	vsel vm2, v8, v46;
	v53 =	vnsel vm5, $0x0, v12;
	[tilespmem:s2+$0xFFFFFB30] =	vst v51  }
0xc3: {  	v12 =	vnsel vm6, $0x0, v12;
	v57 =	vsel vm3, v54, v16;
	[tilespmem:s2+$0x30] =	vst v53  }
0xc4: {  	v8 =	vperm.xlane v8, v4;
	v50 =	vperm.xlane v16, v5;
	[tilespmem:s2+$0x530] =	vst v12;
	v59 =	vnsel vm4, $0x0, v57  }
0xc5: {  	v7 =	vperm.xlane v7, v4;
	v60 =	vnsel vm5, $0x0, v57;
	[tilespmem:s2+$0xFFFFFB50] =	vst v59  }
0xc6: {  	v8 =	vsel vm2, v8, v9;
	v9 =	vnsel vm6, $0x0, v57;
	v11 =	vsel vm3, v52, v50;
	[tilespmem:s2+$0x50] =	vst v60  }
0xc7: {  	v58 =	vperm.xlane v8, v5;
	[tilespmem:s2+$0x550] =	vst v9;
	v55 =	vnsel vm4, $0x0, v11  }
0xc8: {  	v7 =	vsel vm2, v7, v10;
	v56 =	vnsel vm5, $0x0, v11;
	[tilespmem:s2+$0xFFFFFB40] =	vst v55  }
0xc9: {  	v11 =	vnsel vm6, $0x0, v11;
	[tilespmem:s2+$0x40] =	vst v56;
	v61 =	vsel vm3, v7, v58  }
0xca: {  	[tilespmem:s2+$0x540] =	vst v11;
	v7 =	vperm.xlane v7, v6;
	v62 =	vnsel vm4, $0x0, v61  }
0xcb: {  	p0 =	sne.s32 s0, $0x100;
	v63 =	vnsel vm5, $0x0, v61;
	[tilespmem:s2+$0xFFFFFB60] =	vst v62  }
.Ltmp2:
0xcc: {  	v7 =	vsel vm3, v7, v8;
	[tilespmem:s2+$0x60] =	vst v63;
	v8 =	vnsel vm6, $0x0, v61;
	(pc) =	sbr.rel @p0 .LBB2_6-.Ltmp2, $4  }
0xcd: {  	[tilespmem:s2+$0x560] =	vst v8;
	v8 =	vnsel vm4, $0x0, v7  }
0xce: {  	[tilespmem:s2+$0xFFFFFB70] =	vst v8;
	v8 =	vnsel vm5, $0x0, v7  }
0xcf: {  	v7 =	vnsel vm6, $0x0, v7;
	[tilespmem:s2+$0x70] =	vst v8  }
0xd0: {  	s0 =	sadd.s32 $0x40, s0;
	[tilespmem:s2+$0x570] =	vst v7;
	s2 =	sadd.s32 $0x100, s2  }
0xd1: {  	[spmem:s1] =	stream.indirect.scatter.add.f32 [tilespmem:s17], [sflag:$0x3], $0x10, s20, s24, $0xb8;
	[tilespmem:$0x1B040] =	vst v63  }
0xd2: {  	s0 =	simm.s32 $0x0  }
.LBB2_8:
0xd3: {  	s2 =	smul.u32 $0xA0, s0;
	_ =	sdelay $0x1  }
0xd4: {  	_ =	swait.ge [sflag:s6], $0xF00;
	s9 =	sadd.s32 s2, s14  }
0xd5: {  	[sflag:s6] =	ssyncset.done $0x0;
	s9 =	sshrl.u32 s9, $0x3  }
0xd6: {  	[sflag:s6] =	ssyncadd.s32 $0xFFFFF100;
	s9 =	sadd.s32 s5, s9  }
0xd7: {  	[tilespmem:s20], [sflag:$0x1] =	stream.linear.gather [hbm4b:s9+s19], $0x50, $0x38;
	[tilespmem:$0x1B040] =	vst v63  }
0xd8: {  	s10 =	sadd.s32 $0x30D40, s9  }
0xd9: {  	[tilespmem:s21], [sflag:$0x1] =	stream.linear.gather [hbm4b:s10+s19], $0x50, $0x38;
	[tilespmem:$0x1B040] =	vst v63  }
0xda: {  	s9 =	sadd.s32 $0x61A80, s9  }
0xdb: {  	[tilespmem:s22], [sflag:$0x1] =	stream.linear.gather [hbm4b:s9+s19], $0x50, $0x38;
	[tilespmem:$0x1B040] =	vst v63  }
0xdc: {  	_ =	swait.ge [sflag:s23], $0x50  }
0xdd: {  	[sflag:s23] =	ssyncset.done $0x0  }
0xde: {  	[sflag:s23] =	ssyncadd.s32 $0xFFFFFFB0  }
0xdf: {  	_ =	swait.ge [sflag:s23], $0x50  }
0xe0: {  	[sflag:s23] =	ssyncset.done $0x0  }
0xe1: {  	[sflag:s23] =	ssyncadd.s32 $0xFFFFFFB0  }
0xe2: {  	_ =	swait.ge [sflag:s23], $0x50  }
0xe3: {  	[sflag:s23] =	ssyncset.done $0x0  }
0xe4: {  	s9 =	simm.s32 $0x0;
	[sflag:s23] =	ssyncadd.s32 $0xFFFFFFB0  }
0xe5: {  	v7 =	vld [tilespmem:s9+$0x18700]  }
0xe6: {  	s10 =	simm.s32 $0x40  }
.LBB2_9:
0xe7: {  	p0 =	sne.s32 s10, $0x380  }
.Ltmp3:
0xe8: {  	_ = 	snop;
	(pc) =	sbr.rel @p0 .LBB2_9-.Ltmp3, $4  }
0xe9: {  	_ = 	snop  }
0xea: {  	s11 =	sshra.s32 s10, $0x2;
	s10 =	sadd.s32 $0x40, s10;
	v8 =	vadd.s32 $0x186A0, v7;
	v9 =	vadd.s32 $0x30D40, v7  }
0xeb: {  	v7 =	vld [tilespmem:s11+$0x18700];
	[tilespmem:s9+$0x188E0] =	vst v9  }
0xec: {  	[tilespmem:s9+$0x187F0] =	vst v8;
	s9 =	smov.u32 s11  }
0xed: {  	_ =	sdelay $0x2  }
0xee: {  	v8 =	vadd.s32 $0x30D40, v7  }
0xef: {  	v7 =	vadd.s32 $0x186A0, v7;
	[tilespmem:s9+$0x188E0] =	vst v8  }
0xf0: {  	[tilespmem:s9+$0x187F0] =	vst v7  }
0xf1: {  	[tilespmem:s25], [sflag:$0x2] =	stream.indirect.gather [hbm4b:s4+s24], $0x1, s20, s24, $0xb8;
	[tilespmem:$0x1B040] =	vst v63  }
0xf2: {  	_ = 	snop  }
0xf3: {  	[tilespmem:s28], [sflag:$0x2] =	stream.indirect.gather [hbm4b:s4+s24], $0x1, s26, s24, $0xb8;
	[tilespmem:$0x1B040] =	vst v63  }
0xf4: {  	_ = 	snop  }
0xf5: {  	[tilespmem:s30], [sflag:$0x2] =	stream.indirect.gather [hbm4b:s4+s24], $0x1, s29, s24, $0xb8;
	[tilespmem:$0x1B040] =	vst v63  }
0xf6: {  	_ =	swait.ge [sflag:s3], $0xF0  }
0xf7: {  	[sflag:s3] =	ssyncset.done $0x0  }
0xf8: {  	[sflag:s3] =	ssyncadd.s32 $0xFFFFFF10  }
0xf9: {  	_ =	swait.ge [sflag:s3], $0xF0  }
0xfa: {  	[sflag:s3] =	ssyncset.done $0x0  }
0xfb: {  	[sflag:s3] =	ssyncadd.s32 $0xFFFFFF10  }
0xfc: {  	_ =	swait.ge [sflag:s3], $0xF0  }
0xfd: {  	[sflag:s3] =	ssyncset.done $0x0  }
0xfe: {  	s10 =	simm.s32 $0x1A6C0;
	s9 =	simm.s32 $0x0;
	[sflag:s3] =	ssyncadd.s32 $0xFFFFFF10  }
.LBB2_11:
0xff: {  	s11 =	sshra.s32 s9, $0x2  }
0x100: {  	v7 =	vld [tilespmem:s11+$0x19E70]  }
0x101: {  	v8 =	vld [tilespmem:s11+$0x19F60]  }
0x102: {  	v9 =	vld [tilespmem:s11+$0x1A050]  }
0x103: {  	v10 =	vld [tilespmem:s11+$0x19EC0]  }
0x104: {  	v11 =	vld [tilespmem:s11+$0x19FB0]  }
0x105: {  	v12 =	vld [tilespmem:s11+$0x1A0A0]  }
0x106: {  	v13 =	vld [tilespmem:s11+$0x1A000]  }
0x107: {  	v14 =	vld [tilespmem:s11+$0x1A0F0]  }
0x108: {  	v15 =	vld [tilespmem:s11+$0x19F10];
	_ =	sdelay $0x2  }
0x109: {  	v11 =	vsub.f32 v11, v8;
	v12 =	vsub.f32 v12, v9  }
0x10a: {  	v13 =	vsub.f32 v13, v8;
	v8 =	vsub.f32 v14, v9  }
0x10b: {  	v44 =	vsub.f32 v10, v7;
	v45 =	vsub.f32 v15, v7  }
0x10c: {  	v7 =	vmul.f32 v8, v11;
	v46 =	vmul.f32 v13, v12  }
0x10d: {  	v15 =	vmul.f32 v45, v12;
	v16 =	vmul.f32 v8, v44  }
0x10e: {  	v47 =	vmul.f32 v13, v44  }
0x10f: {  	v48 =	vmul.f32 v45, v11;
	v7 =	vsub.f32 v7, v46;
	v15 =	vsub.f32 v15, v16;
	_ =	sdelay $0x1  }
0x110: {  	v16 =	vsub.f32 v47, v48;
	v49 =	vmul.f32 v7, v7;
	v17 =	vmul.f32 v15, v15;
	_ =	sdelay $0x1  }
0x111: {  	v50 =	vmul.f32 v16, v16;
	v10 =	vadd.f32 v17, v49;
	_ =	sdelay $0x1  }
0x112: {  	v10 =	vadd.f32 v10, v50;
	_ =	sdelay $0x1  }
0x113: {  	v10 =	vmax.f32 v10, $9.999999680e-21  }
0x114: {  	v51 =	vshra.s32 v10, $0x1;
	v10 =	vmul.f32 $5.000000000e-01, v10  }
0x115: {  	v17 =	vsub.s32 $0x5F3759DF, v51  }
0x116: {  	v18 =	vmul.f32 v17, v10;
	_ =	sdelay $0x1  }
0x117: {  	v18 =	vmul.f32 v17, v18;
	_ =	sdelay $0x1  }
0x118: {  	v18 =	vsub.f32 $1.500000000e+00, v18;
	_ =	sdelay $0x1  }
0x119: {  	v17 =	vmul.f32 v17, v18;
	_ =	sdelay $0x1  }
0x11a: {  	v18 =	vmul.f32 v17, v10;
	_ =	sdelay $0x1  }
0x11b: {  	v18 =	vmul.f32 v18, v17;
	_ =	sdelay $0x1  }
0x11c: {  	v18 =	vsub.f32 $1.500000000e+00, v18;
	_ =	sdelay $0x1  }
0x11d: {  	v17 =	vmul.f32 v18, v17;
	_ =	sdelay $0x1  }
0x11e: {  	v10 =	vmul.f32 v17, v10;
	_ =	sdelay $0x1  }
0x11f: {  	v19 =	vsub.f32 $0.0e+00, v44;
	v10 =	vmul.f32 v10, v17  }
0x120: {  	v21 =	vsub.f32 $0.0e+00, v12;
	v23 =	vsub.f32 v11, v13  }
0x121: {  	v53 =	vperm.xlane v8, v0;
	v12 =	vsub.f32 v12, v8;
	v10 =	vsub.f32 $1.500000000e+00, v10  }
0x122: {  	v60 =	vnsel vm0, $0x3F800000, v13;
	v14 =	vperm.xlane v45, v0;
	v13 =	vperm.xlane v13, v0  }
0x123: {  	v62 =	vperm.xlane v60, v1;
	v10 =	vmul.f32 v10, v17  }
0x124: {  	v20 =	vsub.f32 $0.0e+00, v11;
	v55 =	vperm.xlane v19, v0;
	v59 =	vperm.xlane v12, v0  }
0x125: {  	v22 =	vsub.f32 v44, v45;
	v56 =	vperm.xlane v21, v0;
	v17 =	vmul.f32 v10, v7  }
0x126: {  	v12 =	vsel vm0, v14, v12;
	v26 =	vperm.xlane v7, v0;
	v63 =	vsel vm0, v45, v59  }
0x127: {  	v13 =	vnsel vm0, $0x3F800000, v13;
	v28 =	vperm.xlane v63, v1;
	v54 =	vperm.xlane v17, v0  }
0x128: {  	v58 =	vsel vm0, v7, v56;
	v52 =	vmul.f32 v10, v15;
	v10 =	vmul.f32 v10, v16  }
0x129: {  	v7 =	vperm.xlane v22, v0;
	v11 =	vsel vm0, v54, v8;
	v8 =	vperm.xlane v20, v0  }
0x12a: {  	v9 =	vsel vm0, v26, v21;
	v17 =	vsel vm0, v17, v53;
	v24 =	vperm.xlane v52, v0  }
0x12b: {  	v61 =	vsel vm0, v15, v7;
	v57 =	vsel vm0, v10, v8;
	v8 =	vperm.xlane v23, v0  }
0x12c: {  	v25 =	vperm.xlane v10, v0;
	v18 =	vsel vm0, v52, v55;
	v34 =	vperm.xlane v61, v1  }
0x12d: {  	v28 =	vsel vm1, v57, v28;
	v27 =	vsel vm0, v16, v8;
	v8 =	vperm.xlane v16, v0  }
0x12e: {  	v7 =	vperm.xlane v15, v0;
	v15 =	vsel vm1, v58, v62;
	v29 =	vperm.xlane v28, v3  }
0x12f: {  	v32 =	vperm.xlane v27, v1;
	v8 =	vsel vm0, v8, v23;
	v23 =	vsel vm1, v17, v34  }
0x130: {  	v62 =	vperm.xlane v12, v1;
	v33 =	vperm.xlane v15, v3;
	v36 =	vsel vm2, v23, v29  }
0x131: {  	v19 =	vsel vm0, v24, v19;
	v21 =	vsel vm1, v18, v32;
	v38 =	vperm.xlane v36, v6  }
0x132: {  	v7 =	vsel vm0, v7, v22;
	v10 =	vsel vm0, v25, v20;
	v22 =	vsel vm2, v21, v33  }
0x133: {  	v20 =	vperm.xlane v58, v2;
	v35 =	vperm.xlane v57, v2;
	v16 =	vsel vm3, v38, v22  }
0x134: {  	v21 =	vperm.xlane v21, v4;
	v30 =	vperm.xlane v22, v5;
	v44 =	vnsel vm4, $0x0, v16  }
0x135: {  	v20 =	vsel vm1, v20, v60;
	v40 =	vperm.xlane v23, v4;
	v46 =	vnsel vm5, $0x0, v16;
	[tilespmem:s10+$0xFFFFFA90] =	vst v44  }
0x136: {  	v15 =	vsel vm2, v21, v15;
	v37 =	vsel vm3, v36, v30;
	v16 =	vnsel vm6, $0x0, v16;
	[tilespmem:s10+$0xFFFFFF90] =	vst v46  }
0x137: {  	v14 =	vsel vm1, v35, v63;
	v43 =	vperm.xlane v15, v5;
	v39 =	vnsel vm4, $0x0, v37;
	[tilespmem:s10+$0x490] =	vst v16  }
0x138: {  	v18 =	vperm.xlane v18, v2;
	v21 =	vsel vm2, v40, v28;
	v41 =	vnsel vm5, $0x0, v37;
	[tilespmem:s10+$0xFFFFFA80] =	vst v39  }
0x139: {  	v45 =	vperm.xlane v21, v6;
	v42 =	vnsel vm6, $0x0, v37;
	[tilespmem:s10+$0xFFFFFF80] =	vst v41;
	v21 =	vsel vm3, v21, v43  }
0x13a: {  	v47 =	vperm.xlane v20, v3;
	v17 =	vperm.xlane v17, v2;
	[tilespmem:s10+$0x480] =	vst v42;
	v48 =	vnsel vm4, $0x0, v21  }
0x13b: {  	v50 =	vperm.xlane v14, v3;
	v18 =	vsel vm1, v18, v27;
	v49 =	vnsel vm5, $0x0, v21;
	[tilespmem:s10+$0xFFFFFAA0] =	vst v48  }
0x13c: {  	v22 =	vsel vm2, v18, v47;
	v15 =	vsel vm3, v45, v15;
	v21 =	vnsel vm6, $0x0, v21;
	[tilespmem:s10+$0xFFFFFFA0] =	vst v49  }
0x13d: {  	v17 =	vsel vm1, v17, v61;
	v51 =	vperm.xlane v22, v5;
	v52 =	vnsel vm4, $0x0, v15;
	[tilespmem:s10+$0x4A0] =	vst v21  }
0x13e: {  	v54 =	vperm.xlane v7, v1;
	v16 =	vsel vm2, v17, v50;
	v53 =	vnsel vm5, $0x0, v15;
	[tilespmem:s10+$0xFFFFFAB0] =	vst v52  }
0x13f: {  	v18 =	vperm.xlane v18, v4;
	v23 =	vsel vm3, v16, v51;
	v15 =	vnsel vm6, $0x0, v15;
	[tilespmem:s10+$0xFFFFFFB0] =	vst v53  }
0x140: {  	v58 =	vperm.xlane v13, v1;
	v16 =	vperm.xlane v16, v6;
	v55 =	vnsel vm4, $0x0, v23;
	[tilespmem:s10+$0x4B0] =	vst v15  }
0x141: {  	v56 =	vperm.xlane v8, v1;
	v18 =	vsel vm2, v18, v20;
	v57 =	vnsel vm5, $0x0, v23;
	[tilespmem:s10+$0xFFFFFAC0] =	vst v55  }
0x142: {  	v17 =	vperm.xlane v17, v4;
	v59 =	vnsel vm6, $0x0, v23;
	v16 =	vsel vm3, v16, v22;
	[tilespmem:s10+$0xFFFFFFC0] =	vst v57  }
0x143: {  	v31 =	vsel vm1, v11, v54;
	v60 =	vperm.xlane v18, v5;
	[tilespmem:s10+$0x4C0] =	vst v59;
	v61 =	vnsel vm4, $0x0, v16  }
0x144: {  	v25 =	vsel vm1, v19, v56;
	v14 =	vsel vm2, v17, v14;
	v63 =	vnsel vm5, $0x0, v16;
	[tilespmem:s10+$0xFFFFFAD0] =	vst v61  }
0x145: {  	v35 =	vperm.xlane v25, v4;
	v17 =	vsel vm3, v14, v60;
	v24 =	vnsel vm6, $0x0, v16;
	[tilespmem:s10+$0xFFFFFFD0] =	vst v63  }
0x146: {  	v23 =	vsel vm1, v10, v62;
	v14 =	vperm.xlane v14, v6;
	v27 =	vnsel vm4, $0x0, v17;
	[tilespmem:s10+$0x4D0] =	vst v24  }
0x147: {  	v22 =	vsel vm1, v9, v58;
	v28 =	vnsel vm5, $0x0, v17;
	v30 =	vnsel vm6, $0x0, v17;
	[tilespmem:s10+$0xFFFFFAE0] =	vst v27  }
0x148: {  	v17 =	vperm.xlane v31, v4;
	v15 =	vsel vm2, v35, v22;
	v14 =	vsel vm3, v14, v18;
	[tilespmem:s10+$0xFFFFFFE0] =	vst v28  }
0x149: {  	v29 =	vperm.xlane v23, v3;
	[tilespmem:s10+$0x4E0] =	vst v30;
	v40 =	vperm.xlane v15, v5;
	v33 =	vnsel vm4, $0x0, v14  }
0x14a: {  	v26 =	vperm.xlane v22, v3;
	v34 =	vnsel vm5, $0x0, v14;
	v42 =	vsel vm2, v17, v23;
	[tilespmem:s10+$0xFFFFFAF0] =	vst v33  }
0x14b: {  	v18 =	vsel vm2, v31, v29;
	v14 =	vnsel vm6, $0x0, v14;
	[tilespmem:s10+$0xFFFFFFF0] =	vst v34;
	v44 =	vsel vm3, v42, v40  }
0x14c: {  	v9 =	vperm.xlane v9, v2;
	v36 =	vperm.xlane v18, v6;
	[tilespmem:s10+$0x4F0] =	vst v14;
	v47 =	vnsel vm4, $0x0, v44  }
0x14d: {  	v11 =	vperm.xlane v11, v2;
	v20 =	vsel vm2, v25, v26;
	v49 =	vnsel vm5, $0x0, v44;
	[tilespmem:s10+$0xFFFFFB20] =	vst v47  }
0x14e: {  	v9 =	vsel vm1, v9, v13;
	v16 =	vsel vm3, v36, v20;
	v13 =	vnsel vm6, $0x0, v44;
	[tilespmem:s10+$0x20] =	vst v49  }
0x14f: {  	v10 =	vperm.xlane v10, v2;
	v32 =	vperm.xlane v20, v5;
	v41 =	vnsel vm4, $0x0, v16;
	[tilespmem:s10+$0x520] =	vst v13  }
0x150: {  	v7 =	vsel vm1, v11, v7;
	v43 =	vnsel vm5, $0x0, v16;
	[tilespmem:s10+$0xFFFFFB10] =	vst v41  }
0x151: {  	v10 =	vsel vm1, v10, v12;
	v21 =	vsel vm3, v18, v32;
	v45 =	vnsel vm6, $0x0, v16;
	[tilespmem:s10+$0x10] =	vst v43  }
0x152: {  	v48 =	vperm.xlane v10, v3;
	v12 =	vperm.xlane v42, v6;
	v37 =	vnsel vm4, $0x0, v21;
	[tilespmem:s10+$0x510] =	vst v45  }
0x153: {  	v19 =	vperm.xlane v19, v2;
	v46 =	vperm.xlane v9, v3;
	v38 =	vnsel vm5, $0x0, v21;
	[tilespmem:s10+$0xFFFFFB00] =	vst v37  }
0x154: {  	v52 =	vsel vm2, v7, v48;
	v12 =	vsel vm3, v12, v15;
	v39 =	vnsel vm6, $0x0, v21;
	[tilespmem:s10+$0x0] =	vst v38  }
0x155: {  	v8 =	vsel vm1, v19, v8;
	v54 =	vperm.xlane v52, v6;
	v51 =	vnsel vm4, $0x0, v12;
	[tilespmem:s10+$0x500] =	vst v39  }
0x156: {  	v16 =	vsel vm2, v8, v46;
	v53 =	vnsel vm5, $0x0, v12;
	[tilespmem:s10+$0xFFFFFB30] =	vst v51  }
0x157: {  	v12 =	vnsel vm6, $0x0, v12;
	v57 =	vsel vm3, v54, v16;
	[tilespmem:s10+$0x30] =	vst v53  }
0x158: {  	v8 =	vperm.xlane v8, v4;
	v50 =	vperm.xlane v16, v5;
	[tilespmem:s10+$0x530] =	vst v12;
	v59 =	vnsel vm4, $0x0, v57  }
0x159: {  	v7 =	vperm.xlane v7, v4;
	v60 =	vnsel vm5, $0x0, v57;
	[tilespmem:s10+$0xFFFFFB50] =	vst v59  }
0x15a: {  	v8 =	vsel vm2, v8, v9;
	v9 =	vnsel vm6, $0x0, v57;
	v11 =	vsel vm3, v52, v50;
	[tilespmem:s10+$0x50] =	vst v60  }
0x15b: {  	v58 =	vperm.xlane v8, v5;
	[tilespmem:s10+$0x550] =	vst v9;
	v55 =	vnsel vm4, $0x0, v11  }
0x15c: {  	v7 =	vsel vm2, v7, v10;
	v56 =	vnsel vm5, $0x0, v11;
	[tilespmem:s10+$0xFFFFFB40] =	vst v55  }
0x15d: {  	v11 =	vnsel vm6, $0x0, v11;
	[tilespmem:s10+$0x40] =	vst v56;
	v61 =	vsel vm3, v7, v58  }
0x15e: {  	[tilespmem:s10+$0x540] =	vst v11;
	v7 =	vperm.xlane v7, v6;
	v62 =	vnsel vm4, $0x0, v61  }
0x15f: {  	p0 =	sne.s32 s9, $0x100;
	v63 =	vnsel vm5, $0x0, v61;
	[tilespmem:s10+$0xFFFFFB60] =	vst v62  }
.Ltmp4:
0x160: {  	v7 =	vsel vm3, v7, v8;
	[tilespmem:s10+$0x60] =	vst v63;
	v8 =	vnsel vm6, $0x0, v61;
	(pc) =	sbr.rel @p0 .LBB2_11-.Ltmp4, $4  }
0x161: {  	[tilespmem:s10+$0x560] =	vst v8;
	v8 =	vnsel vm4, $0x0, v7  }
0x162: {  	[tilespmem:s10+$0xFFFFFB70] =	vst v8;
	v8 =	vnsel vm5, $0x0, v7  }
0x163: {  	v7 =	vnsel vm6, $0x0, v7;
	[tilespmem:s10+$0x70] =	vst v8  }
0x164: {  	s9 =	sadd.s32 $0x40, s9;
	[tilespmem:s10+$0x570] =	vst v7;
	s10 =	sadd.s32 $0x100, s10  }
0x165: {  	p0 =	seq.s32 s0, $0x137  }
.Ltmp5:
0x166: {  	_ = 	snop;
	(pc) =	sbr.rel @p0 .LBB2_16-.Ltmp5, $4  }
0x167: {  	[spmem:s1] =	stream.indirect.scatter.add.f32 [tilespmem:s8], [sflag:$0x6], $0x10, s31, s24, $0xb8;
	[tilespmem:$0x1B040] =	vst v63  }
0x168: {  	_ =	swait.ge [sflag:s18], $0xF00  }
0x169: {  	[sflag:s18] =	ssyncset.done $0x0  }
0x16a: {  	[sflag:s18] =	ssyncadd.s32 $0xFFFFF100  }
0x16b: {  	s2 =	sadd.s32 s2, s15  }
0x16c: {  	s2 =	sshrl.u32 s2, $0x3  }
0x16d: {  	s9 =	simm.s32 $0x0;
	s2 =	sadd.s32 s5, s2  }
0x16e: {  	[tilespmem:s31], [sflag:$0x4] =	stream.linear.gather [hbm4b:s2+s9], $0x50, $0x38;
	[tilespmem:$0x1B040] =	vst v63  }
0x16f: {  	s11 =	simm.s32 $0x19BF0;
	s10 =	sadd.s32 $0x30D40, s2  }
0x170: {  	[tilespmem:s11], [sflag:$0x4] =	stream.linear.gather [hbm4b:s10+s9], $0x50, $0x38;
	[tilespmem:$0x1B040] =	vst v63  }
0x171: {  	s2 =	sadd.s32 $0x61A80, s2;
	s11 =	simm.s32 $0x19C40  }
0x172: {  	[tilespmem:s11], [sflag:$0x4] =	stream.linear.gather [hbm4b:s2+s9], $0x50, $0x38;
	[tilespmem:$0x1B040] =	vst v63  }
0x173: {  	_ =	swait.ge [sflag:s7], $0x50  }
0x174: {  	[sflag:s7] =	ssyncset.done $0x0  }
0x175: {  	[sflag:s7] =	ssyncadd.s32 $0xFFFFFFB0  }
0x176: {  	_ =	swait.ge [sflag:s7], $0x50  }
0x177: {  	[sflag:s7] =	ssyncset.done $0x0  }
0x178: {  	[sflag:s7] =	ssyncadd.s32 $0xFFFFFFB0  }
0x179: {  	_ =	swait.ge [sflag:s7], $0x50  }
0x17a: {  	[sflag:s7] =	ssyncset.done $0x0  }
0x17b: {  	s2 =	simm.s32 $0x0;
	[sflag:s7] =	ssyncadd.s32 $0xFFFFFFB0  }
0x17c: {  	v7 =	vld [tilespmem:s2+$0x19BA0]  }
0x17d: {  	s9 =	simm.s32 $0x40  }
.LBB2_14:
0x17e: {  	p0 =	sne.s32 s9, $0x380  }
.Ltmp6:
0x17f: {  	_ = 	snop;
	(pc) =	sbr.rel @p0 .LBB2_14-.Ltmp6, $4  }
0x180: {  	_ = 	snop  }
0x181: {  	s10 =	sshra.s32 s9, $0x2;
	s9 =	sadd.s32 $0x40, s9;
	v8 =	vadd.s32 $0x186A0, v7;
	v9 =	vadd.s32 $0x30D40, v7  }
0x182: {  	v7 =	vld [tilespmem:s10+$0x19BA0];
	[tilespmem:s2+$0x19D80] =	vst v9  }
0x183: {  	[tilespmem:s2+$0x19C90] =	vst v8;
	s2 =	smov.u32 s10  }
0x184: {  	_ =	sdelay $0x2  }
0x185: {  	v8 =	vadd.s32 $0x30D40, v7  }
0x186: {  	v7 =	vadd.s32 $0x186A0, v7;
	[tilespmem:s2+$0x19D80] =	vst v8  }
0x187: {  	s10 =	simm.s32 $0x19E70;
	[tilespmem:s2+$0x19C90] =	vst v7  }
0x188: {  	[tilespmem:s10], [sflag:$0x5] =	stream.indirect.gather [hbm4b:s4+s24], $0x1, s31, s24, $0xb8;
	[tilespmem:$0x1B040] =	vst v63  }
0x189: {  	s11 =	simm.s32 $0x19C90;
	s9 =	simm.s32 $0x19F60  }
0x18a: {  	[tilespmem:s9], [sflag:$0x5] =	stream.indirect.gather [hbm4b:s4+s24], $0x1, s11, s24, $0xb8;
	[tilespmem:$0x1B040] =	vst v63  }
0x18b: {  	_ = 	snop  }
0x18c: {  	[tilespmem:s13], [sflag:$0x5] =	stream.indirect.gather [hbm4b:s4+s24], $0x1, s12, s24, $0xb8;
	[tilespmem:$0x1B040] =	vst v63  }
.LBB2_16:
0x18d: {  	_ =	swait.ge [sflag:s16], $0xF0  }
0x18e: {  	[sflag:s16] =	ssyncset.done $0x0  }
0x18f: {  	[sflag:s16] =	ssyncadd.s32 $0xFFFFFF10  }
0x190: {  	_ =	swait.ge [sflag:s16], $0xF0  }
0x191: {  	[sflag:s16] =	ssyncset.done $0x0  }
0x192: {  	[sflag:s16] =	ssyncadd.s32 $0xFFFFFF10  }
0x193: {  	_ =	swait.ge [sflag:s16], $0xF0  }
0x194: {  	[sflag:s16] =	ssyncset.done $0x0  }
0x195: {  	s2 =	simm.s32 $0x0;
	s9 =	simm.s32 $0x19220;
	[sflag:s16] =	ssyncadd.s32 $0xFFFFFF10  }
.LBB2_17:
0x196: {  	s10 =	sshra.s32 s2, $0x2  }
0x197: {  	v7 =	vld [tilespmem:s10+$0x189D0]  }
0x198: {  	v8 =	vld [tilespmem:s10+$0x18AC0]  }
0x199: {  	v9 =	vld [tilespmem:s10+$0x18BB0]  }
0x19a: {  	v10 =	vld [tilespmem:s10+$0x18A20]  }
0x19b: {  	v11 =	vld [tilespmem:s10+$0x18B10]  }
0x19c: {  	v12 =	vld [tilespmem:s10+$0x18C00]  }
0x19d: {  	v13 =	vld [tilespmem:s10+$0x18B60]  }
0x19e: {  	v14 =	vld [tilespmem:s10+$0x18C50]  }
0x19f: {  	v15 =	vld [tilespmem:s10+$0x18A70];
	_ =	sdelay $0x2  }
0x1a0: {  	v11 =	vsub.f32 v11, v8;
	v12 =	vsub.f32 v12, v9  }
0x1a1: {  	v13 =	vsub.f32 v13, v8;
	v8 =	vsub.f32 v14, v9  }
0x1a2: {  	v44 =	vsub.f32 v10, v7;
	v45 =	vsub.f32 v15, v7  }
0x1a3: {  	v7 =	vmul.f32 v8, v11;
	v46 =	vmul.f32 v13, v12  }
0x1a4: {  	v15 =	vmul.f32 v45, v12;
	v16 =	vmul.f32 v8, v44  }
0x1a5: {  	v47 =	vmul.f32 v13, v44  }
0x1a6: {  	v48 =	vmul.f32 v45, v11;
	v7 =	vsub.f32 v7, v46;
	v15 =	vsub.f32 v15, v16;
	_ =	sdelay $0x1  }
0x1a7: {  	v16 =	vsub.f32 v47, v48;
	v49 =	vmul.f32 v7, v7;
	v17 =	vmul.f32 v15, v15;
	_ =	sdelay $0x1  }
0x1a8: {  	v50 =	vmul.f32 v16, v16;
	v10 =	vadd.f32 v17, v49;
	_ =	sdelay $0x1  }
0x1a9: {  	v10 =	vadd.f32 v10, v50;
	_ =	sdelay $0x1  }
0x1aa: {  	v10 =	vmax.f32 v10, $9.999999680e-21  }
0x1ab: {  	v51 =	vshra.s32 v10, $0x1;
	v10 =	vmul.f32 $5.000000000e-01, v10  }
0x1ac: {  	v17 =	vsub.s32 $0x5F3759DF, v51  }
0x1ad: {  	v18 =	vmul.f32 v17, v10;
	_ =	sdelay $0x1  }
0x1ae: {  	v18 =	vmul.f32 v17, v18;
	_ =	sdelay $0x1  }
0x1af: {  	v18 =	vsub.f32 $1.500000000e+00, v18;
	_ =	sdelay $0x1  }
0x1b0: {  	v17 =	vmul.f32 v17, v18;
	_ =	sdelay $0x1  }
0x1b1: {  	v18 =	vmul.f32 v17, v10;
	_ =	sdelay $0x1  }
0x1b2: {  	v18 =	vmul.f32 v18, v17;
	_ =	sdelay $0x1  }
0x1b3: {  	v18 =	vsub.f32 $1.500000000e+00, v18;
	_ =	sdelay $0x1  }
0x1b4: {  	v17 =	vmul.f32 v18, v17;
	_ =	sdelay $0x1  }
0x1b5: {  	v10 =	vmul.f32 v17, v10;
	_ =	sdelay $0x1  }
0x1b6: {  	v19 =	vsub.f32 $0.0e+00, v44;
	v10 =	vmul.f32 v10, v17  }
0x1b7: {  	v21 =	vsub.f32 $0.0e+00, v12;
	v23 =	vsub.f32 v11, v13  }
0x1b8: {  	v53 =	vperm.xlane v8, v0;
	v12 =	vsub.f32 v12, v8;
	v10 =	vsub.f32 $1.500000000e+00, v10  }
0x1b9: {  	v60 =	vnsel vm0, $0x3F800000, v13;
	v14 =	vperm.xlane v45, v0;
	v13 =	vperm.xlane v13, v0  }
0x1ba: {  	v62 =	vperm.xlane v60, v1;
	v10 =	vmul.f32 v10, v17  }
0x1bb: {  	v20 =	vsub.f32 $0.0e+00, v11;
	v55 =	vperm.xlane v19, v0;
	v59 =	vperm.xlane v12, v0  }
0x1bc: {  	v22 =	vsub.f32 v44, v45;
	v56 =	vperm.xlane v21, v0;
	v17 =	vmul.f32 v10, v7  }
0x1bd: {  	v12 =	vsel vm0, v14, v12;
	v26 =	vperm.xlane v7, v0;
	v63 =	vsel vm0, v45, v59  }
0x1be: {  	v13 =	vnsel vm0, $0x3F800000, v13;
	v28 =	vperm.xlane v63, v1;
	v54 =	vperm.xlane v17, v0  }
0x1bf: {  	v58 =	vsel vm0, v7, v56;
	v52 =	vmul.f32 v10, v15;
	v10 =	vmul.f32 v10, v16  }
0x1c0: {  	v7 =	vperm.xlane v22, v0;
	v11 =	vsel vm0, v54, v8;
	v8 =	vperm.xlane v20, v0  }
0x1c1: {  	v9 =	vsel vm0, v26, v21;
	v17 =	vsel vm0, v17, v53;
	v24 =	vperm.xlane v52, v0  }
0x1c2: {  	v61 =	vsel vm0, v15, v7;
	v57 =	vsel vm0, v10, v8;
	v8 =	vperm.xlane v23, v0  }
0x1c3: {  	v25 =	vperm.xlane v10, v0;
	v18 =	vsel vm0, v52, v55;
	v34 =	vperm.xlane v61, v1  }
0x1c4: {  	v28 =	vsel vm1, v57, v28;
	v27 =	vsel vm0, v16, v8;
	v8 =	vperm.xlane v16, v0  }
0x1c5: {  	v7 =	vperm.xlane v15, v0;
	v15 =	vsel vm1, v58, v62;
	v29 =	vperm.xlane v28, v3  }
0x1c6: {  	v32 =	vperm.xlane v27, v1;
	v8 =	vsel vm0, v8, v23;
	v23 =	vsel vm1, v17, v34  }
0x1c7: {  	v62 =	vperm.xlane v12, v1;
	v33 =	vperm.xlane v15, v3;
	v36 =	vsel vm2, v23, v29  }
0x1c8: {  	v19 =	vsel vm0, v24, v19;
	v21 =	vsel vm1, v18, v32;
	v38 =	vperm.xlane v36, v6  }
0x1c9: {  	v7 =	vsel vm0, v7, v22;
	v10 =	vsel vm0, v25, v20;
	v22 =	vsel vm2, v21, v33  }
0x1ca: {  	v20 =	vperm.xlane v58, v2;
	v35 =	vperm.xlane v57, v2;
	v16 =	vsel vm3, v38, v22  }
0x1cb: {  	v21 =	vperm.xlane v21, v4;
	v30 =	vperm.xlane v22, v5;
	v44 =	vnsel vm4, $0x0, v16  }
0x1cc: {  	v20 =	vsel vm1, v20, v60;
	v40 =	vperm.xlane v23, v4;
	v46 =	vnsel vm5, $0x0, v16;
	[tilespmem:s9+$0xFFFFFA90] =	vst v44  }
0x1cd: {  	v15 =	vsel vm2, v21, v15;
	v37 =	vsel vm3, v36, v30;
	v16 =	vnsel vm6, $0x0, v16;
	[tilespmem:s9+$0xFFFFFF90] =	vst v46  }
0x1ce: {  	v14 =	vsel vm1, v35, v63;
	v43 =	vperm.xlane v15, v5;
	v39 =	vnsel vm4, $0x0, v37;
	[tilespmem:s9+$0x490] =	vst v16  }
0x1cf: {  	v18 =	vperm.xlane v18, v2;
	v21 =	vsel vm2, v40, v28;
	v41 =	vnsel vm5, $0x0, v37;
	[tilespmem:s9+$0xFFFFFA80] =	vst v39  }
0x1d0: {  	v45 =	vperm.xlane v21, v6;
	v42 =	vnsel vm6, $0x0, v37;
	[tilespmem:s9+$0xFFFFFF80] =	vst v41;
	v21 =	vsel vm3, v21, v43  }
0x1d1: {  	v47 =	vperm.xlane v20, v3;
	v17 =	vperm.xlane v17, v2;
	[tilespmem:s9+$0x480] =	vst v42;
	v48 =	vnsel vm4, $0x0, v21  }
0x1d2: {  	v50 =	vperm.xlane v14, v3;
	v18 =	vsel vm1, v18, v27;
	v49 =	vnsel vm5, $0x0, v21;
	[tilespmem:s9+$0xFFFFFAA0] =	vst v48  }
0x1d3: {  	v22 =	vsel vm2, v18, v47;
	v15 =	vsel vm3, v45, v15;
	v21 =	vnsel vm6, $0x0, v21;
	[tilespmem:s9+$0xFFFFFFA0] =	vst v49  }
0x1d4: {  	v17 =	vsel vm1, v17, v61;
	v51 =	vperm.xlane v22, v5;
	v52 =	vnsel vm4, $0x0, v15;
	[tilespmem:s9+$0x4A0] =	vst v21  }
0x1d5: {  	v54 =	vperm.xlane v7, v1;
	v16 =	vsel vm2, v17, v50;
	v53 =	vnsel vm5, $0x0, v15;
	[tilespmem:s9+$0xFFFFFAB0] =	vst v52  }
0x1d6: {  	v18 =	vperm.xlane v18, v4;
	v23 =	vsel vm3, v16, v51;
	v15 =	vnsel vm6, $0x0, v15;
	[tilespmem:s9+$0xFFFFFFB0] =	vst v53  }
0x1d7: {  	v58 =	vperm.xlane v13, v1;
	v16 =	vperm.xlane v16, v6;
	v55 =	vnsel vm4, $0x0, v23;
	[tilespmem:s9+$0x4B0] =	vst v15  }
0x1d8: {  	v56 =	vperm.xlane v8, v1;
	v18 =	vsel vm2, v18, v20;
	v57 =	vnsel vm5, $0x0, v23;
	[tilespmem:s9+$0xFFFFFAC0] =	vst v55  }
0x1d9: {  	v17 =	vperm.xlane v17, v4;
	v59 =	vnsel vm6, $0x0, v23;
	v16 =	vsel vm3, v16, v22;
	[tilespmem:s9+$0xFFFFFFC0] =	vst v57  }
0x1da: {  	v31 =	vsel vm1, v11, v54;
	v60 =	vperm.xlane v18, v5;
	[tilespmem:s9+$0x4C0] =	vst v59;
	v61 =	vnsel vm4, $0x0, v16  }
0x1db: {  	v25 =	vsel vm1, v19, v56;
	v14 =	vsel vm2, v17, v14;
	v63 =	vnsel vm5, $0x0, v16;
	[tilespmem:s9+$0xFFFFFAD0] =	vst v61  }
0x1dc: {  	v35 =	vperm.xlane v25, v4;
	v17 =	vsel vm3, v14, v60;
	v24 =	vnsel vm6, $0x0, v16;
	[tilespmem:s9+$0xFFFFFFD0] =	vst v63  }
0x1dd: {  	v23 =	vsel vm1, v10, v62;
	v14 =	vperm.xlane v14, v6;
	v27 =	vnsel vm4, $0x0, v17;
	[tilespmem:s9+$0x4D0] =	vst v24  }
0x1de: {  	v22 =	vsel vm1, v9, v58;
	v28 =	vnsel vm5, $0x0, v17;
	v30 =	vnsel vm6, $0x0, v17;
	[tilespmem:s9+$0xFFFFFAE0] =	vst v27  }
0x1df: {  	v17 =	vperm.xlane v31, v4;
	v15 =	vsel vm2, v35, v22;
	v14 =	vsel vm3, v14, v18;
	[tilespmem:s9+$0xFFFFFFE0] =	vst v28  }
0x1e0: {  	v29 =	vperm.xlane v23, v3;
	[tilespmem:s9+$0x4E0] =	vst v30;
	v40 =	vperm.xlane v15, v5;
	v33 =	vnsel vm4, $0x0, v14  }
0x1e1: {  	v26 =	vperm.xlane v22, v3;
	v34 =	vnsel vm5, $0x0, v14;
	v42 =	vsel vm2, v17, v23;
	[tilespmem:s9+$0xFFFFFAF0] =	vst v33  }
0x1e2: {  	v18 =	vsel vm2, v31, v29;
	v14 =	vnsel vm6, $0x0, v14;
	[tilespmem:s9+$0xFFFFFFF0] =	vst v34;
	v44 =	vsel vm3, v42, v40  }
0x1e3: {  	v9 =	vperm.xlane v9, v2;
	v36 =	vperm.xlane v18, v6;
	[tilespmem:s9+$0x4F0] =	vst v14;
	v47 =	vnsel vm4, $0x0, v44  }
0x1e4: {  	v11 =	vperm.xlane v11, v2;
	v20 =	vsel vm2, v25, v26;
	v49 =	vnsel vm5, $0x0, v44;
	[tilespmem:s9+$0xFFFFFB20] =	vst v47  }
0x1e5: {  	v9 =	vsel vm1, v9, v13;
	v16 =	vsel vm3, v36, v20;
	v13 =	vnsel vm6, $0x0, v44;
	[tilespmem:s9+$0x20] =	vst v49  }
0x1e6: {  	v10 =	vperm.xlane v10, v2;
	v32 =	vperm.xlane v20, v5;
	v41 =	vnsel vm4, $0x0, v16;
	[tilespmem:s9+$0x520] =	vst v13  }
0x1e7: {  	v7 =	vsel vm1, v11, v7;
	v43 =	vnsel vm5, $0x0, v16;
	[tilespmem:s9+$0xFFFFFB10] =	vst v41  }
0x1e8: {  	v10 =	vsel vm1, v10, v12;
	v21 =	vsel vm3, v18, v32;
	v45 =	vnsel vm6, $0x0, v16;
	[tilespmem:s9+$0x10] =	vst v43  }
0x1e9: {  	v48 =	vperm.xlane v10, v3;
	v12 =	vperm.xlane v42, v6;
	v37 =	vnsel vm4, $0x0, v21;
	[tilespmem:s9+$0x510] =	vst v45  }
0x1ea: {  	v19 =	vperm.xlane v19, v2;
	v46 =	vperm.xlane v9, v3;
	v38 =	vnsel vm5, $0x0, v21;
	[tilespmem:s9+$0xFFFFFB00] =	vst v37  }
0x1eb: {  	v52 =	vsel vm2, v7, v48;
	v12 =	vsel vm3, v12, v15;
	v39 =	vnsel vm6, $0x0, v21;
	[tilespmem:s9+$0x0] =	vst v38  }
0x1ec: {  	v8 =	vsel vm1, v19, v8;
	v54 =	vperm.xlane v52, v6;
	v51 =	vnsel vm4, $0x0, v12;
	[tilespmem:s9+$0x500] =	vst v39  }
0x1ed: {  	v16 =	vsel vm2, v8, v46;
	v53 =	vnsel vm5, $0x0, v12;
	[tilespmem:s9+$0xFFFFFB30] =	vst v51  }
0x1ee: {  	v12 =	vnsel vm6, $0x0, v12;
	v57 =	vsel vm3, v54, v16;
	[tilespmem:s9+$0x30] =	vst v53  }
0x1ef: {  	v8 =	vperm.xlane v8, v4;
	v50 =	vperm.xlane v16, v5;
	[tilespmem:s9+$0x530] =	vst v12;
	v59 =	vnsel vm4, $0x0, v57  }
0x1f0: {  	v7 =	vperm.xlane v7, v4;
	v60 =	vnsel vm5, $0x0, v57;
	[tilespmem:s9+$0xFFFFFB50] =	vst v59  }
0x1f1: {  	v8 =	vsel vm2, v8, v9;
	v9 =	vnsel vm6, $0x0, v57;
	v11 =	vsel vm3, v52, v50;
	[tilespmem:s9+$0x50] =	vst v60  }
0x1f2: {  	v58 =	vperm.xlane v8, v5;
	[tilespmem:s9+$0x550] =	vst v9;
	v55 =	vnsel vm4, $0x0, v11  }
0x1f3: {  	v7 =	vsel vm2, v7, v10;
	v56 =	vnsel vm5, $0x0, v11;
	[tilespmem:s9+$0xFFFFFB40] =	vst v55  }
0x1f4: {  	v11 =	vnsel vm6, $0x0, v11;
	[tilespmem:s9+$0x40] =	vst v56;
	v61 =	vsel vm3, v7, v58  }
0x1f5: {  	[tilespmem:s9+$0x540] =	vst v11;
	v7 =	vperm.xlane v7, v6;
	v62 =	vnsel vm4, $0x0, v61  }
0x1f6: {  	p0 =	sne.s32 s2, $0x100;
	v63 =	vnsel vm5, $0x0, v61;
	[tilespmem:s9+$0xFFFFFB60] =	vst v62  }
.Ltmp7:
0x1f7: {  	v7 =	vsel vm3, v7, v8;
	[tilespmem:s9+$0x60] =	vst v63;
	v8 =	vnsel vm6, $0x0, v61;
	(pc) =	sbr.rel @p0 .LBB2_17-.Ltmp7, $4  }
0x1f8: {  	[tilespmem:s9+$0x560] =	vst v8;
	v8 =	vnsel vm4, $0x0, v7  }
0x1f9: {  	[tilespmem:s9+$0xFFFFFB70] =	vst v8;
	v8 =	vnsel vm5, $0x0, v7  }
0x1fa: {  	v7 =	vnsel vm6, $0x0, v7;
	[tilespmem:s9+$0x70] =	vst v8  }
0x1fb: {  	s2 =	sadd.s32 $0x40, s2;
	[tilespmem:s9+$0x570] =	vst v7;
	s9 =	sadd.s32 $0x100, s9  }
0x1fc: {  	s0 =	sadd.s32 $0x1, s0  }
0x1fd: {  	p0 =	sne.s32 s0, $0x138  }
.Ltmp8:
0x1fe: {  	_ = 	snop;
	(pc) =	sbr.rel @p0 .LBB2_8-.Ltmp8, $2  }
0x1ff: {  	_ =	sdelay $0x2  }
0x200: {  	[spmem:s1] =	stream.indirect.scatter.add.f32 [tilespmem:s17], [sflag:$0x3], $0x10, s20, s24, $0xb8;
	[tilespmem:$0x1B040] =	vst v63  }
0x201: {  	_ =	swait.ge [sflag:s6], $0xF00  }
0x202: {  	[sflag:s6] =	ssyncset.done $0x0  }
0x203: {  	[sflag:s6] =	ssyncadd.s32 $0xFFFFF100  }
0x204: {  	[bflag:$0x0] =	sbarrier.arrive $0xFFFF  }
0x205: {  	s2 =	rddreg [dreg:$0x6]  }
0x206: {  	s0 =	rddreg [dreg:$0xc]  }
0x207: {  	s10 =	simm.s32 $0x7;
	s9 =	rddreg [dreg:$0xe]  }
0x208: {  	[hbm:s0], [sflag:s2] =	dma.local [spmem:s9], $0x30E0  }
0x209: {  	_ =	swait.ge [sflag:s10], $0x30E0  }
0x20a: {  	s11 =	rddreg [dreg:$0xf]  }
0x20b: {  	s0 =	rddreg [dreg:$0xd];
	s11 =	sadd.s32 $0x1, s11  }
0x20c: {  	p0 =	sne.s32 s11, s0  }
.Ltmp9:
0x20d: {  	_ = 	snop;
	(pc) =	sbr.rel @p0 .LBB2_1-.Ltmp9, $3  }
0x20e: {  	_ =	sdelay $0x1  }
0x20f: {  	[sflag:s10] =	ssyncset.done $0x0  }
0x210: {  	[sflag:s10] =	ssyncadd.s32 $0xFFFFCF20  }
0x211: {  	_ =	sfence.sel $0x180000  }
0x212: {  	[bflag:$0x0] =	sbarrier.arrive $0xFFFF  }
0x213: {  	_ =	strace $0x90000047  }
0x214: {  	s0 =	stileid.u32;
	[bflag:$0x2] =	sbarrier.arrive $0xFFFF  }
0x215: {  	p0 =	sne.s32 s0, $0x0;
	s0 =	rddreg [dreg:$0x3]  }
0x216: {  	s0 =	sadd.s32 @!p0 $0x100000, s0  }
0x217: {  	[sflag:s0] =	ssyncadd.tile.s32 @!p0 $0x1;
	_ =	shalt  }
.Lfunc_end2:
_tile_overlayer_lowered:
.L_overlay_start_2:
0x218: {  	(tag) =	ssettag $0x2  }
0x219: {  	s0 =	rddreg [dreg:$0x0];
	s2 =	stileid.u32  }
0x21a: {  	s1 =	rddreg [dreg:$0x1];
	p0 =	sne.s32 s2, $0x0  }
0x21b: {  	s3 =	rddreg [dreg:$0x2];
	[bflag:$0x3] =	sbarrier.arrive $0xFFFF;
	s2 =	simm.s32 @!p0 $0x1C07  }
0x21c: {  	[timem:s3], [sflag:s2] =	dma.local @!p0 [hbm:s0], s1  }
0x21d: {  	s0 =	simm.s32 @!p0 $0x7  }
0x21e: {  	_ =	swait.ge @!p0 [sflag:s0], s1  }
0x21f: {  	s1 =	ssub.s32 @!p0 $0x0, s1;
	[sflag:s0] =	ssyncset.done @!p0 $0x0  }
0x220: {  	[sflag:s0] =	ssyncadd.s32 @!p0 s1  }
0x221: {  	[bflag:$0x3] =	sbarrier.arrive $0xFFFF  }
0x222: {  	_ =	shalt  }

</sc_bundles>
